<compile_context>
chip_gen: v7x
topology: tpu7x:2x2x1
jax: 0.10.2.dev20260603
libtpu: 0.0.44.dev20260713+nightly
codegen_flags: <defaults>
</compile_context>

<pallas_src>
import functools

import jax
import jax.numpy as jnp
import numpy as np
from jax import lax
from jax.experimental import pallas as pl
from jax.experimental.pallas import tpu as pltpu
from jax.experimental.pallas import tpu_sc as plsc

_NT = 1000001
_DT = np.float32(1.0 / (_NT - 1))
_RCP = np.float32(1.0) / _DT
_B = 16384
_D = 32
_NW = 32
_BPW = _B // _NW
_L = 16
_NG = _BPW // _L
_CH = 128
_NCH = (4 * _BPW) // _CH

_mesh = plsc.VectorSubcoreMesh(core_axis_name="c", subcore_axis_name="s",
                               num_cores=2, num_subcores=16)


_GATHER_DNUMS = lax.GatherDimensionNumbers(
    offset_dims=(), collapsed_slice_dims=(0,), start_index_map=(0,))


def _splat(v, lane):
    idx = jnp.full((_L, 1), lane, dtype=jnp.int32)
    return lax.gather(v, idx, _GATHER_DNUMS, slice_sizes=(1,),
                      mode=lax.GatherScatterMode.PROMISE_IN_BOUNDS)


_SCRATCH = [
    pltpu.VMEM((_BPW,), jnp.float32),
    pltpu.VMEM((_NCH, _CH), jnp.int32),
    pltpu.VMEM((4 * _BPW, _D), jnp.float32),
    pltpu.VMEM((_BPW, _D), jnp.float32),
    pltpu.SemaphoreType.DMA,
]


def _body(t_hbm, grid_hbm, out_hbm, t_v, idx_v, rows_v, out_v, sem):
    wid = lax.axis_index("s") * 2 + lax.axis_index("c")
    base = wid * _BPW
    pltpu.sync_copy(t_hbm.at[pl.ds(base, _BPW)], t_v)

    for g in range(_NG):
        tv = t_v[pl.ds(g * _L, _L)]
        m = tv * _RCP + 1.0
        qidx = m.astype(jnp.int32)
        for j in range(4):
            pos = j * _BPW + g * _L
            idx_v[pos // _CH, pl.ds(pos % _CH, _L)] = qidx + (j - 1)

    copies = [
        pltpu.async_copy(grid_hbm.at[idx_v.at[c]],
                         rows_v.at[pl.ds(c * _CH, _CH)], sem)
        for c in range(_NCH)
    ]
    for cp in copies:
        cp.wait()

    def compute_group(g, carry):
        tv = t_v[pl.ds(g * _L, _L)]
        m = tv * _RCP + 1.0
        qidx = m.astype(jnp.int32)
        f = m - qidx.astype(jnp.float32)
        f2 = f * f
        f3 = f2 * f
        c3 = f3 * (1.0 / 6.0)
        c0 = (1.0 / 6.0) - 0.5 * f + 0.5 * f2 - c3
        c1 = (2.0 / 3.0) - f2 + 0.5 * f3
        c2 = (1.0 / 6.0) + 0.5 * f + 0.5 * f2 - 0.5 * f3
        qbase = g * _L
        for qi in range(_L):
            w0 = _splat(c0, qi)
            w1 = _splat(c1, qi)
            w2 = _splat(c2, qi)
            w3 = _splat(c3, qi)
            q = qbase + qi
            for dc in range(_D // _L):
                sl = pl.ds(dc * _L, _L)
                r0 = rows_v[q, sl]
                r1 = rows_v[_BPW + q, sl]
                r2 = rows_v[2 * _BPW + q, sl]
                r3 = rows_v[3 * _BPW + q, sl]
                out_v[q, sl] = w0 * r0 + w1 * r1 + w2 * r2 + w3 * r3
        return carry

    lax.fori_loop(0, _NG, compute_group, 0)
    pltpu.sync_copy(out_v, out_hbm.at[pl.ds(base, _BPW)])


_bspline_sc = pl.kernel(
    _body,
    mesh=_mesh,
    compiler_params=pltpu.CompilerParams(use_tc_tiling_on_sc=False),
    out_type=jax.ShapeDtypeStruct((_B, _D), jnp.float32),
    scratch_types=_SCRATCH,
)


def kernel(t, grid):
    return _bspline_sc(t, grid)

# --- scband reference (transcript-rebuilt; emitter-appended) ---
"""Pipeline reference for scband-temporal-bspline-12867722019001 (READ-ONLY COPY).

The authoritative reference and input builder live on the scoring server;
editing this copy changes nothing except your own understanding.
"""

import jax, jax.numpy as jnp
import numpy as np

NT = 1000001
GS = 1
NC = (NT - 1) // GS + 4
DT = GS * 1.0 / (NT - 1)
HELPER = (1.0 / 6.0) * jnp.array([[1, 4, 1, 0], [-3, 0, 3, 0], [3, -6, 3, 0], [-1, 3, -3, 1]], dtype=jnp.float32)


def setup_inputs(seed: int = 0) -> dict:
    key = jax.random.key(seed)
    k1, k2 = jax.random.split(key)
    t = jax.random.uniform(k1, (16384,), dtype=jnp.float32)
    grid = jax.random.normal(k2, (NC, 32), dtype=jnp.float32)
    return {"t": t, "grid": grid}


def reference(t, grid):
    # m = t / dt + 1.0, reshaped to column vector
    m = (t / DT + 1.0).reshape(-1, 1)                      # [B, 1]
    idx = jnp.floor(m).astype(jnp.int32)                   # [B, 1]
    f = m - idx.astype(m.dtype)                            # [B, 1] fractional part
    # gather the 4-point B-spline support window: rows idx-1 .. idx+2
    gather_idx = jnp.concatenate([idx - 1, idx, idx + 1, idx + 2], axis=-1)  # [B, 4]
    g = jnp.take(grid, gather_idx, axis=0)                 # [B, 4, D]
    # helper_matrix [4,4] @ g [B,4,D] -> [B,4,D] (batched matmul, same as torch broadcasting)
    h = jnp.einsum('ij,bjd->bid', HELPER, g)               # [B, 4, D]
    out = h[:, 0] + f * h[:, 1] + f ** 2 * h[:, 2] + f ** 3 * h[:, 3]  # [B, D]
    return out

if __name__ == "__main__":
    import jax
    _d = setup_inputs()
    print(jax.jit(kernel)(*tuple(_d.values())))

</pallas_src>

<mosaic_0001>
#map = affine_map<(d0, d1) -> (0)>
#map1 = affine_map<(d0, d1) -> (0, 0)>
module attributes {stable_mosaic.version = 14 : i64} {
  func.func @_body(%arg0: i32, %arg1: i32, %arg2: memref<16384xf32, #tpu.memory_space<hbm>>, %arg3: memref<1000004x32xf32, #tpu.memory_space<hbm>>, %arg4: memref<16384x32xf32, #tpu.memory_space<hbm>>, %arg5: memref<512xf32, #tpu.memory_space<vmem>>, %arg6: memref<16x128xi32, #tpu.memory_space<vmem>>, %arg7: memref<2048x32xf32, #tpu.memory_space<vmem>>, %arg8: memref<512x32xf32, #tpu.memory_space<vmem>>, %arg9: memref<!tpu.dma_semaphore, #tpu.memory_space<semaphore_mem>>) attributes {dimension_semantics = [#tpu.dimension_semantics<core_parallel>, #tpu.dimension_semantics<subcore_parallel>], iteration_bounds = array<i64: 2, 16>, scalar_prefetch = 0 : i64, scratch_operands = 5 : i64, tpu.core_type = #tpu.core_type<sc_vector_subcore>, window_params = [{transform_indices = #map}, {transform_indices = #map1}, {transform_indices = #map1}]} {
    %mul3A = arith.constant 2 : i32
    %mul3A_0 = arith.muli %arg1, %mul3A : i32
    %add3A = arith.addi %mul3A_0, %arg0 : i32
    %mul3A_1 = arith.constant 512 : i32
    %mul3A_2 = arith.muli %add3A, %mul3A_1 : i32
    "tpu.region"() ({
      %run_scoped3A = tpu.sem_alloc : memref<!tpu.dma_semaphore, #tpu.memory_space<semaphore_mem>>
      %dma_start3A_1795 = tpu.memref_slice %arg2[%mul3A_2] : memref<16384xf32, #tpu.memory_space<hbm>> -> memref<512xf32, #tpu.memory_space<hbm>>
      %dma_start3A_1796 = tpu.memref_slice %arg2[%mul3A_2] : memref<16384xf32, #tpu.memory_space<hbm>> -> memref<512xf32, #tpu.memory_space<hbm>>
      tpu.enqueue_dma source(%dma_start3A_1796 : memref<512xf32, #tpu.memory_space<hbm>>) target(%arg5 : memref<512xf32, #tpu.memory_space<vmem>>) target_semaphore(%run_scoped3A : memref<!tpu.dma_semaphore, #tpu.memory_space<semaphore_mem>>)
      %dma_wait3A_1797 = tpu.memref_slice %arg2[%mul3A_2] : memref<16384xf32, #tpu.memory_space<hbm>> -> memref<512xf32, #tpu.memory_space<hbm>>
      %dma_wait3A_1798 = tpu.memref_slice %arg2[%mul3A_2] : memref<16384xf32, #tpu.memory_space<hbm>> -> memref<512xf32, #tpu.memory_space<hbm>>
      tpu.wait_dma2 semaphore(%run_scoped3A : memref<!tpu.dma_semaphore, #tpu.memory_space<semaphore_mem>>) src(%dma_wait3A_1798 : memref<512xf32, #tpu.memory_space<hbm>>) dst(%arg5 : memref<512xf32, #tpu.memory_space<vmem>>)
      tpu.yield
    }) : () -> ()
    %get3A = arith.constant 0 : index
    %get3A_3 = tpu.vector_load %arg5[%get3A] {strides = array<i32>} : memref<512xf32, #tpu.memory_space<vmem>>, vector<16xf32>,
    %get3A_4 = vector.shape_cast %get3A_3 : vector<16xf32> to vector<16xf32>
    %mul3A_5 = arith.constant 1.000000e+06 : f32
    %mul3A_6 = vector.broadcast %mul3A_5 : f32 to vector<16xf32>
    %mul3A_7 = arith.mulf %get3A_4, %mul3A_6 : vector<16xf32>
    %add3A_8 = arith.constant 1.000000e+00 : f32
    %add3A_9 = vector.broadcast %add3A_8 : f32 to vector<16xf32>
    %add3A_10 = arith.addf %mul3A_7, %add3A_9 : vector<16xf32>
    %convert_element_type3A = arith.fptosi %add3A_10 : vector<16xf32> to vector<16xi32>
    %add3A_11 = arith.constant -1 : i32
    %add3A_12 = vector.broadcast %add3A_11 : i32 to vector<16xi32>
    %add3A_13 = arith.addi %convert_element_type3A, %add3A_12 : vector<16xi32>
    %swap3A = arith.constant 0 : i32
    %swap3A_14 = arith.index_cast %swap3A : i32 to index
    %swap3A_15 = arith.constant 0 : index
    %swap3A_16 = tpu.vector_load %arg6[%swap3A_14, %swap3A_15] {strides = array<i32>} : memref<16x128xi32, #tpu.memory_space<vmem>>, vector<1x16xi32>,
    %swap3A_17 = vector.shape_cast %swap3A_16 : vector<1x16xi32> to vector<16xi32>
    %swap3A_18 = vector.shape_cast %add3A_13 : vector<16xi32> to vector<1x16xi32>
    tpu.vector_store %arg6[%swap3A_14, %swap3A_15], %swap3A_18 {strides = array<i32>} : memref<16x128xi32, #tpu.memory_space<vmem>>, vector<1x16xi32>,
    %add3A_19 = arith.constant 0 : i32
    %add3A_20 = vector.broadcast %add3A_19 : i32 to vector<16xi32>
    %add3A_21 = arith.addi %convert_element_type3A, %add3A_20 : vector<16xi32>
    %swap3A_22 = arith.constant 4 : i32
    %swap3A_23 = arith.index_cast %swap3A_22 : i32 to index
    %swap3A_24 = arith.constant 0 : index
    %swap3A_25 = tpu.vector_load %arg6[%swap3A_23, %swap3A_24] {strides = array<i32>} : memref<16x128xi32, #tpu.memory_space<vmem>>, vector<1x16xi32>,
    %swap3A_26 = vector.shape_cast %swap3A_25 : vector<1x16xi32> to vector<16xi32>
    %swap3A_27 = vector.shape_cast %add3A_21 : vector<16xi32> to vector<1x16xi32>
    tpu.vector_store %arg6[%swap3A_23, %swap3A_24], %swap3A_27 {strides = array<i32>} : memref<16x128xi32, #tpu.memory_space<vmem>>, vector<1x16xi32>,
    %add3A_28 = arith.constant 1 : i32
    %add3A_29 = vector.broadcast %add3A_28 : i32 to vector<16xi32>
    %add3A_30 = arith.addi %convert_element_type3A, %add3A_29 : vector<16xi32>
    %swap3A_31 = arith.constant 8 : i32
    %swap3A_32 = arith.index_cast %swap3A_31 : i32 to index
    %swap3A_33 = arith.constant 0 : index
    %swap3A_34 = tpu.vector_load %arg6[%swap3A_32, %swap3A_33] {strides = array<i32>} : memref<16x128xi32, #tpu.memory_space<vmem>>, vector<1x16xi32>,
    %swap3A_35 = vector.shape_cast %swap3A_34 : vector<1x16xi32> to vector<16xi32>
    %swap3A_36 = vector.shape_cast %add3A_30 : vector<16xi32> to vector<1x16xi32>
    tpu.vector_store %arg6[%swap3A_32, %swap3A_33], %swap3A_36 {strides = array<i32>} : memref<16x128xi32, #tpu.memory_space<vmem>>, vector<1x16xi32>,
    %add3A_37 = arith.constant 2 : i32
    %add3A_38 = vector.broadcast %add3A_37 : i32 to vector<16xi32>
    %add3A_39 = arith.addi %convert_element_type3A, %add3A_38 : vector<16xi32>
    %swap3A_40 = arith.constant 12 : i32
    %swap3A_41 = arith.index_cast %swap3A_40 : i32 to index
    %swap3A_42 = arith.constant 0 : index
    %swap3A_43 = tpu.vector_load %arg6[%swap3A_41, %swap3A_42] {strides = array<i32>} : memref<16x128xi32, #tpu.memory_space<vmem>>, vector<1x16xi32>,
    %swap3A_44 = vector.shape_cast %swap3A_43 : vector<1x16xi32> to vector<16xi32>
    %swap3A_45 = vector.shape_cast %add3A_39 : vector<16xi32> to vector<1x16xi32>
    tpu.vector_store %arg6[%swap3A_41, %swap3A_42], %swap3A_45 {strides = array<i32>} : memref<16x128xi32, #tpu.memory_space<vmem>>, vector<1x16xi32>,
    %get3A_46 = arith.constant 16 : index
    %get3A_47 = tpu.vector_load %arg5[%get3A_46] {strides = array<i32>} : memref<512xf32, #tpu.memory_space<vmem>>, vector<16xf32>,
    %get3A_48 = vector.shape_cast %get3A_47 : vector<16xf32> to vector<16xf32>
    %mul3A_49 = arith.constant 1.000000e+06 : f32
    %mul3A_50 = vector.broadcast %mul3A_49 : f32 to vector<16xf32>
    %mul3A_51 = arith.mulf %get3A_48, %mul3A_50 : vector<16xf32>
    %add3A_52 = arith.constant 1.000000e+00 : f32
    %add3A_53 = vector.broadcast %add3A_52 : f32 to vector<16xf32>
    %add3A_54 = arith.addf %mul3A_51, %add3A_53 : vector<16xf32>
    %convert_element_type3A_55 = arith.fptosi %add3A_54 : vector<16xf32> to vector<16xi32>
    %add3A_56 = arith.constant -1 : i32
    %add3A_57 = vector.broadcast %add3A_56 : i32 to vector<16xi32>
    %add3A_58 = arith.addi %convert_element_type3A_55, %add3A_57 : vector<16xi32>
    %swap3A_59 = arith.constant 0 : i32
    %swap3A_60 = arith.index_cast %swap3A_59 : i32 to index
    %swap3A_61 = arith.constant 16 : index
    %swap3A_62 = tpu.vector_load %arg6[%swap3A_60, %swap3A_61] {strides = array<i32>} : memref<16x128xi32, #tpu.memory_space<vmem>>, vector<1x16xi32>,
    %swap3A_63 = vector.shape_cast %swap3A_62 : vector<1x16xi32> to vector<16xi32>
    %swap3A_64 = vector.shape_cast %add3A_58 : vector<16xi32> to vector<1x16xi32>
    tpu.vector_store %arg6[%swap3A_60, %swap3A_61], %swap3A_64 {strides = array<i32>} : memref<16x128xi32, #tpu.memory_space<vmem>>, vector<1x16xi32>,
    %add3A_65 = arith.constant 0 : i32
    %add3A_66 = vector.broadcast %add3A_65 : i32 to vector<16xi32>
    %add3A_67 = arith.addi %convert_element_type3A_55, %add3A_66 : vector<16xi32>
    %swap3A_68 = arith.constant 4 : i32
    %swap3A_69 = arith.index_cast %swap3A_68 : i32 to index
    %swap3A_70 = arith.constant 16 : index
    %swap3A_71 = tpu.vector_load %arg6[%swap3A_69, %swap3A_70] {strides = array<i32>} : memref<16x128xi32, #tpu.memory_space<vmem>>, vector<1x16xi32>,
    %swap3A_72 = vector.shape_cast %swap3A_71 : vector<1x16xi32> to vector<16xi32>
    %swap3A_73 = vector.shape_cast %add3A_67 : vector<16xi32> to vector<1x16xi32>
    tpu.vector_store %arg6[%swap3A_69, %swap3A_70], %swap3A_73 {strides = array<i32>} : memref<16x128xi32, #tpu.memory_space<vmem>>, vector<1x16xi32>,
    %add3A_74 = arith.constant 1 : i32
    %add3A_75 = vector.broadcast %add3A_74 : i32 to vector<16xi32>
    %add3A_76 = arith.addi %convert_element_type3A_55, %add3A_75 : vector<16xi32>
    %swap3A_77 = arith.constant 8 : i32
    %swap3A_78 = arith.index_cast %swap3A_77 : i32 to index
    %swap3A_79 = arith.constant 16 : index
    %swap3A_80 = tpu.vector_load %arg6[%swap3A_78, %swap3A_79] {strides = array<i32>} : memref<16x128xi32, #tpu.memory_space<vmem>>, vector<1x16xi32>,
    %swap3A_81 = vector.shape_cast %swap3A_80 : vector<1x16xi32> to vector<16xi32>
    %swap3A_82 = vector.shape_cast %add3A_76 : vector<16xi32> to vector<1x16xi32>
    tpu.vector_store %arg6[%swap3A_78, %swap3A_79], %swap3A_82 {strides = array<i32>} : memref<16x128xi32, #tpu.memory_space<vmem>>, vector<1x16xi32>,
    %add3A_83 = arith.constant 2 : i32
    %add3A_84 = vector.broadcast %add3A_83 : i32 to vector<16xi32>
    %add3A_85 = arith.addi %convert_element_type3A_55, %add3A_84 : vector<16xi32>
    %swap3A_86 = arith.constant 12 : i32
    %swap3A_87 = arith.index_cast %swap3A_86 : i32 to index
    %swap3A_88 = arith.constant 16 : index
    %swap3A_89 = tpu.vector_load %arg6[%swap3A_87, %swap3A_88] {strides = array<i32>} : memref<16x128xi32, #tpu.memory_space<vmem>>, vector<1x16xi32>,
    %swap3A_90 = vector.shape_cast %swap3A_89 : vector<1x16xi32> to vector<16xi32>
    %swap3A_91 = vector.shape_cast %add3A_85 : vector<16xi32> to vector<1x16xi32>
    tpu.vector_store %arg6[%swap3A_87, %swap3A_88], %swap3A_91 {strides = array<i32>} : memref<16x128xi32, #tpu.memory_space<vmem>>, vector<1x16xi32>,
    %get3A_92 = arith.constant 32 : index
    %get3A_93 = tpu.vector_load %arg5[%get3A_92] {strides = array<i32>} : memref<512xf32, #tpu.memory_space<vmem>>, vector<16xf32>,
    %get3A_94 = vector.shape_cast %get3A_93 : vector<16xf32> to vector<16xf32>
    %mul3A_95 = arith.constant 1.000000e+06 : f32
    %mul3A_96 = vector.broadcast %mul3A_95 : f32 to vector<16xf32>
    %mul3A_97 = arith.mulf %get3A_94, %mul3A_96 : vector<16xf32>
    %add3A_98 = arith.constant 1.000000e+00 : f32
    %add3A_99 = vector.broadcast %add3A_98 : f32 to vector<16xf32>
    %add3A_100 = arith.addf %mul3A_97, %add3A_99 : vector<16xf32>
    %convert_element_type3A_101 = arith.fptosi %add3A_100 : vector<16xf32> to vector<16xi32>
    %add3A_102 = arith.constant -1 : i32
    %add3A_103 = vector.broadcast %add3A_102 : i32 to vector<16xi32>
    %add3A_104 = arith.addi %convert_element_type3A_101, %add3A_103 : vector<16xi32>
    %swap3A_105 = arith.constant 0 : i32
    %swap3A_106 = arith.index_cast %swap3A_105 : i32 to index
    %swap3A_107 = arith.constant 32 : index
    %swap3A_108 = tpu.vector_load %arg6[%swap3A_106, %swap3A_107] {strides = array<i32>} : memref<16x128xi32, #tpu.memory_space<vmem>>, vector<1x16xi32>,
    %swap3A_109 = vector.shape_cast %swap3A_108 : vector<1x16xi32> to vector<16xi32>
    %swap3A_110 = vector.shape_cast %add3A_104 : vector<16xi32> to vector<1x16xi32>
    tpu.vector_store %arg6[%swap3A_106, %swap3A_107], %swap3A_110 {strides = array<i32>} : memref<16x128xi32, #tpu.memory_space<vmem>>, vector<1x16xi32>,
    %add3A_111 = arith.constant 0 : i32
    %add3A_112 = vector.broadcast %add3A_111 : i32 to vector<16xi32>
    %add3A_113 = arith.addi %convert_element_type3A_101, %add3A_112 : vector<16xi32>
    %swap3A_114 = arith.constant 4 : i32
    %swap3A_115 = arith.index_cast %swap3A_114 : i32 to index
    %swap3A_116 = arith.constant 32 : index
    %swap3A_117 = tpu.vector_load %arg6[%swap3A_115, %swap3A_116] {strides = array<i32>} : memref<16x128xi32, #tpu.memory_space<vmem>>, vector<1x16xi32>,
    %swap3A_118 = vector.shape_cast %swap3A_117 : vector<1x16xi32> to vector<16xi32>
    %swap3A_119 = vector.shape_cast %add3A_113 : vector<16xi32> to vector<1x16xi32>
    tpu.vector_store %arg6[%swap3A_115, %swap3A_116], %swap3A_119 {strides = array<i32>} : memref<16x128xi32, #tpu.memory_space<vmem>>, vector<1x16xi32>,
    %add3A_120 = arith.constant 1 : i32
    %add3A_121 = vector.broadcast %add3A_120 : i32 to vector<16xi32>
    %add3A_122 = arith.addi %convert_element_type3A_101, %add3A_121 : vector<16xi32>
    %swap3A_123 = arith.constant 8 : i32
    %swap3A_124 = arith.index_cast %swap3A_123 : i32 to index
    %swap3A_125 = arith.constant 32 : index
    %swap3A_126 = tpu.vector_load %arg6[%swap3A_124, %swap3A_125] {strides = array<i32>} : memref<16x128xi32, #tpu.memory_space<vmem>>, vector<1x16xi32>,
    %swap3A_127 = vector.shape_cast %swap3A_126 : vector<1x16xi32> to vector<16xi32>
    %swap3A_128 = vector.shape_cast %add3A_122 : vector<16xi32> to vector<1x16xi32>
    tpu.vector_store %arg6[%swap3A_124, %swap3A_125], %swap3A_128 {strides = array<i32>} : memref<16x128xi32, #tpu.memory_space<vmem>>, vector<1x16xi32>,
    %add3A_129 = arith.constant 2 : i32
    %add3A_130 = vector.broadcast %add3A_129 : i32 to vector<16xi32>
    %add3A_131 = arith.addi %convert_element_type3A_101, %add3A_130 : vector<16xi32>
    %swap3A_132 = arith.constant 12 : i32
    %swap3A_133 = arith.index_cast %swap3A_132 : i32 to index
    %swap3A_134 = arith.constant 32 : index
    %swap3A_135 = tpu.vector_load %arg6[%swap3A_133, %swap3A_134] {strides = array<i32>} : memref<16x128xi32, #tpu.memory_space<vmem>>, vector<1x16xi32>,
    %swap3A_136 = vector.shape_cast %swap3A_135 : vector<1x16xi32> to vector<16xi32>
    %swap3A_137 = vector.shape_cast %add3A_131 : vector<16xi32> to vector<1x16xi32>
    tpu.vector_store %arg6[%swap3A_133, %swap3A_134], %swap3A_137 {strides = array<i32>} : memref<16x128xi32, #tpu.memory_space<vmem>>, vector<1x16xi32>,
    %get3A_138 = arith.constant 48 : index
    %get3A_139 = tpu.vector_load %arg5[%get3A_138] {strides = array<i32>} : memref<512xf32, #tpu.memory_space<vmem>>, vector<16xf32>,
    %get3A_140 = vector.shape_cast %get3A_139 : vector<16xf32> to vector<16xf32>
    %mul3A_141 = arith.constant 1.000000e+06 : f32
    %mul3A_142 = vector.broadcast %mul3A_141 : f32 to vector<16xf32>
    %mul3A_143 = arith.mulf %get3A_140, %mul3A_142 : vector<16xf32>
    %add3A_144 = arith.constant 1.000000e+00 : f32
    %add3A_145 = vector.broadcast %add3A_144 : f32 to vector<16xf32>
    %add3A_146 = arith.addf %mul3A_143, %add3A_145 : vector<16xf32>
    %convert_element_type3A_147 = arith.fptosi %add3A_146 : vector<16xf32> to vector<16xi32>
    %add3A_148 = arith.constant -1 : i32
    %add3A_149 = vector.broadcast %add3A_148 : i32 to vector<16xi32>
    %add3A_150 = arith.addi %convert_element_type3A_147, %add3A_149 : vector<16xi32>
    %swap3A_151 = arith.constant 0 : i32
    %swap3A_152 = arith.index_cast %swap3A_151 : i32 to index
    %swap3A_153 = arith.constant 48 : index
    %swap3A_154 = tpu.vector_load %arg6[%swap3A_152, %swap3A_153] {strides = array<i32>} : memref<16x128xi32, #tpu.memory_space<vmem>>, vector<1x16xi32>,
    %swap3A_155 = vector.shape_cast %swap3A_154 : vector<1x16xi32> to vector<16xi32>
    %swap3A_156 = vector.shape_cast %add3A_150 : vector<16xi32> to vector<1x16xi32>
    tpu.vector_store %arg6[%swap3A_152, %swap3A_153], %swap3A_156 {strides = array<i32>} : memref<16x128xi32, #tpu.memory_space<vmem>>, vector<1x16xi32>,
    %add3A_157 = arith.constant 0 : i32
    %add3A_158 = vector.broadcast %add3A_157 : i32 to vector<16xi32>
    %add3A_159 = arith.addi %convert_element_type3A_147, %add3A_158 : vector<16xi32>
    %swap3A_160 = arith.constant 4 : i32
    %swap3A_161 = arith.index_cast %swap3A_160 : i32 to index
    %swap3A_162 = arith.constant 48 : index
    %swap3A_163 = tpu.vector_load %arg6[%swap3A_161, %swap3A_162] {strides = array<i32>} : memref<16x128xi32, #tpu.memory_space<vmem>>, vector<1x16xi32>,
    %swap3A_164 = vector.shape_cast %swap3A_163 : vector<1x16xi32> to vector<16xi32>
    %swap3A_165 = vector.shape_cast %add3A_159 : vector<16xi32> to vector<1x16xi32>
    tpu.vector_store %arg6[%swap3A_161, %swap3A_162], %swap3A_165 {strides = array<i32>} : memref<16x128xi32, #tpu.memory_space<vmem>>, vector<1x16xi32>,
    %add3A_166 = arith.constant 1 : i32
    %add3A_167 = vector.broadcast %add3A_166 : i32 to vector<16xi32>
    %add3A_168 = arith.addi %convert_element_type3A_147, %add3A_167 : vector<16xi32>
    %swap3A_169 = arith.constant 8 : i32
    %swap3A_170 = arith.index_cast %swap3A_169 : i32 to index
    %swap3A_171 = arith.constant 48 : index
    %swap3A_172 = tpu.vector_load %arg6[%swap3A_170, %swap3A_171] {strides = array<i32>} : memref<16x128xi32, #tpu.memory_space<vmem>>, vector<1x16xi32>,
    %swap3A_173 = vector.shape_cast %swap3A_172 : vector<1x16xi32> to vector<16xi32>
    %swap3A_174 = vector.shape_cast %add3A_168 : vector<16xi32> to vector<1x16xi32>
    tpu.vector_store %arg6[%swap3A_170, %swap3A_171], %swap3A_174 {strides = array<i32>} : memref<16x128xi32, #tpu.memory_space<vmem>>, vector<1x16xi32>,
    %add3A_175 = arith.constant 2 : i32
    %add3A_176 = vector.broadcast %add3A_175 : i32 to vector<16xi32>
    %add3A_177 = arith.addi %convert_element_type3A_147, %add3A_176 : vector<16xi32>
    %swap3A_178 = arith.constant 12 : i32
    %swap3A_179 = arith.index_cast %swap3A_178 : i32 to index
    %swap3A_180 = arith.constant 48 : index
    %swap3A_181 = tpu.vector_load %arg6[%swap3A_179, %swap3A_180] {strides = array<i32>} : memref<16x128xi32, #tpu.memory_space<vmem>>, vector<1x16xi32>,
    %swap3A_182 = vector.shape_cast %swap3A_181 : vector<1x16xi32> to vector<16xi32>
    %swap3A_183 = vector.shape_cast %add3A_177 : vector<16xi32> to vector<1x16xi32>
    tpu.vector_store %arg6[%swap3A_179, %swap3A_180], %swap3A_183 {strides = array<i32>} : memref<16x128xi32, #tpu.memory_space<vmem>>, vector<1x16xi32>,
    %get3A_184 = arith.constant 64 : index
    %get3A_185 = tpu.vector_load %arg5[%get3A_184] {strides = array<i32>} : memref<512xf32, #tpu.memory_space<vmem>>, vector<16xf32>,
    %get3A_186 = vector.shape_cast %get3A_185 : vector<16xf32> to vector<16xf32>
    %mul3A_187 = arith.constant 1.000000e+06 : f32
    %mul3A_188 = vector.broadcast %mul3A_187 : f32 to vector<16xf32>
    %mul3A_189 = arith.mulf %get3A_186, %mul3A_188 : vector<16xf32>
    %add3A_190 = arith.constant 1.000000e+00 : f32
    %add3A_191 = vector.broadcast %add3A_190 : f32 to vector<16xf32>
    %add3A_192 = arith.addf %mul3A_189, %add3A_191 : vector<16xf32>
    %convert_element_type3A_193 = arith.fptosi %add3A_192 : vector<16xf32> to vector<16xi32>
    %add3A_194 = arith.constant -1 : i32
    %add3A_195 = vector.broadcast %add3A_194 : i32 to vector<16xi32>
    %add3A_196 = arith.addi %convert_element_type3A_193, %add3A_195 : vector<16xi32>
    %swap3A_197 = arith.constant 0 : i32
    %swap3A_198 = arith.index_cast %swap3A_197 : i32 to index
    %swap3A_199 = arith.constant 64 : index
    %swap3A_200 = tpu.vector_load %arg6[%swap3A_198, %swap3A_199] {strides = array<i32>} : memref<16x128xi32, #tpu.memory_space<vmem>>, vector<1x16xi32>,
    %swap3A_201 = vector.shape_cast %swap3A_200 : vector<1x16xi32> to vector<16xi32>
    %swap3A_202 = vector.shape_cast %add3A_196 : vector<16xi32> to vector<1x16xi32>
    tpu.vector_store %arg6[%swap3A_198, %swap3A_199], %swap3A_202 {strides = array<i32>} : memref<16x128xi32, #tpu.memory_space<vmem>>, vector<1x16xi32>,
    %add3A_203 = arith.constant 0 : i32
    %add3A_204 = vector.broadcast %add3A_203 : i32 to vector<16xi32>
    %add3A_205 = arith.addi %convert_element_type3A_193, %add3A_204 : vector<16xi32>
    %swap3A_206 = arith.constant 4 : i32
    %swap3A_207 = arith.index_cast %swap3A_206 : i32 to index
    %swap3A_208 = arith.constant 64 : index
    %swap3A_209 = tpu.vector_load %arg6[%swap3A_207, %swap3A_208] {strides = array<i32>} : memref<16x128xi32, #tpu.memory_space<vmem>>, vector<1x16xi32>,
    %swap3A_210 = vector.shape_cast %swap3A_209 : vector<1x16xi32> to vector<16xi32>
    %swap3A_211 = vector.shape_cast %add3A_205 : vector<16xi32> to vector<1x16xi32>
    tpu.vector_store %arg6[%swap3A_207, %swap3A_208], %swap3A_211 {strides = array<i32>} : memref<16x128xi32, #tpu.memory_space<vmem>>, vector<1x16xi32>,
    %add3A_212 = arith.constant 1 : i32
    %add3A_213 = vector.broadcast %add3A_212 : i32 to vector<16xi32>
    %add3A_214 = arith.addi %convert_element_type3A_193, %add3A_213 : vector<16xi32>
    %swap3A_215 = arith.constant 8 : i32
    %swap3A_216 = arith.index_cast %swap3A_215 : i32 to index
    %swap3A_217 = arith.constant 64 : index
    %swap3A_218 = tpu.vector_load %arg6[%swap3A_216, %swap3A_217] {strides = array<i32>} : memref<16x128xi32, #tpu.memory_space<vmem>>, vector<1x16xi32>,
    %swap3A_219 = vector.shape_cast %swap3A_218 : vector<1x16xi32> to vector<16xi32>
    %swap3A_220 = vector.shape_cast %add3A_214 : vector<16xi32> to vector<1x16xi32>
    tpu.vector_store %arg6[%swap3A_216, %swap3A_217], %swap3A_220 {strides = array<i32>} : memref<16x128xi32, #tpu.memory_space<vmem>>, vector<1x16xi32>,
    %add3A_221 = arith.constant 2 : i32
    %add3A_222 = vector.broadcast %add3A_221 : i32 to vector<16xi32>
    %add3A_223 = arith.addi %convert_element_type3A_193, %add3A_222 : vector<16xi32>
    %swap3A_224 = arith.constant 12 : i32
    %swap3A_225 = arith.index_cast %swap3A_224 : i32 to index
    %swap3A_226 = arith.constant 64 : index
    %swap3A_227 = tpu.vector_load %arg6[%swap3A_225, %swap3A_226] {strides = array<i32>} : memref<16x128xi32, #tpu.memory_space<vmem>>, vector<1x16xi32>,
    %swap3A_228 = vector.shape_cast %swap3A_227 : vector<1x16xi32> to vector<16xi32>
    %swap3A_229 = vector.shape_cast %add3A_223 : vector<16xi32> to vector<1x16xi32>
    tpu.vector_store %arg6[%swap3A_225, %swap3A_226], %swap3A_229 {strides = array<i32>} : memref<16x128xi32, #tpu.memory_space<vmem>>, vector<1x16xi32>,
    %get3A_230 = arith.constant 80 : index
    %get3A_231 = tpu.vector_load %arg5[%get3A_230] {strides = array<i32>} : memref<512xf32, #tpu.memory_space<vmem>>, vector<16xf32>,
    %get3A_232 = vector.shape_cast %get3A_231 : vector<16xf32> to vector<16xf32>
    %mul3A_233 = arith.constant 1.000000e+06 : f32
    %mul3A_234 = vector.broadcast %mul3A_233 : f32 to vector<16xf32>
    %mul3A_235 = arith.mulf %get3A_232, %mul3A_234 : vector<16xf32>
    %add3A_236 = arith.constant 1.000000e+00 : f32
    %add3A_237 = vector.broadcast %add3A_236 : f32 to vector<16xf32>
    %add3A_238 = arith.addf %mul3A_235, %add3A_237 : vector<16xf32>
    %convert_element_type3A_239 = arith.fptosi %add3A_238 : vector<16xf32> to vector<16xi32>
    %add3A_240 = arith.constant -1 : i32
    %add3A_241 = vector.broadcast %add3A_240 : i32 to vector<16xi32>
    %add3A_242 = arith.addi %convert_element_type3A_239, %add3A_241 : vector<16xi32>
    %swap3A_243 = arith.constant 0 : i32
    %swap3A_244 = arith.index_cast %swap3A_243 : i32 to index
    %swap3A_245 = arith.constant 80 : index
    %swap3A_246 = tpu.vector_load %arg6[%swap3A_244, %swap3A_245] {strides = array<i32>} : memref<16x128xi32, #tpu.memory_space<vmem>>, vector<1x16xi32>,
    %swap3A_247 = vector.shape_cast %swap3A_246 : vector<1x16xi32> to vector<16xi32>
    %swap3A_248 = vector.shape_cast %add3A_242 : vector<16xi32> to vector<1x16xi32>
    tpu.vector_store %arg6[%swap3A_244, %swap3A_245], %swap3A_248 {strides = array<i32>} : memref<16x128xi32, #tpu.memory_space<vmem>>, vector<1x16xi32>,
    %add3A_249 = arith.constant 0 : i32
    %add3A_250 = vector.broadcast %add3A_249 : i32 to vector<16xi32>
    %add3A_251 = arith.addi %convert_element_type3A_239, %add3A_250 : vector<16xi32>
    %swap3A_252 = arith.constant 4 : i32
    %swap3A_253 = arith.index_cast %swap3A_252 : i32 to index
    %swap3A_254 = arith.constant 80 : index
    %swap3A_255 = tpu.vector_load %arg6[%swap3A_253, %swap3A_254] {strides = array<i32>} : memref<16x128xi32, #tpu.memory_space<vmem>>, vector<1x16xi32>,
    %swap3A_256 = vector.shape_cast %swap3A_255 : vector<1x16xi32> to vector<16xi32>
    %swap3A_257 = vector.shape_cast %add3A_251 : vector<16xi32> to vector<1x16xi32>
    tpu.vector_store %arg6[%swap3A_253, %swap3A_254], %swap3A_257 {strides = array<i32>} : memref<16x128xi32, #tpu.memory_space<vmem>>, vector<1x16xi32>,
    %add3A_258 = arith.constant 1 : i32
    %add3A_259 = vector.broadcast %add3A_258 : i32 to vector<16xi32>
    %add3A_260 = arith.addi %convert_element_type3A_239, %add3A_259 : vector<16xi32>
    %swap3A_261 = arith.constant 8 : i32
    %swap3A_262 = arith.index_cast %swap3A_261 : i32 to index
    %swap3A_263 = arith.constant 80 : index
    %swap3A_264 = tpu.vector_load %arg6[%swap3A_262, %swap3A_263] {strides = array<i32>} : memref<16x128xi32, #tpu.memory_space<vmem>>, vector<1x16xi32>,
    %swap3A_265 = vector.shape_cast %swap3A_264 : vector<1x16xi32> to vector<16xi32>
    %swap3A_266 = vector.shape_cast %add3A_260 : vector<16xi32> to vector<1x16xi32>
    tpu.vector_store %arg6[%swap3A_262, %swap3A_263], %swap3A_266 {strides = array<i32>} : memref<16x128xi32, #tpu.memory_space<vmem>>, vector<1x16xi32>,
    %add3A_267 = arith.constant 2 : i32
    %add3A_268 = vector.broadcast %add3A_267 : i32 to vector<16xi32>
    %add3A_269 = arith.addi %convert_element_type3A_239, %add3A_268 : vector<16xi32>
    %swap3A_270 = arith.constant 12 : i32
    %swap3A_271 = arith.index_cast %swap3A_270 : i32 to index
    %swap3A_272 = arith.constant 80 : index
    %swap3A_273 = tpu.vector_load %arg6[%swap3A_271, %swap3A_272] {strides = array<i32>} : memref<16x128xi32, #tpu.memory_space<vmem>>, vector<1x16xi32>,
    %swap3A_274 = vector.shape_cast %swap3A_273 : vector<1x16xi32> to vector<16xi32>
    %swap3A_275 = vector.shape_cast %add3A_269 : vector<16xi32> to vector<1x16xi32>
    tpu.vector_store %arg6[%swap3A_271, %swap3A_272], %swap3A_275 {strides = array<i32>} : memref<16x128xi32, #tpu.memory_space<vmem>>, vector<1x16xi32>,
    %get3A_276 = arith.constant 96 : index
    %get3A_277 = tpu.vector_load %arg5[%get3A_276] {strides = array<i32>} : memref<512xf32, #tpu.memory_space<vmem>>, vector<16xf32>,
    %get3A_278 = vector.shape_cast %get3A_277 : vector<16xf32> to vector<16xf32>
    %mul3A_279 = arith.constant 1.000000e+06 : f32
    %mul3A_280 = vector.broadcast %mul3A_279 : f32 to vector<16xf32>
    %mul3A_281 = arith.mulf %get3A_278, %mul3A_280 : vector<16xf32>
    %add3A_282 = arith.constant 1.000000e+00 : f32
    %add3A_283 = vector.broadcast %add3A_282 : f32 to vector<16xf32>
    %add3A_284 = arith.addf %mul3A_281, %add3A_283 : vector<16xf32>
    %convert_element_type3A_285 = arith.fptosi %add3A_284 : vector<16xf32> to vector<16xi32>
    %add3A_286 = arith.constant -1 : i32
    %add3A_287 = vector.broadcast %add3A_286 : i32 to vector<16xi32>
    %add3A_288 = arith.addi %convert_element_type3A_285, %add3A_287 : vector<16xi32>
    %swap3A_289 = arith.constant 0 : i32
    %swap3A_290 = arith.index_cast %swap3A_289 : i32 to index
    %swap3A_291 = arith.constant 96 : index
    %swap3A_292 = tpu.vector_load %arg6[%swap3A_290, %swap3A_291] {strides = array<i32>} : memref<16x128xi32, #tpu.memory_space<vmem>>, vector<1x16xi32>,
    %swap3A_293 = vector.shape_cast %swap3A_292 : vector<1x16xi32> to vector<16xi32>
    %swap3A_294 = vector.shape_cast %add3A_288 : vector<16xi32> to vector<1x16xi32>
    tpu.vector_store %arg6[%swap3A_290, %swap3A_291], %swap3A_294 {strides = array<i32>} : memref<16x128xi32, #tpu.memory_space<vmem>>, vector<1x16xi32>,
    %add3A_295 = arith.constant 0 : i32
    %add3A_296 = vector.broadcast %add3A_295 : i32 to vector<16xi32>
    %add3A_297 = arith.addi %convert_element_type3A_285, %add3A_296 : vector<16xi32>
    %swap3A_298 = arith.constant 4 : i32
    %swap3A_299 = arith.index_cast %swap3A_298 : i32 to index
    %swap3A_300 = arith.constant 96 : index
    %swap3A_301 = tpu.vector_load %arg6[%swap3A_299, %swap3A_300] {strides = array<i32>} : memref<16x128xi32, #tpu.memory_space<vmem>>, vector<1x16xi32>,
    %swap3A_302 = vector.shape_cast %swap3A_301 : vector<1x16xi32> to vector<16xi32>
    %swap3A_303 = vector.shape_cast %add3A_297 : vector<16xi32> to vector<1x16xi32>
    tpu.vector_store %arg6[%swap3A_299, %swap3A_300], %swap3A_303 {strides = array<i32>} : memref<16x128xi32, #tpu.memory_space<vmem>>, vector<1x16xi32>,
    %add3A_304 = arith.constant 1 : i32
    %add3A_305 = vector.broadcast %add3A_304 : i32 to vector<16xi32>
    %add3A_306 = arith.addi %convert_element_type3A_285, %add3A_305 : vector<16xi32>
    %swap3A_307 = arith.constant 8 : i32
    %swap3A_308 = arith.index_cast %swap3A_307 : i32 to index
    %swap3A_309 = arith.constant 96 : index
    %swap3A_310 = tpu.vector_load %arg6[%swap3A_308, %swap3A_309] {strides = array<i32>} : memref<16x128xi32, #tpu.memory_space<vmem>>, vector<1x16xi32>,
    %swap3A_311 = vector.shape_cast %swap3A_310 : vector<1x16xi32> to vector<16xi32>
    %swap3A_312 = vector.shape_cast %add3A_306 : vector<16xi32> to vector<1x16xi32>
    tpu.vector_store %arg6[%swap3A_308, %swap3A_309], %swap3A_312 {strides = array<i32>} : memref<16x128xi32, #tpu.memory_space<vmem>>, vector<1x16xi32>,
    %add3A_313 = arith.constant 2 : i32
    %add3A_314 = vector.broadcast %add3A_313 : i32 to vector<16xi32>
    %add3A_315 = arith.addi %convert_element_type3A_285, %add3A_314 : vector<16xi32>
    %swap3A_316 = arith.constant 12 : i32
    %swap3A_317 = arith.index_cast %swap3A_316 : i32 to index
    %swap3A_318 = arith.constant 96 : index
    %swap3A_319 = tpu.vector_load %arg6[%swap3A_317, %swap3A_318] {strides = array<i32>} : memref<16x128xi32, #tpu.memory_space<vmem>>, vector<1x16xi32>,
    %swap3A_320 = vector.shape_cast %swap3A_319 : vector<1x16xi32> to vector<16xi32>
    %swap3A_321 = vector.shape_cast %add3A_315 : vector<16xi32> to vector<1x16xi32>
    tpu.vector_store %arg6[%swap3A_317, %swap3A_318], %swap3A_321 {strides = array<i32>} : memref<16x128xi32, #tpu.memory_space<vmem>>, vector<1x16xi32>,
    %get3A_322 = arith.constant 112 : index
    %get3A_323 = tpu.vector_load %arg5[%get3A_322] {strides = array<i32>} : memref<512xf32, #tpu.memory_space<vmem>>, vector<16xf32>,
    %get3A_324 = vector.shape_cast %get3A_323 : vector<16xf32> to vector<16xf32>
    %mul3A_325 = arith.constant 1.000000e+06 : f32
    %mul3A_326 = vector.broadcast %mul3A_325 : f32 to vector<16xf32>
    %mul3A_327 = arith.mulf %get3A_324, %mul3A_326 : vector<16xf32>
    %add3A_328 = arith.constant 1.000000e+00 : f32
    %add3A_329 = vector.broadcast %add3A_328 : f32 to vector<16xf32>
    %add3A_330 = arith.addf %mul3A_327, %add3A_329 : vector<16xf32>
    %convert_element_type3A_331 = arith.fptosi %add3A_330 : vector<16xf32> to vector<16xi32>
    %add3A_332 = arith.constant -1 : i32
    %add3A_333 = vector.broadcast %add3A_332 : i32 to vector<16xi32>
    %add3A_334 = arith.addi %convert_element_type3A_331, %add3A_333 : vector<16xi32>
    %swap3A_335 = arith.constant 0 : i32
    %swap3A_336 = arith.index_cast %swap3A_335 : i32 to index
    %swap3A_337 = arith.constant 112 : index
    %swap3A_338 = tpu.vector_load %arg6[%swap3A_336, %swap3A_337] {strides = array<i32>} : memref<16x128xi32, #tpu.memory_space<vmem>>, vector<1x16xi32>,
    %swap3A_339 = vector.shape_cast %swap3A_338 : vector<1x16xi32> to vector<16xi32>
    %swap3A_340 = vector.shape_cast %add3A_334 : vector<16xi32> to vector<1x16xi32>
    tpu.vector_store %arg6[%swap3A_336, %swap3A_337], %swap3A_340 {strides = array<i32>} : memref<16x128xi32, #tpu.memory_space<vmem>>, vector<1x16xi32>,
    %add3A_341 = arith.constant 0 : i32
    %add3A_342 = vector.broadcast %add3A_341 : i32 to vector<16xi32>
    %add3A_343 = arith.addi %convert_element_type3A_331, %add3A_342 : vector<16xi32>
    %swap3A_344 = arith.constant 4 : i32
    %swap3A_345 = arith.index_cast %swap3A_344 : i32 to index
    %swap3A_346 = arith.constant 112 : index
    %swap3A_347 = tpu.vector_load %arg6[%swap3A_345, %swap3A_346] {strides = array<i32>} : memref<16x128xi32, #tpu.memory_space<vmem>>, vector<1x16xi32>,
    %swap3A_348 = vector.shape_cast %swap3A_347 : vector<1x16xi32> to vector<16xi32>
    %swap3A_349 = vector.shape_cast %add3A_343 : vector<16xi32> to vector<1x16xi32>
    tpu.vector_store %arg6[%swap3A_345, %swap3A_346], %swap3A_349 {strides = array<i32>} : memref<16x128xi32, #tpu.memory_space<vmem>>, vector<1x16xi32>,
    %add3A_350 = arith.constant 1 : i32
    %add3A_351 = vector.broadcast %add3A_350 : i32 to vector<16xi32>
    %add3A_352 = arith.addi %convert_element_type3A_331, %add3A_351 : vector<16xi32>
    %swap3A_353 = arith.constant 8 : i32
    %swap3A_354 = arith.index_cast %swap3A_353 : i32 to index
    %swap3A_355 = arith.constant 112 : index
    %swap3A_356 = tpu.vector_load %arg6[%swap3A_354, %swap3A_355] {strides = array<i32>} : memref<16x128xi32, #tpu.memory_space<vmem>>, vector<1x16xi32>,
    %swap3A_357 = vector.shape_cast %swap3A_356 : vector<1x16xi32> to vector<16xi32>
    %swap3A_358 = vector.shape_cast %add3A_352 : vector<16xi32> to vector<1x16xi32>
    tpu.vector_store %arg6[%swap3A_354, %swap3A_355], %swap3A_358 {strides = array<i32>} : memref<16x128xi32, #tpu.memory_space<vmem>>, vector<1x16xi32>,
    %add3A_359 = arith.constant 2 : i32
    %add3A_360 = vector.broadcast %add3A_359 : i32 to vector<16xi32>
    %add3A_361 = arith.addi %convert_element_type3A_331, %add3A_360 : vector<16xi32>
    %swap3A_362 = arith.constant 12 : i32
    %swap3A_363 = arith.index_cast %swap3A_362 : i32 to index
    %swap3A_364 = arith.constant 112 : index
    %swap3A_365 = tpu.vector_load %arg6[%swap3A_363, %swap3A_364] {strides = array<i32>} : memref<16x128xi32, #tpu.memory_space<vmem>>, vector<1x16xi32>,
    %swap3A_366 = vector.shape_cast %swap3A_365 : vector<1x16xi32> to vector<16xi32>
    %swap3A_367 = vector.shape_cast %add3A_361 : vector<16xi32> to vector<1x16xi32>
    tpu.vector_store %arg6[%swap3A_363, %swap3A_364], %swap3A_367 {strides = array<i32>} : memref<16x128xi32, #tpu.memory_space<vmem>>, vector<1x16xi32>,
    %get3A_368 = arith.constant 128 : index
    %get3A_369 = tpu.vector_load %arg5[%get3A_368] {strides = array<i32>} : memref<512xf32, #tpu.memory_space<vmem>>, vector<16xf32>,
    %get3A_370 = vector.shape_cast %get3A_369 : vector<16xf32> to vector<16xf32>
    %mul3A_371 = arith.constant 1.000000e+06 : f32
    %mul3A_372 = vector.broadcast %mul3A_371 : f32 to vector<16xf32>
    %mul3A_373 = arith.mulf %get3A_370, %mul3A_372 : vector<16xf32>
    %add3A_374 = arith.constant 1.000000e+00 : f32
    %add3A_375 = vector.broadcast %add3A_374 : f32 to vector<16xf32>
    %add3A_376 = arith.addf %mul3A_373, %add3A_375 : vector<16xf32>
    %convert_element_type3A_377 = arith.fptosi %add3A_376 : vector<16xf32> to vector<16xi32>
    %add3A_378 = arith.constant -1 : i32
    %add3A_379 = vector.broadcast %add3A_378 : i32 to vector<16xi32>
    %add3A_380 = arith.addi %convert_element_type3A_377, %add3A_379 : vector<16xi32>
    %swap3A_381 = arith.constant 1 : i32
    %swap3A_382 = arith.index_cast %swap3A_381 : i32 to index
    %swap3A_383 = arith.constant 0 : index
    %swap3A_384 = tpu.vector_load %arg6[%swap3A_382, %swap3A_383] {strides = array<i32>} : memref<16x128xi32, #tpu.memory_space<vmem>>, vector<1x16xi32>,
    %swap3A_385 = vector.shape_cast %swap3A_384 : vector<1x16xi32> to vector<16xi32>
    %swap3A_386 = vector.shape_cast %add3A_380 : vector<16xi32> to vector<1x16xi32>
    tpu.vector_store %arg6[%swap3A_382, %swap3A_383], %swap3A_386 {strides = array<i32>} : memref<16x128xi32, #tpu.memory_space<vmem>>, vector<1x16xi32>,
    %add3A_387 = arith.constant 0 : i32
    %add3A_388 = vector.broadcast %add3A_387 : i32 to vector<16xi32>
    %add3A_389 = arith.addi %convert_element_type3A_377, %add3A_388 : vector<16xi32>
    %swap3A_390 = arith.constant 5 : i32
    %swap3A_391 = arith.index_cast %swap3A_390 : i32 to index
    %swap3A_392 = arith.constant 0 : index
    %swap3A_393 = tpu.vector_load %arg6[%swap3A_391, %swap3A_392] {strides = array<i32>} : memref<16x128xi32, #tpu.memory_space<vmem>>, vector<1x16xi32>,
    %swap3A_394 = vector.shape_cast %swap3A_393 : vector<1x16xi32> to vector<16xi32>
    %swap3A_395 = vector.shape_cast %add3A_389 : vector<16xi32> to vector<1x16xi32>
    tpu.vector_store %arg6[%swap3A_391, %swap3A_392], %swap3A_395 {strides = array<i32>} : memref<16x128xi32, #tpu.memory_space<vmem>>, vector<1x16xi32>,
    %add3A_396 = arith.constant 1 : i32
    %add3A_397 = vector.broadcast %add3A_396 : i32 to vector<16xi32>
    %add3A_398 = arith.addi %convert_element_type3A_377, %add3A_397 : vector<16xi32>
    %swap3A_399 = arith.constant 9 : i32
    %swap3A_400 = arith.index_cast %swap3A_399 : i32 to index
    %swap3A_401 = arith.constant 0 : index
    %swap3A_402 = tpu.vector_load %arg6[%swap3A_400, %swap3A_401] {strides = array<i32>} : memref<16x128xi32, #tpu.memory_space<vmem>>, vector<1x16xi32>,
    %swap3A_403 = vector.shape_cast %swap3A_402 : vector<1x16xi32> to vector<16xi32>
    %swap3A_404 = vector.shape_cast %add3A_398 : vector<16xi32> to vector<1x16xi32>
    tpu.vector_store %arg6[%swap3A_400, %swap3A_401], %swap3A_404 {strides = array<i32>} : memref<16x128xi32, #tpu.memory_space<vmem>>, vector<1x16xi32>,
    %add3A_405 = arith.constant 2 : i32
    %add3A_406 = vector.broadcast %add3A_405 : i32 to vector<16xi32>
    %add3A_407 = arith.addi %convert_element_type3A_377, %add3A_406 : vector<16xi32>
    %swap3A_408 = arith.constant 13 : i32
    %swap3A_409 = arith.index_cast %swap3A_408 : i32 to index
    %swap3A_410 = arith.constant 0 : index
    %swap3A_411 = tpu.vector_load %arg6[%swap3A_409, %swap3A_410] {strides = array<i32>} : memref<16x128xi32, #tpu.memory_space<vmem>>, vector<1x16xi32>,
    %swap3A_412 = vector.shape_cast %swap3A_411 : vector<1x16xi32> to vector<16xi32>
    %swap3A_413 = vector.shape_cast %add3A_407 : vector<16xi32> to vector<1x16xi32>
    tpu.vector_store %arg6[%swap3A_409, %swap3A_410], %swap3A_413 {strides = array<i32>} : memref<16x128xi32, #tpu.memory_space<vmem>>, vector<1x16xi32>,
    %get3A_414 = arith.constant 144 : index
    %get3A_415 = tpu.vector_load %arg5[%get3A_414] {strides = array<i32>} : memref<512xf32, #tpu.memory_space<vmem>>, vector<16xf32>,
    %get3A_416 = vector.shape_cast %get3A_415 : vector<16xf32> to vector<16xf32>
    %mul3A_417 = arith.constant 1.000000e+06 : f32
    %mul3A_418 = vector.broadcast %mul3A_417 : f32 to vector<16xf32>
    %mul3A_419 = arith.mulf %get3A_416, %mul3A_418 : vector<16xf32>
    %add3A_420 = arith.constant 1.000000e+00 : f32
    %add3A_421 = vector.broadcast %add3A_420 : f32 to vector<16xf32>
    %add3A_422 = arith.addf %mul3A_419, %add3A_421 : vector<16xf32>
    %convert_element_type3A_423 = arith.fptosi %add3A_422 : vector<16xf32> to vector<16xi32>
    %add3A_424 = arith.constant -1 : i32
    %add3A_425 = vector.broadcast %add3A_424 : i32 to vector<16xi32>
    %add3A_426 = arith.addi %convert_element_type3A_423, %add3A_425 : vector<16xi32>
    %swap3A_427 = arith.constant 1 : i32
    %swap3A_428 = arith.index_cast %swap3A_427 : i32 to index
    %swap3A_429 = arith.constant 16 : index
    %swap3A_430 = tpu.vector_load %arg6[%swap3A_428, %swap3A_429] {strides = array<i32>} : memref<16x128xi32, #tpu.memory_space<vmem>>, vector<1x16xi32>,
    %swap3A_431 = vector.shape_cast %swap3A_430 : vector<1x16xi32> to vector<16xi32>
    %swap3A_432 = vector.shape_cast %add3A_426 : vector<16xi32> to vector<1x16xi32>
    tpu.vector_store %arg6[%swap3A_428, %swap3A_429], %swap3A_432 {strides = array<i32>} : memref<16x128xi32, #tpu.memory_space<vmem>>, vector<1x16xi32>,
    %add3A_433 = arith.constant 0 : i32
    %add3A_434 = vector.broadcast %add3A_433 : i32 to vector<16xi32>
    %add3A_435 = arith.addi %convert_element_type3A_423, %add3A_434 : vector<16xi32>
    %swap3A_436 = arith.constant 5 : i32
    %swap3A_437 = arith.index_cast %swap3A_436 : i32 to index
    %swap3A_438 = arith.constant 16 : index
    %swap3A_439 = tpu.vector_load %arg6[%swap3A_437, %swap3A_438] {strides = array<i32>} : memref<16x128xi32, #tpu.memory_space<vmem>>, vector<1x16xi32>,
    %swap3A_440 = vector.shape_cast %swap3A_439 : vector<1x16xi32> to vector<16xi32>
    %swap3A_441 = vector.shape_cast %add3A_435 : vector<16xi32> to vector<1x16xi32>
    tpu.vector_store %arg6[%swap3A_437, %swap3A_438], %swap3A_441 {strides = array<i32>} : memref<16x128xi32, #tpu.memory_space<vmem>>, vector<1x16xi32>,
    %add3A_442 = arith.constant 1 : i32
    %add3A_443 = vector.broadcast %add3A_442 : i32 to vector<16xi32>
    %add3A_444 = arith.addi %convert_element_type3A_423, %add3A_443 : vector<16xi32>
    %swap3A_445 = arith.constant 9 : i32
    %swap3A_446 = arith.index_cast %swap3A_445 : i32 to index
    %swap3A_447 = arith.constant 16 : index
    %swap3A_448 = tpu.vector_load %arg6[%swap3A_446, %swap3A_447] {strides = array<i32>} : memref<16x128xi32, #tpu.memory_space<vmem>>, vector<1x16xi32>,
    %swap3A_449 = vector.shape_cast %swap3A_448 : vector<1x16xi32> to vector<16xi32>
    %swap3A_450 = vector.shape_cast %add3A_444 : vector<16xi32> to vector<1x16xi32>
    tpu.vector_store %arg6[%swap3A_446, %swap3A_447], %swap3A_450 {strides = array<i32>} : memref<16x128xi32, #tpu.memory_space<vmem>>, vector<1x16xi32>,
    %add3A_451 = arith.constant 2 : i32
    %add3A_452 = vector.broadcast %add3A_451 : i32 to vector<16xi32>
    %add3A_453 = arith.addi %convert_element_type3A_423, %add3A_452 : vector<16xi32>
    %swap3A_454 = arith.constant 13 : i32
    %swap3A_455 = arith.index_cast %swap3A_454 : i32 to index
    %swap3A_456 = arith.constant 16 : index
    %swap3A_457 = tpu.vector_load %arg6[%swap3A_455, %swap3A_456] {strides = array<i32>} : memref<16x128xi32, #tpu.memory_space<vmem>>, vector<1x16xi32>,
    %swap3A_458 = vector.shape_cast %swap3A_457 : vector<1x16xi32> to vector<16xi32>
    %swap3A_459 = vector.shape_cast %add3A_453 : vector<16xi32> to vector<1x16xi32>
    tpu.vector_store %arg6[%swap3A_455, %swap3A_456], %swap3A_459 {strides = array<i32>} : memref<16x128xi32, #tpu.memory_space<vmem>>, vector<1x16xi32>,
    %get3A_460 = arith.constant 160 : index
    %get3A_461 = tpu.vector_load %arg5[%get3A_460] {strides = array<i32>} : memref<512xf32, #tpu.memory_space<vmem>>, vector<16xf32>,
    %get3A_462 = vector.shape_cast %get3A_461 : vector<16xf32> to vector<16xf32>
    %mul3A_463 = arith.constant 1.000000e+06 : f32
    %mul3A_464 = vector.broadcast %mul3A_463 : f32 to vector<16xf32>
    %mul3A_465 = arith.mulf %get3A_462, %mul3A_464 : vector<16xf32>
    %add3A_466 = arith.constant 1.000000e+00 : f32
    %add3A_467 = vector.broadcast %add3A_466 : f32 to vector<16xf32>
    %add3A_468 = arith.addf %mul3A_465, %add3A_467 : vector<16xf32>
    %convert_element_type3A_469 = arith.fptosi %add3A_468 : vector<16xf32> to vector<16xi32>
    %add3A_470 = arith.constant -1 : i32
    %add3A_471 = vector.broadcast %add3A_470 : i32 to vector<16xi32>
    %add3A_472 = arith.addi %convert_element_type3A_469, %add3A_471 : vector<16xi32>
    %swap3A_473 = arith.constant 1 : i32
    %swap3A_474 = arith.index_cast %swap3A_473 : i32 to index
    %swap3A_475 = arith.constant 32 : index
    %swap3A_476 = tpu.vector_load %arg6[%swap3A_474, %swap3A_475] {strides = array<i32>} : memref<16x128xi32, #tpu.memory_space<vmem>>, vector<1x16xi32>,
    %swap3A_477 = vector.shape_cast %swap3A_476 : vector<1x16xi32> to vector<16xi32>
    %swap3A_478 = vector.shape_cast %add3A_472 : vector<16xi32> to vector<1x16xi32>
    tpu.vector_store %arg6[%swap3A_474, %swap3A_475], %swap3A_478 {strides = array<i32>} : memref<16x128xi32, #tpu.memory_space<vmem>>, vector<1x16xi32>,
    %add3A_479 = arith.constant 0 : i32
    %add3A_480 = vector.broadcast %add3A_479 : i32 to vector<16xi32>
    %add3A_481 = arith.addi %convert_element_type3A_469, %add3A_480 : vector<16xi32>
    %swap3A_482 = arith.constant 5 : i32
    %swap3A_483 = arith.index_cast %swap3A_482 : i32 to index
    %swap3A_484 = arith.constant 32 : index
    %swap3A_485 = tpu.vector_load %arg6[%swap3A_483, %swap3A_484] {strides = array<i32>} : memref<16x128xi32, #tpu.memory_space<vmem>>, vector<1x16xi32>,
    %swap3A_486 = vector.shape_cast %swap3A_485 : vector<1x16xi32> to vector<16xi32>
    %swap3A_487 = vector.shape_cast %add3A_481 : vector<16xi32> to vector<1x16xi32>
    tpu.vector_store %arg6[%swap3A_483, %swap3A_484], %swap3A_487 {strides = array<i32>} : memref<16x128xi32, #tpu.memory_space<vmem>>, vector<1x16xi32>,
    %add3A_488 = arith.constant 1 : i32
    %add3A_489 = vector.broadcast %add3A_488 : i32 to vector<16xi32>
    %add3A_490 = arith.addi %convert_element_type3A_469, %add3A_489 : vector<16xi32>
    %swap3A_491 = arith.constant 9 : i32
    %swap3A_492 = arith.index_cast %swap3A_491 : i32 to index
    %swap3A_493 = arith.constant 32 : index
    %swap3A_494 = tpu.vector_load %arg6[%swap3A_492, %swap3A_493] {strides = array<i32>} : memref<16x128xi32, #tpu.memory_space<vmem>>, vector<1x16xi32>,
    %swap3A_495 = vector.shape_cast %swap3A_494 : vector<1x16xi32> to vector<16xi32>
    %swap3A_496 = vector.shape_cast %add3A_490 : vector<16xi32> to vector<1x16xi32>
    tpu.vector_store %arg6[%swap3A_492, %swap3A_493], %swap3A_496 {strides = array<i32>} : memref<16x128xi32, #tpu.memory_space<vmem>>, vector<1x16xi32>,
    %add3A_497 = arith.constant 2 : i32
    %add3A_498 = vector.broadcast %add3A_497 : i32 to vector<16xi32>
    %add3A_499 = arith.addi %convert_element_type3A_469, %add3A_498 : vector<16xi32>
    %swap3A_500 = arith.constant 13 : i32
    %swap3A_501 = arith.index_cast %swap3A_500 : i32 to index
    %swap3A_502 = arith.constant 32 : index
    %swap3A_503 = tpu.vector_load %arg6[%swap3A_501, %swap3A_502] {strides = array<i32>} : memref<16x128xi32, #tpu.memory_space<vmem>>, vector<1x16xi32>,
    %swap3A_504 = vector.shape_cast %swap3A_503 : vector<1x16xi32> to vector<16xi32>
    %swap3A_505 = vector.shape_cast %add3A_499 : vector<16xi32> to vector<1x16xi32>
    tpu.vector_store %arg6[%swap3A_501, %swap3A_502], %swap3A_505 {strides = array<i32>} : memref<16x128xi32, #tpu.memory_space<vmem>>, vector<1x16xi32>,
    %get3A_506 = arith.constant 176 : index
    %get3A_507 = tpu.vector_load %arg5[%get3A_506] {strides = array<i32>} : memref<512xf32, #tpu.memory_space<vmem>>, vector<16xf32>,
    %get3A_508 = vector.shape_cast %get3A_507 : vector<16xf32> to vector<16xf32>
    %mul3A_509 = arith.constant 1.000000e+06 : f32
    %mul3A_510 = vector.broadcast %mul3A_509 : f32 to vector<16xf32>
    %mul3A_511 = arith.mulf %get3A_508, %mul3A_510 : vector<16xf32>
    %add3A_512 = arith.constant 1.000000e+00 : f32
    %add3A_513 = vector.broadcast %add3A_512 : f32 to vector<16xf32>
    %add3A_514 = arith.addf %mul3A_511, %add3A_513 : vector<16xf32>
    %convert_element_type3A_515 = arith.fptosi %add3A_514 : vector<16xf32> to vector<16xi32>
    %add3A_516 = arith.constant -1 : i32
    %add3A_517 = vector.broadcast %add3A_516 : i32 to vector<16xi32>
    %add3A_518 = arith.addi %convert_element_type3A_515, %add3A_517 : vector<16xi32>
    %swap3A_519 = arith.constant 1 : i32
    %swap3A_520 = arith.index_cast %swap3A_519 : i32 to index
    %swap3A_521 = arith.constant 48 : index
    %swap3A_522 = tpu.vector_load %arg6[%swap3A_520, %swap3A_521] {strides = array<i32>} : memref<16x128xi32, #tpu.memory_space<vmem>>, vector<1x16xi32>,
    %swap3A_523 = vector.shape_cast %swap3A_522 : vector<1x16xi32> to vector<16xi32>
    %swap3A_524 = vector.shape_cast %add3A_518 : vector<16xi32> to vector<1x16xi32>
    tpu.vector_store %arg6[%swap3A_520, %swap3A_521], %swap3A_524 {strides = array<i32>} : memref<16x128xi32, #tpu.memory_space<vmem>>, vector<1x16xi32>,
    %add3A_525 = arith.constant 0 : i32
    %add3A_526 = vector.broadcast %add3A_525 : i32 to vector<16xi32>
    %add3A_527 = arith.addi %convert_element_type3A_515, %add3A_526 : vector<16xi32>
    %swap3A_528 = arith.constant 5 : i32
    %swap3A_529 = arith.index_cast %swap3A_528 : i32 to index
    %swap3A_530 = arith.constant 48 : index
    %swap3A_531 = tpu.vector_load %arg6[%swap3A_529, %swap3A_530] {strides = array<i32>} : memref<16x128xi32, #tpu.memory_space<vmem>>, vector<1x16xi32>,
    %swap3A_532 = vector.shape_cast %swap3A_531 : vector<1x16xi32> to vector<16xi32>
    %swap3A_533 = vector.shape_cast %add3A_527 : vector<16xi32> to vector<1x16xi32>
    tpu.vector_store %arg6[%swap3A_529, %swap3A_530], %swap3A_533 {strides = array<i32>} : memref<16x128xi32, #tpu.memory_space<vmem>>, vector<1x16xi32>,
    %add3A_534 = arith.constant 1 : i32
    %add3A_535 = vector.broadcast %add3A_534 : i32 to vector<16xi32>
    %add3A_536 = arith.addi %convert_element_type3A_515, %add3A_535 : vector<16xi32>
    %swap3A_537 = arith.constant 9 : i32
    %swap3A_538 = arith.index_cast %swap3A_537 : i32 to index
    %swap3A_539 = arith.constant 48 : index
    %swap3A_540 = tpu.vector_load %arg6[%swap3A_538, %swap3A_539] {strides = array<i32>} : memref<16x128xi32, #tpu.memory_space<vmem>>, vector<1x16xi32>,
    %swap3A_541 = vector.shape_cast %swap3A_540 : vector<1x16xi32> to vector<16xi32>
    %swap3A_542 = vector.shape_cast %add3A_536 : vector<16xi32> to vector<1x16xi32>
    tpu.vector_store %arg6[%swap3A_538, %swap3A_539], %swap3A_542 {strides = array<i32>} : memref<16x128xi32, #tpu.memory_space<vmem>>, vector<1x16xi32>,
    %add3A_543 = arith.constant 2 : i32
    %add3A_544 = vector.broadcast %add3A_543 : i32 to vector<16xi32>
    %add3A_545 = arith.addi %convert_element_type3A_515, %add3A_544 : vector<16xi32>
    %swap3A_546 = arith.constant 13 : i32
    %swap3A_547 = arith.index_cast %swap3A_546 : i32 to index
    %swap3A_548 = arith.constant 48 : index
    %swap3A_549 = tpu.vector_load %arg6[%swap3A_547, %swap3A_548] {strides = array<i32>} : memref<16x128xi32, #tpu.memory_space<vmem>>, vector<1x16xi32>,
    %swap3A_550 = vector.shape_cast %swap3A_549 : vector<1x16xi32> to vector<16xi32>
    %swap3A_551 = vector.shape_cast %add3A_545 : vector<16xi32> to vector<1x16xi32>
    tpu.vector_store %arg6[%swap3A_547, %swap3A_548], %swap3A_551 {strides = array<i32>} : memref<16x128xi32, #tpu.memory_space<vmem>>, vector<1x16xi32>,
    %get3A_552 = arith.constant 192 : index
    %get3A_553 = tpu.vector_load %arg5[%get3A_552] {strides = array<i32>} : memref<512xf32, #tpu.memory_space<vmem>>, vector<16xf32>,
    %get3A_554 = vector.shape_cast %get3A_553 : vector<16xf32> to vector<16xf32>
    %mul3A_555 = arith.constant 1.000000e+06 : f32
    %mul3A_556 = vector.broadcast %mul3A_555 : f32 to vector<16xf32>
    %mul3A_557 = arith.mulf %get3A_554, %mul3A_556 : vector<16xf32>
    %add3A_558 = arith.constant 1.000000e+00 : f32
    %add3A_559 = vector.broadcast %add3A_558 : f32 to vector<16xf32>
    %add3A_560 = arith.addf %mul3A_557, %add3A_559 : vector<16xf32>
    %convert_element_type3A_561 = arith.fptosi %add3A_560 : vector<16xf32> to vector<16xi32>
    %add3A_562 = arith.constant -1 : i32
    %add3A_563 = vector.broadcast %add3A_562 : i32 to vector<16xi32>
    %add3A_564 = arith.addi %convert_element_type3A_561, %add3A_563 : vector<16xi32>
    %swap3A_565 = arith.constant 1 : i32
    %swap3A_566 = arith.index_cast %swap3A_565 : i32 to index
    %swap3A_567 = arith.constant 64 : index
    %swap3A_568 = tpu.vector_load %arg6[%swap3A_566, %swap3A_567] {strides = array<i32>} : memref<16x128xi32, #tpu.memory_space<vmem>>, vector<1x16xi32>,
    %swap3A_569 = vector.shape_cast %swap3A_568 : vector<1x16xi32> to vector<16xi32>
    %swap3A_570 = vector.shape_cast %add3A_564 : vector<16xi32> to vector<1x16xi32>
    tpu.vector_store %arg6[%swap3A_566, %swap3A_567], %swap3A_570 {strides = array<i32>} : memref<16x128xi32, #tpu.memory_space<vmem>>, vector<1x16xi32>,
    %add3A_571 = arith.constant 0 : i32
    %add3A_572 = vector.broadcast %add3A_571 : i32 to vector<16xi32>
    %add3A_573 = arith.addi %convert_element_type3A_561, %add3A_572 : vector<16xi32>
    %swap3A_574 = arith.constant 5 : i32
    %swap3A_575 = arith.index_cast %swap3A_574 : i32 to index
    %swap3A_576 = arith.constant 64 : index
    %swap3A_577 = tpu.vector_load %arg6[%swap3A_575, %swap3A_576] {strides = array<i32>} : memref<16x128xi32, #tpu.memory_space<vmem>>, vector<1x16xi32>,
    %swap3A_578 = vector.shape_cast %swap3A_577 : vector<1x16xi32> to vector<16xi32>
    %swap3A_579 = vector.shape_cast %add3A_573 : vector<16xi32> to vector<1x16xi32>
    tpu.vector_store %arg6[%swap3A_575, %swap3A_576], %swap3A_579 {strides = array<i32>} : memref<16x128xi32, #tpu.memory_space<vmem>>, vector<1x16xi32>,
    %add3A_580 = arith.constant 1 : i32
    %add3A_581 = vector.broadcast %add3A_580 : i32 to vector<16xi32>
    %add3A_582 = arith.addi %convert_element_type3A_561, %add3A_581 : vector<16xi32>
    %swap3A_583 = arith.constant 9 : i32
    %swap3A_584 = arith.index_cast %swap3A_583 : i32 to index
    %swap3A_585 = arith.constant 64 : index
    %swap3A_586 = tpu.vector_load %arg6[%swap3A_584, %swap3A_585] {strides = array<i32>} : memref<16x128xi32, #tpu.memory_space<vmem>>, vector<1x16xi32>,
    %swap3A_587 = vector.shape_cast %swap3A_586 : vector<1x16xi32> to vector<16xi32>
    %swap3A_588 = vector.shape_cast %add3A_582 : vector<16xi32> to vector<1x16xi32>
    tpu.vector_store %arg6[%swap3A_584, %swap3A_585], %swap3A_588 {strides = array<i32>} : memref<16x128xi32, #tpu.memory_space<vmem>>, vector<1x16xi32>,
    %add3A_589 = arith.constant 2 : i32
    %add3A_590 = vector.broadcast %add3A_589 : i32 to vector<16xi32>
    %add3A_591 = arith.addi %convert_element_type3A_561, %add3A_590 : vector<16xi32>
    %swap3A_592 = arith.constant 13 : i32
    %swap3A_593 = arith.index_cast %swap3A_592 : i32 to index
    %swap3A_594 = arith.constant 64 : index
    %swap3A_595 = tpu.vector_load %arg6[%swap3A_593, %swap3A_594] {strides = array<i32>} : memref<16x128xi32, #tpu.memory_space<vmem>>, vector<1x16xi32>,
    %swap3A_596 = vector.shape_cast %swap3A_595 : vector<1x16xi32> to vector<16xi32>
    %swap3A_597 = vector.shape_cast %add3A_591 : vector<16xi32> to vector<1x16xi32>
    tpu.vector_store %arg6[%swap3A_593, %swap3A_594], %swap3A_597 {strides = array<i32>} : memref<16x128xi32, #tpu.memory_space<vmem>>, vector<1x16xi32>,
    %get3A_598 = arith.constant 208 : index
    %get3A_599 = tpu.vector_load %arg5[%get3A_598] {strides = array<i32>} : memref<512xf32, #tpu.memory_space<vmem>>, vector<16xf32>,
    %get3A_600 = vector.shape_cast %get3A_599 : vector<16xf32> to vector<16xf32>
    %mul3A_601 = arith.constant 1.000000e+06 : f32
    %mul3A_602 = vector.broadcast %mul3A_601 : f32 to vector<16xf32>
    %mul3A_603 = arith.mulf %get3A_600, %mul3A_602 : vector<16xf32>
    %add3A_604 = arith.constant 1.000000e+00 : f32
    %add3A_605 = vector.broadcast %add3A_604 : f32 to vector<16xf32>
    %add3A_606 = arith.addf %mul3A_603, %add3A_605 : vector<16xf32>
    %convert_element_type3A_607 = arith.fptosi %add3A_606 : vector<16xf32> to vector<16xi32>
    %add3A_608 = arith.constant -1 : i32
    %add3A_609 = vector.broadcast %add3A_608 : i32 to vector<16xi32>
    %add3A_610 = arith.addi %convert_element_type3A_607, %add3A_609 : vector<16xi32>
    %swap3A_611 = arith.constant 1 : i32
    %swap3A_612 = arith.index_cast %swap3A_611 : i32 to index
    %swap3A_613 = arith.constant 80 : index
    %swap3A_614 = tpu.vector_load %arg6[%swap3A_612, %swap3A_613] {strides = array<i32>} : memref<16x128xi32, #tpu.memory_space<vmem>>, vector<1x16xi32>,
    %swap3A_615 = vector.shape_cast %swap3A_614 : vector<1x16xi32> to vector<16xi32>
    %swap3A_616 = vector.shape_cast %add3A_610 : vector<16xi32> to vector<1x16xi32>
    tpu.vector_store %arg6[%swap3A_612, %swap3A_613], %swap3A_616 {strides = array<i32>} : memref<16x128xi32, #tpu.memory_space<vmem>>, vector<1x16xi32>,
    %add3A_617 = arith.constant 0 : i32
    %add3A_618 = vector.broadcast %add3A_617 : i32 to vector<16xi32>
    %add3A_619 = arith.addi %convert_element_type3A_607, %add3A_618 : vector<16xi32>
    %swap3A_620 = arith.constant 5 : i32
    %swap3A_621 = arith.index_cast %swap3A_620 : i32 to index
    %swap3A_622 = arith.constant 80 : index
    %swap3A_623 = tpu.vector_load %arg6[%swap3A_621, %swap3A_622] {strides = array<i32>} : memref<16x128xi32, #tpu.memory_space<vmem>>, vector<1x16xi32>,
    %swap3A_624 = vector.shape_cast %swap3A_623 : vector<1x16xi32> to vector<16xi32>
    %swap3A_625 = vector.shape_cast %add3A_619 : vector<16xi32> to vector<1x16xi32>
    tpu.vector_store %arg6[%swap3A_621, %swap3A_622], %swap3A_625 {strides = array<i32>} : memref<16x128xi32, #tpu.memory_space<vmem>>, vector<1x16xi32>,
    %add3A_626 = arith.constant 1 : i32
    %add3A_627 = vector.broadcast %add3A_626 : i32 to vector<16xi32>
    %add3A_628 = arith.addi %convert_element_type3A_607, %add3A_627 : vector<16xi32>
    %swap3A_629 = arith.constant 9 : i32
    %swap3A_630 = arith.index_cast %swap3A_629 : i32 to index
    %swap3A_631 = arith.constant 80 : index
    %swap3A_632 = tpu.vector_load %arg6[%swap3A_630, %swap3A_631] {strides = array<i32>} : memref<16x128xi32, #tpu.memory_space<vmem>>, vector<1x16xi32>,
    %swap3A_633 = vector.shape_cast %swap3A_632 : vector<1x16xi32> to vector<16xi32>
    %swap3A_634 = vector.shape_cast %add3A_628 : vector<16xi32> to vector<1x16xi32>
    tpu.vector_store %arg6[%swap3A_630, %swap3A_631], %swap3A_634 {strides = array<i32>} : memref<16x128xi32, #tpu.memory_space<vmem>>, vector<1x16xi32>,
    %add3A_635 = arith.constant 2 : i32
    %add3A_636 = vector.broadcast %add3A_635 : i32 to vector<16xi32>
    %add3A_637 = arith.addi %convert_element_type3A_607, %add3A_636 : vector<16xi32>
    %swap3A_638 = arith.constant 13 : i32
    %swap3A_639 = arith.index_cast %swap3A_638 : i32 to index
    %swap3A_640 = arith.constant 80 : index
    %swap3A_641 = tpu.vector_load %arg6[%swap3A_639, %swap3A_640] {strides = array<i32>} : memref<16x128xi32, #tpu.memory_space<vmem>>, vector<1x16xi32>,
    %swap3A_642 = vector.shape_cast %swap3A_641 : vector<1x16xi32> to vector<16xi32>
    %swap3A_643 = vector.shape_cast %add3A_637 : vector<16xi32> to vector<1x16xi32>
    tpu.vector_store %arg6[%swap3A_639, %swap3A_640], %swap3A_643 {strides = array<i32>} : memref<16x128xi32, #tpu.memory_space<vmem>>, vector<1x16xi32>,
    %get3A_644 = arith.constant 224 : index
    %get3A_645 = tpu.vector_load %arg5[%get3A_644] {strides = array<i32>} : memref<512xf32, #tpu.memory_space<vmem>>, vector<16xf32>,
    %get3A_646 = vector.shape_cast %get3A_645 : vector<16xf32> to vector<16xf32>
    %mul3A_647 = arith.constant 1.000000e+06 : f32
    %mul3A_648 = vector.broadcast %mul3A_647 : f32 to vector<16xf32>
    %mul3A_649 = arith.mulf %get3A_646, %mul3A_648 : vector<16xf32>
    %add3A_650 = arith.constant 1.000000e+00 : f32
    %add3A_651 = vector.broadcast %add3A_650 : f32 to vector<16xf32>
    %add3A_652 = arith.addf %mul3A_649, %add3A_651 : vector<16xf32>
    %convert_element_type3A_653 = arith.fptosi %add3A_652 : vector<16xf32> to vector<16xi32>
    %add3A_654 = arith.constant -1 : i32
    %add3A_655 = vector.broadcast %add3A_654 : i32 to vector<16xi32>
    %add3A_656 = arith.addi %convert_element_type3A_653, %add3A_655 : vector<16xi32>
    %swap3A_657 = arith.constant 1 : i32
    %swap3A_658 = arith.index_cast %swap3A_657 : i32 to index
    %swap3A_659 = arith.constant 96 : index
    %swap3A_660 = tpu.vector_load %arg6[%swap3A_658, %swap3A_659] {strides = array<i32>} : memref<16x128xi32, #tpu.memory_space<vmem>>, vector<1x16xi32>,
    %swap3A_661 = vector.shape_cast %swap3A_660 : vector<1x16xi32> to vector<16xi32>
    %swap3A_662 = vector.shape_cast %add3A_656 : vector<16xi32> to vector<1x16xi32>
    tpu.vector_store %arg6[%swap3A_658, %swap3A_659], %swap3A_662 {strides = array<i32>} : memref<16x128xi32, #tpu.memory_space<vmem>>, vector<1x16xi32>,
    %add3A_663 = arith.constant 0 : i32
    %add3A_664 = vector.broadcast %add3A_663 : i32 to vector<16xi32>
    %add3A_665 = arith.addi %convert_element_type3A_653, %add3A_664 : vector<16xi32>
    %swap3A_666 = arith.constant 5 : i32
    %swap3A_667 = arith.index_cast %swap3A_666 : i32 to index
    %swap3A_668 = arith.constant 96 : index
    %swap3A_669 = tpu.vector_load %arg6[%swap3A_667, %swap3A_668] {strides = array<i32>} : memref<16x128xi32, #tpu.memory_space<vmem>>, vector<1x16xi32>,
    %swap3A_670 = vector.shape_cast %swap3A_669 : vector<1x16xi32> to vector<16xi32>
    %swap3A_671 = vector.shape_cast %add3A_665 : vector<16xi32> to vector<1x16xi32>
    tpu.vector_store %arg6[%swap3A_667, %swap3A_668], %swap3A_671 {strides = array<i32>} : memref<16x128xi32, #tpu.memory_space<vmem>>, vector<1x16xi32>,
    %add3A_672 = arith.constant 1 : i32
    %add3A_673 = vector.broadcast %add3A_672 : i32 to vector<16xi32>
    %add3A_674 = arith.addi %convert_element_type3A_653, %add3A_673 : vector<16xi32>
    %swap3A_675 = arith.constant 9 : i32
    %swap3A_676 = arith.index_cast %swap3A_675 : i32 to index
    %swap3A_677 = arith.constant 96 : index
    %swap3A_678 = tpu.vector_load %arg6[%swap3A_676, %swap3A_677] {strides = array<i32>} : memref<16x128xi32, #tpu.memory_space<vmem>>, vector<1x16xi32>,
    %swap3A_679 = vector.shape_cast %swap3A_678 : vector<1x16xi32> to vector<16xi32>
    %swap3A_680 = vector.shape_cast %add3A_674 : vector<16xi32> to vector<1x16xi32>
    tpu.vector_store %arg6[%swap3A_676, %swap3A_677], %swap3A_680 {strides = array<i32>} : memref<16x128xi32, #tpu.memory_space<vmem>>, vector<1x16xi32>,
    %add3A_681 = arith.constant 2 : i32
    %add3A_682 = vector.broadcast %add3A_681 : i32 to vector<16xi32>
    %add3A_683 = arith.addi %convert_element_type3A_653, %add3A_682 : vector<16xi32>
    %swap3A_684 = arith.constant 13 : i32
    %swap3A_685 = arith.index_cast %swap3A_684 : i32 to index
    %swap3A_686 = arith.constant 96 : index
    %swap3A_687 = tpu.vector_load %arg6[%swap3A_685, %swap3A_686] {strides = array<i32>} : memref<16x128xi32, #tpu.memory_space<vmem>>, vector<1x16xi32>,
    %swap3A_688 = vector.shape_cast %swap3A_687 : vector<1x16xi32> to vector<16xi32>
    %swap3A_689 = vector.shape_cast %add3A_683 : vector<16xi32> to vector<1x16xi32>
    tpu.vector_store %arg6[%swap3A_685, %swap3A_686], %swap3A_689 {strides = array<i32>} : memref<16x128xi32, #tpu.memory_space<vmem>>, vector<1x16xi32>,
    %get3A_690 = arith.constant 240 : index
    %get3A_691 = tpu.vector_load %arg5[%get3A_690] {strides = array<i32>} : memref<512xf32, #tpu.memory_space<vmem>>, vector<16xf32>,
    %get3A_692 = vector.shape_cast %get3A_691 : vector<16xf32> to vector<16xf32>
    %mul3A_693 = arith.constant 1.000000e+06 : f32
    %mul3A_694 = vector.broadcast %mul3A_693 : f32 to vector<16xf32>
    %mul3A_695 = arith.mulf %get3A_692, %mul3A_694 : vector<16xf32>
    %add3A_696 = arith.constant 1.000000e+00 : f32
    %add3A_697 = vector.broadcast %add3A_696 : f32 to vector<16xf32>
    %add3A_698 = arith.addf %mul3A_695, %add3A_697 : vector<16xf32>
    %convert_element_type3A_699 = arith.fptosi %add3A_698 : vector<16xf32> to vector<16xi32>
    %add3A_700 = arith.constant -1 : i32
    %add3A_701 = vector.broadcast %add3A_700 : i32 to vector<16xi32>
    %add3A_702 = arith.addi %convert_element_type3A_699, %add3A_701 : vector<16xi32>
    %swap3A_703 = arith.constant 1 : i32
    %swap3A_704 = arith.index_cast %swap3A_703 : i32 to index
    %swap3A_705 = arith.constant 112 : index
    %swap3A_706 = tpu.vector_load %arg6[%swap3A_704, %swap3A_705] {strides = array<i32>} : memref<16x128xi32, #tpu.memory_space<vmem>>, vector<1x16xi32>,
    %swap3A_707 = vector.shape_cast %swap3A_706 : vector<1x16xi32> to vector<16xi32>
    %swap3A_708 = vector.shape_cast %add3A_702 : vector<16xi32> to vector<1x16xi32>
    tpu.vector_store %arg6[%swap3A_704, %swap3A_705], %swap3A_708 {strides = array<i32>} : memref<16x128xi32, #tpu.memory_space<vmem>>, vector<1x16xi32>,
    %add3A_709 = arith.constant 0 : i32
    %add3A_710 = vector.broadcast %add3A_709 : i32 to vector<16xi32>
    %add3A_711 = arith.addi %convert_element_type3A_699, %add3A_710 : vector<16xi32>
    %swap3A_712 = arith.constant 5 : i32
    %swap3A_713 = arith.index_cast %swap3A_712 : i32 to index
    %swap3A_714 = arith.constant 112 : index
    %swap3A_715 = tpu.vector_load %arg6[%swap3A_713, %swap3A_714] {strides = array<i32>} : memref<16x128xi32, #tpu.memory_space<vmem>>, vector<1x16xi32>,
    %swap3A_716 = vector.shape_cast %swap3A_715 : vector<1x16xi32> to vector<16xi32>
    %swap3A_717 = vector.shape_cast %add3A_711 : vector<16xi32> to vector<1x16xi32>
    tpu.vector_store %arg6[%swap3A_713, %swap3A_714], %swap3A_717 {strides = array<i32>} : memref<16x128xi32, #tpu.memory_space<vmem>>, vector<1x16xi32>,
    %add3A_718 = arith.constant 1 : i32
    %add3A_719 = vector.broadcast %add3A_718 : i32 to vector<16xi32>
    %add3A_720 = arith.addi %convert_element_type3A_699, %add3A_719 : vector<16xi32>
    %swap3A_721 = arith.constant 9 : i32
    %swap3A_722 = arith.index_cast %swap3A_721 : i32 to index
    %swap3A_723 = arith.constant 112 : index
    %swap3A_724 = tpu.vector_load %arg6[%swap3A_722, %swap3A_723] {strides = array<i32>} : memref<16x128xi32, #tpu.memory_space<vmem>>, vector<1x16xi32>,
    %swap3A_725 = vector.shape_cast %swap3A_724 : vector<1x16xi32> to vector<16xi32>
    %swap3A_726 = vector.shape_cast %add3A_720 : vector<16xi32> to vector<1x16xi32>
    tpu.vector_store %arg6[%swap3A_722, %swap3A_723], %swap3A_726 {strides = array<i32>} : memref<16x128xi32, #tpu.memory_space<vmem>>, vector<1x16xi32>,
    %add3A_727 = arith.constant 2 : i32
    %add3A_728 = vector.broadcast %add3A_727 : i32 to vector<16xi32>
    %add3A_729 = arith.addi %convert_element_type3A_699, %add3A_728 : vector<16xi32>
    %swap3A_730 = arith.constant 13 : i32
    %swap3A_731 = arith.index_cast %swap3A_730 : i32 to index
    %swap3A_732 = arith.constant 112 : index
    %swap3A_733 = tpu.vector_load %arg6[%swap3A_731, %swap3A_732] {strides = array<i32>} : memref<16x128xi32, #tpu.memory_space<vmem>>, vector<1x16xi32>,
    %swap3A_734 = vector.shape_cast %swap3A_733 : vector<1x16xi32> to vector<16xi32>
    %swap3A_735 = vector.shape_cast %add3A_729 : vector<16xi32> to vector<1x16xi32>
    tpu.vector_store %arg6[%swap3A_731, %swap3A_732], %swap3A_735 {strides = array<i32>} : memref<16x128xi32, #tpu.memory_space<vmem>>, vector<1x16xi32>,
    %get3A_736 = arith.constant 256 : index
    %get3A_737 = tpu.vector_load %arg5[%get3A_736] {strides = array<i32>} : memref<512xf32, #tpu.memory_space<vmem>>, vector<16xf32>,
    %get3A_738 = vector.shape_cast %get3A_737 : vector<16xf32> to vector<16xf32>
    %mul3A_739 = arith.constant 1.000000e+06 : f32
    %mul3A_740 = vector.broadcast %mul3A_739 : f32 to vector<16xf32>
    %mul3A_741 = arith.mulf %get3A_738, %mul3A_740 : vector<16xf32>
    %add3A_742 = arith.constant 1.000000e+00 : f32
    %add3A_743 = vector.broadcast %add3A_742 : f32 to vector<16xf32>
    %add3A_744 = arith.addf %mul3A_741, %add3A_743 : vector<16xf32>
    %convert_element_type3A_745 = arith.fptosi %add3A_744 : vector<16xf32> to vector<16xi32>
    %add3A_746 = arith.constant -1 : i32
    %add3A_747 = vector.broadcast %add3A_746 : i32 to vector<16xi32>
    %add3A_748 = arith.addi %convert_element_type3A_745, %add3A_747 : vector<16xi32>
    %swap3A_749 = arith.constant 2 : i32
    %swap3A_750 = arith.index_cast %swap3A_749 : i32 to index
    %swap3A_751 = arith.constant 0 : index
    %swap3A_752 = tpu.vector_load %arg6[%swap3A_750, %swap3A_751] {strides = array<i32>} : memref<16x128xi32, #tpu.memory_space<vmem>>, vector<1x16xi32>,
    %swap3A_753 = vector.shape_cast %swap3A_752 : vector<1x16xi32> to vector<16xi32>
    %swap3A_754 = vector.shape_cast %add3A_748 : vector<16xi32> to vector<1x16xi32>
    tpu.vector_store %arg6[%swap3A_750, %swap3A_751], %swap3A_754 {strides = array<i32>} : memref<16x128xi32, #tpu.memory_space<vmem>>, vector<1x16xi32>,
    %add3A_755 = arith.constant 0 : i32
    %add3A_756 = vector.broadcast %add3A_755 : i32 to vector<16xi32>
    %add3A_757 = arith.addi %convert_element_type3A_745, %add3A_756 : vector<16xi32>
    %swap3A_758 = arith.constant 6 : i32
    %swap3A_759 = arith.index_cast %swap3A_758 : i32 to index
    %swap3A_760 = arith.constant 0 : index
    %swap3A_761 = tpu.vector_load %arg6[%swap3A_759, %swap3A_760] {strides = array<i32>} : memref<16x128xi32, #tpu.memory_space<vmem>>, vector<1x16xi32>,
    %swap3A_762 = vector.shape_cast %swap3A_761 : vector<1x16xi32> to vector<16xi32>
    %swap3A_763 = vector.shape_cast %add3A_757 : vector<16xi32> to vector<1x16xi32>
    tpu.vector_store %arg6[%swap3A_759, %swap3A_760], %swap3A_763 {strides = array<i32>} : memref<16x128xi32, #tpu.memory_space<vmem>>, vector<1x16xi32>,
    %add3A_764 = arith.constant 1 : i32
    %add3A_765 = vector.broadcast %add3A_764 : i32 to vector<16xi32>
    %add3A_766 = arith.addi %convert_element_type3A_745, %add3A_765 : vector<16xi32>
    %swap3A_767 = arith.constant 10 : i32
    %swap3A_768 = arith.index_cast %swap3A_767 : i32 to index
    %swap3A_769 = arith.constant 0 : index
    %swap3A_770 = tpu.vector_load %arg6[%swap3A_768, %swap3A_769] {strides = array<i32>} : memref<16x128xi32, #tpu.memory_space<vmem>>, vector<1x16xi32>,
    %swap3A_771 = vector.shape_cast %swap3A_770 : vector<1x16xi32> to vector<16xi32>
    %swap3A_772 = vector.shape_cast %add3A_766 : vector<16xi32> to vector<1x16xi32>
    tpu.vector_store %arg6[%swap3A_768, %swap3A_769], %swap3A_772 {strides = array<i32>} : memref<16x128xi32, #tpu.memory_space<vmem>>, vector<1x16xi32>,
    %add3A_773 = arith.constant 2 : i32
    %add3A_774 = vector.broadcast %add3A_773 : i32 to vector<16xi32>
    %add3A_775 = arith.addi %convert_element_type3A_745, %add3A_774 : vector<16xi32>
    %swap3A_776 = arith.constant 14 : i32
    %swap3A_777 = arith.index_cast %swap3A_776 : i32 to index
    %swap3A_778 = arith.constant 0 : index
    %swap3A_779 = tpu.vector_load %arg6[%swap3A_777, %swap3A_778] {strides = array<i32>} : memref<16x128xi32, #tpu.memory_space<vmem>>, vector<1x16xi32>,
    %swap3A_780 = vector.shape_cast %swap3A_779 : vector<1x16xi32> to vector<16xi32>
    %swap3A_781 = vector.shape_cast %add3A_775 : vector<16xi32> to vector<1x16xi32>
    tpu.vector_store %arg6[%swap3A_777, %swap3A_778], %swap3A_781 {strides = array<i32>} : memref<16x128xi32, #tpu.memory_space<vmem>>, vector<1x16xi32>,
    %get3A_782 = arith.constant 272 : index
    %get3A_783 = tpu.vector_load %arg5[%get3A_782] {strides = array<i32>} : memref<512xf32, #tpu.memory_space<vmem>>, vector<16xf32>,
    %get3A_784 = vector.shape_cast %get3A_783 : vector<16xf32> to vector<16xf32>
    %mul3A_785 = arith.constant 1.000000e+06 : f32
    %mul3A_786 = vector.broadcast %mul3A_785 : f32 to vector<16xf32>
    %mul3A_787 = arith.mulf %get3A_784, %mul3A_786 : vector<16xf32>
    %add3A_788 = arith.constant 1.000000e+00 : f32
    %add3A_789 = vector.broadcast %add3A_788 : f32 to vector<16xf32>
    %add3A_790 = arith.addf %mul3A_787, %add3A_789 : vector<16xf32>
    %convert_element_type3A_791 = arith.fptosi %add3A_790 : vector<16xf32> to vector<16xi32>
    %add3A_792 = arith.constant -1 : i32
    %add3A_793 = vector.broadcast %add3A_792 : i32 to vector<16xi32>
    %add3A_794 = arith.addi %convert_element_type3A_791, %add3A_793 : vector<16xi32>
    %swap3A_795 = arith.constant 2 : i32
    %swap3A_796 = arith.index_cast %swap3A_795 : i32 to index
    %swap3A_797 = arith.constant 16 : index
    %swap3A_798 = tpu.vector_load %arg6[%swap3A_796, %swap3A_797] {strides = array<i32>} : memref<16x128xi32, #tpu.memory_space<vmem>>, vector<1x16xi32>,
    %swap3A_799 = vector.shape_cast %swap3A_798 : vector<1x16xi32> to vector<16xi32>
    %swap3A_800 = vector.shape_cast %add3A_794 : vector<16xi32> to vector<1x16xi32>
    tpu.vector_store %arg6[%swap3A_796, %swap3A_797], %swap3A_800 {strides = array<i32>} : memref<16x128xi32, #tpu.memory_space<vmem>>, vector<1x16xi32>,
    %add3A_801 = arith.constant 0 : i32
    %add3A_802 = vector.broadcast %add3A_801 : i32 to vector<16xi32>
    %add3A_803 = arith.addi %convert_element_type3A_791, %add3A_802 : vector<16xi32>
    %swap3A_804 = arith.constant 6 : i32
    %swap3A_805 = arith.index_cast %swap3A_804 : i32 to index
    %swap3A_806 = arith.constant 16 : index
    %swap3A_807 = tpu.vector_load %arg6[%swap3A_805, %swap3A_806] {strides = array<i32>} : memref<16x128xi32, #tpu.memory_space<vmem>>, vector<1x16xi32>,
    %swap3A_808 = vector.shape_cast %swap3A_807 : vector<1x16xi32> to vector<16xi32>
    %swap3A_809 = vector.shape_cast %add3A_803 : vector<16xi32> to vector<1x16xi32>
    tpu.vector_store %arg6[%swap3A_805, %swap3A_806], %swap3A_809 {strides = array<i32>} : memref<16x128xi32, #tpu.memory_space<vmem>>, vector<1x16xi32>,
    %add3A_810 = arith.constant 1 : i32
    %add3A_811 = vector.broadcast %add3A_810 : i32 to vector<16xi32>
    %add3A_812 = arith.addi %convert_element_type3A_791, %add3A_811 : vector<16xi32>
    %swap3A_813 = arith.constant 10 : i32
    %swap3A_814 = arith.index_cast %swap3A_813 : i32 to index
    %swap3A_815 = arith.constant 16 : index
    %swap3A_816 = tpu.vector_load %arg6[%swap3A_814, %swap3A_815] {strides = array<i32>} : memref<16x128xi32, #tpu.memory_space<vmem>>, vector<1x16xi32>,
    %swap3A_817 = vector.shape_cast %swap3A_816 : vector<1x16xi32> to vector<16xi32>
    %swap3A_818 = vector.shape_cast %add3A_812 : vector<16xi32> to vector<1x16xi32>
    tpu.vector_store %arg6[%swap3A_814, %swap3A_815], %swap3A_818 {strides = array<i32>} : memref<16x128xi32, #tpu.memory_space<vmem>>, vector<1x16xi32>,
    %add3A_819 = arith.constant 2 : i32
    %add3A_820 = vector.broadcast %add3A_819 : i32 to vector<16xi32>
    %add3A_821 = arith.addi %convert_element_type3A_791, %add3A_820 : vector<16xi32>
    %swap3A_822 = arith.constant 14 : i32
    %swap3A_823 = arith.index_cast %swap3A_822 : i32 to index
    %swap3A_824 = arith.constant 16 : index
    %swap3A_825 = tpu.vector_load %arg6[%swap3A_823, %swap3A_824] {strides = array<i32>} : memref<16x128xi32, #tpu.memory_space<vmem>>, vector<1x16xi32>,
    %swap3A_826 = vector.shape_cast %swap3A_825 : vector<1x16xi32> to vector<16xi32>
    %swap3A_827 = vector.shape_cast %add3A_821 : vector<16xi32> to vector<1x16xi32>
    tpu.vector_store %arg6[%swap3A_823, %swap3A_824], %swap3A_827 {strides = array<i32>} : memref<16x128xi32, #tpu.memory_space<vmem>>, vector<1x16xi32>,
    %get3A_828 = arith.constant 288 : index
    %get3A_829 = tpu.vector_load %arg5[%get3A_828] {strides = array<i32>} : memref<512xf32, #tpu.memory_space<vmem>>, vector<16xf32>,
    %get3A_830 = vector.shape_cast %get3A_829 : vector<16xf32> to vector<16xf32>
    %mul3A_831 = arith.constant 1.000000e+06 : f32
    %mul3A_832 = vector.broadcast %mul3A_831 : f32 to vector<16xf32>
    %mul3A_833 = arith.mulf %get3A_830, %mul3A_832 : vector<16xf32>
    %add3A_834 = arith.constant 1.000000e+00 : f32
    %add3A_835 = vector.broadcast %add3A_834 : f32 to vector<16xf32>
    %add3A_836 = arith.addf %mul3A_833, %add3A_835 : vector<16xf32>
    %convert_element_type3A_837 = arith.fptosi %add3A_836 : vector<16xf32> to vector<16xi32>
    %add3A_838 = arith.constant -1 : i32
    %add3A_839 = vector.broadcast %add3A_838 : i32 to vector<16xi32>
    %add3A_840 = arith.addi %convert_element_type3A_837, %add3A_839 : vector<16xi32>
    %swap3A_841 = arith.constant 2 : i32
    %swap3A_842 = arith.index_cast %swap3A_841 : i32 to index
    %swap3A_843 = arith.constant 32 : index
    %swap3A_844 = tpu.vector_load %arg6[%swap3A_842, %swap3A_843] {strides = array<i32>} : memref<16x128xi32, #tpu.memory_space<vmem>>, vector<1x16xi32>,
    %swap3A_845 = vector.shape_cast %swap3A_844 : vector<1x16xi32> to vector<16xi32>
    %swap3A_846 = vector.shape_cast %add3A_840 : vector<16xi32> to vector<1x16xi32>
    tpu.vector_store %arg6[%swap3A_842, %swap3A_843], %swap3A_846 {strides = array<i32>} : memref<16x128xi32, #tpu.memory_space<vmem>>, vector<1x16xi32>,
    %add3A_847 = arith.constant 0 : i32
    %add3A_848 = vector.broadcast %add3A_847 : i32 to vector<16xi32>
    %add3A_849 = arith.addi %convert_element_type3A_837, %add3A_848 : vector<16xi32>
    %swap3A_850 = arith.constant 6 : i32
    %swap3A_851 = arith.index_cast %swap3A_850 : i32 to index
    %swap3A_852 = arith.constant 32 : index
    %swap3A_853 = tpu.vector_load %arg6[%swap3A_851, %swap3A_852] {strides = array<i32>} : memref<16x128xi32, #tpu.memory_space<vmem>>, vector<1x16xi32>,
    %swap3A_854 = vector.shape_cast %swap3A_853 : vector<1x16xi32> to vector<16xi32>
    %swap3A_855 = vector.shape_cast %add3A_849 : vector<16xi32> to vector<1x16xi32>
    tpu.vector_store %arg6[%swap3A_851, %swap3A_852], %swap3A_855 {strides = array<i32>} : memref<16x128xi32, #tpu.memory_space<vmem>>, vector<1x16xi32>,
    %add3A_856 = arith.constant 1 : i32
    %add3A_857 = vector.broadcast %add3A_856 : i32 to vector<16xi32>
    %add3A_858 = arith.addi %convert_element_type3A_837, %add3A_857 : vector<16xi32>
    %swap3A_859 = arith.constant 10 : i32
    %swap3A_860 = arith.index_cast %swap3A_859 : i32 to index
    %swap3A_861 = arith.constant 32 : index
    %swap3A_862 = tpu.vector_load %arg6[%swap3A_860, %swap3A_861] {strides = array<i32>} : memref<16x128xi32, #tpu.memory_space<vmem>>, vector<1x16xi32>,
    %swap3A_863 = vector.shape_cast %swap3A_862 : vector<1x16xi32> to vector<16xi32>
    %swap3A_864 = vector.shape_cast %add3A_858 : vector<16xi32> to vector<1x16xi32>
    tpu.vector_store %arg6[%swap3A_860, %swap3A_861], %swap3A_864 {strides = array<i32>} : memref<16x128xi32, #tpu.memory_space<vmem>>, vector<1x16xi32>,
    %add3A_865 = arith.constant 2 : i32
    %add3A_866 = vector.broadcast %add3A_865 : i32 to vector<16xi32>
    %add3A_867 = arith.addi %convert_element_type3A_837, %add3A_866 : vector<16xi32>
    %swap3A_868 = arith.constant 14 : i32
    %swap3A_869 = arith.index_cast %swap3A_868 : i32 to index
    %swap3A_870 = arith.constant 32 : index
    %swap3A_871 = tpu.vector_load %arg6[%swap3A_869, %swap3A_870] {strides = array<i32>} : memref<16x128xi32, #tpu.memory_space<vmem>>, vector<1x16xi32>,
    %swap3A_872 = vector.shape_cast %swap3A_871 : vector<1x16xi32> to vector<16xi32>
    %swap3A_873 = vector.shape_cast %add3A_867 : vector<16xi32> to vector<1x16xi32>
    tpu.vector_store %arg6[%swap3A_869, %swap3A_870], %swap3A_873 {strides = array<i32>} : memref<16x128xi32, #tpu.memory_space<vmem>>, vector<1x16xi32>,
    %get3A_874 = arith.constant 304 : index
    %get3A_875 = tpu.vector_load %arg5[%get3A_874] {strides = array<i32>} : memref<512xf32, #tpu.memory_space<vmem>>, vector<16xf32>,
    %get3A_876 = vector.shape_cast %get3A_875 : vector<16xf32> to vector<16xf32>
    %mul3A_877 = arith.constant 1.000000e+06 : f32
    %mul3A_878 = vector.broadcast %mul3A_877 : f32 to vector<16xf32>
    %mul3A_879 = arith.mulf %get3A_876, %mul3A_878 : vector<16xf32>
    %add3A_880 = arith.constant 1.000000e+00 : f32
    %add3A_881 = vector.broadcast %add3A_880 : f32 to vector<16xf32>
    %add3A_882 = arith.addf %mul3A_879, %add3A_881 : vector<16xf32>
    %convert_element_type3A_883 = arith.fptosi %add3A_882 : vector<16xf32> to vector<16xi32>
    %add3A_884 = arith.constant -1 : i32
    %add3A_885 = vector.broadcast %add3A_884 : i32 to vector<16xi32>
    %add3A_886 = arith.addi %convert_element_type3A_883, %add3A_885 : vector<16xi32>
    %swap3A_887 = arith.constant 2 : i32
    %swap3A_888 = arith.index_cast %swap3A_887 : i32 to index
    %swap3A_889 = arith.constant 48 : index
    %swap3A_890 = tpu.vector_load %arg6[%swap3A_888, %swap3A_889] {strides = array<i32>} : memref<16x128xi32, #tpu.memory_space<vmem>>, vector<1x16xi32>,
    %swap3A_891 = vector.shape_cast %swap3A_890 : vector<1x16xi32> to vector<16xi32>
    %swap3A_892 = vector.shape_cast %add3A_886 : vector<16xi32> to vector<1x16xi32>
    tpu.vector_store %arg6[%swap3A_888, %swap3A_889], %swap3A_892 {strides = array<i32>} : memref<16x128xi32, #tpu.memory_space<vmem>>, vector<1x16xi32>,
    %add3A_893 = arith.constant 0 : i32
    %add3A_894 = vector.broadcast %add3A_893 : i32 to vector<16xi32>
    %add3A_895 = arith.addi %convert_element_type3A_883, %add3A_894 : vector<16xi32>
    %swap3A_896 = arith.constant 6 : i32
    %swap3A_897 = arith.index_cast %swap3A_896 : i32 to index
    %swap3A_898 = arith.constant 48 : index
    %swap3A_899 = tpu.vector_load %arg6[%swap3A_897, %swap3A_898] {strides = array<i32>} : memref<16x128xi32, #tpu.memory_space<vmem>>, vector<1x16xi32>,
    %swap3A_900 = vector.shape_cast %swap3A_899 : vector<1x16xi32> to vector<16xi32>
    %swap3A_901 = vector.shape_cast %add3A_895 : vector<16xi32> to vector<1x16xi32>
    tpu.vector_store %arg6[%swap3A_897, %swap3A_898], %swap3A_901 {strides = array<i32>} : memref<16x128xi32, #tpu.memory_space<vmem>>, vector<1x16xi32>,
    %add3A_902 = arith.constant 1 : i32
    %add3A_903 = vector.broadcast %add3A_902 : i32 to vector<16xi32>
    %add3A_904 = arith.addi %convert_element_type3A_883, %add3A_903 : vector<16xi32>
    %swap3A_905 = arith.constant 10 : i32
    %swap3A_906 = arith.index_cast %swap3A_905 : i32 to index
    %swap3A_907 = arith.constant 48 : index
    %swap3A_908 = tpu.vector_load %arg6[%swap3A_906, %swap3A_907] {strides = array<i32>} : memref<16x128xi32, #tpu.memory_space<vmem>>, vector<1x16xi32>,
    %swap3A_909 = vector.shape_cast %swap3A_908 : vector<1x16xi32> to vector<16xi32>
    %swap3A_910 = vector.shape_cast %add3A_904 : vector<16xi32> to vector<1x16xi32>
    tpu.vector_store %arg6[%swap3A_906, %swap3A_907], %swap3A_910 {strides = array<i32>} : memref<16x128xi32, #tpu.memory_space<vmem>>, vector<1x16xi32>,
    %add3A_911 = arith.constant 2 : i32
    %add3A_912 = vector.broadcast %add3A_911 : i32 to vector<16xi32>
    %add3A_913 = arith.addi %convert_element_type3A_883, %add3A_912 : vector<16xi32>
    %swap3A_914 = arith.constant 14 : i32
    %swap3A_915 = arith.index_cast %swap3A_914 : i32 to index
    %swap3A_916 = arith.constant 48 : index
    %swap3A_917 = tpu.vector_load %arg6[%swap3A_915, %swap3A_916] {strides = array<i32>} : memref<16x128xi32, #tpu.memory_space<vmem>>, vector<1x16xi32>,
    %swap3A_918 = vector.shape_cast %swap3A_917 : vector<1x16xi32> to vector<16xi32>
    %swap3A_919 = vector.shape_cast %add3A_913 : vector<16xi32> to vector<1x16xi32>
    tpu.vector_store %arg6[%swap3A_915, %swap3A_916], %swap3A_919 {strides = array<i32>} : memref<16x128xi32, #tpu.memory_space<vmem>>, vector<1x16xi32>,
    %get3A_920 = arith.constant 320 : index
    %get3A_921 = tpu.vector_load %arg5[%get3A_920] {strides = array<i32>} : memref<512xf32, #tpu.memory_space<vmem>>, vector<16xf32>,
    %get3A_922 = vector.shape_cast %get3A_921 : vector<16xf32> to vector<16xf32>
    %mul3A_923 = arith.constant 1.000000e+06 : f32
    %mul3A_924 = vector.broadcast %mul3A_923 : f32 to vector<16xf32>
    %mul3A_925 = arith.mulf %get3A_922, %mul3A_924 : vector<16xf32>
    %add3A_926 = arith.constant 1.000000e+00 : f32
    %add3A_927 = vector.broadcast %add3A_926 : f32 to vector<16xf32>
    %add3A_928 = arith.addf %mul3A_925, %add3A_927 : vector<16xf32>
    %convert_element_type3A_929 = arith.fptosi %add3A_928 : vector<16xf32> to vector<16xi32>
    %add3A_930 = arith.constant -1 : i32
    %add3A_931 = vector.broadcast %add3A_930 : i32 to vector<16xi32>
    %add3A_932 = arith.addi %convert_element_type3A_929, %add3A_931 : vector<16xi32>
    %swap3A_933 = arith.constant 2 : i32
    %swap3A_934 = arith.index_cast %swap3A_933 : i32 to index
    %swap3A_935 = arith.constant 64 : index
    %swap3A_936 = tpu.vector_load %arg6[%swap3A_934, %swap3A_935] {strides = array<i32>} : memref<16x128xi32, #tpu.memory_space<vmem>>, vector<1x16xi32>,
    %swap3A_937 = vector.shape_cast %swap3A_936 : vector<1x16xi32> to vector<16xi32>
    %swap3A_938 = vector.shape_cast %add3A_932 : vector<16xi32> to vector<1x16xi32>
    tpu.vector_store %arg6[%swap3A_934, %swap3A_935], %swap3A_938 {strides = array<i32>} : memref<16x128xi32, #tpu.memory_space<vmem>>, vector<1x16xi32>,
    %add3A_939 = arith.constant 0 : i32
    %add3A_940 = vector.broadcast %add3A_939 : i32 to vector<16xi32>
    %add3A_941 = arith.addi %convert_element_type3A_929, %add3A_940 : vector<16xi32>
    %swap3A_942 = arith.constant 6 : i32
    %swap3A_943 = arith.index_cast %swap3A_942 : i32 to index
    %swap3A_944 = arith.constant 64 : index
    %swap3A_945 = tpu.vector_load %arg6[%swap3A_943, %swap3A_944] {strides = array<i32>} : memref<16x128xi32, #tpu.memory_space<vmem>>, vector<1x16xi32>,
    %swap3A_946 = vector.shape_cast %swap3A_945 : vector<1x16xi32> to vector<16xi32>
    %swap3A_947 = vector.shape_cast %add3A_941 : vector<16xi32> to vector<1x16xi32>
    tpu.vector_store %arg6[%swap3A_943, %swap3A_944], %swap3A_947 {strides = array<i32>} : memref<16x128xi32, #tpu.memory_space<vmem>>, vector<1x16xi32>,
    %add3A_948 = arith.constant 1 : i32
    %add3A_949 = vector.broadcast %add3A_948 : i32 to vector<16xi32>
    %add3A_950 = arith.addi %convert_element_type3A_929, %add3A_949 : vector<16xi32>
    %swap3A_951 = arith.constant 10 : i32
    %swap3A_952 = arith.index_cast %swap3A_951 : i32 to index
    %swap3A_953 = arith.constant 64 : index
    %swap3A_954 = tpu.vector_load %arg6[%swap3A_952, %swap3A_953] {strides = array<i32>} : memref<16x128xi32, #tpu.memory_space<vmem>>, vector<1x16xi32>,
    %swap3A_955 = vector.shape_cast %swap3A_954 : vector<1x16xi32> to vector<16xi32>
    %swap3A_956 = vector.shape_cast %add3A_950 : vector<16xi32> to vector<1x16xi32>
    tpu.vector_store %arg6[%swap3A_952, %swap3A_953], %swap3A_956 {strides = array<i32>} : memref<16x128xi32, #tpu.memory_space<vmem>>, vector<1x16xi32>,
    %add3A_957 = arith.constant 2 : i32
    %add3A_958 = vector.broadcast %add3A_957 : i32 to vector<16xi32>
    %add3A_959 = arith.addi %convert_element_type3A_929, %add3A_958 : vector<16xi32>
    %swap3A_960 = arith.constant 14 : i32
    %swap3A_961 = arith.index_cast %swap3A_960 : i32 to index
    %swap3A_962 = arith.constant 64 : index
    %swap3A_963 = tpu.vector_load %arg6[%swap3A_961, %swap3A_962] {strides = array<i32>} : memref<16x128xi32, #tpu.memory_space<vmem>>, vector<1x16xi32>,
    %swap3A_964 = vector.shape_cast %swap3A_963 : vector<1x16xi32> to vector<16xi32>
    %swap3A_965 = vector.shape_cast %add3A_959 : vector<16xi32> to vector<1x16xi32>
    tpu.vector_store %arg6[%swap3A_961, %swap3A_962], %swap3A_965 {strides = array<i32>} : memref<16x128xi32, #tpu.memory_space<vmem>>, vector<1x16xi32>,
    %get3A_966 = arith.constant 336 : index
    %get3A_967 = tpu.vector_load %arg5[%get3A_966] {strides = array<i32>} : memref<512xf32, #tpu.memory_space<vmem>>, vector<16xf32>,
    %get3A_968 = vector.shape_cast %get3A_967 : vector<16xf32> to vector<16xf32>
    %mul3A_969 = arith.constant 1.000000e+06 : f32
    %mul3A_970 = vector.broadcast %mul3A_969 : f32 to vector<16xf32>
    %mul3A_971 = arith.mulf %get3A_968, %mul3A_970 : vector<16xf32>
    %add3A_972 = arith.constant 1.000000e+00 : f32
    %add3A_973 = vector.broadcast %add3A_972 : f32 to vector<16xf32>
    %add3A_974 = arith.addf %mul3A_971, %add3A_973 : vector<16xf32>
    %convert_element_type3A_975 = arith.fptosi %add3A_974 : vector<16xf32> to vector<16xi32>
    %add3A_976 = arith.constant -1 : i32
    %add3A_977 = vector.broadcast %add3A_976 : i32 to vector<16xi32>
    %add3A_978 = arith.addi %convert_element_type3A_975, %add3A_977 : vector<16xi32>
    %swap3A_979 = arith.constant 2 : i32
    %swap3A_980 = arith.index_cast %swap3A_979 : i32 to index
    %swap3A_981 = arith.constant 80 : index
    %swap3A_982 = tpu.vector_load %arg6[%swap3A_980, %swap3A_981] {strides = array<i32>} : memref<16x128xi32, #tpu.memory_space<vmem>>, vector<1x16xi32>,
    %swap3A_983 = vector.shape_cast %swap3A_982 : vector<1x16xi32> to vector<16xi32>
    %swap3A_984 = vector.shape_cast %add3A_978 : vector<16xi32> to vector<1x16xi32>
    tpu.vector_store %arg6[%swap3A_980, %swap3A_981], %swap3A_984 {strides = array<i32>} : memref<16x128xi32, #tpu.memory_space<vmem>>, vector<1x16xi32>,
    %add3A_985 = arith.constant 0 : i32
    %add3A_986 = vector.broadcast %add3A_985 : i32 to vector<16xi32>
    %add3A_987 = arith.addi %convert_element_type3A_975, %add3A_986 : vector<16xi32>
    %swap3A_988 = arith.constant 6 : i32
    %swap3A_989 = arith.index_cast %swap3A_988 : i32 to index
    %swap3A_990 = arith.constant 80 : index
    %swap3A_991 = tpu.vector_load %arg6[%swap3A_989, %swap3A_990] {strides = array<i32>} : memref<16x128xi32, #tpu.memory_space<vmem>>, vector<1x16xi32>,
    %swap3A_992 = vector.shape_cast %swap3A_991 : vector<1x16xi32> to vector<16xi32>
    %swap3A_993 = vector.shape_cast %add3A_987 : vector<16xi32> to vector<1x16xi32>
    tpu.vector_store %arg6[%swap3A_989, %swap3A_990], %swap3A_993 {strides = array<i32>} : memref<16x128xi32, #tpu.memory_space<vmem>>, vector<1x16xi32>,
    %add3A_994 = arith.constant 1 : i32
    %add3A_995 = vector.broadcast %add3A_994 : i32 to vector<16xi32>
    %add3A_996 = arith.addi %convert_element_type3A_975, %add3A_995 : vector<16xi32>
    %swap3A_997 = arith.constant 10 : i32
    %swap3A_998 = arith.index_cast %swap3A_997 : i32 to index
    %swap3A_999 = arith.constant 80 : index
    %swap3A_1000 = tpu.vector_load %arg6[%swap3A_998, %swap3A_999] {strides = array<i32>} : memref<16x128xi32, #tpu.memory_space<vmem>>, vector<1x16xi32>,
    %swap3A_1001 = vector.shape_cast %swap3A_1000 : vector<1x16xi32> to vector<16xi32>
    %swap3A_1002 = vector.shape_cast %add3A_996 : vector<16xi32> to vector<1x16xi32>
    tpu.vector_store %arg6[%swap3A_998, %swap3A_999], %swap3A_1002 {strides = array<i32>} : memref<16x128xi32, #tpu.memory_space<vmem>>, vector<1x16xi32>,
    %add3A_1003 = arith.constant 2 : i32
    %add3A_1004 = vector.broadcast %add3A_1003 : i32 to vector<16xi32>
    %add3A_1005 = arith.addi %convert_element_type3A_975, %add3A_1004 : vector<16xi32>
    %swap3A_1006 = arith.constant 14 : i32
    %swap3A_1007 = arith.index_cast %swap3A_1006 : i32 to index
    %swap3A_1008 = arith.constant 80 : index
    %swap3A_1009 = tpu.vector_load %arg6[%swap3A_1007, %swap3A_1008] {strides = array<i32>} : memref<16x128xi32, #tpu.memory_space<vmem>>, vector<1x16xi32>,
    %swap3A_1010 = vector.shape_cast %swap3A_1009 : vector<1x16xi32> to vector<16xi32>
    %swap3A_1011 = vector.shape_cast %add3A_1005 : vector<16xi32> to vector<1x16xi32>
    tpu.vector_store %arg6[%swap3A_1007, %swap3A_1008], %swap3A_1011 {strides = array<i32>} : memref<16x128xi32, #tpu.memory_space<vmem>>, vector<1x16xi32>,
    %get3A_1012 = arith.constant 352 : index
    %get3A_1013 = tpu.vector_load %arg5[%get3A_1012] {strides = array<i32>} : memref<512xf32, #tpu.memory_space<vmem>>, vector<16xf32>,
    %get3A_1014 = vector.shape_cast %get3A_1013 : vector<16xf32> to vector<16xf32>
    %mul3A_1015 = arith.constant 1.000000e+06 : f32
    %mul3A_1016 = vector.broadcast %mul3A_1015 : f32 to vector<16xf32>
    %mul3A_1017 = arith.mulf %get3A_1014, %mul3A_1016 : vector<16xf32>
    %add3A_1018 = arith.constant 1.000000e+00 : f32
    %add3A_1019 = vector.broadcast %add3A_1018 : f32 to vector<16xf32>
    %add3A_1020 = arith.addf %mul3A_1017, %add3A_1019 : vector<16xf32>
    %convert_element_type3A_1021 = arith.fptosi %add3A_1020 : vector<16xf32> to vector<16xi32>
    %add3A_1022 = arith.constant -1 : i32
    %add3A_1023 = vector.broadcast %add3A_1022 : i32 to vector<16xi32>
    %add3A_1024 = arith.addi %convert_element_type3A_1021, %add3A_1023 : vector<16xi32>
    %swap3A_1025 = arith.constant 2 : i32
    %swap3A_1026 = arith.index_cast %swap3A_1025 : i32 to index
    %swap3A_1027 = arith.constant 96 : index
    %swap3A_1028 = tpu.vector_load %arg6[%swap3A_1026, %swap3A_1027] {strides = array<i32>} : memref<16x128xi32, #tpu.memory_space<vmem>>, vector<1x16xi32>,
    %swap3A_1029 = vector.shape_cast %swap3A_1028 : vector<1x16xi32> to vector<16xi32>
    %swap3A_1030 = vector.shape_cast %add3A_1024 : vector<16xi32> to vector<1x16xi32>
    tpu.vector_store %arg6[%swap3A_1026, %swap3A_1027], %swap3A_1030 {strides = array<i32>} : memref<16x128xi32, #tpu.memory_space<vmem>>, vector<1x16xi32>,
    %add3A_1031 = arith.constant 0 : i32
    %add3A_1032 = vector.broadcast %add3A_1031 : i32 to vector<16xi32>
    %add3A_1033 = arith.addi %convert_element_type3A_1021, %add3A_1032 : vector<16xi32>
    %swap3A_1034 = arith.constant 6 : i32
    %swap3A_1035 = arith.index_cast %swap3A_1034 : i32 to index
    %swap3A_1036 = arith.constant 96 : index
    %swap3A_1037 = tpu.vector_load %arg6[%swap3A_1035, %swap3A_1036] {strides = array<i32>} : memref<16x128xi32, #tpu.memory_space<vmem>>, vector<1x16xi32>,
    %swap3A_1038 = vector.shape_cast %swap3A_1037 : vector<1x16xi32> to vector<16xi32>
    %swap3A_1039 = vector.shape_cast %add3A_1033 : vector<16xi32> to vector<1x16xi32>
    tpu.vector_store %arg6[%swap3A_1035, %swap3A_1036], %swap3A_1039 {strides = array<i32>} : memref<16x128xi32, #tpu.memory_space<vmem>>, vector<1x16xi32>,
    %add3A_1040 = arith.constant 1 : i32
    %add3A_1041 = vector.broadcast %add3A_1040 : i32 to vector<16xi32>
    %add3A_1042 = arith.addi %convert_element_type3A_1021, %add3A_1041 : vector<16xi32>
    %swap3A_1043 = arith.constant 10 : i32
    %swap3A_1044 = arith.index_cast %swap3A_1043 : i32 to index
    %swap3A_1045 = arith.constant 96 : index
    %swap3A_1046 = tpu.vector_load %arg6[%swap3A_1044, %swap3A_1045] {strides = array<i32>} : memref<16x128xi32, #tpu.memory_space<vmem>>, vector<1x16xi32>,
    %swap3A_1047 = vector.shape_cast %swap3A_1046 : vector<1x16xi32> to vector<16xi32>
    %swap3A_1048 = vector.shape_cast %add3A_1042 : vector<16xi32> to vector<1x16xi32>
    tpu.vector_store %arg6[%swap3A_1044, %swap3A_1045], %swap3A_1048 {strides = array<i32>} : memref<16x128xi32, #tpu.memory_space<vmem>>, vector<1x16xi32>,
    %add3A_1049 = arith.constant 2 : i32
    %add3A_1050 = vector.broadcast %add3A_1049 : i32 to vector<16xi32>
    %add3A_1051 = arith.addi %convert_element_type3A_1021, %add3A_1050 : vector<16xi32>
    %swap3A_1052 = arith.constant 14 : i32
    %swap3A_1053 = arith.index_cast %swap3A_1052 : i32 to index
    %swap3A_1054 = arith.constant 96 : index
    %swap3A_1055 = tpu.vector_load %arg6[%swap3A_1053, %swap3A_1054] {strides = array<i32>} : memref<16x128xi32, #tpu.memory_space<vmem>>, vector<1x16xi32>,
    %swap3A_1056 = vector.shape_cast %swap3A_1055 : vector<1x16xi32> to vector<16xi32>
    %swap3A_1057 = vector.shape_cast %add3A_1051 : vector<16xi32> to vector<1x16xi32>
    tpu.vector_store %arg6[%swap3A_1053, %swap3A_1054], %swap3A_1057 {strides = array<i32>} : memref<16x128xi32, #tpu.memory_space<vmem>>, vector<1x16xi32>,
    %get3A_1058 = arith.constant 368 : index
    %get3A_1059 = tpu.vector_load %arg5[%get3A_1058] {strides = array<i32>} : memref<512xf32, #tpu.memory_space<vmem>>, vector<16xf32>,
    %get3A_1060 = vector.shape_cast %get3A_1059 : vector<16xf32> to vector<16xf32>
    %mul3A_1061 = arith.constant 1.000000e+06 : f32
    %mul3A_1062 = vector.broadcast %mul3A_1061 : f32 to vector<16xf32>
    %mul3A_1063 = arith.mulf %get3A_1060, %mul3A_1062 : vector<16xf32>
    %add3A_1064 = arith.constant 1.000000e+00 : f32
    %add3A_1065 = vector.broadcast %add3A_1064 : f32 to vector<16xf32>
    %add3A_1066 = arith.addf %mul3A_1063, %add3A_1065 : vector<16xf32>
    %convert_element_type3A_1067 = arith.fptosi %add3A_1066 : vector<16xf32> to vector<16xi32>
    %add3A_1068 = arith.constant -1 : i32
    %add3A_1069 = vector.broadcast %add3A_1068 : i32 to vector<16xi32>
    %add3A_1070 = arith.addi %convert_element_type3A_1067, %add3A_1069 : vector<16xi32>
    %swap3A_1071 = arith.constant 2 : i32
    %swap3A_1072 = arith.index_cast %swap3A_1071 : i32 to index
    %swap3A_1073 = arith.constant 112 : index
    %swap3A_1074 = tpu.vector_load %arg6[%swap3A_1072, %swap3A_1073] {strides = array<i32>} : memref<16x128xi32, #tpu.memory_space<vmem>>, vector<1x16xi32>,
    %swap3A_1075 = vector.shape_cast %swap3A_1074 : vector<1x16xi32> to vector<16xi32>
    %swap3A_1076 = vector.shape_cast %add3A_1070 : vector<16xi32> to vector<1x16xi32>
    tpu.vector_store %arg6[%swap3A_1072, %swap3A_1073], %swap3A_1076 {strides = array<i32>} : memref<16x128xi32, #tpu.memory_space<vmem>>, vector<1x16xi32>,
    %add3A_1077 = arith.constant 0 : i32
    %add3A_1078 = vector.broadcast %add3A_1077 : i32 to vector<16xi32>
    %add3A_1079 = arith.addi %convert_element_type3A_1067, %add3A_1078 : vector<16xi32>
    %swap3A_1080 = arith.constant 6 : i32
    %swap3A_1081 = arith.index_cast %swap3A_1080 : i32 to index
    %swap3A_1082 = arith.constant 112 : index
    %swap3A_1083 = tpu.vector_load %arg6[%swap3A_1081, %swap3A_1082] {strides = array<i32>} : memref<16x128xi32, #tpu.memory_space<vmem>>, vector<1x16xi32>,
    %swap3A_1084 = vector.shape_cast %swap3A_1083 : vector<1x16xi32> to vector<16xi32>
    %swap3A_1085 = vector.shape_cast %add3A_1079 : vector<16xi32> to vector<1x16xi32>
    tpu.vector_store %arg6[%swap3A_1081, %swap3A_1082], %swap3A_1085 {strides = array<i32>} : memref<16x128xi32, #tpu.memory_space<vmem>>, vector<1x16xi32>,
    %add3A_1086 = arith.constant 1 : i32
    %add3A_1087 = vector.broadcast %add3A_1086 : i32 to vector<16xi32>
    %add3A_1088 = arith.addi %convert_element_type3A_1067, %add3A_1087 : vector<16xi32>
    %swap3A_1089 = arith.constant 10 : i32
    %swap3A_1090 = arith.index_cast %swap3A_1089 : i32 to index
    %swap3A_1091 = arith.constant 112 : index
    %swap3A_1092 = tpu.vector_load %arg6[%swap3A_1090, %swap3A_1091] {strides = array<i32>} : memref<16x128xi32, #tpu.memory_space<vmem>>, vector<1x16xi32>,
    %swap3A_1093 = vector.shape_cast %swap3A_1092 : vector<1x16xi32> to vector<16xi32>
    %swap3A_1094 = vector.shape_cast %add3A_1088 : vector<16xi32> to vector<1x16xi32>
    tpu.vector_store %arg6[%swap3A_1090, %swap3A_1091], %swap3A_1094 {strides = array<i32>} : memref<16x128xi32, #tpu.memory_space<vmem>>, vector<1x16xi32>,
    %add3A_1095 = arith.constant 2 : i32
    %add3A_1096 = vector.broadcast %add3A_1095 : i32 to vector<16xi32>
    %add3A_1097 = arith.addi %convert_element_type3A_1067, %add3A_1096 : vector<16xi32>
    %swap3A_1098 = arith.constant 14 : i32
    %swap3A_1099 = arith.index_cast %swap3A_1098 : i32 to index
    %swap3A_1100 = arith.constant 112 : index
    %swap3A_1101 = tpu.vector_load %arg6[%swap3A_1099, %swap3A_1100] {strides = array<i32>} : memref<16x128xi32, #tpu.memory_space<vmem>>, vector<1x16xi32>,
    %swap3A_1102 = vector.shape_cast %swap3A_1101 : vector<1x16xi32> to vector<16xi32>
    %swap3A_1103 = vector.shape_cast %add3A_1097 : vector<16xi32> to vector<1x16xi32>
    tpu.vector_store %arg6[%swap3A_1099, %swap3A_1100], %swap3A_1103 {strides = array<i32>} : memref<16x128xi32, #tpu.memory_space<vmem>>, vector<1x16xi32>,
    %get3A_1104 = arith.constant 384 : index
    %get3A_1105 = tpu.vector_load %arg5[%get3A_1104] {strides = array<i32>} : memref<512xf32, #tpu.memory_space<vmem>>, vector<16xf32>,
    %get3A_1106 = vector.shape_cast %get3A_1105 : vector<16xf32> to vector<16xf32>
    %mul3A_1107 = arith.constant 1.000000e+06 : f32
    %mul3A_1108 = vector.broadcast %mul3A_1107 : f32 to vector<16xf32>
    %mul3A_1109 = arith.mulf %get3A_1106, %mul3A_1108 : vector<16xf32>
    %add3A_1110 = arith.constant 1.000000e+00 : f32
    %add3A_1111 = vector.broadcast %add3A_1110 : f32 to vector<16xf32>
    %add3A_1112 = arith.addf %mul3A_1109, %add3A_1111 : vector<16xf32>
    %convert_element_type3A_1113 = arith.fptosi %add3A_1112 : vector<16xf32> to vector<16xi32>
    %add3A_1114 = arith.constant -1 : i32
    %add3A_1115 = vector.broadcast %add3A_1114 : i32 to vector<16xi32>
    %add3A_1116 = arith.addi %convert_element_type3A_1113, %add3A_1115 : vector<16xi32>
    %swap3A_1117 = arith.constant 3 : i32
    %swap3A_1118 = arith.index_cast %swap3A_1117 : i32 to index
    %swap3A_1119 = arith.constant 0 : index
    %swap3A_1120 = tpu.vector_load %arg6[%swap3A_1118, %swap3A_1119] {strides = array<i32>} : memref<16x128xi32, #tpu.memory_space<vmem>>, vector<1x16xi32>,
    %swap3A_1121 = vector.shape_cast %swap3A_1120 : vector<1x16xi32> to vector<16xi32>
    %swap3A_1122 = vector.shape_cast %add3A_1116 : vector<16xi32> to vector<1x16xi32>
    tpu.vector_store %arg6[%swap3A_1118, %swap3A_1119], %swap3A_1122 {strides = array<i32>} : memref<16x128xi32, #tpu.memory_space<vmem>>, vector<1x16xi32>,
    %add3A_1123 = arith.constant 0 : i32
    %add3A_1124 = vector.broadcast %add3A_1123 : i32 to vector<16xi32>
    %add3A_1125 = arith.addi %convert_element_type3A_1113, %add3A_1124 : vector<16xi32>
    %swap3A_1126 = arith.constant 7 : i32
    %swap3A_1127 = arith.index_cast %swap3A_1126 : i32 to index
    %swap3A_1128 = arith.constant 0 : index
    %swap3A_1129 = tpu.vector_load %arg6[%swap3A_1127, %swap3A_1128] {strides = array<i32>} : memref<16x128xi32, #tpu.memory_space<vmem>>, vector<1x16xi32>,
    %swap3A_1130 = vector.shape_cast %swap3A_1129 : vector<1x16xi32> to vector<16xi32>
    %swap3A_1131 = vector.shape_cast %add3A_1125 : vector<16xi32> to vector<1x16xi32>
    tpu.vector_store %arg6[%swap3A_1127, %swap3A_1128], %swap3A_1131 {strides = array<i32>} : memref<16x128xi32, #tpu.memory_space<vmem>>, vector<1x16xi32>,
    %add3A_1132 = arith.constant 1 : i32
    %add3A_1133 = vector.broadcast %add3A_1132 : i32 to vector<16xi32>
    %add3A_1134 = arith.addi %convert_element_type3A_1113, %add3A_1133 : vector<16xi32>
    %swap3A_1135 = arith.constant 11 : i32
    %swap3A_1136 = arith.index_cast %swap3A_1135 : i32 to index
    %swap3A_1137 = arith.constant 0 : index
    %swap3A_1138 = tpu.vector_load %arg6[%swap3A_1136, %swap3A_1137] {strides = array<i32>} : memref<16x128xi32, #tpu.memory_space<vmem>>, vector<1x16xi32>,
    %swap3A_1139 = vector.shape_cast %swap3A_1138 : vector<1x16xi32> to vector<16xi32>
    %swap3A_1140 = vector.shape_cast %add3A_1134 : vector<16xi32> to vector<1x16xi32>
    tpu.vector_store %arg6[%swap3A_1136, %swap3A_1137], %swap3A_1140 {strides = array<i32>} : memref<16x128xi32, #tpu.memory_space<vmem>>, vector<1x16xi32>,
    %add3A_1141 = arith.constant 2 : i32
    %add3A_1142 = vector.broadcast %add3A_1141 : i32 to vector<16xi32>
    %add3A_1143 = arith.addi %convert_element_type3A_1113, %add3A_1142 : vector<16xi32>
    %swap3A_1144 = arith.constant 15 : i32
    %swap3A_1145 = arith.index_cast %swap3A_1144 : i32 to index
    %swap3A_1146 = arith.constant 0 : index
    %swap3A_1147 = tpu.vector_load %arg6[%swap3A_1145, %swap3A_1146] {strides = array<i32>} : memref<16x128xi32, #tpu.memory_space<vmem>>, vector<1x16xi32>,
    %swap3A_1148 = vector.shape_cast %swap3A_1147 : vector<1x16xi32> to vector<16xi32>
    %swap3A_1149 = vector.shape_cast %add3A_1143 : vector<16xi32> to vector<1x16xi32>
    tpu.vector_store %arg6[%swap3A_1145, %swap3A_1146], %swap3A_1149 {strides = array<i32>} : memref<16x128xi32, #tpu.memory_space<vmem>>, vector<1x16xi32>,
    %get3A_1150 = arith.constant 400 : index
    %get3A_1151 = tpu.vector_load %arg5[%get3A_1150] {strides = array<i32>} : memref<512xf32, #tpu.memory_space<vmem>>, vector<16xf32>,
    %get3A_1152 = vector.shape_cast %get3A_1151 : vector<16xf32> to vector<16xf32>
    %mul3A_1153 = arith.constant 1.000000e+06 : f32
    %mul3A_1154 = vector.broadcast %mul3A_1153 : f32 to vector<16xf32>
    %mul3A_1155 = arith.mulf %get3A_1152, %mul3A_1154 : vector<16xf32>
    %add3A_1156 = arith.constant 1.000000e+00 : f32
    %add3A_1157 = vector.broadcast %add3A_1156 : f32 to vector<16xf32>
    %add3A_1158 = arith.addf %mul3A_1155, %add3A_1157 : vector<16xf32>
    %convert_element_type3A_1159 = arith.fptosi %add3A_1158 : vector<16xf32> to vector<16xi32>
    %add3A_1160 = arith.constant -1 : i32
    %add3A_1161 = vector.broadcast %add3A_1160 : i32 to vector<16xi32>
    %add3A_1162 = arith.addi %convert_element_type3A_1159, %add3A_1161 : vector<16xi32>
    %swap3A_1163 = arith.constant 3 : i32
    %swap3A_1164 = arith.index_cast %swap3A_1163 : i32 to index
    %swap3A_1165 = arith.constant 16 : index
    %swap3A_1166 = tpu.vector_load %arg6[%swap3A_1164, %swap3A_1165] {strides = array<i32>} : memref<16x128xi32, #tpu.memory_space<vmem>>, vector<1x16xi32>,
    %swap3A_1167 = vector.shape_cast %swap3A_1166 : vector<1x16xi32> to vector<16xi32>
    %swap3A_1168 = vector.shape_cast %add3A_1162 : vector<16xi32> to vector<1x16xi32>
    tpu.vector_store %arg6[%swap3A_1164, %swap3A_1165], %swap3A_1168 {strides = array<i32>} : memref<16x128xi32, #tpu.memory_space<vmem>>, vector<1x16xi32>,
    %add3A_1169 = arith.constant 0 : i32
    %add3A_1170 = vector.broadcast %add3A_1169 : i32 to vector<16xi32>
    %add3A_1171 = arith.addi %convert_element_type3A_1159, %add3A_1170 : vector<16xi32>
    %swap3A_1172 = arith.constant 7 : i32
    %swap3A_1173 = arith.index_cast %swap3A_1172 : i32 to index
    %swap3A_1174 = arith.constant 16 : index
    %swap3A_1175 = tpu.vector_load %arg6[%swap3A_1173, %swap3A_1174] {strides = array<i32>} : memref<16x128xi32, #tpu.memory_space<vmem>>, vector<1x16xi32>,
    %swap3A_1176 = vector.shape_cast %swap3A_1175 : vector<1x16xi32> to vector<16xi32>
    %swap3A_1177 = vector.shape_cast %add3A_1171 : vector<16xi32> to vector<1x16xi32>
    tpu.vector_store %arg6[%swap3A_1173, %swap3A_1174], %swap3A_1177 {strides = array<i32>} : memref<16x128xi32, #tpu.memory_space<vmem>>, vector<1x16xi32>,
    %add3A_1178 = arith.constant 1 : i32
    %add3A_1179 = vector.broadcast %add3A_1178 : i32 to vector<16xi32>
    %add3A_1180 = arith.addi %convert_element_type3A_1159, %add3A_1179 : vector<16xi32>
    %swap3A_1181 = arith.constant 11 : i32
    %swap3A_1182 = arith.index_cast %swap3A_1181 : i32 to index
    %swap3A_1183 = arith.constant 16 : index
    %swap3A_1184 = tpu.vector_load %arg6[%swap3A_1182, %swap3A_1183] {strides = array<i32>} : memref<16x128xi32, #tpu.memory_space<vmem>>, vector<1x16xi32>,
    %swap3A_1185 = vector.shape_cast %swap3A_1184 : vector<1x16xi32> to vector<16xi32>
    %swap3A_1186 = vector.shape_cast %add3A_1180 : vector<16xi32> to vector<1x16xi32>
    tpu.vector_store %arg6[%swap3A_1182, %swap3A_1183], %swap3A_1186 {strides = array<i32>} : memref<16x128xi32, #tpu.memory_space<vmem>>, vector<1x16xi32>,
    %add3A_1187 = arith.constant 2 : i32
    %add3A_1188 = vector.broadcast %add3A_1187 : i32 to vector<16xi32>
    %add3A_1189 = arith.addi %convert_element_type3A_1159, %add3A_1188 : vector<16xi32>
    %swap3A_1190 = arith.constant 15 : i32
    %swap3A_1191 = arith.index_cast %swap3A_1190 : i32 to index
    %swap3A_1192 = arith.constant 16 : index
    %swap3A_1193 = tpu.vector_load %arg6[%swap3A_1191, %swap3A_1192] {strides = array<i32>} : memref<16x128xi32, #tpu.memory_space<vmem>>, vector<1x16xi32>,
    %swap3A_1194 = vector.shape_cast %swap3A_1193 : vector<1x16xi32> to vector<16xi32>
    %swap3A_1195 = vector.shape_cast %add3A_1189 : vector<16xi32> to vector<1x16xi32>
    tpu.vector_store %arg6[%swap3A_1191, %swap3A_1192], %swap3A_1195 {strides = array<i32>} : memref<16x128xi32, #tpu.memory_space<vmem>>, vector<1x16xi32>,
    %get3A_1196 = arith.constant 416 : index
    %get3A_1197 = tpu.vector_load %arg5[%get3A_1196] {strides = array<i32>} : memref<512xf32, #tpu.memory_space<vmem>>, vector<16xf32>,
    %get3A_1198 = vector.shape_cast %get3A_1197 : vector<16xf32> to vector<16xf32>
    %mul3A_1199 = arith.constant 1.000000e+06 : f32
    %mul3A_1200 = vector.broadcast %mul3A_1199 : f32 to vector<16xf32>
    %mul3A_1201 = arith.mulf %get3A_1198, %mul3A_1200 : vector<16xf32>
    %add3A_1202 = arith.constant 1.000000e+00 : f32
    %add3A_1203 = vector.broadcast %add3A_1202 : f32 to vector<16xf32>
    %add3A_1204 = arith.addf %mul3A_1201, %add3A_1203 : vector<16xf32>
    %convert_element_type3A_1205 = arith.fptosi %add3A_1204 : vector<16xf32> to vector<16xi32>
    %add3A_1206 = arith.constant -1 : i32
    %add3A_1207 = vector.broadcast %add3A_1206 : i32 to vector<16xi32>
    %add3A_1208 = arith.addi %convert_element_type3A_1205, %add3A_1207 : vector<16xi32>
    %swap3A_1209 = arith.constant 3 : i32
    %swap3A_1210 = arith.index_cast %swap3A_1209 : i32 to index
    %swap3A_1211 = arith.constant 32 : index
    %swap3A_1212 = tpu.vector_load %arg6[%swap3A_1210, %swap3A_1211] {strides = array<i32>} : memref<16x128xi32, #tpu.memory_space<vmem>>, vector<1x16xi32>,
    %swap3A_1213 = vector.shape_cast %swap3A_1212 : vector<1x16xi32> to vector<16xi32>
    %swap3A_1214 = vector.shape_cast %add3A_1208 : vector<16xi32> to vector<1x16xi32>
    tpu.vector_store %arg6[%swap3A_1210, %swap3A_1211], %swap3A_1214 {strides = array<i32>} : memref<16x128xi32, #tpu.memory_space<vmem>>, vector<1x16xi32>,
    %add3A_1215 = arith.constant 0 : i32
    %add3A_1216 = vector.broadcast %add3A_1215 : i32 to vector<16xi32>
    %add3A_1217 = arith.addi %convert_element_type3A_1205, %add3A_1216 : vector<16xi32>
    %swap3A_1218 = arith.constant 7 : i32
    %swap3A_1219 = arith.index_cast %swap3A_1218 : i32 to index
    %swap3A_1220 = arith.constant 32 : index
    %swap3A_1221 = tpu.vector_load %arg6[%swap3A_1219, %swap3A_1220] {strides = array<i32>} : memref<16x128xi32, #tpu.memory_space<vmem>>, vector<1x16xi32>,
    %swap3A_1222 = vector.shape_cast %swap3A_1221 : vector<1x16xi32> to vector<16xi32>
    %swap3A_1223 = vector.shape_cast %add3A_1217 : vector<16xi32> to vector<1x16xi32>
    tpu.vector_store %arg6[%swap3A_1219, %swap3A_1220], %swap3A_1223 {strides = array<i32>} : memref<16x128xi32, #tpu.memory_space<vmem>>, vector<1x16xi32>,
    %add3A_1224 = arith.constant 1 : i32
    %add3A_1225 = vector.broadcast %add3A_1224 : i32 to vector<16xi32>
    %add3A_1226 = arith.addi %convert_element_type3A_1205, %add3A_1225 : vector<16xi32>
    %swap3A_1227 = arith.constant 11 : i32
    %swap3A_1228 = arith.index_cast %swap3A_1227 : i32 to index
    %swap3A_1229 = arith.constant 32 : index
    %swap3A_1230 = tpu.vector_load %arg6[%swap3A_1228, %swap3A_1229] {strides = array<i32>} : memref<16x128xi32, #tpu.memory_space<vmem>>, vector<1x16xi32>,
    %swap3A_1231 = vector.shape_cast %swap3A_1230 : vector<1x16xi32> to vector<16xi32>
    %swap3A_1232 = vector.shape_cast %add3A_1226 : vector<16xi32> to vector<1x16xi32>
    tpu.vector_store %arg6[%swap3A_1228, %swap3A_1229], %swap3A_1232 {strides = array<i32>} : memref<16x128xi32, #tpu.memory_space<vmem>>, vector<1x16xi32>,
    %add3A_1233 = arith.constant 2 : i32
    %add3A_1234 = vector.broadcast %add3A_1233 : i32 to vector<16xi32>
    %add3A_1235 = arith.addi %convert_element_type3A_1205, %add3A_1234 : vector<16xi32>
    %swap3A_1236 = arith.constant 15 : i32
    %swap3A_1237 = arith.index_cast %swap3A_1236 : i32 to index
    %swap3A_1238 = arith.constant 32 : index
    %swap3A_1239 = tpu.vector_load %arg6[%swap3A_1237, %swap3A_1238] {strides = array<i32>} : memref<16x128xi32, #tpu.memory_space<vmem>>, vector<1x16xi32>,
    %swap3A_1240 = vector.shape_cast %swap3A_1239 : vector<1x16xi32> to vector<16xi32>
    %swap3A_1241 = vector.shape_cast %add3A_1235 : vector<16xi32> to vector<1x16xi32>
    tpu.vector_store %arg6[%swap3A_1237, %swap3A_1238], %swap3A_1241 {strides = array<i32>} : memref<16x128xi32, #tpu.memory_space<vmem>>, vector<1x16xi32>,
    %get3A_1242 = arith.constant 432 : index
    %get3A_1243 = tpu.vector_load %arg5[%get3A_1242] {strides = array<i32>} : memref<512xf32, #tpu.memory_space<vmem>>, vector<16xf32>,
    %get3A_1244 = vector.shape_cast %get3A_1243 : vector<16xf32> to vector<16xf32>
    %mul3A_1245 = arith.constant 1.000000e+06 : f32
    %mul3A_1246 = vector.broadcast %mul3A_1245 : f32 to vector<16xf32>
    %mul3A_1247 = arith.mulf %get3A_1244, %mul3A_1246 : vector<16xf32>
    %add3A_1248 = arith.constant 1.000000e+00 : f32
    %add3A_1249 = vector.broadcast %add3A_1248 : f32 to vector<16xf32>
    %add3A_1250 = arith.addf %mul3A_1247, %add3A_1249 : vector<16xf32>
    %convert_element_type3A_1251 = arith.fptosi %add3A_1250 : vector<16xf32> to vector<16xi32>
    %add3A_1252 = arith.constant -1 : i32
    %add3A_1253 = vector.broadcast %add3A_1252 : i32 to vector<16xi32>
    %add3A_1254 = arith.addi %convert_element_type3A_1251, %add3A_1253 : vector<16xi32>
    %swap3A_1255 = arith.constant 3 : i32
    %swap3A_1256 = arith.index_cast %swap3A_1255 : i32 to index
    %swap3A_1257 = arith.constant 48 : index
    %swap3A_1258 = tpu.vector_load %arg6[%swap3A_1256, %swap3A_1257] {strides = array<i32>} : memref<16x128xi32, #tpu.memory_space<vmem>>, vector<1x16xi32>,
    %swap3A_1259 = vector.shape_cast %swap3A_1258 : vector<1x16xi32> to vector<16xi32>
    %swap3A_1260 = vector.shape_cast %add3A_1254 : vector<16xi32> to vector<1x16xi32>
    tpu.vector_store %arg6[%swap3A_1256, %swap3A_1257], %swap3A_1260 {strides = array<i32>} : memref<16x128xi32, #tpu.memory_space<vmem>>, vector<1x16xi32>,
    %add3A_1261 = arith.constant 0 : i32
    %add3A_1262 = vector.broadcast %add3A_1261 : i32 to vector<16xi32>
    %add3A_1263 = arith.addi %convert_element_type3A_1251, %add3A_1262 : vector<16xi32>
    %swap3A_1264 = arith.constant 7 : i32
    %swap3A_1265 = arith.index_cast %swap3A_1264 : i32 to index
    %swap3A_1266 = arith.constant 48 : index
    %swap3A_1267 = tpu.vector_load %arg6[%swap3A_1265, %swap3A_1266] {strides = array<i32>} : memref<16x128xi32, #tpu.memory_space<vmem>>, vector<1x16xi32>,
    %swap3A_1268 = vector.shape_cast %swap3A_1267 : vector<1x16xi32> to vector<16xi32>
    %swap3A_1269 = vector.shape_cast %add3A_1263 : vector<16xi32> to vector<1x16xi32>
    tpu.vector_store %arg6[%swap3A_1265, %swap3A_1266], %swap3A_1269 {strides = array<i32>} : memref<16x128xi32, #tpu.memory_space<vmem>>, vector<1x16xi32>,
    %add3A_1270 = arith.constant 1 : i32
    %add3A_1271 = vector.broadcast %add3A_1270 : i32 to vector<16xi32>
    %add3A_1272 = arith.addi %convert_element_type3A_1251, %add3A_1271 : vector<16xi32>
    %swap3A_1273 = arith.constant 11 : i32
    %swap3A_1274 = arith.index_cast %swap3A_1273 : i32 to index
    %swap3A_1275 = arith.constant 48 : index
    %swap3A_1276 = tpu.vector_load %arg6[%swap3A_1274, %swap3A_1275] {strides = array<i32>} : memref<16x128xi32, #tpu.memory_space<vmem>>, vector<1x16xi32>,
    %swap3A_1277 = vector.shape_cast %swap3A_1276 : vector<1x16xi32> to vector<16xi32>
    %swap3A_1278 = vector.shape_cast %add3A_1272 : vector<16xi32> to vector<1x16xi32>
    tpu.vector_store %arg6[%swap3A_1274, %swap3A_1275], %swap3A_1278 {strides = array<i32>} : memref<16x128xi32, #tpu.memory_space<vmem>>, vector<1x16xi32>,
    %add3A_1279 = arith.constant 2 : i32
    %add3A_1280 = vector.broadcast %add3A_1279 : i32 to vector<16xi32>
    %add3A_1281 = arith.addi %convert_element_type3A_1251, %add3A_1280 : vector<16xi32>
    %swap3A_1282 = arith.constant 15 : i32
    %swap3A_1283 = arith.index_cast %swap3A_1282 : i32 to index
    %swap3A_1284 = arith.constant 48 : index
    %swap3A_1285 = tpu.vector_load %arg6[%swap3A_1283, %swap3A_1284] {strides = array<i32>} : memref<16x128xi32, #tpu.memory_space<vmem>>, vector<1x16xi32>,
    %swap3A_1286 = vector.shape_cast %swap3A_1285 : vector<1x16xi32> to vector<16xi32>
    %swap3A_1287 = vector.shape_cast %add3A_1281 : vector<16xi32> to vector<1x16xi32>
    tpu.vector_store %arg6[%swap3A_1283, %swap3A_1284], %swap3A_1287 {strides = array<i32>} : memref<16x128xi32, #tpu.memory_space<vmem>>, vector<1x16xi32>,
    %get3A_1288 = arith.constant 448 : index
    %get3A_1289 = tpu.vector_load %arg5[%get3A_1288] {strides = array<i32>} : memref<512xf32, #tpu.memory_space<vmem>>, vector<16xf32>,
    %get3A_1290 = vector.shape_cast %get3A_1289 : vector<16xf32> to vector<16xf32>
    %mul3A_1291 = arith.constant 1.000000e+06 : f32
    %mul3A_1292 = vector.broadcast %mul3A_1291 : f32 to vector<16xf32>
    %mul3A_1293 = arith.mulf %get3A_1290, %mul3A_1292 : vector<16xf32>
    %add3A_1294 = arith.constant 1.000000e+00 : f32
    %add3A_1295 = vector.broadcast %add3A_1294 : f32 to vector<16xf32>
    %add3A_1296 = arith.addf %mul3A_1293, %add3A_1295 : vector<16xf32>
    %convert_element_type3A_1297 = arith.fptosi %add3A_1296 : vector<16xf32> to vector<16xi32>
    %add3A_1298 = arith.constant -1 : i32
    %add3A_1299 = vector.broadcast %add3A_1298 : i32 to vector<16xi32>
    %add3A_1300 = arith.addi %convert_element_type3A_1297, %add3A_1299 : vector<16xi32>
    %swap3A_1301 = arith.constant 3 : i32
    %swap3A_1302 = arith.index_cast %swap3A_1301 : i32 to index
    %swap3A_1303 = arith.constant 64 : index
    %swap3A_1304 = tpu.vector_load %arg6[%swap3A_1302, %swap3A_1303] {strides = array<i32>} : memref<16x128xi32, #tpu.memory_space<vmem>>, vector<1x16xi32>,
    %swap3A_1305 = vector.shape_cast %swap3A_1304 : vector<1x16xi32> to vector<16xi32>
    %swap3A_1306 = vector.shape_cast %add3A_1300 : vector<16xi32> to vector<1x16xi32>
    tpu.vector_store %arg6[%swap3A_1302, %swap3A_1303], %swap3A_1306 {strides = array<i32>} : memref<16x128xi32, #tpu.memory_space<vmem>>, vector<1x16xi32>,
    %add3A_1307 = arith.constant 0 : i32
    %add3A_1308 = vector.broadcast %add3A_1307 : i32 to vector<16xi32>
    %add3A_1309 = arith.addi %convert_element_type3A_1297, %add3A_1308 : vector<16xi32>
    %swap3A_1310 = arith.constant 7 : i32
    %swap3A_1311 = arith.index_cast %swap3A_1310 : i32 to index
    %swap3A_1312 = arith.constant 64 : index
    %swap3A_1313 = tpu.vector_load %arg6[%swap3A_1311, %swap3A_1312] {strides = array<i32>} : memref<16x128xi32, #tpu.memory_space<vmem>>, vector<1x16xi32>,
    %swap3A_1314 = vector.shape_cast %swap3A_1313 : vector<1x16xi32> to vector<16xi32>
    %swap3A_1315 = vector.shape_cast %add3A_1309 : vector<16xi32> to vector<1x16xi32>
    tpu.vector_store %arg6[%swap3A_1311, %swap3A_1312], %swap3A_1315 {strides = array<i32>} : memref<16x128xi32, #tpu.memory_space<vmem>>, vector<1x16xi32>,
    %add3A_1316 = arith.constant 1 : i32
    %add3A_1317 = vector.broadcast %add3A_1316 : i32 to vector<16xi32>
    %add3A_1318 = arith.addi %convert_element_type3A_1297, %add3A_1317 : vector<16xi32>
    %swap3A_1319 = arith.constant 11 : i32
    %swap3A_1320 = arith.index_cast %swap3A_1319 : i32 to index
    %swap3A_1321 = arith.constant 64 : index
    %swap3A_1322 = tpu.vector_load %arg6[%swap3A_1320, %swap3A_1321] {strides = array<i32>} : memref<16x128xi32, #tpu.memory_space<vmem>>, vector<1x16xi32>,
    %swap3A_1323 = vector.shape_cast %swap3A_1322 : vector<1x16xi32> to vector<16xi32>
    %swap3A_1324 = vector.shape_cast %add3A_1318 : vector<16xi32> to vector<1x16xi32>
    tpu.vector_store %arg6[%swap3A_1320, %swap3A_1321], %swap3A_1324 {strides = array<i32>} : memref<16x128xi32, #tpu.memory_space<vmem>>, vector<1x16xi32>,
    %add3A_1325 = arith.constant 2 : i32
    %add3A_1326 = vector.broadcast %add3A_1325 : i32 to vector<16xi32>
    %add3A_1327 = arith.addi %convert_element_type3A_1297, %add3A_1326 : vector<16xi32>
    %swap3A_1328 = arith.constant 15 : i32
    %swap3A_1329 = arith.index_cast %swap3A_1328 : i32 to index
    %swap3A_1330 = arith.constant 64 : index
    %swap3A_1331 = tpu.vector_load %arg6[%swap3A_1329, %swap3A_1330] {strides = array<i32>} : memref<16x128xi32, #tpu.memory_space<vmem>>, vector<1x16xi32>,
    %swap3A_1332 = vector.shape_cast %swap3A_1331 : vector<1x16xi32> to vector<16xi32>
    %swap3A_1333 = vector.shape_cast %add3A_1327 : vector<16xi32> to vector<1x16xi32>
    tpu.vector_store %arg6[%swap3A_1329, %swap3A_1330], %swap3A_1333 {strides = array<i32>} : memref<16x128xi32, #tpu.memory_space<vmem>>, vector<1x16xi32>,
    %get3A_1334 = arith.constant 464 : index
    %get3A_1335 = tpu.vector_load %arg5[%get3A_1334] {strides = array<i32>} : memref<512xf32, #tpu.memory_space<vmem>>, vector<16xf32>,
    %get3A_1336 = vector.shape_cast %get3A_1335 : vector<16xf32> to vector<16xf32>
    %mul3A_1337 = arith.constant 1.000000e+06 : f32
    %mul3A_1338 = vector.broadcast %mul3A_1337 : f32 to vector<16xf32>
    %mul3A_1339 = arith.mulf %get3A_1336, %mul3A_1338 : vector<16xf32>
    %add3A_1340 = arith.constant 1.000000e+00 : f32
    %add3A_1341 = vector.broadcast %add3A_1340 : f32 to vector<16xf32>
    %add3A_1342 = arith.addf %mul3A_1339, %add3A_1341 : vector<16xf32>
    %convert_element_type3A_1343 = arith.fptosi %add3A_1342 : vector<16xf32> to vector<16xi32>
    %add3A_1344 = arith.constant -1 : i32
    %add3A_1345 = vector.broadcast %add3A_1344 : i32 to vector<16xi32>
    %add3A_1346 = arith.addi %convert_element_type3A_1343, %add3A_1345 : vector<16xi32>
    %swap3A_1347 = arith.constant 3 : i32
    %swap3A_1348 = arith.index_cast %swap3A_1347 : i32 to index
    %swap3A_1349 = arith.constant 80 : index
    %swap3A_1350 = tpu.vector_load %arg6[%swap3A_1348, %swap3A_1349] {strides = array<i32>} : memref<16x128xi32, #tpu.memory_space<vmem>>, vector<1x16xi32>,
    %swap3A_1351 = vector.shape_cast %swap3A_1350 : vector<1x16xi32> to vector<16xi32>
    %swap3A_1352 = vector.shape_cast %add3A_1346 : vector<16xi32> to vector<1x16xi32>
    tpu.vector_store %arg6[%swap3A_1348, %swap3A_1349], %swap3A_1352 {strides = array<i32>} : memref<16x128xi32, #tpu.memory_space<vmem>>, vector<1x16xi32>,
    %add3A_1353 = arith.constant 0 : i32
    %add3A_1354 = vector.broadcast %add3A_1353 : i32 to vector<16xi32>
    %add3A_1355 = arith.addi %convert_element_type3A_1343, %add3A_1354 : vector<16xi32>
    %swap3A_1356 = arith.constant 7 : i32
    %swap3A_1357 = arith.index_cast %swap3A_1356 : i32 to index
    %swap3A_1358 = arith.constant 80 : index
    %swap3A_1359 = tpu.vector_load %arg6[%swap3A_1357, %swap3A_1358] {strides = array<i32>} : memref<16x128xi32, #tpu.memory_space<vmem>>, vector<1x16xi32>,
    %swap3A_1360 = vector.shape_cast %swap3A_1359 : vector<1x16xi32> to vector<16xi32>
    %swap3A_1361 = vector.shape_cast %add3A_1355 : vector<16xi32> to vector<1x16xi32>
    tpu.vector_store %arg6[%swap3A_1357, %swap3A_1358], %swap3A_1361 {strides = array<i32>} : memref<16x128xi32, #tpu.memory_space<vmem>>, vector<1x16xi32>,
    %add3A_1362 = arith.constant 1 : i32
    %add3A_1363 = vector.broadcast %add3A_1362 : i32 to vector<16xi32>
    %add3A_1364 = arith.addi %convert_element_type3A_1343, %add3A_1363 : vector<16xi32>
    %swap3A_1365 = arith.constant 11 : i32
    %swap3A_1366 = arith.index_cast %swap3A_1365 : i32 to index
    %swap3A_1367 = arith.constant 80 : index
    %swap3A_1368 = tpu.vector_load %arg6[%swap3A_1366, %swap3A_1367] {strides = array<i32>} : memref<16x128xi32, #tpu.memory_space<vmem>>, vector<1x16xi32>,
    %swap3A_1369 = vector.shape_cast %swap3A_1368 : vector<1x16xi32> to vector<16xi32>
    %swap3A_1370 = vector.shape_cast %add3A_1364 : vector<16xi32> to vector<1x16xi32>
    tpu.vector_store %arg6[%swap3A_1366, %swap3A_1367], %swap3A_1370 {strides = array<i32>} : memref<16x128xi32, #tpu.memory_space<vmem>>, vector<1x16xi32>,
    %add3A_1371 = arith.constant 2 : i32
    %add3A_1372 = vector.broadcast %add3A_1371 : i32 to vector<16xi32>
    %add3A_1373 = arith.addi %convert_element_type3A_1343, %add3A_1372 : vector<16xi32>
    %swap3A_1374 = arith.constant 15 : i32
    %swap3A_1375 = arith.index_cast %swap3A_1374 : i32 to index
    %swap3A_1376 = arith.constant 80 : index
    %swap3A_1377 = tpu.vector_load %arg6[%swap3A_1375, %swap3A_1376] {strides = array<i32>} : memref<16x128xi32, #tpu.memory_space<vmem>>, vector<1x16xi32>,
    %swap3A_1378 = vector.shape_cast %swap3A_1377 : vector<1x16xi32> to vector<16xi32>
    %swap3A_1379 = vector.shape_cast %add3A_1373 : vector<16xi32> to vector<1x16xi32>
    tpu.vector_store %arg6[%swap3A_1375, %swap3A_1376], %swap3A_1379 {strides = array<i32>} : memref<16x128xi32, #tpu.memory_space<vmem>>, vector<1x16xi32>,
    %get3A_1380 = arith.constant 480 : index
    %get3A_1381 = tpu.vector_load %arg5[%get3A_1380] {strides = array<i32>} : memref<512xf32, #tpu.memory_space<vmem>>, vector<16xf32>,
    %get3A_1382 = vector.shape_cast %get3A_1381 : vector<16xf32> to vector<16xf32>
    %mul3A_1383 = arith.constant 1.000000e+06 : f32
    %mul3A_1384 = vector.broadcast %mul3A_1383 : f32 to vector<16xf32>
    %mul3A_1385 = arith.mulf %get3A_1382, %mul3A_1384 : vector<16xf32>
    %add3A_1386 = arith.constant 1.000000e+00 : f32
    %add3A_1387 = vector.broadcast %add3A_1386 : f32 to vector<16xf32>
    %add3A_1388 = arith.addf %mul3A_1385, %add3A_1387 : vector<16xf32>
    %convert_element_type3A_1389 = arith.fptosi %add3A_1388 : vector<16xf32> to vector<16xi32>
    %add3A_1390 = arith.constant -1 : i32
    %add3A_1391 = vector.broadcast %add3A_1390 : i32 to vector<16xi32>
    %add3A_1392 = arith.addi %convert_element_type3A_1389, %add3A_1391 : vector<16xi32>
    %swap3A_1393 = arith.constant 3 : i32
    %swap3A_1394 = arith.index_cast %swap3A_1393 : i32 to index
    %swap3A_1395 = arith.constant 96 : index
    %swap3A_1396 = tpu.vector_load %arg6[%swap3A_1394, %swap3A_1395] {strides = array<i32>} : memref<16x128xi32, #tpu.memory_space<vmem>>, vector<1x16xi32>,
    %swap3A_1397 = vector.shape_cast %swap3A_1396 : vector<1x16xi32> to vector<16xi32>
    %swap3A_1398 = vector.shape_cast %add3A_1392 : vector<16xi32> to vector<1x16xi32>
    tpu.vector_store %arg6[%swap3A_1394, %swap3A_1395], %swap3A_1398 {strides = array<i32>} : memref<16x128xi32, #tpu.memory_space<vmem>>, vector<1x16xi32>,
    %add3A_1399 = arith.constant 0 : i32
    %add3A_1400 = vector.broadcast %add3A_1399 : i32 to vector<16xi32>
    %add3A_1401 = arith.addi %convert_element_type3A_1389, %add3A_1400 : vector<16xi32>
    %swap3A_1402 = arith.constant 7 : i32
    %swap3A_1403 = arith.index_cast %swap3A_1402 : i32 to index
    %swap3A_1404 = arith.constant 96 : index
    %swap3A_1405 = tpu.vector_load %arg6[%swap3A_1403, %swap3A_1404] {strides = array<i32>} : memref<16x128xi32, #tpu.memory_space<vmem>>, vector<1x16xi32>,
    %swap3A_1406 = vector.shape_cast %swap3A_1405 : vector<1x16xi32> to vector<16xi32>
    %swap3A_1407 = vector.shape_cast %add3A_1401 : vector<16xi32> to vector<1x16xi32>
    tpu.vector_store %arg6[%swap3A_1403, %swap3A_1404], %swap3A_1407 {strides = array<i32>} : memref<16x128xi32, #tpu.memory_space<vmem>>, vector<1x16xi32>,
    %add3A_1408 = arith.constant 1 : i32
    %add3A_1409 = vector.broadcast %add3A_1408 : i32 to vector<16xi32>
    %add3A_1410 = arith.addi %convert_element_type3A_1389, %add3A_1409 : vector<16xi32>
    %swap3A_1411 = arith.constant 11 : i32
    %swap3A_1412 = arith.index_cast %swap3A_1411 : i32 to index
    %swap3A_1413 = arith.constant 96 : index
    %swap3A_1414 = tpu.vector_load %arg6[%swap3A_1412, %swap3A_1413] {strides = array<i32>} : memref<16x128xi32, #tpu.memory_space<vmem>>, vector<1x16xi32>,
    %swap3A_1415 = vector.shape_cast %swap3A_1414 : vector<1x16xi32> to vector<16xi32>
    %swap3A_1416 = vector.shape_cast %add3A_1410 : vector<16xi32> to vector<1x16xi32>
    tpu.vector_store %arg6[%swap3A_1412, %swap3A_1413], %swap3A_1416 {strides = array<i32>} : memref<16x128xi32, #tpu.memory_space<vmem>>, vector<1x16xi32>,
    %add3A_1417 = arith.constant 2 : i32
    %add3A_1418 = vector.broadcast %add3A_1417 : i32 to vector<16xi32>
    %add3A_1419 = arith.addi %convert_element_type3A_1389, %add3A_1418 : vector<16xi32>
    %swap3A_1420 = arith.constant 15 : i32
    %swap3A_1421 = arith.index_cast %swap3A_1420 : i32 to index
    %swap3A_1422 = arith.constant 96 : index
    %swap3A_1423 = tpu.vector_load %arg6[%swap3A_1421, %swap3A_1422] {strides = array<i32>} : memref<16x128xi32, #tpu.memory_space<vmem>>, vector<1x16xi32>,
    %swap3A_1424 = vector.shape_cast %swap3A_1423 : vector<1x16xi32> to vector<16xi32>
    %swap3A_1425 = vector.shape_cast %add3A_1419 : vector<16xi32> to vector<1x16xi32>
    tpu.vector_store %arg6[%swap3A_1421, %swap3A_1422], %swap3A_1425 {strides = array<i32>} : memref<16x128xi32, #tpu.memory_space<vmem>>, vector<1x16xi32>,
    %get3A_1426 = arith.constant 496 : index
    %get3A_1427 = tpu.vector_load %arg5[%get3A_1426] {strides = array<i32>} : memref<512xf32, #tpu.memory_space<vmem>>, vector<16xf32>,
    %get3A_1428 = vector.shape_cast %get3A_1427 : vector<16xf32> to vector<16xf32>
    %mul3A_1429 = arith.constant 1.000000e+06 : f32
    %mul3A_1430 = vector.broadcast %mul3A_1429 : f32 to vector<16xf32>
    %mul3A_1431 = arith.mulf %get3A_1428, %mul3A_1430 : vector<16xf32>
    %add3A_1432 = arith.constant 1.000000e+00 : f32
    %add3A_1433 = vector.broadcast %add3A_1432 : f32 to vector<16xf32>
    %add3A_1434 = arith.addf %mul3A_1431, %add3A_1433 : vector<16xf32>
    %convert_element_type3A_1435 = arith.fptosi %add3A_1434 : vector<16xf32> to vector<16xi32>
    %add3A_1436 = arith.constant -1 : i32
    %add3A_1437 = vector.broadcast %add3A_1436 : i32 to vector<16xi32>
    %add3A_1438 = arith.addi %convert_element_type3A_1435, %add3A_1437 : vector<16xi32>
    %swap3A_1439 = arith.constant 3 : i32
    %swap3A_1440 = arith.index_cast %swap3A_1439 : i32 to index
    %swap3A_1441 = arith.constant 112 : index
    %swap3A_1442 = tpu.vector_load %arg6[%swap3A_1440, %swap3A_1441] {strides = array<i32>} : memref<16x128xi32, #tpu.memory_space<vmem>>, vector<1x16xi32>,
    %swap3A_1443 = vector.shape_cast %swap3A_1442 : vector<1x16xi32> to vector<16xi32>
    %swap3A_1444 = vector.shape_cast %add3A_1438 : vector<16xi32> to vector<1x16xi32>
    tpu.vector_store %arg6[%swap3A_1440, %swap3A_1441], %swap3A_1444 {strides = array<i32>} : memref<16x128xi32, #tpu.memory_space<vmem>>, vector<1x16xi32>,
    %add3A_1445 = arith.constant 0 : i32
    %add3A_1446 = vector.broadcast %add3A_1445 : i32 to vector<16xi32>
    %add3A_1447 = arith.addi %convert_element_type3A_1435, %add3A_1446 : vector<16xi32>
    %swap3A_1448 = arith.constant 7 : i32
    %swap3A_1449 = arith.index_cast %swap3A_1448 : i32 to index
    %swap3A_1450 = arith.constant 112 : index
    %swap3A_1451 = tpu.vector_load %arg6[%swap3A_1449, %swap3A_1450] {strides = array<i32>} : memref<16x128xi32, #tpu.memory_space<vmem>>, vector<1x16xi32>,
    %swap3A_1452 = vector.shape_cast %swap3A_1451 : vector<1x16xi32> to vector<16xi32>
    %swap3A_1453 = vector.shape_cast %add3A_1447 : vector<16xi32> to vector<1x16xi32>
    tpu.vector_store %arg6[%swap3A_1449, %swap3A_1450], %swap3A_1453 {strides = array<i32>} : memref<16x128xi32, #tpu.memory_space<vmem>>, vector<1x16xi32>,
    %add3A_1454 = arith.constant 1 : i32
    %add3A_1455 = vector.broadcast %add3A_1454 : i32 to vector<16xi32>
    %add3A_1456 = arith.addi %convert_element_type3A_1435, %add3A_1455 : vector<16xi32>
    %swap3A_1457 = arith.constant 11 : i32
    %swap3A_1458 = arith.index_cast %swap3A_1457 : i32 to index
    %swap3A_1459 = arith.constant 112 : index
    %swap3A_1460 = tpu.vector_load %arg6[%swap3A_1458, %swap3A_1459] {strides = array<i32>} : memref<16x128xi32, #tpu.memory_space<vmem>>, vector<1x16xi32>,
    %swap3A_1461 = vector.shape_cast %swap3A_1460 : vector<1x16xi32> to vector<16xi32>
    %swap3A_1462 = vector.shape_cast %add3A_1456 : vector<16xi32> to vector<1x16xi32>
    tpu.vector_store %arg6[%swap3A_1458, %swap3A_1459], %swap3A_1462 {strides = array<i32>} : memref<16x128xi32, #tpu.memory_space<vmem>>, vector<1x16xi32>,
    %add3A_1463 = arith.constant 2 : i32
    %add3A_1464 = vector.broadcast %add3A_1463 : i32 to vector<16xi32>
    %add3A_1465 = arith.addi %convert_element_type3A_1435, %add3A_1464 : vector<16xi32>
    %swap3A_1466 = arith.constant 15 : i32
    %swap3A_1467 = arith.index_cast %swap3A_1466 : i32 to index
    %swap3A_1468 = arith.constant 112 : index
    %swap3A_1469 = tpu.vector_load %arg6[%swap3A_1467, %swap3A_1468] {strides = array<i32>} : memref<16x128xi32, #tpu.memory_space<vmem>>, vector<1x16xi32>,
    %swap3A_1470 = vector.shape_cast %swap3A_1469 : vector<1x16xi32> to vector<16xi32>
    %swap3A_1471 = vector.shape_cast %add3A_1465 : vector<16xi32> to vector<1x16xi32>
    tpu.vector_store %arg6[%swap3A_1467, %swap3A_1468], %swap3A_1471 {strides = array<i32>} : memref<16x128xi32, #tpu.memory_space<vmem>>, vector<1x16xi32>,
    %dma_start3A = arith.constant 0 : i32
    %dma_start3A_1472 = arith.constant 0 : i32
    %dma_start3A_1473 = arith.constant 0 : i32
    %dma_start3A_1474 = tpu.memref_slice %arg7[%dma_start3A_1472, %dma_start3A_1473] : memref<2048x32xf32, #tpu.memory_space<vmem>> -> memref<128x32xf32, #tpu.memory_space<vmem>>
    %dma_start3A_1475 = arith.constant 0 : i32
    %dma_start3A_1476 = tpu.memref_slice %arg6[%dma_start3A, %dma_start3A_1475] : memref<16x128xi32, #tpu.memory_space<vmem>> -> memref<1x128xi32, #tpu.memory_space<vmem>>
    %dma_start3A_1477 = tpu.memref_squeeze %dma_start3A_1476 : memref<1x128xi32, #tpu.memory_space<vmem>> -> memref<128xi32, #tpu.memory_space<vmem>>
    %dma_start3A_1478 = arith.constant 0 : i32
    %dma_start3A_1479 = arith.constant 0 : i32
    %dma_start3A_1480 = tpu.memref_slice %arg3[%dma_start3A_1478, %dma_start3A_1479] : memref<1000004x32xf32, #tpu.memory_space<hbm>> -> memref<1000004x32xf32, #tpu.memory_space<hbm>>
    tpu.enqueue_indirect_dma source(%dma_start3A_1480 : memref<1000004x32xf32, #tpu.memory_space<hbm>>) target(%dma_start3A_1474 : memref<128x32xf32, #tpu.memory_space<vmem>>) offsets(%dma_start3A_1477 : memref<128xi32, #tpu.memory_space<vmem>>) semaphore(%arg9 : memref<!tpu.dma_semaphore, #tpu.memory_space<semaphore_mem>>)
    %dma_start3A_1481 = arith.constant 1 : i32
    %dma_start3A_1482 = arith.constant 128 : i32
    %dma_start3A_1483 = arith.constant 0 : i32
    %dma_start3A_1484 = tpu.memref_slice %arg7[%dma_start3A_1482, %dma_start3A_1483] : memref<2048x32xf32, #tpu.memory_space<vmem>> -> memref<128x32xf32, #tpu.memory_space<vmem>>
    %dma_start3A_1485 = arith.constant 0 : i32
    %dma_start3A_1486 = tpu.memref_slice %arg6[%dma_start3A_1481, %dma_start3A_1485] : memref<16x128xi32, #tpu.memory_space<vmem>> -> memref<1x128xi32, #tpu.memory_space<vmem>>
    %dma_start3A_1487 = tpu.memref_squeeze %dma_start3A_1486 : memref<1x128xi32, #tpu.memory_space<vmem>> -> memref<128xi32, #tpu.memory_space<vmem>>
    %dma_start3A_1488 = arith.constant 0 : i32
    %dma_start3A_1489 = arith.constant 0 : i32
    %dma_start3A_1490 = tpu.memref_slice %arg3[%dma_start3A_1488, %dma_start3A_1489] : memref<1000004x32xf32, #tpu.memory_space<hbm>> -> memref<1000004x32xf32, #tpu.memory_space<hbm>>
    tpu.enqueue_indirect_dma source(%dma_start3A_1490 : memref<1000004x32xf32, #tpu.memory_space<hbm>>) target(%dma_start3A_1484 : memref<128x32xf32, #tpu.memory_space<vmem>>) offsets(%dma_start3A_1487 : memref<128xi32, #tpu.memory_space<vmem>>) semaphore(%arg9 : memref<!tpu.dma_semaphore, #tpu.memory_space<semaphore_mem>>)
    %dma_start3A_1491 = arith.constant 2 : i32
    %dma_start3A_1492 = arith.constant 256 : i32
    %dma_start3A_1493 = arith.constant 0 : i32
    %dma_start3A_1494 = tpu.memref_slice %arg7[%dma_start3A_1492, %dma_start3A_1493] : memref<2048x32xf32, #tpu.memory_space<vmem>> -> memref<128x32xf32, #tpu.memory_space<vmem>>
    %dma_start3A_1495 = arith.constant 0 : i32
    %dma_start3A_1496 = tpu.memref_slice %arg6[%dma_start3A_1491, %dma_start3A_1495] : memref<16x128xi32, #tpu.memory_space<vmem>> -> memref<1x128xi32, #tpu.memory_space<vmem>>
    %dma_start3A_1497 = tpu.memref_squeeze %dma_start3A_1496 : memref<1x128xi32, #tpu.memory_space<vmem>> -> memref<128xi32, #tpu.memory_space<vmem>>
    %dma_start3A_1498 = arith.constant 0 : i32
    %dma_start3A_1499 = arith.constant 0 : i32
    %dma_start3A_1500 = tpu.memref_slice %arg3[%dma_start3A_1498, %dma_start3A_1499] : memref<1000004x32xf32, #tpu.memory_space<hbm>> -> memref<1000004x32xf32, #tpu.memory_space<hbm>>
    tpu.enqueue_indirect_dma source(%dma_start3A_1500 : memref<1000004x32xf32, #tpu.memory_space<hbm>>) target(%dma_start3A_1494 : memref<128x32xf32, #tpu.memory_space<vmem>>) offsets(%dma_start3A_1497 : memref<128xi32, #tpu.memory_space<vmem>>) semaphore(%arg9 : memref<!tpu.dma_semaphore, #tpu.memory_space<semaphore_mem>>)
    %dma_start3A_1501 = arith.constant 3 : i32
    %dma_start3A_1502 = arith.constant 384 : i32
    %dma_start3A_1503 = arith.constant 0 : i32
    %dma_start3A_1504 = tpu.memref_slice %arg7[%dma_start3A_1502, %dma_start3A_1503] : memref<2048x32xf32, #tpu.memory_space<vmem>> -> memref<128x32xf32, #tpu.memory_space<vmem>>
    %dma_start3A_1505 = arith.constant 0 : i32
    %dma_start3A_1506 = tpu.memref_slice %arg6[%dma_start3A_1501, %dma_start3A_1505] : memref<16x128xi32, #tpu.memory_space<vmem>> -> memref<1x128xi32, #tpu.memory_space<vmem>>
    %dma_start3A_1507 = tpu.memref_squeeze %dma_start3A_1506 : memref<1x128xi32, #tpu.memory_space<vmem>> -> memref<128xi32, #tpu.memory_space<vmem>>
    %dma_start3A_1508 = arith.constant 0 : i32
    %dma_start3A_1509 = arith.constant 0 : i32
    %dma_start3A_1510 = tpu.memref_slice %arg3[%dma_start3A_1508, %dma_start3A_1509] : memref<1000004x32xf32, #tpu.memory_space<hbm>> -> memref<1000004x32xf32, #tpu.memory_space<hbm>>
    tpu.enqueue_indirect_dma source(%dma_start3A_1510 : memref<1000004x32xf32, #tpu.memory_space<hbm>>) target(%dma_start3A_1504 : memref<128x32xf32, #tpu.memory_space<vmem>>) offsets(%dma_start3A_1507 : memref<128xi32, #tpu.memory_space<vmem>>) semaphore(%arg9 : memref<!tpu.dma_semaphore, #tpu.memory_space<semaphore_mem>>)
    %dma_start3A_1511 = arith.constant 4 : i32
    %dma_start3A_1512 = arith.constant 512 : i32
    %dma_start3A_1513 = arith.constant 0 : i32
    %dma_start3A_1514 = tpu.memref_slice %arg7[%dma_start3A_1512, %dma_start3A_1513] : memref<2048x32xf32, #tpu.memory_space<vmem>> -> memref<128x32xf32, #tpu.memory_space<vmem>>
    %dma_start3A_1515 = arith.constant 0 : i32
    %dma_start3A_1516 = tpu.memref_slice %arg6[%dma_start3A_1511, %dma_start3A_1515] : memref<16x128xi32, #tpu.memory_space<vmem>> -> memref<1x128xi32, #tpu.memory_space<vmem>>
    %dma_start3A_1517 = tpu.memref_squeeze %dma_start3A_1516 : memref<1x128xi32, #tpu.memory_space<vmem>> -> memref<128xi32, #tpu.memory_space<vmem>>
    %dma_start3A_1518 = arith.constant 0 : i32
    %dma_start3A_1519 = arith.constant 0 : i32
    %dma_start3A_1520 = tpu.memref_slice %arg3[%dma_start3A_1518, %dma_start3A_1519] : memref<1000004x32xf32, #tpu.memory_space<hbm>> -> memref<1000004x32xf32, #tpu.memory_space<hbm>>
    tpu.enqueue_indirect_dma source(%dma_start3A_1520 : memref<1000004x32xf32, #tpu.memory_space<hbm>>) target(%dma_start3A_1514 : memref<128x32xf32, #tpu.memory_space<vmem>>) offsets(%dma_start3A_1517 : memref<128xi32, #tpu.memory_space<vmem>>) semaphore(%arg9 : memref<!tpu.dma_semaphore, #tpu.memory_space<semaphore_mem>>)
    %dma_start3A_1521 = arith.constant 5 : i32
    %dma_start3A_1522 = arith.constant 640 : i32
    %dma_start3A_1523 = arith.constant 0 : i32
    %dma_start3A_1524 = tpu.memref_slice %arg7[%dma_start3A_1522, %dma_start3A_1523] : memref<2048x32xf32, #tpu.memory_space<vmem>> -> memref<128x32xf32, #tpu.memory_space<vmem>>
    %dma_start3A_1525 = arith.constant 0 : i32
    %dma_start3A_1526 = tpu.memref_slice %arg6[%dma_start3A_1521, %dma_start3A_1525] : memref<16x128xi32, #tpu.memory_space<vmem>> -> memref<1x128xi32, #tpu.memory_space<vmem>>
    %dma_start3A_1527 = tpu.memref_squeeze %dma_start3A_1526 : memref<1x128xi32, #tpu.memory_space<vmem>> -> memref<128xi32, #tpu.memory_space<vmem>>
    %dma_start3A_1528 = arith.constant 0 : i32
    %dma_start3A_1529 = arith.constant 0 : i32
    %dma_start3A_1530 = tpu.memref_slice %arg3[%dma_start3A_1528, %dma_start3A_1529] : memref<1000004x32xf32, #tpu.memory_space<hbm>> -> memref<1000004x32xf32, #tpu.memory_space<hbm>>
    tpu.enqueue_indirect_dma source(%dma_start3A_1530 : memref<1000004x32xf32, #tpu.memory_space<hbm>>) target(%dma_start3A_1524 : memref<128x32xf32, #tpu.memory_space<vmem>>) offsets(%dma_start3A_1527 : memref<128xi32, #tpu.memory_space<vmem>>) semaphore(%arg9 : memref<!tpu.dma_semaphore, #tpu.memory_space<semaphore_mem>>)
    %dma_start3A_1531 = arith.constant 6 : i32
    %dma_start3A_1532 = arith.constant 768 : i32
    %dma_start3A_1533 = arith.constant 0 : i32
    %dma_start3A_1534 = tpu.memref_slice %arg7[%dma_start3A_1532, %dma_start3A_1533] : memref<2048x32xf32, #tpu.memory_space<vmem>> -> memref<128x32xf32, #tpu.memory_space<vmem>>
    %dma_start3A_1535 = arith.constant 0 : i32
    %dma_start3A_1536 = tpu.memref_slice %arg6[%dma_start3A_1531, %dma_start3A_1535] : memref<16x128xi32, #tpu.memory_space<vmem>> -> memref<1x128xi32, #tpu.memory_space<vmem>>
    %dma_start3A_1537 = tpu.memref_squeeze %dma_start3A_1536 : memref<1x128xi32, #tpu.memory_space<vmem>> -> memref<128xi32, #tpu.memory_space<vmem>>
    %dma_start3A_1538 = arith.constant 0 : i32
    %dma_start3A_1539 = arith.constant 0 : i32
    %dma_start3A_1540 = tpu.memref_slice %arg3[%dma_start3A_1538, %dma_start3A_1539] : memref<1000004x32xf32, #tpu.memory_space<hbm>> -> memref<1000004x32xf32, #tpu.memory_space<hbm>>
    tpu.enqueue_indirect_dma source(%dma_start3A_1540 : memref<1000004x32xf32, #tpu.memory_space<hbm>>) target(%dma_start3A_1534 : memref<128x32xf32, #tpu.memory_space<vmem>>) offsets(%dma_start3A_1537 : memref<128xi32, #tpu.memory_space<vmem>>) semaphore(%arg9 : memref<!tpu.dma_semaphore, #tpu.memory_space<semaphore_mem>>)
    %dma_start3A_1541 = arith.constant 7 : i32
    %dma_start3A_1542 = arith.constant 896 : i32
    %dma_start3A_1543 = arith.constant 0 : i32
    %dma_start3A_1544 = tpu.memref_slice %arg7[%dma_start3A_1542, %dma_start3A_1543] : memref<2048x32xf32, #tpu.memory_space<vmem>> -> memref<128x32xf32, #tpu.memory_space<vmem>>
    %dma_start3A_1545 = arith.constant 0 : i32
    %dma_start3A_1546 = tpu.memref_slice %arg6[%dma_start3A_1541, %dma_start3A_1545] : memref<16x128xi32, #tpu.memory_space<vmem>> -> memref<1x128xi32, #tpu.memory_space<vmem>>
    %dma_start3A_1547 = tpu.memref_squeeze %dma_start3A_1546 : memref<1x128xi32, #tpu.memory_space<vmem>> -> memref<128xi32, #tpu.memory_space<vmem>>
    %dma_start3A_1548 = arith.constant 0 : i32
    %dma_start3A_1549 = arith.constant 0 : i32
    %dma_start3A_1550 = tpu.memref_slice %arg3[%dma_start3A_1548, %dma_start3A_1549] : memref<1000004x32xf32, #tpu.memory_space<hbm>> -> memref<1000004x32xf32, #tpu.memory_space<hbm>>
    tpu.enqueue_indirect_dma source(%dma_start3A_1550 : memref<1000004x32xf32, #tpu.memory_space<hbm>>) target(%dma_start3A_1544 : memref<128x32xf32, #tpu.memory_space<vmem>>) offsets(%dma_start3A_1547 : memref<128xi32, #tpu.memory_space<vmem>>) semaphore(%arg9 : memref<!tpu.dma_semaphore, #tpu.memory_space<semaphore_mem>>)
    %dma_start3A_1551 = arith.constant 8 : i32
    %dma_start3A_1552 = arith.constant 1024 : i32
    %dma_start3A_1553 = arith.constant 0 : i32
    %dma_start3A_1554 = tpu.memref_slice %arg7[%dma_start3A_1552, %dma_start3A_1553] : memref<2048x32xf32, #tpu.memory_space<vmem>> -> memref<128x32xf32, #tpu.memory_space<vmem>>
    %dma_start3A_1555 = arith.constant 0 : i32
    %dma_start3A_1556 = tpu.memref_slice %arg6[%dma_start3A_1551, %dma_start3A_1555] : memref<16x128xi32, #tpu.memory_space<vmem>> -> memref<1x128xi32, #tpu.memory_space<vmem>>
    %dma_start3A_1557 = tpu.memref_squeeze %dma_start3A_1556 : memref<1x128xi32, #tpu.memory_space<vmem>> -> memref<128xi32, #tpu.memory_space<vmem>>
    %dma_start3A_1558 = arith.constant 0 : i32
    %dma_start3A_1559 = arith.constant 0 : i32
    %dma_start3A_1560 = tpu.memref_slice %arg3[%dma_start3A_1558, %dma_start3A_1559] : memref<1000004x32xf32, #tpu.memory_space<hbm>> -> memref<1000004x32xf32, #tpu.memory_space<hbm>>
    tpu.enqueue_indirect_dma source(%dma_start3A_1560 : memref<1000004x32xf32, #tpu.memory_space<hbm>>) target(%dma_start3A_1554 : memref<128x32xf32, #tpu.memory_space<vmem>>) offsets(%dma_start3A_1557 : memref<128xi32, #tpu.memory_space<vmem>>) semaphore(%arg9 : memref<!tpu.dma_semaphore, #tpu.memory_space<semaphore_mem>>)
    %dma_start3A_1561 = arith.constant 9 : i32
    %dma_start3A_1562 = arith.constant 1152 : i32
    %dma_start3A_1563 = arith.constant 0 : i32
    %dma_start3A_1564 = tpu.memref_slice %arg7[%dma_start3A_1562, %dma_start3A_1563] : memref<2048x32xf32, #tpu.memory_space<vmem>> -> memref<128x32xf32, #tpu.memory_space<vmem>>
    %dma_start3A_1565 = arith.constant 0 : i32
    %dma_start3A_1566 = tpu.memref_slice %arg6[%dma_start3A_1561, %dma_start3A_1565] : memref<16x128xi32, #tpu.memory_space<vmem>> -> memref<1x128xi32, #tpu.memory_space<vmem>>
    %dma_start3A_1567 = tpu.memref_squeeze %dma_start3A_1566 : memref<1x128xi32, #tpu.memory_space<vmem>> -> memref<128xi32, #tpu.memory_space<vmem>>
    %dma_start3A_1568 = arith.constant 0 : i32
    %dma_start3A_1569 = arith.constant 0 : i32
    %dma_start3A_1570 = tpu.memref_slice %arg3[%dma_start3A_1568, %dma_start3A_1569] : memref<1000004x32xf32, #tpu.memory_space<hbm>> -> memref<1000004x32xf32, #tpu.memory_space<hbm>>
    tpu.enqueue_indirect_dma source(%dma_start3A_1570 : memref<1000004x32xf32, #tpu.memory_space<hbm>>) target(%dma_start3A_1564 : memref<128x32xf32, #tpu.memory_space<vmem>>) offsets(%dma_start3A_1567 : memref<128xi32, #tpu.memory_space<vmem>>) semaphore(%arg9 : memref<!tpu.dma_semaphore, #tpu.memory_space<semaphore_mem>>)
    %dma_start3A_1571 = arith.constant 10 : i32
    %dma_start3A_1572 = arith.constant 1280 : i32
    %dma_start3A_1573 = arith.constant 0 : i32
    %dma_start3A_1574 = tpu.memref_slice %arg7[%dma_start3A_1572, %dma_start3A_1573] : memref<2048x32xf32, #tpu.memory_space<vmem>> -> memref<128x32xf32, #tpu.memory_space<vmem>>
    %dma_start3A_1575 = arith.constant 0 : i32
    %dma_start3A_1576 = tpu.memref_slice %arg6[%dma_start3A_1571, %dma_start3A_1575] : memref<16x128xi32, #tpu.memory_space<vmem>> -> memref<1x128xi32, #tpu.memory_space<vmem>>
    %dma_start3A_1577 = tpu.memref_squeeze %dma_start3A_1576 : memref<1x128xi32, #tpu.memory_space<vmem>> -> memref<128xi32, #tpu.memory_space<vmem>>
    %dma_start3A_1578 = arith.constant 0 : i32
    %dma_start3A_1579 = arith.constant 0 : i32
    %dma_start3A_1580 = tpu.memref_slice %arg3[%dma_start3A_1578, %dma_start3A_1579] : memref<1000004x32xf32, #tpu.memory_space<hbm>> -> memref<1000004x32xf32, #tpu.memory_space<hbm>>
    tpu.enqueue_indirect_dma source(%dma_start3A_1580 : memref<1000004x32xf32, #tpu.memory_space<hbm>>) target(%dma_start3A_1574 : memref<128x32xf32, #tpu.memory_space<vmem>>) offsets(%dma_start3A_1577 : memref<128xi32, #tpu.memory_space<vmem>>) semaphore(%arg9 : memref<!tpu.dma_semaphore, #tpu.memory_space<semaphore_mem>>)
    %dma_start3A_1581 = arith.constant 11 : i32
    %dma_start3A_1582 = arith.constant 1408 : i32
    %dma_start3A_1583 = arith.constant 0 : i32
    %dma_start3A_1584 = tpu.memref_slice %arg7[%dma_start3A_1582, %dma_start3A_1583] : memref<2048x32xf32, #tpu.memory_space<vmem>> -> memref<128x32xf32, #tpu.memory_space<vmem>>
    %dma_start3A_1585 = arith.constant 0 : i32
    %dma_start3A_1586 = tpu.memref_slice %arg6[%dma_start3A_1581, %dma_start3A_1585] : memref<16x128xi32, #tpu.memory_space<vmem>> -> memref<1x128xi32, #tpu.memory_space<vmem>>
    %dma_start3A_1587 = tpu.memref_squeeze %dma_start3A_1586 : memref<1x128xi32, #tpu.memory_space<vmem>> -> memref<128xi32, #tpu.memory_space<vmem>>
    %dma_start3A_1588 = arith.constant 0 : i32
    %dma_start3A_1589 = arith.constant 0 : i32
    %dma_start3A_1590 = tpu.memref_slice %arg3[%dma_start3A_1588, %dma_start3A_1589] : memref<1000004x32xf32, #tpu.memory_space<hbm>> -> memref<1000004x32xf32, #tpu.memory_space<hbm>>
    tpu.enqueue_indirect_dma source(%dma_start3A_1590 : memref<1000004x32xf32, #tpu.memory_space<hbm>>) target(%dma_start3A_1584 : memref<128x32xf32, #tpu.memory_space<vmem>>) offsets(%dma_start3A_1587 : memref<128xi32, #tpu.memory_space<vmem>>) semaphore(%arg9 : memref<!tpu.dma_semaphore, #tpu.memory_space<semaphore_mem>>)
    %dma_start3A_1591 = arith.constant 12 : i32
    %dma_start3A_1592 = arith.constant 1536 : i32
    %dma_start3A_1593 = arith.constant 0 : i32
    %dma_start3A_1594 = tpu.memref_slice %arg7[%dma_start3A_1592, %dma_start3A_1593] : memref<2048x32xf32, #tpu.memory_space<vmem>> -> memref<128x32xf32, #tpu.memory_space<vmem>>
    %dma_start3A_1595 = arith.constant 0 : i32
    %dma_start3A_1596 = tpu.memref_slice %arg6[%dma_start3A_1591, %dma_start3A_1595] : memref<16x128xi32, #tpu.memory_space<vmem>> -> memref<1x128xi32, #tpu.memory_space<vmem>>
    %dma_start3A_1597 = tpu.memref_squeeze %dma_start3A_1596 : memref<1x128xi32, #tpu.memory_space<vmem>> -> memref<128xi32, #tpu.memory_space<vmem>>
    %dma_start3A_1598 = arith.constant 0 : i32
    %dma_start3A_1599 = arith.constant 0 : i32
    %dma_start3A_1600 = tpu.memref_slice %arg3[%dma_start3A_1598, %dma_start3A_1599] : memref<1000004x32xf32, #tpu.memory_space<hbm>> -> memref<1000004x32xf32, #tpu.memory_space<hbm>>
    tpu.enqueue_indirect_dma source(%dma_start3A_1600 : memref<1000004x32xf32, #tpu.memory_space<hbm>>) target(%dma_start3A_1594 : memref<128x32xf32, #tpu.memory_space<vmem>>) offsets(%dma_start3A_1597 : memref<128xi32, #tpu.memory_space<vmem>>) semaphore(%arg9 : memref<!tpu.dma_semaphore, #tpu.memory_space<semaphore_mem>>)
    %dma_start3A_1601 = arith.constant 13 : i32
    %dma_start3A_1602 = arith.constant 1664 : i32
    %dma_start3A_1603 = arith.constant 0 : i32
    %dma_start3A_1604 = tpu.memref_slice %arg7[%dma_start3A_1602, %dma_start3A_1603] : memref<2048x32xf32, #tpu.memory_space<vmem>> -> memref<128x32xf32, #tpu.memory_space<vmem>>
    %dma_start3A_1605 = arith.constant 0 : i32
    %dma_start3A_1606 = tpu.memref_slice %arg6[%dma_start3A_1601, %dma_start3A_1605] : memref<16x128xi32, #tpu.memory_space<vmem>> -> memref<1x128xi32, #tpu.memory_space<vmem>>
    %dma_start3A_1607 = tpu.memref_squeeze %dma_start3A_1606 : memref<1x128xi32, #tpu.memory_space<vmem>> -> memref<128xi32, #tpu.memory_space<vmem>>
    %dma_start3A_1608 = arith.constant 0 : i32
    %dma_start3A_1609 = arith.constant 0 : i32
    %dma_start3A_1610 = tpu.memref_slice %arg3[%dma_start3A_1608, %dma_start3A_1609] : memref<1000004x32xf32, #tpu.memory_space<hbm>> -> memref<1000004x32xf32, #tpu.memory_space<hbm>>
    tpu.enqueue_indirect_dma source(%dma_start3A_1610 : memref<1000004x32xf32, #tpu.memory_space<hbm>>) target(%dma_start3A_1604 : memref<128x32xf32, #tpu.memory_space<vmem>>) offsets(%dma_start3A_1607 : memref<128xi32, #tpu.memory_space<vmem>>) semaphore(%arg9 : memref<!tpu.dma_semaphore, #tpu.memory_space<semaphore_mem>>)
    %dma_start3A_1611 = arith.constant 14 : i32
    %dma_start3A_1612 = arith.constant 1792 : i32
    %dma_start3A_1613 = arith.constant 0 : i32
    %dma_start3A_1614 = tpu.memref_slice %arg7[%dma_start3A_1612, %dma_start3A_1613] : memref<2048x32xf32, #tpu.memory_space<vmem>> -> memref<128x32xf32, #tpu.memory_space<vmem>>
    %dma_start3A_1615 = arith.constant 0 : i32
    %dma_start3A_1616 = tpu.memref_slice %arg6[%dma_start3A_1611, %dma_start3A_1615] : memref<16x128xi32, #tpu.memory_space<vmem>> -> memref<1x128xi32, #tpu.memory_space<vmem>>
    %dma_start3A_1617 = tpu.memref_squeeze %dma_start3A_1616 : memref<1x128xi32, #tpu.memory_space<vmem>> -> memref<128xi32, #tpu.memory_space<vmem>>
    %dma_start3A_1618 = arith.constant 0 : i32
    %dma_start3A_1619 = arith.constant 0 : i32
    %dma_start3A_1620 = tpu.memref_slice %arg3[%dma_start3A_1618, %dma_start3A_1619] : memref<1000004x32xf32, #tpu.memory_space<hbm>> -> memref<1000004x32xf32, #tpu.memory_space<hbm>>
    tpu.enqueue_indirect_dma source(%dma_start3A_1620 : memref<1000004x32xf32, #tpu.memory_space<hbm>>) target(%dma_start3A_1614 : memref<128x32xf32, #tpu.memory_space<vmem>>) offsets(%dma_start3A_1617 : memref<128xi32, #tpu.memory_space<vmem>>) semaphore(%arg9 : memref<!tpu.dma_semaphore, #tpu.memory_space<semaphore_mem>>)
    %dma_start3A_1621 = arith.constant 15 : i32
    %dma_start3A_1622 = arith.constant 1920 : i32
    %dma_start3A_1623 = arith.constant 0 : i32
    %dma_start3A_1624 = tpu.memref_slice %arg7[%dma_start3A_1622, %dma_start3A_1623] : memref<2048x32xf32, #tpu.memory_space<vmem>> -> memref<128x32xf32, #tpu.memory_space<vmem>>
    %dma_start3A_1625 = arith.constant 0 : i32
    %dma_start3A_1626 = tpu.memref_slice %arg6[%dma_start3A_1621, %dma_start3A_1625] : memref<16x128xi32, #tpu.memory_space<vmem>> -> memref<1x128xi32, #tpu.memory_space<vmem>>
    %dma_start3A_1627 = tpu.memref_squeeze %dma_start3A_1626 : memref<1x128xi32, #tpu.memory_space<vmem>> -> memref<128xi32, #tpu.memory_space<vmem>>
    %dma_start3A_1628 = arith.constant 0 : i32
    %dma_start3A_1629 = arith.constant 0 : i32
    %dma_start3A_1630 = tpu.memref_slice %arg3[%dma_start3A_1628, %dma_start3A_1629] : memref<1000004x32xf32, #tpu.memory_space<hbm>> -> memref<1000004x32xf32, #tpu.memory_space<hbm>>
    tpu.enqueue_indirect_dma source(%dma_start3A_1630 : memref<1000004x32xf32, #tpu.memory_space<hbm>>) target(%dma_start3A_1624 : memref<128x32xf32, #tpu.memory_space<vmem>>) offsets(%dma_start3A_1627 : memref<128xi32, #tpu.memory_space<vmem>>) semaphore(%arg9 : memref<!tpu.dma_semaphore, #tpu.memory_space<semaphore_mem>>)
    %dma_wait3A = arith.constant 0 : i32
    %dma_wait3A_1631 = arith.constant 0 : i32
    %dma_wait3A_1632 = arith.constant 0 : i32
    %dma_wait3A_1633 = tpu.memref_slice %arg7[%dma_wait3A_1631, %dma_wait3A_1632] : memref<2048x32xf32, #tpu.memory_space<vmem>> -> memref<128x32xf32, #tpu.memory_space<vmem>>
    %dma_wait3A_1634 = arith.constant 0 : i32
    %dma_wait3A_1635 = tpu.memref_slice %arg6[%dma_wait3A, %dma_wait3A_1634] : memref<16x128xi32, #tpu.memory_space<vmem>> -> memref<1x128xi32, #tpu.memory_space<vmem>>
    %dma_wait3A_1636 = tpu.memref_squeeze %dma_wait3A_1635 : memref<1x128xi32, #tpu.memory_space<vmem>> -> memref<128xi32, #tpu.memory_space<vmem>>
    %dma_wait3A_1637 = arith.constant 0 : i32
    %dma_wait3A_1638 = arith.constant 0 : i32
    %dma_wait3A_1639 = tpu.memref_slice %arg3[%dma_wait3A_1637, %dma_wait3A_1638] : memref<1000004x32xf32, #tpu.memory_space<hbm>> -> memref<1000004x32xf32, #tpu.memory_space<hbm>>
    tpu.wait_indirect_dma semaphore(%arg9 : memref<!tpu.dma_semaphore, #tpu.memory_space<semaphore_mem>>) src(%dma_wait3A_1639 : memref<1000004x32xf32, #tpu.memory_space<hbm>>) dst(%dma_wait3A_1633 : memref<128x32xf32, #tpu.memory_space<vmem>>)
    %dma_wait3A_1640 = arith.constant 1 : i32
    %dma_wait3A_1641 = arith.constant 128 : i32
    %dma_wait3A_1642 = arith.constant 0 : i32
    %dma_wait3A_1643 = tpu.memref_slice %arg7[%dma_wait3A_1641, %dma_wait3A_1642] : memref<2048x32xf32, #tpu.memory_space<vmem>> -> memref<128x32xf32, #tpu.memory_space<vmem>>
    %dma_wait3A_1644 = arith.constant 0 : i32
    %dma_wait3A_1645 = tpu.memref_slice %arg6[%dma_wait3A_1640, %dma_wait3A_1644] : memref<16x128xi32, #tpu.memory_space<vmem>> -> memref<1x128xi32, #tpu.memory_space<vmem>>
    %dma_wait3A_1646 = tpu.memref_squeeze %dma_wait3A_1645 : memref<1x128xi32, #tpu.memory_space<vmem>> -> memref<128xi32, #tpu.memory_space<vmem>>
    %dma_wait3A_1647 = arith.constant 0 : i32
    %dma_wait3A_1648 = arith.constant 0 : i32
    %dma_wait3A_1649 = tpu.memref_slice %arg3[%dma_wait3A_1647, %dma_wait3A_1648] : memref<1000004x32xf32, #tpu.memory_space<hbm>> -> memref<1000004x32xf32, #tpu.memory_space<hbm>>
    tpu.wait_indirect_dma semaphore(%arg9 : memref<!tpu.dma_semaphore, #tpu.memory_space<semaphore_mem>>) src(%dma_wait3A_1649 : memref<1000004x32xf32, #tpu.memory_space<hbm>>) dst(%dma_wait3A_1643 : memref<128x32xf32, #tpu.memory_space<vmem>>)
    %dma_wait3A_1650 = arith.constant 2 : i32
    %dma_wait3A_1651 = arith.constant 256 : i32
    %dma_wait3A_1652 = arith.constant 0 : i32
    %dma_wait3A_1653 = tpu.memref_slice %arg7[%dma_wait3A_1651, %dma_wait3A_1652] : memref<2048x32xf32, #tpu.memory_space<vmem>> -> memref<128x32xf32, #tpu.memory_space<vmem>>
    %dma_wait3A_1654 = arith.constant 0 : i32
    %dma_wait3A_1655 = tpu.memref_slice %arg6[%dma_wait3A_1650, %dma_wait3A_1654] : memref<16x128xi32, #tpu.memory_space<vmem>> -> memref<1x128xi32, #tpu.memory_space<vmem>>
    %dma_wait3A_1656 = tpu.memref_squeeze %dma_wait3A_1655 : memref<1x128xi32, #tpu.memory_space<vmem>> -> memref<128xi32, #tpu.memory_space<vmem>>
    %dma_wait3A_1657 = arith.constant 0 : i32
    %dma_wait3A_1658 = arith.constant 0 : i32
    %dma_wait3A_1659 = tpu.memref_slice %arg3[%dma_wait3A_1657, %dma_wait3A_1658] : memref<1000004x32xf32, #tpu.memory_space<hbm>> -> memref<1000004x32xf32, #tpu.memory_space<hbm>>
    tpu.wait_indirect_dma semaphore(%arg9 : memref<!tpu.dma_semaphore, #tpu.memory_space<semaphore_mem>>) src(%dma_wait3A_1659 : memref<1000004x32xf32, #tpu.memory_space<hbm>>) dst(%dma_wait3A_1653 : memref<128x32xf32, #tpu.memory_space<vmem>>)
    %dma_wait3A_1660 = arith.constant 3 : i32
    %dma_wait3A_1661 = arith.constant 384 : i32
    %dma_wait3A_1662 = arith.constant 0 : i32
    %dma_wait3A_1663 = tpu.memref_slice %arg7[%dma_wait3A_1661, %dma_wait3A_1662] : memref<2048x32xf32, #tpu.memory_space<vmem>> -> memref<128x32xf32, #tpu.memory_space<vmem>>
    %dma_wait3A_1664 = arith.constant 0 : i32
    %dma_wait3A_1665 = tpu.memref_slice %arg6[%dma_wait3A_1660, %dma_wait3A_1664] : memref<16x128xi32, #tpu.memory_space<vmem>> -> memref<1x128xi32, #tpu.memory_space<vmem>>
    %dma_wait3A_1666 = tpu.memref_squeeze %dma_wait3A_1665 : memref<1x128xi32, #tpu.memory_space<vmem>> -> memref<128xi32, #tpu.memory_space<vmem>>
    %dma_wait3A_1667 = arith.constant 0 : i32
    %dma_wait3A_1668 = arith.constant 0 : i32
    %dma_wait3A_1669 = tpu.memref_slice %arg3[%dma_wait3A_1667, %dma_wait3A_1668] : memref<1000004x32xf32, #tpu.memory_space<hbm>> -> memref<1000004x32xf32, #tpu.memory_space<hbm>>
    tpu.wait_indirect_dma semaphore(%arg9 : memref<!tpu.dma_semaphore, #tpu.memory_space<semaphore_mem>>) src(%dma_wait3A_1669 : memref<1000004x32xf32, #tpu.memory_space<hbm>>) dst(%dma_wait3A_1663 : memref<128x32xf32, #tpu.memory_space<vmem>>)
    %dma_wait3A_1670 = arith.constant 4 : i32
    %dma_wait3A_1671 = arith.constant 512 : i32
    %dma_wait3A_1672 = arith.constant 0 : i32
    %dma_wait3A_1673 = tpu.memref_slice %arg7[%dma_wait3A_1671, %dma_wait3A_1672] : memref<2048x32xf32, #tpu.memory_space<vmem>> -> memref<128x32xf32, #tpu.memory_space<vmem>>
    %dma_wait3A_1674 = arith.constant 0 : i32
    %dma_wait3A_1675 = tpu.memref_slice %arg6[%dma_wait3A_1670, %dma_wait3A_1674] : memref<16x128xi32, #tpu.memory_space<vmem>> -> memref<1x128xi32, #tpu.memory_space<vmem>>
    %dma_wait3A_1676 = tpu.memref_squeeze %dma_wait3A_1675 : memref<1x128xi32, #tpu.memory_space<vmem>> -> memref<128xi32, #tpu.memory_space<vmem>>
    %dma_wait3A_1677 = arith.constant 0 : i32
    %dma_wait3A_1678 = arith.constant 0 : i32
    %dma_wait3A_1679 = tpu.memref_slice %arg3[%dma_wait3A_1677, %dma_wait3A_1678] : memref<1000004x32xf32, #tpu.memory_space<hbm>> -> memref<1000004x32xf32, #tpu.memory_space<hbm>>
    tpu.wait_indirect_dma semaphore(%arg9 : memref<!tpu.dma_semaphore, #tpu.memory_space<semaphore_mem>>) src(%dma_wait3A_1679 : memref<1000004x32xf32, #tpu.memory_space<hbm>>) dst(%dma_wait3A_1673 : memref<128x32xf32, #tpu.memory_space<vmem>>)
    %dma_wait3A_1680 = arith.constant 5 : i32
    %dma_wait3A_1681 = arith.constant 640 : i32
    %dma_wait3A_1682 = arith.constant 0 : i32
    %dma_wait3A_1683 = tpu.memref_slice %arg7[%dma_wait3A_1681, %dma_wait3A_1682] : memref<2048x32xf32, #tpu.memory_space<vmem>> -> memref<128x32xf32, #tpu.memory_space<vmem>>
    %dma_wait3A_1684 = arith.constant 0 : i32
    %dma_wait3A_1685 = tpu.memref_slice %arg6[%dma_wait3A_1680, %dma_wait3A_1684] : memref<16x128xi32, #tpu.memory_space<vmem>> -> memref<1x128xi32, #tpu.memory_space<vmem>>
    %dma_wait3A_1686 = tpu.memref_squeeze %dma_wait3A_1685 : memref<1x128xi32, #tpu.memory_space<vmem>> -> memref<128xi32, #tpu.memory_space<vmem>>
    %dma_wait3A_1687 = arith.constant 0 : i32
    %dma_wait3A_1688 = arith.constant 0 : i32
    %dma_wait3A_1689 = tpu.memref_slice %arg3[%dma_wait3A_1687, %dma_wait3A_1688] : memref<1000004x32xf32, #tpu.memory_space<hbm>> -> memref<1000004x32xf32, #tpu.memory_space<hbm>>
    tpu.wait_indirect_dma semaphore(%arg9 : memref<!tpu.dma_semaphore, #tpu.memory_space<semaphore_mem>>) src(%dma_wait3A_1689 : memref<1000004x32xf32, #tpu.memory_space<hbm>>) dst(%dma_wait3A_1683 : memref<128x32xf32, #tpu.memory_space<vmem>>)
    %dma_wait3A_1690 = arith.constant 6 : i32
    %dma_wait3A_1691 = arith.constant 768 : i32
    %dma_wait3A_1692 = arith.constant 0 : i32
    %dma_wait3A_1693 = tpu.memref_slice %arg7[%dma_wait3A_1691, %dma_wait3A_1692] : memref<2048x32xf32, #tpu.memory_space<vmem>> -> memref<128x32xf32, #tpu.memory_space<vmem>>
    %dma_wait3A_1694 = arith.constant 0 : i32
    %dma_wait3A_1695 = tpu.memref_slice %arg6[%dma_wait3A_1690, %dma_wait3A_1694] : memref<16x128xi32, #tpu.memory_space<vmem>> -> memref<1x128xi32, #tpu.memory_space<vmem>>
    %dma_wait3A_1696 = tpu.memref_squeeze %dma_wait3A_1695 : memref<1x128xi32, #tpu.memory_space<vmem>> -> memref<128xi32, #tpu.memory_space<vmem>>
    %dma_wait3A_1697 = arith.constant 0 : i32
    %dma_wait3A_1698 = arith.constant 0 : i32
    %dma_wait3A_1699 = tpu.memref_slice %arg3[%dma_wait3A_1697, %dma_wait3A_1698] : memref<1000004x32xf32, #tpu.memory_space<hbm>> -> memref<1000004x32xf32, #tpu.memory_space<hbm>>
    tpu.wait_indirect_dma semaphore(%arg9 : memref<!tpu.dma_semaphore, #tpu.memory_space<semaphore_mem>>) src(%dma_wait3A_1699 : memref<1000004x32xf32, #tpu.memory_space<hbm>>) dst(%dma_wait3A_1693 : memref<128x32xf32, #tpu.memory_space<vmem>>)
    %dma_wait3A_1700 = arith.constant 7 : i32
    %dma_wait3A_1701 = arith.constant 896 : i32
    %dma_wait3A_1702 = arith.constant 0 : i32
    %dma_wait3A_1703 = tpu.memref_slice %arg7[%dma_wait3A_1701, %dma_wait3A_1702] : memref<2048x32xf32, #tpu.memory_space<vmem>> -> memref<128x32xf32, #tpu.memory_space<vmem>>
    %dma_wait3A_1704 = arith.constant 0 : i32
    %dma_wait3A_1705 = tpu.memref_slice %arg6[%dma_wait3A_1700, %dma_wait3A_1704] : memref<16x128xi32, #tpu.memory_space<vmem>> -> memref<1x128xi32, #tpu.memory_space<vmem>>
    %dma_wait3A_1706 = tpu.memref_squeeze %dma_wait3A_1705 : memref<1x128xi32, #tpu.memory_space<vmem>> -> memref<128xi32, #tpu.memory_space<vmem>>
    %dma_wait3A_1707 = arith.constant 0 : i32
    %dma_wait3A_1708 = arith.constant 0 : i32
    %dma_wait3A_1709 = tpu.memref_slice %arg3[%dma_wait3A_1707, %dma_wait3A_1708] : memref<1000004x32xf32, #tpu.memory_space<hbm>> -> memref<1000004x32xf32, #tpu.memory_space<hbm>>
    tpu.wait_indirect_dma semaphore(%arg9 : memref<!tpu.dma_semaphore, #tpu.memory_space<semaphore_mem>>) src(%dma_wait3A_1709 : memref<1000004x32xf32, #tpu.memory_space<hbm>>) dst(%dma_wait3A_1703 : memref<128x32xf32, #tpu.memory_space<vmem>>)
    %dma_wait3A_1710 = arith.constant 8 : i32
    %dma_wait3A_1711 = arith.constant 1024 : i32
    %dma_wait3A_1712 = arith.constant 0 : i32
    %dma_wait3A_1713 = tpu.memref_slice %arg7[%dma_wait3A_1711, %dma_wait3A_1712] : memref<2048x32xf32, #tpu.memory_space<vmem>> -> memref<128x32xf32, #tpu.memory_space<vmem>>
    %dma_wait3A_1714 = arith.constant 0 : i32
    %dma_wait3A_1715 = tpu.memref_slice %arg6[%dma_wait3A_1710, %dma_wait3A_1714] : memref<16x128xi32, #tpu.memory_space<vmem>> -> memref<1x128xi32, #tpu.memory_space<vmem>>
    %dma_wait3A_1716 = tpu.memref_squeeze %dma_wait3A_1715 : memref<1x128xi32, #tpu.memory_space<vmem>> -> memref<128xi32, #tpu.memory_space<vmem>>
    %dma_wait3A_1717 = arith.constant 0 : i32
    %dma_wait3A_1718 = arith.constant 0 : i32
    %dma_wait3A_1719 = tpu.memref_slice %arg3[%dma_wait3A_1717, %dma_wait3A_1718] : memref<1000004x32xf32, #tpu.memory_space<hbm>> -> memref<1000004x32xf32, #tpu.memory_space<hbm>>
    tpu.wait_indirect_dma semaphore(%arg9 : memref<!tpu.dma_semaphore, #tpu.memory_space<semaphore_mem>>) src(%dma_wait3A_1719 : memref<1000004x32xf32, #tpu.memory_space<hbm>>) dst(%dma_wait3A_1713 : memref<128x32xf32, #tpu.memory_space<vmem>>)
    %dma_wait3A_1720 = arith.constant 9 : i32
    %dma_wait3A_1721 = arith.constant 1152 : i32
    %dma_wait3A_1722 = arith.constant 0 : i32
    %dma_wait3A_1723 = tpu.memref_slice %arg7[%dma_wait3A_1721, %dma_wait3A_1722] : memref<2048x32xf32, #tpu.memory_space<vmem>> -> memref<128x32xf32, #tpu.memory_space<vmem>>
    %dma_wait3A_1724 = arith.constant 0 : i32
    %dma_wait3A_1725 = tpu.memref_slice %arg6[%dma_wait3A_1720, %dma_wait3A_1724] : memref<16x128xi32, #tpu.memory_space<vmem>> -> memref<1x128xi32, #tpu.memory_space<vmem>>
    %dma_wait3A_1726 = tpu.memref_squeeze %dma_wait3A_1725 : memref<1x128xi32, #tpu.memory_space<vmem>> -> memref<128xi32, #tpu.memory_space<vmem>>
    %dma_wait3A_1727 = arith.constant 0 : i32
    %dma_wait3A_1728 = arith.constant 0 : i32
    %dma_wait3A_1729 = tpu.memref_slice %arg3[%dma_wait3A_1727, %dma_wait3A_1728] : memref<1000004x32xf32, #tpu.memory_space<hbm>> -> memref<1000004x32xf32, #tpu.memory_space<hbm>>
    tpu.wait_indirect_dma semaphore(%arg9 : memref<!tpu.dma_semaphore, #tpu.memory_space<semaphore_mem>>) src(%dma_wait3A_1729 : memref<1000004x32xf32, #tpu.memory_space<hbm>>) dst(%dma_wait3A_1723 : memref<128x32xf32, #tpu.memory_space<vmem>>)
    %dma_wait3A_1730 = arith.constant 10 : i32
    %dma_wait3A_1731 = arith.constant 1280 : i32
    %dma_wait3A_1732 = arith.constant 0 : i32
    %dma_wait3A_1733 = tpu.memref_slice %arg7[%dma_wait3A_1731, %dma_wait3A_1732] : memref<2048x32xf32, #tpu.memory_space<vmem>> -> memref<128x32xf32, #tpu.memory_space<vmem>>
    %dma_wait3A_1734 = arith.constant 0 : i32
    %dma_wait3A_1735 = tpu.memref_slice %arg6[%dma_wait3A_1730, %dma_wait3A_1734] : memref<16x128xi32, #tpu.memory_space<vmem>> -> memref<1x128xi32, #tpu.memory_space<vmem>>
    %dma_wait3A_1736 = tpu.memref_squeeze %dma_wait3A_1735 : memref<1x128xi32, #tpu.memory_space<vmem>> -> memref<128xi32, #tpu.memory_space<vmem>>
    %dma_wait3A_1737 = arith.constant 0 : i32
    %dma_wait3A_1738 = arith.constant 0 : i32
    %dma_wait3A_1739 = tpu.memref_slice %arg3[%dma_wait3A_1737, %dma_wait3A_1738] : memref<1000004x32xf32, #tpu.memory_space<hbm>> -> memref<1000004x32xf32, #tpu.memory_space<hbm>>
    tpu.wait_indirect_dma semaphore(%arg9 : memref<!tpu.dma_semaphore, #tpu.memory_space<semaphore_mem>>) src(%dma_wait3A_1739 : memref<1000004x32xf32, #tpu.memory_space<hbm>>) dst(%dma_wait3A_1733 : memref<128x32xf32, #tpu.memory_space<vmem>>)
    %dma_wait3A_1740 = arith.constant 11 : i32
    %dma_wait3A_1741 = arith.constant 1408 : i32
    %dma_wait3A_1742 = arith.constant 0 : i32
    %dma_wait3A_1743 = tpu.memref_slice %arg7[%dma_wait3A_1741, %dma_wait3A_1742] : memref<2048x32xf32, #tpu.memory_space<vmem>> -> memref<128x32xf32, #tpu.memory_space<vmem>>
    %dma_wait3A_1744 = arith.constant 0 : i32
    %dma_wait3A_1745 = tpu.memref_slice %arg6[%dma_wait3A_1740, %dma_wait3A_1744] : memref<16x128xi32, #tpu.memory_space<vmem>> -> memref<1x128xi32, #tpu.memory_space<vmem>>
    %dma_wait3A_1746 = tpu.memref_squeeze %dma_wait3A_1745 : memref<1x128xi32, #tpu.memory_space<vmem>> -> memref<128xi32, #tpu.memory_space<vmem>>
    %dma_wait3A_1747 = arith.constant 0 : i32
    %dma_wait3A_1748 = arith.constant 0 : i32
    %dma_wait3A_1749 = tpu.memref_slice %arg3[%dma_wait3A_1747, %dma_wait3A_1748] : memref<1000004x32xf32, #tpu.memory_space<hbm>> -> memref<1000004x32xf32, #tpu.memory_space<hbm>>
    tpu.wait_indirect_dma semaphore(%arg9 : memref<!tpu.dma_semaphore, #tpu.memory_space<semaphore_mem>>) src(%dma_wait3A_1749 : memref<1000004x32xf32, #tpu.memory_space<hbm>>) dst(%dma_wait3A_1743 : memref<128x32xf32, #tpu.memory_space<vmem>>)
    %dma_wait3A_1750 = arith.constant 12 : i32
    %dma_wait3A_1751 = arith.constant 1536 : i32
    %dma_wait3A_1752 = arith.constant 0 : i32
    %dma_wait3A_1753 = tpu.memref_slice %arg7[%dma_wait3A_1751, %dma_wait3A_1752] : memref<2048x32xf32, #tpu.memory_space<vmem>> -> memref<128x32xf32, #tpu.memory_space<vmem>>
    %dma_wait3A_1754 = arith.constant 0 : i32
    %dma_wait3A_1755 = tpu.memref_slice %arg6[%dma_wait3A_1750, %dma_wait3A_1754] : memref<16x128xi32, #tpu.memory_space<vmem>> -> memref<1x128xi32, #tpu.memory_space<vmem>>
    %dma_wait3A_1756 = tpu.memref_squeeze %dma_wait3A_1755 : memref<1x128xi32, #tpu.memory_space<vmem>> -> memref<128xi32, #tpu.memory_space<vmem>>
    %dma_wait3A_1757 = arith.constant 0 : i32
    %dma_wait3A_1758 = arith.constant 0 : i32
    %dma_wait3A_1759 = tpu.memref_slice %arg3[%dma_wait3A_1757, %dma_wait3A_1758] : memref<1000004x32xf32, #tpu.memory_space<hbm>> -> memref<1000004x32xf32, #tpu.memory_space<hbm>>
    tpu.wait_indirect_dma semaphore(%arg9 : memref<!tpu.dma_semaphore, #tpu.memory_space<semaphore_mem>>) src(%dma_wait3A_1759 : memref<1000004x32xf32, #tpu.memory_space<hbm>>) dst(%dma_wait3A_1753 : memref<128x32xf32, #tpu.memory_space<vmem>>)
    %dma_wait3A_1760 = arith.constant 13 : i32
    %dma_wait3A_1761 = arith.constant 1664 : i32
    %dma_wait3A_1762 = arith.constant 0 : i32
    %dma_wait3A_1763 = tpu.memref_slice %arg7[%dma_wait3A_1761, %dma_wait3A_1762] : memref<2048x32xf32, #tpu.memory_space<vmem>> -> memref<128x32xf32, #tpu.memory_space<vmem>>
    %dma_wait3A_1764 = arith.constant 0 : i32
    %dma_wait3A_1765 = tpu.memref_slice %arg6[%dma_wait3A_1760, %dma_wait3A_1764] : memref<16x128xi32, #tpu.memory_space<vmem>> -> memref<1x128xi32, #tpu.memory_space<vmem>>
    %dma_wait3A_1766 = tpu.memref_squeeze %dma_wait3A_1765 : memref<1x128xi32, #tpu.memory_space<vmem>> -> memref<128xi32, #tpu.memory_space<vmem>>
    %dma_wait3A_1767 = arith.constant 0 : i32
    %dma_wait3A_1768 = arith.constant 0 : i32
    %dma_wait3A_1769 = tpu.memref_slice %arg3[%dma_wait3A_1767, %dma_wait3A_1768] : memref<1000004x32xf32, #tpu.memory_space<hbm>> -> memref<1000004x32xf32, #tpu.memory_space<hbm>>
    tpu.wait_indirect_dma semaphore(%arg9 : memref<!tpu.dma_semaphore, #tpu.memory_space<semaphore_mem>>) src(%dma_wait3A_1769 : memref<1000004x32xf32, #tpu.memory_space<hbm>>) dst(%dma_wait3A_1763 : memref<128x32xf32, #tpu.memory_space<vmem>>)
    %dma_wait3A_1770 = arith.constant 14 : i32
    %dma_wait3A_1771 = arith.constant 1792 : i32
    %dma_wait3A_1772 = arith.constant 0 : i32
    %dma_wait3A_1773 = tpu.memref_slice %arg7[%dma_wait3A_1771, %dma_wait3A_1772] : memref<2048x32xf32, #tpu.memory_space<vmem>> -> memref<128x32xf32, #tpu.memory_space<vmem>>
    %dma_wait3A_1774 = arith.constant 0 : i32
    %dma_wait3A_1775 = tpu.memref_slice %arg6[%dma_wait3A_1770, %dma_wait3A_1774] : memref<16x128xi32, #tpu.memory_space<vmem>> -> memref<1x128xi32, #tpu.memory_space<vmem>>
    %dma_wait3A_1776 = tpu.memref_squeeze %dma_wait3A_1775 : memref<1x128xi32, #tpu.memory_space<vmem>> -> memref<128xi32, #tpu.memory_space<vmem>>
    %dma_wait3A_1777 = arith.constant 0 : i32
    %dma_wait3A_1778 = arith.constant 0 : i32
    %dma_wait3A_1779 = tpu.memref_slice %arg3[%dma_wait3A_1777, %dma_wait3A_1778] : memref<1000004x32xf32, #tpu.memory_space<hbm>> -> memref<1000004x32xf32, #tpu.memory_space<hbm>>
    tpu.wait_indirect_dma semaphore(%arg9 : memref<!tpu.dma_semaphore, #tpu.memory_space<semaphore_mem>>) src(%dma_wait3A_1779 : memref<1000004x32xf32, #tpu.memory_space<hbm>>) dst(%dma_wait3A_1773 : memref<128x32xf32, #tpu.memory_space<vmem>>)
    %dma_wait3A_1780 = arith.constant 15 : i32
    %dma_wait3A_1781 = arith.constant 1920 : i32
    %dma_wait3A_1782 = arith.constant 0 : i32
    %dma_wait3A_1783 = tpu.memref_slice %arg7[%dma_wait3A_1781, %dma_wait3A_1782] : memref<2048x32xf32, #tpu.memory_space<vmem>> -> memref<128x32xf32, #tpu.memory_space<vmem>>
    %dma_wait3A_1784 = arith.constant 0 : i32
    %dma_wait3A_1785 = tpu.memref_slice %arg6[%dma_wait3A_1780, %dma_wait3A_1784] : memref<16x128xi32, #tpu.memory_space<vmem>> -> memref<1x128xi32, #tpu.memory_space<vmem>>
    %dma_wait3A_1786 = tpu.memref_squeeze %dma_wait3A_1785 : memref<1x128xi32, #tpu.memory_space<vmem>> -> memref<128xi32, #tpu.memory_space<vmem>>
    %dma_wait3A_1787 = arith.constant 0 : i32
    %dma_wait3A_1788 = arith.constant 0 : i32
    %dma_wait3A_1789 = tpu.memref_slice %arg3[%dma_wait3A_1787, %dma_wait3A_1788] : memref<1000004x32xf32, #tpu.memory_space<hbm>> -> memref<1000004x32xf32, #tpu.memory_space<hbm>>
    tpu.wait_indirect_dma semaphore(%arg9 : memref<!tpu.dma_semaphore, #tpu.memory_space<semaphore_mem>>) src(%dma_wait3A_1789 : memref<1000004x32xf32, #tpu.memory_space<hbm>>) dst(%dma_wait3A_1783 : memref<128x32xf32, #tpu.memory_space<vmem>>)
    %scan3A = arith.constant 0 : i32
    %scan3A_1790 = arith.constant 0 : i32
    %scan3A_1791 = arith.constant 32 : i32
    %scan3A_1792 = arith.addi %scan3A_1790, %scan3A_1791 : i32
    %scan3A_1793 = arith.constant 1 : i32
    scf.for %scan3A_1795 = %scan3A_1790 to %scan3A_1792 step %scan3A_1793  : i32 {
      %mul3A_1796 = arith.constant 16 : i32
      %mul3A_1797 = arith.muli %scan3A_1795, %mul3A_1796 : i32
      %get3A_1798 = arith.index_cast %mul3A_1797 : i32 to index
      %get3A_1799 = tpu.vector_load %arg5[%get3A_1798] {strides = array<i32>} : memref<512xf32, #tpu.memory_space<vmem>>, vector<16xf32>,
      %get3A_1800 = vector.shape_cast %get3A_1799 : vector<16xf32> to vector<16xf32>
      %mul3A_1801 = arith.constant 1.000000e+06 : f32
      %mul3A_1802 = vector.broadcast %mul3A_1801 : f32 to vector<16xf32>
      %mul3A_1803 = arith.mulf %get3A_1800, %mul3A_1802 : vector<16xf32>
      %add3A_1804 = arith.constant 1.000000e+00 : f32
      %add3A_1805 = vector.broadcast %add3A_1804 : f32 to vector<16xf32>
      %add3A_1806 = arith.addf %mul3A_1803, %add3A_1805 : vector<16xf32>
      %convert_element_type3A_1807 = arith.fptosi %add3A_1806 : vector<16xf32> to vector<16xi32>
      %convert_element_type3A_1808 = arith.sitofp %convert_element_type3A_1807 : vector<16xi32> to vector<16xf32>
      %sub3A = arith.subf %add3A_1806, %convert_element_type3A_1808 : vector<16xf32>
      %mul3A_1809 = arith.mulf %sub3A, %sub3A : vector<16xf32>
      %mul3A_1810 = arith.mulf %mul3A_1809, %sub3A : vector<16xf32>
      %mul3A_1811 = arith.constant 0.166666672 : f32
      %mul3A_1812 = vector.broadcast %mul3A_1811 : f32 to vector<16xf32>
      %mul3A_1813 = arith.mulf %mul3A_1810, %mul3A_1812 : vector<16xf32>
      %mul3A_1814 = arith.constant 5.000000e-01 : f32
      %mul3A_1815 = vector.broadcast %mul3A_1814 : f32 to vector<16xf32>
      %mul3A_1816 = arith.mulf %mul3A_1815, %sub3A : vector<16xf32>
      %sub3A_1817 = arith.constant 0.166666672 : f32
      %sub3A_1818 = vector.broadcast %sub3A_1817 : f32 to vector<16xf32>
      %sub3A_1819 = arith.subf %sub3A_1818, %mul3A_1816 : vector<16xf32>
      %mul3A_1820 = arith.constant 5.000000e-01 : f32
      %mul3A_1821 = vector.broadcast %mul3A_1820 : f32 to vector<16xf32>
      %mul3A_1822 = arith.mulf %mul3A_1821, %mul3A_1809 : vector<16xf32>
      %add3A_1823 = arith.addf %sub3A_1819, %mul3A_1822 : vector<16xf32>
      %sub3A_1824 = arith.subf %add3A_1823, %mul3A_1813 : vector<16xf32>
      %sub3A_1825 = arith.constant 0.666666686 : f32
      %sub3A_1826 = vector.broadcast %sub3A_1825 : f32 to vector<16xf32>
      %sub3A_1827 = arith.subf %sub3A_1826, %mul3A_1809 : vector<16xf32>
      %mul3A_1828 = arith.constant 5.000000e-01 : f32
      %mul3A_1829 = vector.broadcast %mul3A_1828 : f32 to vector<16xf32>
      %mul3A_1830 = arith.mulf %mul3A_1829, %mul3A_1810 : vector<16xf32>
      %add3A_1831 = arith.addf %sub3A_1827, %mul3A_1830 : vector<16xf32>
      %mul3A_1832 = arith.constant 5.000000e-01 : f32
      %mul3A_1833 = vector.broadcast %mul3A_1832 : f32 to vector<16xf32>
      %mul3A_1834 = arith.mulf %mul3A_1833, %sub3A : vector<16xf32>
      %add3A_1835 = arith.constant 0.166666672 : f32
      %add3A_1836 = vector.broadcast %add3A_1835 : f32 to vector<16xf32>
      %add3A_1837 = arith.addf %add3A_1836, %mul3A_1834 : vector<16xf32>
      %mul3A_1838 = arith.constant 5.000000e-01 : f32
      %mul3A_1839 = vector.broadcast %mul3A_1838 : f32 to vector<16xf32>
      %mul3A_1840 = arith.mulf %mul3A_1839, %mul3A_1809 : vector<16xf32>
      %add3A_1841 = arith.addf %add3A_1837, %mul3A_1840 : vector<16xf32>
      %mul3A_1842 = arith.constant 5.000000e-01 : f32
      %mul3A_1843 = vector.broadcast %mul3A_1842 : f32 to vector<16xf32>
      %mul3A_1844 = arith.mulf %mul3A_1843, %mul3A_1810 : vector<16xf32>
      %sub3A_1845 = arith.subf %add3A_1841, %mul3A_1844 : vector<16xf32>
      %mul3A_1846 = arith.constant 16 : i32
      %mul3A_1847 = arith.muli %scan3A_1795, %mul3A_1846 : i32
      %broadcast_in_dim3A = arith.constant 0 : i32
      %broadcast_in_dim3A_1848 = vector.broadcast %broadcast_in_dim3A : i32 to vector<16x1xi32>
      %gather3A = vector.shape_cast %broadcast_in_dim3A_1848 : vector<16x1xi32> to vector<16xi32>
      %gather3A_1849 = tpu.dynamic_gather %sub3A_1824[%gather3A] in [0] : vector<16xf32>, vector<16xi32> -> vector<16xf32>
      %broadcast_in_dim3A_1850 = arith.constant 0 : i32
      %broadcast_in_dim3A_1851 = vector.broadcast %broadcast_in_dim3A_1850 : i32 to vector<16x1xi32>
      %gather3A_1852 = vector.shape_cast %broadcast_in_dim3A_1851 : vector<16x1xi32> to vector<16xi32>
      %gather3A_1853 = tpu.dynamic_gather %add3A_1831[%gather3A_1852] in [0] : vector<16xf32>, vector<16xi32> -> vector<16xf32>
      %broadcast_in_dim3A_1854 = arith.constant 0 : i32
      %broadcast_in_dim3A_1855 = vector.broadcast %broadcast_in_dim3A_1854 : i32 to vector<16x1xi32>
      %gather3A_1856 = vector.shape_cast %broadcast_in_dim3A_1855 : vector<16x1xi32> to vector<16xi32>
      %gather3A_1857 = tpu.dynamic_gather %sub3A_1845[%gather3A_1856] in [0] : vector<16xf32>, vector<16xi32> -> vector<16xf32>
      %broadcast_in_dim3A_1858 = arith.constant 0 : i32
      %broadcast_in_dim3A_1859 = vector.broadcast %broadcast_in_dim3A_1858 : i32 to vector<16x1xi32>
      %gather3A_1860 = vector.shape_cast %broadcast_in_dim3A_1859 : vector<16x1xi32> to vector<16xi32>
      %gather3A_1861 = tpu.dynamic_gather %mul3A_1813[%gather3A_1860] in [0] : vector<16xf32>, vector<16xi32> -> vector<16xf32>
      %add3A_1862 = arith.constant 0 : i32
      %add3A_1863 = arith.addi %mul3A_1847, %add3A_1862 : i32
      %get3A_1864 = arith.index_cast %add3A_1863 : i32 to index
      %get3A_1865 = arith.constant 0 : index
      %get3A_1866 = tpu.vector_load %arg7[%get3A_1864, %get3A_1865] {strides = array<i32>} : memref<2048x32xf32, #tpu.memory_space<vmem>>, vector<1x16xf32>,
      %get3A_1867 = vector.shape_cast %get3A_1866 : vector<1x16xf32> to vector<16xf32>
      %add3A_1868 = arith.constant 512 : i32
      %add3A_1869 = arith.addi %add3A_1868, %add3A_1863 : i32
      %get3A_1870 = arith.index_cast %add3A_1869 : i32 to index
      %get3A_1871 = arith.constant 0 : index
      %get3A_1872 = tpu.vector_load %arg7[%get3A_1870, %get3A_1871] {strides = array<i32>} : memref<2048x32xf32, #tpu.memory_space<vmem>>, vector<1x16xf32>,
      %get3A_1873 = vector.shape_cast %get3A_1872 : vector<1x16xf32> to vector<16xf32>
      %add3A_1874 = arith.constant 1024 : i32
      %add3A_1875 = arith.addi %add3A_1874, %add3A_1863 : i32
      %get3A_1876 = arith.index_cast %add3A_1875 : i32 to index
      %get3A_1877 = arith.constant 0 : index
      %get3A_1878 = tpu.vector_load %arg7[%get3A_1876, %get3A_1877] {strides = array<i32>} : memref<2048x32xf32, #tpu.memory_space<vmem>>, vector<1x16xf32>,
      %get3A_1879 = vector.shape_cast %get3A_1878 : vector<1x16xf32> to vector<16xf32>
      %add3A_1880 = arith.constant 1536 : i32
      %add3A_1881 = arith.addi %add3A_1880, %add3A_1863 : i32
      %get3A_1882 = arith.index_cast %add3A_1881 : i32 to index
      %get3A_1883 = arith.constant 0 : index
      %get3A_1884 = tpu.vector_load %arg7[%get3A_1882, %get3A_1883] {strides = array<i32>} : memref<2048x32xf32, #tpu.memory_space<vmem>>, vector<1x16xf32>,
      %get3A_1885 = vector.shape_cast %get3A_1884 : vector<1x16xf32> to vector<16xf32>
      %mul3A_1886 = arith.mulf %gather3A_1849, %get3A_1867 : vector<16xf32>
      %mul3A_1887 = arith.mulf %gather3A_1853, %get3A_1873 : vector<16xf32>
      %add3A_1888 = arith.addf %mul3A_1886, %mul3A_1887 : vector<16xf32>
      %mul3A_1889 = arith.mulf %gather3A_1857, %get3A_1879 : vector<16xf32>
      %add3A_1890 = arith.addf %add3A_1888, %mul3A_1889 : vector<16xf32>
      %mul3A_1891 = arith.mulf %gather3A_1861, %get3A_1885 : vector<16xf32>
      %add3A_1892 = arith.addf %add3A_1890, %mul3A_1891 : vector<16xf32>
      %swap3A_1893 = arith.index_cast %add3A_1863 : i32 to index
      %swap3A_1894 = arith.constant 0 : index
      %swap3A_1895 = tpu.vector_load %arg8[%swap3A_1893, %swap3A_1894] {strides = array<i32>} : memref<512x32xf32, #tpu.memory_space<vmem>>, vector<1x16xf32>,
      %swap3A_1896 = vector.shape_cast %swap3A_1895 : vector<1x16xf32> to vector<16xf32>
      %swap3A_1897 = vector.shape_cast %add3A_1892 : vector<16xf32> to vector<1x16xf32>
      tpu.vector_store %arg8[%swap3A_1893, %swap3A_1894], %swap3A_1897 {strides = array<i32>} : memref<512x32xf32, #tpu.memory_space<vmem>>, vector<1x16xf32>,
      %get3A_1898 = arith.index_cast %add3A_1863 : i32 to index
      %get3A_1899 = arith.constant 16 : index
      %get3A_1900 = tpu.vector_load %arg7[%get3A_1898, %get3A_1899] {strides = array<i32>} : memref<2048x32xf32, #tpu.memory_space<vmem>>, vector<1x16xf32>,
      %get3A_1901 = vector.shape_cast %get3A_1900 : vector<1x16xf32> to vector<16xf32>
      %add3A_1902 = arith.constant 512 : i32
      %add3A_1903 = arith.addi %add3A_1902, %add3A_1863 : i32
      %get3A_1904 = arith.index_cast %add3A_1903 : i32 to index
      %get3A_1905 = arith.constant 16 : index
      %get3A_1906 = tpu.vector_load %arg7[%get3A_1904, %get3A_1905] {strides = array<i32>} : memref<2048x32xf32, #tpu.memory_space<vmem>>, vector<1x16xf32>,
      %get3A_1907 = vector.shape_cast %get3A_1906 : vector<1x16xf32> to vector<16xf32>
      %add3A_1908 = arith.constant 1024 : i32
      %add3A_1909 = arith.addi %add3A_1908, %add3A_1863 : i32
      %get3A_1910 = arith.index_cast %add3A_1909 : i32 to index
      %get3A_1911 = arith.constant 16 : index
      %get3A_1912 = tpu.vector_load %arg7[%get3A_1910, %get3A_1911] {strides = array<i32>} : memref<2048x32xf32, #tpu.memory_space<vmem>>, vector<1x16xf32>,
      %get3A_1913 = vector.shape_cast %get3A_1912 : vector<1x16xf32> to vector<16xf32>
      %add3A_1914 = arith.constant 1536 : i32
      %add3A_1915 = arith.addi %add3A_1914, %add3A_1863 : i32
      %get3A_1916 = arith.index_cast %add3A_1915 : i32 to index
      %get3A_1917 = arith.constant 16 : index
      %get3A_1918 = tpu.vector_load %arg7[%get3A_1916, %get3A_1917] {strides = array<i32>} : memref<2048x32xf32, #tpu.memory_space<vmem>>, vector<1x16xf32>,
      %get3A_1919 = vector.shape_cast %get3A_1918 : vector<1x16xf32> to vector<16xf32>
      %mul3A_1920 = arith.mulf %gather3A_1849, %get3A_1901 : vector<16xf32>
      %mul3A_1921 = arith.mulf %gather3A_1853, %get3A_1907 : vector<16xf32>
      %add3A_1922 = arith.addf %mul3A_1920, %mul3A_1921 : vector<16xf32>
      %mul3A_1923 = arith.mulf %gather3A_1857, %get3A_1913 : vector<16xf32>
      %add3A_1924 = arith.addf %add3A_1922, %mul3A_1923 : vector<16xf32>
      %mul3A_1925 = arith.mulf %gather3A_1861, %get3A_1919 : vector<16xf32>
      %add3A_1926 = arith.addf %add3A_1924, %mul3A_1925 : vector<16xf32>
      %swap3A_1927 = arith.index_cast %add3A_1863 : i32 to index
      %swap3A_1928 = arith.constant 16 : index
      %swap3A_1929 = tpu.vector_load %arg8[%swap3A_1927, %swap3A_1928] {strides = array<i32>} : memref<512x32xf32, #tpu.memory_space<vmem>>, vector<1x16xf32>,
      %swap3A_1930 = vector.shape_cast %swap3A_1929 : vector<1x16xf32> to vector<16xf32>
      %swap3A_1931 = vector.shape_cast %add3A_1926 : vector<16xf32> to vector<1x16xf32>
      tpu.vector_store %arg8[%swap3A_1927, %swap3A_1928], %swap3A_1931 {strides = array<i32>} : memref<512x32xf32, #tpu.memory_space<vmem>>, vector<1x16xf32>,
      %broadcast_in_dim3A_1932 = arith.constant 1 : i32
      %broadcast_in_dim3A_1933 = vector.broadcast %broadcast_in_dim3A_1932 : i32 to vector<16x1xi32>
      %gather3A_1934 = vector.shape_cast %broadcast_in_dim3A_1933 : vector<16x1xi32> to vector<16xi32>
      %gather3A_1935 = tpu.dynamic_gather %sub3A_1824[%gather3A_1934] in [0] : vector<16xf32>, vector<16xi32> -> vector<16xf32>
      %broadcast_in_dim3A_1936 = arith.constant 1 : i32
      %broadcast_in_dim3A_1937 = vector.broadcast %broadcast_in_dim3A_1936 : i32 to vector<16x1xi32>
      %gather3A_1938 = vector.shape_cast %broadcast_in_dim3A_1937 : vector<16x1xi32> to vector<16xi32>
      %gather3A_1939 = tpu.dynamic_gather %add3A_1831[%gather3A_1938] in [0] : vector<16xf32>, vector<16xi32> -> vector<16xf32>
      %broadcast_in_dim3A_1940 = arith.constant 1 : i32
      %broadcast_in_dim3A_1941 = vector.broadcast %broadcast_in_dim3A_1940 : i32 to vector<16x1xi32>
      %gather3A_1942 = vector.shape_cast %broadcast_in_dim3A_1941 : vector<16x1xi32> to vector<16xi32>
      %gather3A_1943 = tpu.dynamic_gather %sub3A_1845[%gather3A_1942] in [0] : vector<16xf32>, vector<16xi32> -> vector<16xf32>
      %broadcast_in_dim3A_1944 = arith.constant 1 : i32
      %broadcast_in_dim3A_1945 = vector.broadcast %broadcast_in_dim3A_1944 : i32 to vector<16x1xi32>
      %gather3A_1946 = vector.shape_cast %broadcast_in_dim3A_1945 : vector<16x1xi32> to vector<16xi32>
      %gather3A_1947 = tpu.dynamic_gather %mul3A_1813[%gather3A_1946] in [0] : vector<16xf32>, vector<16xi32> -> vector<16xf32>
      %add3A_1948 = arith.constant 1 : i32
      %add3A_1949 = arith.addi %mul3A_1847, %add3A_1948 : i32
      %get3A_1950 = arith.index_cast %add3A_1949 : i32 to index
      %get3A_1951 = arith.constant 0 : index
      %get3A_1952 = tpu.vector_load %arg7[%get3A_1950, %get3A_1951] {strides = array<i32>} : memref<2048x32xf32, #tpu.memory_space<vmem>>, vector<1x16xf32>,
      %get3A_1953 = vector.shape_cast %get3A_1952 : vector<1x16xf32> to vector<16xf32>
      %add3A_1954 = arith.constant 512 : i32
      %add3A_1955 = arith.addi %add3A_1954, %add3A_1949 : i32
      %get3A_1956 = arith.index_cast %add3A_1955 : i32 to index
      %get3A_1957 = arith.constant 0 : index
      %get3A_1958 = tpu.vector_load %arg7[%get3A_1956, %get3A_1957] {strides = array<i32>} : memref<2048x32xf32, #tpu.memory_space<vmem>>, vector<1x16xf32>,
      %get3A_1959 = vector.shape_cast %get3A_1958 : vector<1x16xf32> to vector<16xf32>
      %add3A_1960 = arith.constant 1024 : i32
      %add3A_1961 = arith.addi %add3A_1960, %add3A_1949 : i32
      %get3A_1962 = arith.index_cast %add3A_1961 : i32 to index
      %get3A_1963 = arith.constant 0 : index
      %get3A_1964 = tpu.vector_load %arg7[%get3A_1962, %get3A_1963] {strides = array<i32>} : memref<2048x32xf32, #tpu.memory_space<vmem>>, vector<1x16xf32>,
      %get3A_1965 = vector.shape_cast %get3A_1964 : vector<1x16xf32> to vector<16xf32>
      %add3A_1966 = arith.constant 1536 : i32
      %add3A_1967 = arith.addi %add3A_1966, %add3A_1949 : i32
      %get3A_1968 = arith.index_cast %add3A_1967 : i32 to index
      %get3A_1969 = arith.constant 0 : index
      %get3A_1970 = tpu.vector_load %arg7[%get3A_1968, %get3A_1969] {strides = array<i32>} : memref<2048x32xf32, #tpu.memory_space<vmem>>, vector<1x16xf32>,
      %get3A_1971 = vector.shape_cast %get3A_1970 : vector<1x16xf32> to vector<16xf32>
      %mul3A_1972 = arith.mulf %gather3A_1935, %get3A_1953 : vector<16xf32>
      %mul3A_1973 = arith.mulf %gather3A_1939, %get3A_1959 : vector<16xf32>
      %add3A_1974 = arith.addf %mul3A_1972, %mul3A_1973 : vector<16xf32>
      %mul3A_1975 = arith.mulf %gather3A_1943, %get3A_1965 : vector<16xf32>
      %add3A_1976 = arith.addf %add3A_1974, %mul3A_1975 : vector<16xf32>
      %mul3A_1977 = arith.mulf %gather3A_1947, %get3A_1971 : vector<16xf32>
      %add3A_1978 = arith.addf %add3A_1976, %mul3A_1977 : vector<16xf32>
      %swap3A_1979 = arith.index_cast %add3A_1949 : i32 to index
      %swap3A_1980 = arith.constant 0 : index
      %swap3A_1981 = tpu.vector_load %arg8[%swap3A_1979, %swap3A_1980] {strides = array<i32>} : memref<512x32xf32, #tpu.memory_space<vmem>>, vector<1x16xf32>,
      %swap3A_1982 = vector.shape_cast %swap3A_1981 : vector<1x16xf32> to vector<16xf32>
      %swap3A_1983 = vector.shape_cast %add3A_1978 : vector<16xf32> to vector<1x16xf32>
      tpu.vector_store %arg8[%swap3A_1979, %swap3A_1980], %swap3A_1983 {strides = array<i32>} : memref<512x32xf32, #tpu.memory_space<vmem>>, vector<1x16xf32>,
      %get3A_1984 = arith.index_cast %add3A_1949 : i32 to index
      %get3A_1985 = arith.constant 16 : index
      %get3A_1986 = tpu.vector_load %arg7[%get3A_1984, %get3A_1985] {strides = array<i32>} : memref<2048x32xf32, #tpu.memory_space<vmem>>, vector<1x16xf32>,
      %get3A_1987 = vector.shape_cast %get3A_1986 : vector<1x16xf32> to vector<16xf32>
      %add3A_1988 = arith.constant 512 : i32
      %add3A_1989 = arith.addi %add3A_1988, %add3A_1949 : i32
      %get3A_1990 = arith.index_cast %add3A_1989 : i32 to index
      %get3A_1991 = arith.constant 16 : index
      %get3A_1992 = tpu.vector_load %arg7[%get3A_1990, %get3A_1991] {strides = array<i32>} : memref<2048x32xf32, #tpu.memory_space<vmem>>, vector<1x16xf32>,
      %get3A_1993 = vector.shape_cast %get3A_1992 : vector<1x16xf32> to vector<16xf32>
      %add3A_1994 = arith.constant 1024 : i32
      %add3A_1995 = arith.addi %add3A_1994, %add3A_1949 : i32
      %get3A_1996 = arith.index_cast %add3A_1995 : i32 to index
      %get3A_1997 = arith.constant 16 : index
      %get3A_1998 = tpu.vector_load %arg7[%get3A_1996, %get3A_1997] {strides = array<i32>} : memref<2048x32xf32, #tpu.memory_space<vmem>>, vector<1x16xf32>,
      %get3A_1999 = vector.shape_cast %get3A_1998 : vector<1x16xf32> to vector<16xf32>
      %add3A_2000 = arith.constant 1536 : i32
      %add3A_2001 = arith.addi %add3A_2000, %add3A_1949 : i32
      %get3A_2002 = arith.index_cast %add3A_2001 : i32 to index
      %get3A_2003 = arith.constant 16 : index
      %get3A_2004 = tpu.vector_load %arg7[%get3A_2002, %get3A_2003] {strides = array<i32>} : memref<2048x32xf32, #tpu.memory_space<vmem>>, vector<1x16xf32>,
      %get3A_2005 = vector.shape_cast %get3A_2004 : vector<1x16xf32> to vector<16xf32>
      %mul3A_2006 = arith.mulf %gather3A_1935, %get3A_1987 : vector<16xf32>
      %mul3A_2007 = arith.mulf %gather3A_1939, %get3A_1993 : vector<16xf32>
      %add3A_2008 = arith.addf %mul3A_2006, %mul3A_2007 : vector<16xf32>
      %mul3A_2009 = arith.mulf %gather3A_1943, %get3A_1999 : vector<16xf32>
      %add3A_2010 = arith.addf %add3A_2008, %mul3A_2009 : vector<16xf32>
      %mul3A_2011 = arith.mulf %gather3A_1947, %get3A_2005 : vector<16xf32>
      %add3A_2012 = arith.addf %add3A_2010, %mul3A_2011 : vector<16xf32>
      %swap3A_2013 = arith.index_cast %add3A_1949 : i32 to index
      %swap3A_2014 = arith.constant 16 : index
      %swap3A_2015 = tpu.vector_load %arg8[%swap3A_2013, %swap3A_2014] {strides = array<i32>} : memref<512x32xf32, #tpu.memory_space<vmem>>, vector<1x16xf32>,
      %swap3A_2016 = vector.shape_cast %swap3A_2015 : vector<1x16xf32> to vector<16xf32>
      %swap3A_2017 = vector.shape_cast %add3A_2012 : vector<16xf32> to vector<1x16xf32>
      tpu.vector_store %arg8[%swap3A_2013, %swap3A_2014], %swap3A_2017 {strides = array<i32>} : memref<512x32xf32, #tpu.memory_space<vmem>>, vector<1x16xf32>,
      %broadcast_in_dim3A_2018 = arith.constant 2 : i32
      %broadcast_in_dim3A_2019 = vector.broadcast %broadcast_in_dim3A_2018 : i32 to vector<16x1xi32>
      %gather3A_2020 = vector.shape_cast %broadcast_in_dim3A_2019 : vector<16x1xi32> to vector<16xi32>
      %gather3A_2021 = tpu.dynamic_gather %sub3A_1824[%gather3A_2020] in [0] : vector<16xf32>, vector<16xi32> -> vector<16xf32>
      %broadcast_in_dim3A_2022 = arith.constant 2 : i32
      %broadcast_in_dim3A_2023 = vector.broadcast %broadcast_in_dim3A_2022 : i32 to vector<16x1xi32>
      %gather3A_2024 = vector.shape_cast %broadcast_in_dim3A_2023 : vector<16x1xi32> to vector<16xi32>
      %gather3A_2025 = tpu.dynamic_gather %add3A_1831[%gather3A_2024] in [0] : vector<16xf32>, vector<16xi32> -> vector<16xf32>
      %broadcast_in_dim3A_2026 = arith.constant 2 : i32
      %broadcast_in_dim3A_2027 = vector.broadcast %broadcast_in_dim3A_2026 : i32 to vector<16x1xi32>
      %gather3A_2028 = vector.shape_cast %broadcast_in_dim3A_2027 : vector<16x1xi32> to vector<16xi32>
      %gather3A_2029 = tpu.dynamic_gather %sub3A_1845[%gather3A_2028] in [0] : vector<16xf32>, vector<16xi32> -> vector<16xf32>
      %broadcast_in_dim3A_2030 = arith.constant 2 : i32
      %broadcast_in_dim3A_2031 = vector.broadcast %broadcast_in_dim3A_2030 : i32 to vector<16x1xi32>
      %gather3A_2032 = vector.shape_cast %broadcast_in_dim3A_2031 : vector<16x1xi32> to vector<16xi32>
      %gather3A_2033 = tpu.dynamic_gather %mul3A_1813[%gather3A_2032] in [0] : vector<16xf32>, vector<16xi32> -> vector<16xf32>
      %add3A_2034 = arith.constant 2 : i32
      %add3A_2035 = arith.addi %mul3A_1847, %add3A_2034 : i32
      %get3A_2036 = arith.index_cast %add3A_2035 : i32 to index
      %get3A_2037 = arith.constant 0 : index
      %get3A_2038 = tpu.vector_load %arg7[%get3A_2036, %get3A_2037] {strides = array<i32>} : memref<2048x32xf32, #tpu.memory_space<vmem>>, vector<1x16xf32>,
      %get3A_2039 = vector.shape_cast %get3A_2038 : vector<1x16xf32> to vector<16xf32>
      %add3A_2040 = arith.constant 512 : i32
      %add3A_2041 = arith.addi %add3A_2040, %add3A_2035 : i32
      %get3A_2042 = arith.index_cast %add3A_2041 : i32 to index
      %get3A_2043 = arith.constant 0 : index
      %get3A_2044 = tpu.vector_load %arg7[%get3A_2042, %get3A_2043] {strides = array<i32>} : memref<2048x32xf32, #tpu.memory_space<vmem>>, vector<1x16xf32>,
      %get3A_2045 = vector.shape_cast %get3A_2044 : vector<1x16xf32> to vector<16xf32>
      %add3A_2046 = arith.constant 1024 : i32
      %add3A_2047 = arith.addi %add3A_2046, %add3A_2035 : i32
      %get3A_2048 = arith.index_cast %add3A_2047 : i32 to index
      %get3A_2049 = arith.constant 0 : index
      %get3A_2050 = tpu.vector_load %arg7[%get3A_2048, %get3A_2049] {strides = array<i32>} : memref<2048x32xf32, #tpu.memory_space<vmem>>, vector<1x16xf32>,
      %get3A_2051 = vector.shape_cast %get3A_2050 : vector<1x16xf32> to vector<16xf32>
      %add3A_2052 = arith.constant 1536 : i32
      %add3A_2053 = arith.addi %add3A_2052, %add3A_2035 : i32
      %get3A_2054 = arith.index_cast %add3A_2053 : i32 to index
      %get3A_2055 = arith.constant 0 : index
      %get3A_2056 = tpu.vector_load %arg7[%get3A_2054, %get3A_2055] {strides = array<i32>} : memref<2048x32xf32, #tpu.memory_space<vmem>>, vector<1x16xf32>,
      %get3A_2057 = vector.shape_cast %get3A_2056 : vector<1x16xf32> to vector<16xf32>
      %mul3A_2058 = arith.mulf %gather3A_2021, %get3A_2039 : vector<16xf32>
      %mul3A_2059 = arith.mulf %gather3A_2025, %get3A_2045 : vector<16xf32>
      %add3A_2060 = arith.addf %mul3A_2058, %mul3A_2059 : vector<16xf32>
      %mul3A_2061 = arith.mulf %gather3A_2029, %get3A_2051 : vector<16xf32>
      %add3A_2062 = arith.addf %add3A_2060, %mul3A_2061 : vector<16xf32>
      %mul3A_2063 = arith.mulf %gather3A_2033, %get3A_2057 : vector<16xf32>
      %add3A_2064 = arith.addf %add3A_2062, %mul3A_2063 : vector<16xf32>
      %swap3A_2065 = arith.index_cast %add3A_2035 : i32 to index
      %swap3A_2066 = arith.constant 0 : index
      %swap3A_2067 = tpu.vector_load %arg8[%swap3A_2065, %swap3A_2066] {strides = array<i32>} : memref<512x32xf32, #tpu.memory_space<vmem>>, vector<1x16xf32>,
      %swap3A_2068 = vector.shape_cast %swap3A_2067 : vector<1x16xf32> to vector<16xf32>
      %swap3A_2069 = vector.shape_cast %add3A_2064 : vector<16xf32> to vector<1x16xf32>
      tpu.vector_store %arg8[%swap3A_2065, %swap3A_2066], %swap3A_2069 {strides = array<i32>} : memref<512x32xf32, #tpu.memory_space<vmem>>, vector<1x16xf32>,
      %get3A_2070 = arith.index_cast %add3A_2035 : i32 to index
      %get3A_2071 = arith.constant 16 : index
      %get3A_2072 = tpu.vector_load %arg7[%get3A_2070, %get3A_2071] {strides = array<i32>} : memref<2048x32xf32, #tpu.memory_space<vmem>>, vector<1x16xf32>,
      %get3A_2073 = vector.shape_cast %get3A_2072 : vector<1x16xf32> to vector<16xf32>
      %add3A_2074 = arith.constant 512 : i32
      %add3A_2075 = arith.addi %add3A_2074, %add3A_2035 : i32
      %get3A_2076 = arith.index_cast %add3A_2075 : i32 to index
      %get3A_2077 = arith.constant 16 : index
      %get3A_2078 = tpu.vector_load %arg7[%get3A_2076, %get3A_2077] {strides = array<i32>} : memref<2048x32xf32, #tpu.memory_space<vmem>>, vector<1x16xf32>,
      %get3A_2079 = vector.shape_cast %get3A_2078 : vector<1x16xf32> to vector<16xf32>
      %add3A_2080 = arith.constant 1024 : i32
      %add3A_2081 = arith.addi %add3A_2080, %add3A_2035 : i32
      %get3A_2082 = arith.index_cast %add3A_2081 : i32 to index
      %get3A_2083 = arith.constant 16 : index
      %get3A_2084 = tpu.vector_load %arg7[%get3A_2082, %get3A_2083] {strides = array<i32>} : memref<2048x32xf32, #tpu.memory_space<vmem>>, vector<1x16xf32>,
      %get3A_2085 = vector.shape_cast %get3A_2084 : vector<1x16xf32> to vector<16xf32>
      %add3A_2086 = arith.constant 1536 : i32
      %add3A_2087 = arith.addi %add3A_2086, %add3A_2035 : i32
      %get3A_2088 = arith.index_cast %add3A_2087 : i32 to index
      %get3A_2089 = arith.constant 16 : index
      %get3A_2090 = tpu.vector_load %arg7[%get3A_2088, %get3A_2089] {strides = array<i32>} : memref<2048x32xf32, #tpu.memory_space<vmem>>, vector<1x16xf32>,
      %get3A_2091 = vector.shape_cast %get3A_2090 : vector<1x16xf32> to vector<16xf32>
      %mul3A_2092 = arith.mulf %gather3A_2021, %get3A_2073 : vector<16xf32>
      %mul3A_2093 = arith.mulf %gather3A_2025, %get3A_2079 : vector<16xf32>
      %add3A_2094 = arith.addf %mul3A_2092, %mul3A_2093 : vector<16xf32>
      %mul3A_2095 = arith.mulf %gather3A_2029, %get3A_2085 : vector<16xf32>
      %add3A_2096 = arith.addf %add3A_2094, %mul3A_2095 : vector<16xf32>
      %mul3A_2097 = arith.mulf %gather3A_2033, %get3A_2091 : vector<16xf32>
      %add3A_2098 = arith.addf %add3A_2096, %mul3A_2097 : vector<16xf32>
      %swap3A_2099 = arith.index_cast %add3A_2035 : i32 to index
      %swap3A_2100 = arith.constant 16 : index
      %swap3A_2101 = tpu.vector_load %arg8[%swap3A_2099, %swap3A_2100] {strides = array<i32>} : memref<512x32xf32, #tpu.memory_space<vmem>>, vector<1x16xf32>,
      %swap3A_2102 = vector.shape_cast %swap3A_2101 : vector<1x16xf32> to vector<16xf32>
      %swap3A_2103 = vector.shape_cast %add3A_2098 : vector<16xf32> to vector<1x16xf32>
      tpu.vector_store %arg8[%swap3A_2099, %swap3A_2100], %swap3A_2103 {strides = array<i32>} : memref<512x32xf32, #tpu.memory_space<vmem>>, vector<1x16xf32>,
      %broadcast_in_dim3A_2104 = arith.constant 3 : i32
      %broadcast_in_dim3A_2105 = vector.broadcast %broadcast_in_dim3A_2104 : i32 to vector<16x1xi32>
      %gather3A_2106 = vector.shape_cast %broadcast_in_dim3A_2105 : vector<16x1xi32> to vector<16xi32>
      %gather3A_2107 = tpu.dynamic_gather %sub3A_1824[%gather3A_2106] in [0] : vector<16xf32>, vector<16xi32> -> vector<16xf32>
      %broadcast_in_dim3A_2108 = arith.constant 3 : i32
      %broadcast_in_dim3A_2109 = vector.broadcast %broadcast_in_dim3A_2108 : i32 to vector<16x1xi32>
      %gather3A_2110 = vector.shape_cast %broadcast_in_dim3A_2109 : vector<16x1xi32> to vector<16xi32>
      %gather3A_2111 = tpu.dynamic_gather %add3A_1831[%gather3A_2110] in [0] : vector<16xf32>, vector<16xi32> -> vector<16xf32>
      %broadcast_in_dim3A_2112 = arith.constant 3 : i32
      %broadcast_in_dim3A_2113 = vector.broadcast %broadcast_in_dim3A_2112 : i32 to vector<16x1xi32>
      %gather3A_2114 = vector.shape_cast %broadcast_in_dim3A_2113 : vector<16x1xi32> to vector<16xi32>
      %gather3A_2115 = tpu.dynamic_gather %sub3A_1845[%gather3A_2114] in [0] : vector<16xf32>, vector<16xi32> -> vector<16xf32>
      %broadcast_in_dim3A_2116 = arith.constant 3 : i32
      %broadcast_in_dim3A_2117 = vector.broadcast %broadcast_in_dim3A_2116 : i32 to vector<16x1xi32>
      %gather3A_2118 = vector.shape_cast %broadcast_in_dim3A_2117 : vector<16x1xi32> to vector<16xi32>
      %gather3A_2119 = tpu.dynamic_gather %mul3A_1813[%gather3A_2118] in [0] : vector<16xf32>, vector<16xi32> -> vector<16xf32>
      %add3A_2120 = arith.constant 3 : i32
      %add3A_2121 = arith.addi %mul3A_1847, %add3A_2120 : i32
      %get3A_2122 = arith.index_cast %add3A_2121 : i32 to index
      %get3A_2123 = arith.constant 0 : index
      %get3A_2124 = tpu.vector_load %arg7[%get3A_2122, %get3A_2123] {strides = array<i32>} : memref<2048x32xf32, #tpu.memory_space<vmem>>, vector<1x16xf32>,
      %get3A_2125 = vector.shape_cast %get3A_2124 : vector<1x16xf32> to vector<16xf32>
      %add3A_2126 = arith.constant 512 : i32
      %add3A_2127 = arith.addi %add3A_2126, %add3A_2121 : i32
      %get3A_2128 = arith.index_cast %add3A_2127 : i32 to index
      %get3A_2129 = arith.constant 0 : index
      %get3A_2130 = tpu.vector_load %arg7[%get3A_2128, %get3A_2129] {strides = array<i32>} : memref<2048x32xf32, #tpu.memory_space<vmem>>, vector<1x16xf32>,
      %get3A_2131 = vector.shape_cast %get3A_2130 : vector<1x16xf32> to vector<16xf32>
      %add3A_2132 = arith.constant 1024 : i32
      %add3A_2133 = arith.addi %add3A_2132, %add3A_2121 : i32
      %get3A_2134 = arith.index_cast %add3A_2133 : i32 to index
      %get3A_2135 = arith.constant 0 : index
      %get3A_2136 = tpu.vector_load %arg7[%get3A_2134, %get3A_2135] {strides = array<i32>} : memref<2048x32xf32, #tpu.memory_space<vmem>>, vector<1x16xf32>,
      %get3A_2137 = vector.shape_cast %get3A_2136 : vector<1x16xf32> to vector<16xf32>
      %add3A_2138 = arith.constant 1536 : i32
      %add3A_2139 = arith.addi %add3A_2138, %add3A_2121 : i32
      %get3A_2140 = arith.index_cast %add3A_2139 : i32 to index
      %get3A_2141 = arith.constant 0 : index
      %get3A_2142 = tpu.vector_load %arg7[%get3A_2140, %get3A_2141] {strides = array<i32>} : memref<2048x32xf32, #tpu.memory_space<vmem>>, vector<1x16xf32>,
      %get3A_2143 = vector.shape_cast %get3A_2142 : vector<1x16xf32> to vector<16xf32>
      %mul3A_2144 = arith.mulf %gather3A_2107, %get3A_2125 : vector<16xf32>
      %mul3A_2145 = arith.mulf %gather3A_2111, %get3A_2131 : vector<16xf32>
      %add3A_2146 = arith.addf %mul3A_2144, %mul3A_2145 : vector<16xf32>
      %mul3A_2147 = arith.mulf %gather3A_2115, %get3A_2137 : vector<16xf32>
      %add3A_2148 = arith.addf %add3A_2146, %mul3A_2147 : vector<16xf32>
      %mul3A_2149 = arith.mulf %gather3A_2119, %get3A_2143 : vector<16xf32>
      %add3A_2150 = arith.addf %add3A_2148, %mul3A_2149 : vector<16xf32>
      %swap3A_2151 = arith.index_cast %add3A_2121 : i32 to index
      %swap3A_2152 = arith.constant 0 : index
      %swap3A_2153 = tpu.vector_load %arg8[%swap3A_2151, %swap3A_2152] {strides = array<i32>} : memref<512x32xf32, #tpu.memory_space<vmem>>, vector<1x16xf32>,
      %swap3A_2154 = vector.shape_cast %swap3A_2153 : vector<1x16xf32> to vector<16xf32>
      %swap3A_2155 = vector.shape_cast %add3A_2150 : vector<16xf32> to vector<1x16xf32>
      tpu.vector_store %arg8[%swap3A_2151, %swap3A_2152], %swap3A_2155 {strides = array<i32>} : memref<512x32xf32, #tpu.memory_space<vmem>>, vector<1x16xf32>,
      %get3A_2156 = arith.index_cast %add3A_2121 : i32 to index
      %get3A_2157 = arith.constant 16 : index
      %get3A_2158 = tpu.vector_load %arg7[%get3A_2156, %get3A_2157] {strides = array<i32>} : memref<2048x32xf32, #tpu.memory_space<vmem>>, vector<1x16xf32>,
      %get3A_2159 = vector.shape_cast %get3A_2158 : vector<1x16xf32> to vector<16xf32>
      %add3A_2160 = arith.constant 512 : i32
      %add3A_2161 = arith.addi %add3A_2160, %add3A_2121 : i32
      %get3A_2162 = arith.index_cast %add3A_2161 : i32 to index
      %get3A_2163 = arith.constant 16 : index
      %get3A_2164 = tpu.vector_load %arg7[%get3A_2162, %get3A_2163] {strides = array<i32>} : memref<2048x32xf32, #tpu.memory_space<vmem>>, vector<1x16xf32>,
      %get3A_2165 = vector.shape_cast %get3A_2164 : vector<1x16xf32> to vector<16xf32>
      %add3A_2166 = arith.constant 1024 : i32
      %add3A_2167 = arith.addi %add3A_2166, %add3A_2121 : i32
      %get3A_2168 = arith.index_cast %add3A_2167 : i32 to index
      %get3A_2169 = arith.constant 16 : index
      %get3A_2170 = tpu.vector_load %arg7[%get3A_2168, %get3A_2169] {strides = array<i32>} : memref<2048x32xf32, #tpu.memory_space<vmem>>, vector<1x16xf32>,
      %get3A_2171 = vector.shape_cast %get3A_2170 : vector<1x16xf32> to vector<16xf32>
      %add3A_2172 = arith.constant 1536 : i32
      %add3A_2173 = arith.addi %add3A_2172, %add3A_2121 : i32
      %get3A_2174 = arith.index_cast %add3A_2173 : i32 to index
      %get3A_2175 = arith.constant 16 : index
      %get3A_2176 = tpu.vector_load %arg7[%get3A_2174, %get3A_2175] {strides = array<i32>} : memref<2048x32xf32, #tpu.memory_space<vmem>>, vector<1x16xf32>,
      %get3A_2177 = vector.shape_cast %get3A_2176 : vector<1x16xf32> to vector<16xf32>
      %mul3A_2178 = arith.mulf %gather3A_2107, %get3A_2159 : vector<16xf32>
      %mul3A_2179 = arith.mulf %gather3A_2111, %get3A_2165 : vector<16xf32>
      %add3A_2180 = arith.addf %mul3A_2178, %mul3A_2179 : vector<16xf32>
      %mul3A_2181 = arith.mulf %gather3A_2115, %get3A_2171 : vector<16xf32>
      %add3A_2182 = arith.addf %add3A_2180, %mul3A_2181 : vector<16xf32>
      %mul3A_2183 = arith.mulf %gather3A_2119, %get3A_2177 : vector<16xf32>
      %add3A_2184 = arith.addf %add3A_2182, %mul3A_2183 : vector<16xf32>
      %swap3A_2185 = arith.index_cast %add3A_2121 : i32 to index
      %swap3A_2186 = arith.constant 16 : index
      %swap3A_2187 = tpu.vector_load %arg8[%swap3A_2185, %swap3A_2186] {strides = array<i32>} : memref<512x32xf32, #tpu.memory_space<vmem>>, vector<1x16xf32>,
      %swap3A_2188 = vector.shape_cast %swap3A_2187 : vector<1x16xf32> to vector<16xf32>
      %swap3A_2189 = vector.shape_cast %add3A_2184 : vector<16xf32> to vector<1x16xf32>
      tpu.vector_store %arg8[%swap3A_2185, %swap3A_2186], %swap3A_2189 {strides = array<i32>} : memref<512x32xf32, #tpu.memory_space<vmem>>, vector<1x16xf32>,
      %broadcast_in_dim3A_2190 = arith.constant 4 : i32
      %broadcast_in_dim3A_2191 = vector.broadcast %broadcast_in_dim3A_2190 : i32 to vector<16x1xi32>
      %gather3A_2192 = vector.shape_cast %broadcast_in_dim3A_2191 : vector<16x1xi32> to vector<16xi32>
      %gather3A_2193 = tpu.dynamic_gather %sub3A_1824[%gather3A_2192] in [0] : vector<16xf32>, vector<16xi32> -> vector<16xf32>
      %broadcast_in_dim3A_2194 = arith.constant 4 : i32
      %broadcast_in_dim3A_2195 = vector.broadcast %broadcast_in_dim3A_2194 : i32 to vector<16x1xi32>
      %gather3A_2196 = vector.shape_cast %broadcast_in_dim3A_2195 : vector<16x1xi32> to vector<16xi32>
      %gather3A_2197 = tpu.dynamic_gather %add3A_1831[%gather3A_2196] in [0] : vector<16xf32>, vector<16xi32> -> vector<16xf32>
      %broadcast_in_dim3A_2198 = arith.constant 4 : i32
      %broadcast_in_dim3A_2199 = vector.broadcast %broadcast_in_dim3A_2198 : i32 to vector<16x1xi32>
      %gather3A_2200 = vector.shape_cast %broadcast_in_dim3A_2199 : vector<16x1xi32> to vector<16xi32>
      %gather3A_2201 = tpu.dynamic_gather %sub3A_1845[%gather3A_2200] in [0] : vector<16xf32>, vector<16xi32> -> vector<16xf32>
      %broadcast_in_dim3A_2202 = arith.constant 4 : i32
      %broadcast_in_dim3A_2203 = vector.broadcast %broadcast_in_dim3A_2202 : i32 to vector<16x1xi32>
      %gather3A_2204 = vector.shape_cast %broadcast_in_dim3A_2203 : vector<16x1xi32> to vector<16xi32>
      %gather3A_2205 = tpu.dynamic_gather %mul3A_1813[%gather3A_2204] in [0] : vector<16xf32>, vector<16xi32> -> vector<16xf32>
      %add3A_2206 = arith.constant 4 : i32
      %add3A_2207 = arith.addi %mul3A_1847, %add3A_2206 : i32
      %get3A_2208 = arith.index_cast %add3A_2207 : i32 to index
      %get3A_2209 = arith.constant 0 : index
      %get3A_2210 = tpu.vector_load %arg7[%get3A_2208, %get3A_2209] {strides = array<i32>} : memref<2048x32xf32, #tpu.memory_space<vmem>>, vector<1x16xf32>,
      %get3A_2211 = vector.shape_cast %get3A_2210 : vector<1x16xf32> to vector<16xf32>
      %add3A_2212 = arith.constant 512 : i32
      %add3A_2213 = arith.addi %add3A_2212, %add3A_2207 : i32
      %get3A_2214 = arith.index_cast %add3A_2213 : i32 to index
      %get3A_2215 = arith.constant 0 : index
      %get3A_2216 = tpu.vector_load %arg7[%get3A_2214, %get3A_2215] {strides = array<i32>} : memref<2048x32xf32, #tpu.memory_space<vmem>>, vector<1x16xf32>,
      %get3A_2217 = vector.shape_cast %get3A_2216 : vector<1x16xf32> to vector<16xf32>
      %add3A_2218 = arith.constant 1024 : i32
      %add3A_2219 = arith.addi %add3A_2218, %add3A_2207 : i32
      %get3A_2220 = arith.index_cast %add3A_2219 : i32 to index
      %get3A_2221 = arith.constant 0 : index
      %get3A_2222 = tpu.vector_load %arg7[%get3A_2220, %get3A_2221] {strides = array<i32>} : memref<2048x32xf32, #tpu.memory_space<vmem>>, vector<1x16xf32>,
      %get3A_2223 = vector.shape_cast %get3A_2222 : vector<1x16xf32> to vector<16xf32>
      %add3A_2224 = arith.constant 1536 : i32
      %add3A_2225 = arith.addi %add3A_2224, %add3A_2207 : i32
      %get3A_2226 = arith.index_cast %add3A_2225 : i32 to index
      %get3A_2227 = arith.constant 0 : index
      %get3A_2228 = tpu.vector_load %arg7[%get3A_2226, %get3A_2227] {strides = array<i32>} : memref<2048x32xf32, #tpu.memory_space<vmem>>, vector<1x16xf32>,
      %get3A_2229 = vector.shape_cast %get3A_2228 : vector<1x16xf32> to vector<16xf32>
      %mul3A_2230 = arith.mulf %gather3A_2193, %get3A_2211 : vector<16xf32>
      %mul3A_2231 = arith.mulf %gather3A_2197, %get3A_2217 : vector<16xf32>
      %add3A_2232 = arith.addf %mul3A_2230, %mul3A_2231 : vector<16xf32>
      %mul3A_2233 = arith.mulf %gather3A_2201, %get3A_2223 : vector<16xf32>
      %add3A_2234 = arith.addf %add3A_2232, %mul3A_2233 : vector<16xf32>
      %mul3A_2235 = arith.mulf %gather3A_2205, %get3A_2229 : vector<16xf32>
      %add3A_2236 = arith.addf %add3A_2234, %mul3A_2235 : vector<16xf32>
      %swap3A_2237 = arith.index_cast %add3A_2207 : i32 to index
      %swap3A_2238 = arith.constant 0 : index
      %swap3A_2239 = tpu.vector_load %arg8[%swap3A_2237, %swap3A_2238] {strides = array<i32>} : memref<512x32xf32, #tpu.memory_space<vmem>>, vector<1x16xf32>,
      %swap3A_2240 = vector.shape_cast %swap3A_2239 : vector<1x16xf32> to vector<16xf32>
      %swap3A_2241 = vector.shape_cast %add3A_2236 : vector<16xf32> to vector<1x16xf32>
      tpu.vector_store %arg8[%swap3A_2237, %swap3A_2238], %swap3A_2241 {strides = array<i32>} : memref<512x32xf32, #tpu.memory_space<vmem>>, vector<1x16xf32>,
      %get3A_2242 = arith.index_cast %add3A_2207 : i32 to index
      %get3A_2243 = arith.constant 16 : index
      %get3A_2244 = tpu.vector_load %arg7[%get3A_2242, %get3A_2243] {strides = array<i32>} : memref<2048x32xf32, #tpu.memory_space<vmem>>, vector<1x16xf32>,
      %get3A_2245 = vector.shape_cast %get3A_2244 : vector<1x16xf32> to vector<16xf32>
      %add3A_2246 = arith.constant 512 : i32
      %add3A_2247 = arith.addi %add3A_2246, %add3A_2207 : i32
      %get3A_2248 = arith.index_cast %add3A_2247 : i32 to index
      %get3A_2249 = arith.constant 16 : index
      %get3A_2250 = tpu.vector_load %arg7[%get3A_2248, %get3A_2249] {strides = array<i32>} : memref<2048x32xf32, #tpu.memory_space<vmem>>, vector<1x16xf32>,
      %get3A_2251 = vector.shape_cast %get3A_2250 : vector<1x16xf32> to vector<16xf32>
      %add3A_2252 = arith.constant 1024 : i32
      %add3A_2253 = arith.addi %add3A_2252, %add3A_2207 : i32
      %get3A_2254 = arith.index_cast %add3A_2253 : i32 to index
      %get3A_2255 = arith.constant 16 : index
      %get3A_2256 = tpu.vector_load %arg7[%get3A_2254, %get3A_2255] {strides = array<i32>} : memref<2048x32xf32, #tpu.memory_space<vmem>>, vector<1x16xf32>,
      %get3A_2257 = vector.shape_cast %get3A_2256 : vector<1x16xf32> to vector<16xf32>
      %add3A_2258 = arith.constant 1536 : i32
      %add3A_2259 = arith.addi %add3A_2258, %add3A_2207 : i32
      %get3A_2260 = arith.index_cast %add3A_2259 : i32 to index
      %get3A_2261 = arith.constant 16 : index
      %get3A_2262 = tpu.vector_load %arg7[%get3A_2260, %get3A_2261] {strides = array<i32>} : memref<2048x32xf32, #tpu.memory_space<vmem>>, vector<1x16xf32>,
      %get3A_2263 = vector.shape_cast %get3A_2262 : vector<1x16xf32> to vector<16xf32>
      %mul3A_2264 = arith.mulf %gather3A_2193, %get3A_2245 : vector<16xf32>
      %mul3A_2265 = arith.mulf %gather3A_2197, %get3A_2251 : vector<16xf32>
      %add3A_2266 = arith.addf %mul3A_2264, %mul3A_2265 : vector<16xf32>
      %mul3A_2267 = arith.mulf %gather3A_2201, %get3A_2257 : vector<16xf32>
      %add3A_2268 = arith.addf %add3A_2266, %mul3A_2267 : vector<16xf32>
      %mul3A_2269 = arith.mulf %gather3A_2205, %get3A_2263 : vector<16xf32>
      %add3A_2270 = arith.addf %add3A_2268, %mul3A_2269 : vector<16xf32>
      %swap3A_2271 = arith.index_cast %add3A_2207 : i32 to index
      %swap3A_2272 = arith.constant 16 : index
      %swap3A_2273 = tpu.vector_load %arg8[%swap3A_2271, %swap3A_2272] {strides = array<i32>} : memref<512x32xf32, #tpu.memory_space<vmem>>, vector<1x16xf32>,
      %swap3A_2274 = vector.shape_cast %swap3A_2273 : vector<1x16xf32> to vector<16xf32>
      %swap3A_2275 = vector.shape_cast %add3A_2270 : vector<16xf32> to vector<1x16xf32>
      tpu.vector_store %arg8[%swap3A_2271, %swap3A_2272], %swap3A_2275 {strides = array<i32>} : memref<512x32xf32, #tpu.memory_space<vmem>>, vector<1x16xf32>,
      %broadcast_in_dim3A_2276 = arith.constant 5 : i32
      %broadcast_in_dim3A_2277 = vector.broadcast %broadcast_in_dim3A_2276 : i32 to vector<16x1xi32>
      %gather3A_2278 = vector.shape_cast %broadcast_in_dim3A_2277 : vector<16x1xi32> to vector<16xi32>
      %gather3A_2279 = tpu.dynamic_gather %sub3A_1824[%gather3A_2278] in [0] : vector<16xf32>, vector<16xi32> -> vector<16xf32>
      %broadcast_in_dim3A_2280 = arith.constant 5 : i32
      %broadcast_in_dim3A_2281 = vector.broadcast %broadcast_in_dim3A_2280 : i32 to vector<16x1xi32>
      %gather3A_2282 = vector.shape_cast %broadcast_in_dim3A_2281 : vector<16x1xi32> to vector<16xi32>
      %gather3A_2283 = tpu.dynamic_gather %add3A_1831[%gather3A_2282] in [0] : vector<16xf32>, vector<16xi32> -> vector<16xf32>
      %broadcast_in_dim3A_2284 = arith.constant 5 : i32
      %broadcast_in_dim3A_2285 = vector.broadcast %broadcast_in_dim3A_2284 : i32 to vector<16x1xi32>
      %gather3A_2286 = vector.shape_cast %broadcast_in_dim3A_2285 : vector<16x1xi32> to vector<16xi32>
      %gather3A_2287 = tpu.dynamic_gather %sub3A_1845[%gather3A_2286] in [0] : vector<16xf32>, vector<16xi32> -> vector<16xf32>
      %broadcast_in_dim3A_2288 = arith.constant 5 : i32
      %broadcast_in_dim3A_2289 = vector.broadcast %broadcast_in_dim3A_2288 : i32 to vector<16x1xi32>
      %gather3A_2290 = vector.shape_cast %broadcast_in_dim3A_2289 : vector<16x1xi32> to vector<16xi32>
      %gather3A_2291 = tpu.dynamic_gather %mul3A_1813[%gather3A_2290] in [0] : vector<16xf32>, vector<16xi32> -> vector<16xf32>
      %add3A_2292 = arith.constant 5 : i32
      %add3A_2293 = arith.addi %mul3A_1847, %add3A_2292 : i32
      %get3A_2294 = arith.index_cast %add3A_2293 : i32 to index
      %get3A_2295 = arith.constant 0 : index
      %get3A_2296 = tpu.vector_load %arg7[%get3A_2294, %get3A_2295] {strides = array<i32>} : memref<2048x32xf32, #tpu.memory_space<vmem>>, vector<1x16xf32>,
      %get3A_2297 = vector.shape_cast %get3A_2296 : vector<1x16xf32> to vector<16xf32>
      %add3A_2298 = arith.constant 512 : i32
      %add3A_2299 = arith.addi %add3A_2298, %add3A_2293 : i32
      %get3A_2300 = arith.index_cast %add3A_2299 : i32 to index
      %get3A_2301 = arith.constant 0 : index
      %get3A_2302 = tpu.vector_load %arg7[%get3A_2300, %get3A_2301] {strides = array<i32>} : memref<2048x32xf32, #tpu.memory_space<vmem>>, vector<1x16xf32>,
      %get3A_2303 = vector.shape_cast %get3A_2302 : vector<1x16xf32> to vector<16xf32>
      %add3A_2304 = arith.constant 1024 : i32
      %add3A_2305 = arith.addi %add3A_2304, %add3A_2293 : i32
      %get3A_2306 = arith.index_cast %add3A_2305 : i32 to index
      %get3A_2307 = arith.constant 0 : index
      %get3A_2308 = tpu.vector_load %arg7[%get3A_2306, %get3A_2307] {strides = array<i32>} : memref<2048x32xf32, #tpu.memory_space<vmem>>, vector<1x16xf32>,
      %get3A_2309 = vector.shape_cast %get3A_2308 : vector<1x16xf32> to vector<16xf32>
      %add3A_2310 = arith.constant 1536 : i32
      %add3A_2311 = arith.addi %add3A_2310, %add3A_2293 : i32
      %get3A_2312 = arith.index_cast %add3A_2311 : i32 to index
      %get3A_2313 = arith.constant 0 : index
      %get3A_2314 = tpu.vector_load %arg7[%get3A_2312, %get3A_2313] {strides = array<i32>} : memref<2048x32xf32, #tpu.memory_space<vmem>>, vector<1x16xf32>,
      %get3A_2315 = vector.shape_cast %get3A_2314 : vector<1x16xf32> to vector<16xf32>
      %mul3A_2316 = arith.mulf %gather3A_2279, %get3A_2297 : vector<16xf32>
      %mul3A_2317 = arith.mulf %gather3A_2283, %get3A_2303 : vector<16xf32>
      %add3A_2318 = arith.addf %mul3A_2316, %mul3A_2317 : vector<16xf32>
      %mul3A_2319 = arith.mulf %gather3A_2287, %get3A_2309 : vector<16xf32>
      %add3A_2320 = arith.addf %add3A_2318, %mul3A_2319 : vector<16xf32>
      %mul3A_2321 = arith.mulf %gather3A_2291, %get3A_2315 : vector<16xf32>
      %add3A_2322 = arith.addf %add3A_2320, %mul3A_2321 : vector<16xf32>
      %swap3A_2323 = arith.index_cast %add3A_2293 : i32 to index
      %swap3A_2324 = arith.constant 0 : index
      %swap3A_2325 = tpu.vector_load %arg8[%swap3A_2323, %swap3A_2324] {strides = array<i32>} : memref<512x32xf32, #tpu.memory_space<vmem>>, vector<1x16xf32>,
      %swap3A_2326 = vector.shape_cast %swap3A_2325 : vector<1x16xf32> to vector<16xf32>
      %swap3A_2327 = vector.shape_cast %add3A_2322 : vector<16xf32> to vector<1x16xf32>
      tpu.vector_store %arg8[%swap3A_2323, %swap3A_2324], %swap3A_2327 {strides = array<i32>} : memref<512x32xf32, #tpu.memory_space<vmem>>, vector<1x16xf32>,
      %get3A_2328 = arith.index_cast %add3A_2293 : i32 to index
      %get3A_2329 = arith.constant 16 : index
      %get3A_2330 = tpu.vector_load %arg7[%get3A_2328, %get3A_2329] {strides = array<i32>} : memref<2048x32xf32, #tpu.memory_space<vmem>>, vector<1x16xf32>,
      %get3A_2331 = vector.shape_cast %get3A_2330 : vector<1x16xf32> to vector<16xf32>
      %add3A_2332 = arith.constant 512 : i32
      %add3A_2333 = arith.addi %add3A_2332, %add3A_2293 : i32
      %get3A_2334 = arith.index_cast %add3A_2333 : i32 to index
      %get3A_2335 = arith.constant 16 : index
      %get3A_2336 = tpu.vector_load %arg7[%get3A_2334, %get3A_2335] {strides = array<i32>} : memref<2048x32xf32, #tpu.memory_space<vmem>>, vector<1x16xf32>,
      %get3A_2337 = vector.shape_cast %get3A_2336 : vector<1x16xf32> to vector<16xf32>
      %add3A_2338 = arith.constant 1024 : i32
      %add3A_2339 = arith.addi %add3A_2338, %add3A_2293 : i32
      %get3A_2340 = arith.index_cast %add3A_2339 : i32 to index
      %get3A_2341 = arith.constant 16 : index
      %get3A_2342 = tpu.vector_load %arg7[%get3A_2340, %get3A_2341] {strides = array<i32>} : memref<2048x32xf32, #tpu.memory_space<vmem>>, vector<1x16xf32>,
      %get3A_2343 = vector.shape_cast %get3A_2342 : vector<1x16xf32> to vector<16xf32>
      %add3A_2344 = arith.constant 1536 : i32
      %add3A_2345 = arith.addi %add3A_2344, %add3A_2293 : i32
      %get3A_2346 = arith.index_cast %add3A_2345 : i32 to index
      %get3A_2347 = arith.constant 16 : index
      %get3A_2348 = tpu.vector_load %arg7[%get3A_2346, %get3A_2347] {strides = array<i32>} : memref<2048x32xf32, #tpu.memory_space<vmem>>, vector<1x16xf32>,
      %get3A_2349 = vector.shape_cast %get3A_2348 : vector<1x16xf32> to vector<16xf32>
      %mul3A_2350 = arith.mulf %gather3A_2279, %get3A_2331 : vector<16xf32>
      %mul3A_2351 = arith.mulf %gather3A_2283, %get3A_2337 : vector<16xf32>
      %add3A_2352 = arith.addf %mul3A_2350, %mul3A_2351 : vector<16xf32>
      %mul3A_2353 = arith.mulf %gather3A_2287, %get3A_2343 : vector<16xf32>
      %add3A_2354 = arith.addf %add3A_2352, %mul3A_2353 : vector<16xf32>
      %mul3A_2355 = arith.mulf %gather3A_2291, %get3A_2349 : vector<16xf32>
      %add3A_2356 = arith.addf %add3A_2354, %mul3A_2355 : vector<16xf32>
      %swap3A_2357 = arith.index_cast %add3A_2293 : i32 to index
      %swap3A_2358 = arith.constant 16 : index
      %swap3A_2359 = tpu.vector_load %arg8[%swap3A_2357, %swap3A_2358] {strides = array<i32>} : memref<512x32xf32, #tpu.memory_space<vmem>>, vector<1x16xf32>,
      %swap3A_2360 = vector.shape_cast %swap3A_2359 : vector<1x16xf32> to vector<16xf32>
      %swap3A_2361 = vector.shape_cast %add3A_2356 : vector<16xf32> to vector<1x16xf32>
      tpu.vector_store %arg8[%swap3A_2357, %swap3A_2358], %swap3A_2361 {strides = array<i32>} : memref<512x32xf32, #tpu.memory_space<vmem>>, vector<1x16xf32>,
      %broadcast_in_dim3A_2362 = arith.constant 6 : i32
      %broadcast_in_dim3A_2363 = vector.broadcast %broadcast_in_dim3A_2362 : i32 to vector<16x1xi32>
      %gather3A_2364 = vector.shape_cast %broadcast_in_dim3A_2363 : vector<16x1xi32> to vector<16xi32>
      %gather3A_2365 = tpu.dynamic_gather %sub3A_1824[%gather3A_2364] in [0] : vector<16xf32>, vector<16xi32> -> vector<16xf32>
      %broadcast_in_dim3A_2366 = arith.constant 6 : i32
      %broadcast_in_dim3A_2367 = vector.broadcast %broadcast_in_dim3A_2366 : i32 to vector<16x1xi32>
      %gather3A_2368 = vector.shape_cast %broadcast_in_dim3A_2367 : vector<16x1xi32> to vector<16xi32>
      %gather3A_2369 = tpu.dynamic_gather %add3A_1831[%gather3A_2368] in [0] : vector<16xf32>, vector<16xi32> -> vector<16xf32>
      %broadcast_in_dim3A_2370 = arith.constant 6 : i32
      %broadcast_in_dim3A_2371 = vector.broadcast %broadcast_in_dim3A_2370 : i32 to vector<16x1xi32>
      %gather3A_2372 = vector.shape_cast %broadcast_in_dim3A_2371 : vector<16x1xi32> to vector<16xi32>
      %gather3A_2373 = tpu.dynamic_gather %sub3A_1845[%gather3A_2372] in [0] : vector<16xf32>, vector<16xi32> -> vector<16xf32>
      %broadcast_in_dim3A_2374 = arith.constant 6 : i32
      %broadcast_in_dim3A_2375 = vector.broadcast %broadcast_in_dim3A_2374 : i32 to vector<16x1xi32>
      %gather3A_2376 = vector.shape_cast %broadcast_in_dim3A_2375 : vector<16x1xi32> to vector<16xi32>
      %gather3A_2377 = tpu.dynamic_gather %mul3A_1813[%gather3A_2376] in [0] : vector<16xf32>, vector<16xi32> -> vector<16xf32>
      %add3A_2378 = arith.constant 6 : i32
      %add3A_2379 = arith.addi %mul3A_1847, %add3A_2378 : i32
      %get3A_2380 = arith.index_cast %add3A_2379 : i32 to index
      %get3A_2381 = arith.constant 0 : index
      %get3A_2382 = tpu.vector_load %arg7[%get3A_2380, %get3A_2381] {strides = array<i32>} : memref<2048x32xf32, #tpu.memory_space<vmem>>, vector<1x16xf32>,
      %get3A_2383 = vector.shape_cast %get3A_2382 : vector<1x16xf32> to vector<16xf32>
      %add3A_2384 = arith.constant 512 : i32
      %add3A_2385 = arith.addi %add3A_2384, %add3A_2379 : i32
      %get3A_2386 = arith.index_cast %add3A_2385 : i32 to index
      %get3A_2387 = arith.constant 0 : index
      %get3A_2388 = tpu.vector_load %arg7[%get3A_2386, %get3A_2387] {strides = array<i32>} : memref<2048x32xf32, #tpu.memory_space<vmem>>, vector<1x16xf32>,
      %get3A_2389 = vector.shape_cast %get3A_2388 : vector<1x16xf32> to vector<16xf32>
      %add3A_2390 = arith.constant 1024 : i32
      %add3A_2391 = arith.addi %add3A_2390, %add3A_2379 : i32
      %get3A_2392 = arith.index_cast %add3A_2391 : i32 to index
      %get3A_2393 = arith.constant 0 : index
      %get3A_2394 = tpu.vector_load %arg7[%get3A_2392, %get3A_2393] {strides = array<i32>} : memref<2048x32xf32, #tpu.memory_space<vmem>>, vector<1x16xf32>,
      %get3A_2395 = vector.shape_cast %get3A_2394 : vector<1x16xf32> to vector<16xf32>
      %add3A_2396 = arith.constant 1536 : i32
      %add3A_2397 = arith.addi %add3A_2396, %add3A_2379 : i32
      %get3A_2398 = arith.index_cast %add3A_2397 : i32 to index
      %get3A_2399 = arith.constant 0 : index
      %get3A_2400 = tpu.vector_load %arg7[%get3A_2398, %get3A_2399] {strides = array<i32>} : memref<2048x32xf32, #tpu.memory_space<vmem>>, vector<1x16xf32>,
      %get3A_2401 = vector.shape_cast %get3A_2400 : vector<1x16xf32> to vector<16xf32>
      %mul3A_2402 = arith.mulf %gather3A_2365, %get3A_2383 : vector<16xf32>
      %mul3A_2403 = arith.mulf %gather3A_2369, %get3A_2389 : vector<16xf32>
      %add3A_2404 = arith.addf %mul3A_2402, %mul3A_2403 : vector<16xf32>
      %mul3A_2405 = arith.mulf %gather3A_2373, %get3A_2395 : vector<16xf32>
      %add3A_2406 = arith.addf %add3A_2404, %mul3A_2405 : vector<16xf32>
      %mul3A_2407 = arith.mulf %gather3A_2377, %get3A_2401 : vector<16xf32>
      %add3A_2408 = arith.addf %add3A_2406, %mul3A_2407 : vector<16xf32>
      %swap3A_2409 = arith.index_cast %add3A_2379 : i32 to index
      %swap3A_2410 = arith.constant 0 : index
      %swap3A_2411 = tpu.vector_load %arg8[%swap3A_2409, %swap3A_2410] {strides = array<i32>} : memref<512x32xf32, #tpu.memory_space<vmem>>, vector<1x16xf32>,
      %swap3A_2412 = vector.shape_cast %swap3A_2411 : vector<1x16xf32> to vector<16xf32>
      %swap3A_2413 = vector.shape_cast %add3A_2408 : vector<16xf32> to vector<1x16xf32>
      tpu.vector_store %arg8[%swap3A_2409, %swap3A_2410], %swap3A_2413 {strides = array<i32>} : memref<512x32xf32, #tpu.memory_space<vmem>>, vector<1x16xf32>,
      %get3A_2414 = arith.index_cast %add3A_2379 : i32 to index
      %get3A_2415 = arith.constant 16 : index
      %get3A_2416 = tpu.vector_load %arg7[%get3A_2414, %get3A_2415] {strides = array<i32>} : memref<2048x32xf32, #tpu.memory_space<vmem>>, vector<1x16xf32>,
      %get3A_2417 = vector.shape_cast %get3A_2416 : vector<1x16xf32> to vector<16xf32>
      %add3A_2418 = arith.constant 512 : i32
      %add3A_2419 = arith.addi %add3A_2418, %add3A_2379 : i32
      %get3A_2420 = arith.index_cast %add3A_2419 : i32 to index
      %get3A_2421 = arith.constant 16 : index
      %get3A_2422 = tpu.vector_load %arg7[%get3A_2420, %get3A_2421] {strides = array<i32>} : memref<2048x32xf32, #tpu.memory_space<vmem>>, vector<1x16xf32>,
      %get3A_2423 = vector.shape_cast %get3A_2422 : vector<1x16xf32> to vector<16xf32>
      %add3A_2424 = arith.constant 1024 : i32
      %add3A_2425 = arith.addi %add3A_2424, %add3A_2379 : i32
      %get3A_2426 = arith.index_cast %add3A_2425 : i32 to index
      %get3A_2427 = arith.constant 16 : index
      %get3A_2428 = tpu.vector_load %arg7[%get3A_2426, %get3A_2427] {strides = array<i32>} : memref<2048x32xf32, #tpu.memory_space<vmem>>, vector<1x16xf32>,
      %get3A_2429 = vector.shape_cast %get3A_2428 : vector<1x16xf32> to vector<16xf32>
      %add3A_2430 = arith.constant 1536 : i32
      %add3A_2431 = arith.addi %add3A_2430, %add3A_2379 : i32
      %get3A_2432 = arith.index_cast %add3A_2431 : i32 to index
      %get3A_2433 = arith.constant 16 : index
      %get3A_2434 = tpu.vector_load %arg7[%get3A_2432, %get3A_2433] {strides = array<i32>} : memref<2048x32xf32, #tpu.memory_space<vmem>>, vector<1x16xf32>,
      %get3A_2435 = vector.shape_cast %get3A_2434 : vector<1x16xf32> to vector<16xf32>
      %mul3A_2436 = arith.mulf %gather3A_2365, %get3A_2417 : vector<16xf32>
      %mul3A_2437 = arith.mulf %gather3A_2369, %get3A_2423 : vector<16xf32>
      %add3A_2438 = arith.addf %mul3A_2436, %mul3A_2437 : vector<16xf32>
      %mul3A_2439 = arith.mulf %gather3A_2373, %get3A_2429 : vector<16xf32>
      %add3A_2440 = arith.addf %add3A_2438, %mul3A_2439 : vector<16xf32>
      %mul3A_2441 = arith.mulf %gather3A_2377, %get3A_2435 : vector<16xf32>
      %add3A_2442 = arith.addf %add3A_2440, %mul3A_2441 : vector<16xf32>
      %swap3A_2443 = arith.index_cast %add3A_2379 : i32 to index
      %swap3A_2444 = arith.constant 16 : index
      %swap3A_2445 = tpu.vector_load %arg8[%swap3A_2443, %swap3A_2444] {strides = array<i32>} : memref<512x32xf32, #tpu.memory_space<vmem>>, vector<1x16xf32>,
      %swap3A_2446 = vector.shape_cast %swap3A_2445 : vector<1x16xf32> to vector<16xf32>
      %swap3A_2447 = vector.shape_cast %add3A_2442 : vector<16xf32> to vector<1x16xf32>
      tpu.vector_store %arg8[%swap3A_2443, %swap3A_2444], %swap3A_2447 {strides = array<i32>} : memref<512x32xf32, #tpu.memory_space<vmem>>, vector<1x16xf32>,
      %broadcast_in_dim3A_2448 = arith.constant 7 : i32
      %broadcast_in_dim3A_2449 = vector.broadcast %broadcast_in_dim3A_2448 : i32 to vector<16x1xi32>
      %gather3A_2450 = vector.shape_cast %broadcast_in_dim3A_2449 : vector<16x1xi32> to vector<16xi32>
      %gather3A_2451 = tpu.dynamic_gather %sub3A_1824[%gather3A_2450] in [0] : vector<16xf32>, vector<16xi32> -> vector<16xf32>
      %broadcast_in_dim3A_2452 = arith.constant 7 : i32
      %broadcast_in_dim3A_2453 = vector.broadcast %broadcast_in_dim3A_2452 : i32 to vector<16x1xi32>
      %gather3A_2454 = vector.shape_cast %broadcast_in_dim3A_2453 : vector<16x1xi32> to vector<16xi32>
      %gather3A_2455 = tpu.dynamic_gather %add3A_1831[%gather3A_2454] in [0] : vector<16xf32>, vector<16xi32> -> vector<16xf32>
      %broadcast_in_dim3A_2456 = arith.constant 7 : i32
      %broadcast_in_dim3A_2457 = vector.broadcast %broadcast_in_dim3A_2456 : i32 to vector<16x1xi32>
      %gather3A_2458 = vector.shape_cast %broadcast_in_dim3A_2457 : vector<16x1xi32> to vector<16xi32>
      %gather3A_2459 = tpu.dynamic_gather %sub3A_1845[%gather3A_2458] in [0] : vector<16xf32>, vector<16xi32> -> vector<16xf32>
      %broadcast_in_dim3A_2460 = arith.constant 7 : i32
      %broadcast_in_dim3A_2461 = vector.broadcast %broadcast_in_dim3A_2460 : i32 to vector<16x1xi32>
      %gather3A_2462 = vector.shape_cast %broadcast_in_dim3A_2461 : vector<16x1xi32> to vector<16xi32>
      %gather3A_2463 = tpu.dynamic_gather %mul3A_1813[%gather3A_2462] in [0] : vector<16xf32>, vector<16xi32> -> vector<16xf32>
      %add3A_2464 = arith.constant 7 : i32
      %add3A_2465 = arith.addi %mul3A_1847, %add3A_2464 : i32
      %get3A_2466 = arith.index_cast %add3A_2465 : i32 to index
      %get3A_2467 = arith.constant 0 : index
      %get3A_2468 = tpu.vector_load %arg7[%get3A_2466, %get3A_2467] {strides = array<i32>} : memref<2048x32xf32, #tpu.memory_space<vmem>>, vector<1x16xf32>,
      %get3A_2469 = vector.shape_cast %get3A_2468 : vector<1x16xf32> to vector<16xf32>
      %add3A_2470 = arith.constant 512 : i32
      %add3A_2471 = arith.addi %add3A_2470, %add3A_2465 : i32
      %get3A_2472 = arith.index_cast %add3A_2471 : i32 to index
      %get3A_2473 = arith.constant 0 : index
      %get3A_2474 = tpu.vector_load %arg7[%get3A_2472, %get3A_2473] {strides = array<i32>} : memref<2048x32xf32, #tpu.memory_space<vmem>>, vector<1x16xf32>,
      %get3A_2475 = vector.shape_cast %get3A_2474 : vector<1x16xf32> to vector<16xf32>
      %add3A_2476 = arith.constant 1024 : i32
      %add3A_2477 = arith.addi %add3A_2476, %add3A_2465 : i32
      %get3A_2478 = arith.index_cast %add3A_2477 : i32 to index
      %get3A_2479 = arith.constant 0 : index
      %get3A_2480 = tpu.vector_load %arg7[%get3A_2478, %get3A_2479] {strides = array<i32>} : memref<2048x32xf32, #tpu.memory_space<vmem>>, vector<1x16xf32>,
      %get3A_2481 = vector.shape_cast %get3A_2480 : vector<1x16xf32> to vector<16xf32>
      %add3A_2482 = arith.constant 1536 : i32
      %add3A_2483 = arith.addi %add3A_2482, %add3A_2465 : i32
      %get3A_2484 = arith.index_cast %add3A_2483 : i32 to index
      %get3A_2485 = arith.constant 0 : index
      %get3A_2486 = tpu.vector_load %arg7[%get3A_2484, %get3A_2485] {strides = array<i32>} : memref<2048x32xf32, #tpu.memory_space<vmem>>, vector<1x16xf32>,
      %get3A_2487 = vector.shape_cast %get3A_2486 : vector<1x16xf32> to vector<16xf32>
      %mul3A_2488 = arith.mulf %gather3A_2451, %get3A_2469 : vector<16xf32>
      %mul3A_2489 = arith.mulf %gather3A_2455, %get3A_2475 : vector<16xf32>
      %add3A_2490 = arith.addf %mul3A_2488, %mul3A_2489 : vector<16xf32>
      %mul3A_2491 = arith.mulf %gather3A_2459, %get3A_2481 : vector<16xf32>
      %add3A_2492 = arith.addf %add3A_2490, %mul3A_2491 : vector<16xf32>
      %mul3A_2493 = arith.mulf %gather3A_2463, %get3A_2487 : vector<16xf32>
      %add3A_2494 = arith.addf %add3A_2492, %mul3A_2493 : vector<16xf32>
      %swap3A_2495 = arith.index_cast %add3A_2465 : i32 to index
      %swap3A_2496 = arith.constant 0 : index
      %swap3A_2497 = tpu.vector_load %arg8[%swap3A_2495, %swap3A_2496] {strides = array<i32>} : memref<512x32xf32, #tpu.memory_space<vmem>>, vector<1x16xf32>,
      %swap3A_2498 = vector.shape_cast %swap3A_2497 : vector<1x16xf32> to vector<16xf32>
      %swap3A_2499 = vector.shape_cast %add3A_2494 : vector<16xf32> to vector<1x16xf32>
      tpu.vector_store %arg8[%swap3A_2495, %swap3A_2496], %swap3A_2499 {strides = array<i32>} : memref<512x32xf32, #tpu.memory_space<vmem>>, vector<1x16xf32>,
      %get3A_2500 = arith.index_cast %add3A_2465 : i32 to index
      %get3A_2501 = arith.constant 16 : index
      %get3A_2502 = tpu.vector_load %arg7[%get3A_2500, %get3A_2501] {strides = array<i32>} : memref<2048x32xf32, #tpu.memory_space<vmem>>, vector<1x16xf32>,
      %get3A_2503 = vector.shape_cast %get3A_2502 : vector<1x16xf32> to vector<16xf32>
      %add3A_2504 = arith.constant 512 : i32
      %add3A_2505 = arith.addi %add3A_2504, %add3A_2465 : i32
      %get3A_2506 = arith.index_cast %add3A_2505 : i32 to index
      %get3A_2507 = arith.constant 16 : index
      %get3A_2508 = tpu.vector_load %arg7[%get3A_2506, %get3A_2507] {strides = array<i32>} : memref<2048x32xf32, #tpu.memory_space<vmem>>, vector<1x16xf32>,
      %get3A_2509 = vector.shape_cast %get3A_2508 : vector<1x16xf32> to vector<16xf32>
      %add3A_2510 = arith.constant 1024 : i32
      %add3A_2511 = arith.addi %add3A_2510, %add3A_2465 : i32
      %get3A_2512 = arith.index_cast %add3A_2511 : i32 to index
      %get3A_2513 = arith.constant 16 : index
      %get3A_2514 = tpu.vector_load %arg7[%get3A_2512, %get3A_2513] {strides = array<i32>} : memref<2048x32xf32, #tpu.memory_space<vmem>>, vector<1x16xf32>,
      %get3A_2515 = vector.shape_cast %get3A_2514 : vector<1x16xf32> to vector<16xf32>
      %add3A_2516 = arith.constant 1536 : i32
      %add3A_2517 = arith.addi %add3A_2516, %add3A_2465 : i32
      %get3A_2518 = arith.index_cast %add3A_2517 : i32 to index
      %get3A_2519 = arith.constant 16 : index
      %get3A_2520 = tpu.vector_load %arg7[%get3A_2518, %get3A_2519] {strides = array<i32>} : memref<2048x32xf32, #tpu.memory_space<vmem>>, vector<1x16xf32>,
      %get3A_2521 = vector.shape_cast %get3A_2520 : vector<1x16xf32> to vector<16xf32>
      %mul3A_2522 = arith.mulf %gather3A_2451, %get3A_2503 : vector<16xf32>
      %mul3A_2523 = arith.mulf %gather3A_2455, %get3A_2509 : vector<16xf32>
      %add3A_2524 = arith.addf %mul3A_2522, %mul3A_2523 : vector<16xf32>
      %mul3A_2525 = arith.mulf %gather3A_2459, %get3A_2515 : vector<16xf32>
      %add3A_2526 = arith.addf %add3A_2524, %mul3A_2525 : vector<16xf32>
      %mul3A_2527 = arith.mulf %gather3A_2463, %get3A_2521 : vector<16xf32>
      %add3A_2528 = arith.addf %add3A_2526, %mul3A_2527 : vector<16xf32>
      %swap3A_2529 = arith.index_cast %add3A_2465 : i32 to index
      %swap3A_2530 = arith.constant 16 : index
      %swap3A_2531 = tpu.vector_load %arg8[%swap3A_2529, %swap3A_2530] {strides = array<i32>} : memref<512x32xf32, #tpu.memory_space<vmem>>, vector<1x16xf32>,
      %swap3A_2532 = vector.shape_cast %swap3A_2531 : vector<1x16xf32> to vector<16xf32>
      %swap3A_2533 = vector.shape_cast %add3A_2528 : vector<16xf32> to vector<1x16xf32>
      tpu.vector_store %arg8[%swap3A_2529, %swap3A_2530], %swap3A_2533 {strides = array<i32>} : memref<512x32xf32, #tpu.memory_space<vmem>>, vector<1x16xf32>,
      %broadcast_in_dim3A_2534 = arith.constant 8 : i32
      %broadcast_in_dim3A_2535 = vector.broadcast %broadcast_in_dim3A_2534 : i32 to vector<16x1xi32>
      %gather3A_2536 = vector.shape_cast %broadcast_in_dim3A_2535 : vector<16x1xi32> to vector<16xi32>
      %gather3A_2537 = tpu.dynamic_gather %sub3A_1824[%gather3A_2536] in [0] : vector<16xf32>, vector<16xi32> -> vector<16xf32>
      %broadcast_in_dim3A_2538 = arith.constant 8 : i32
      %broadcast_in_dim3A_2539 = vector.broadcast %broadcast_in_dim3A_2538 : i32 to vector<16x1xi32>
      %gather3A_2540 = vector.shape_cast %broadcast_in_dim3A_2539 : vector<16x1xi32> to vector<16xi32>
      %gather3A_2541 = tpu.dynamic_gather %add3A_1831[%gather3A_2540] in [0] : vector<16xf32>, vector<16xi32> -> vector<16xf32>
      %broadcast_in_dim3A_2542 = arith.constant 8 : i32
      %broadcast_in_dim3A_2543 = vector.broadcast %broadcast_in_dim3A_2542 : i32 to vector<16x1xi32>
      %gather3A_2544 = vector.shape_cast %broadcast_in_dim3A_2543 : vector<16x1xi32> to vector<16xi32>
      %gather3A_2545 = tpu.dynamic_gather %sub3A_1845[%gather3A_2544] in [0] : vector<16xf32>, vector<16xi32> -> vector<16xf32>
      %broadcast_in_dim3A_2546 = arith.constant 8 : i32
      %broadcast_in_dim3A_2547 = vector.broadcast %broadcast_in_dim3A_2546 : i32 to vector<16x1xi32>
      %gather3A_2548 = vector.shape_cast %broadcast_in_dim3A_2547 : vector<16x1xi32> to vector<16xi32>
      %gather3A_2549 = tpu.dynamic_gather %mul3A_1813[%gather3A_2548] in [0] : vector<16xf32>, vector<16xi32> -> vector<16xf32>
      %add3A_2550 = arith.constant 8 : i32
      %add3A_2551 = arith.addi %mul3A_1847, %add3A_2550 : i32
      %get3A_2552 = arith.index_cast %add3A_2551 : i32 to index
      %get3A_2553 = arith.constant 0 : index
      %get3A_2554 = tpu.vector_load %arg7[%get3A_2552, %get3A_2553] {strides = array<i32>} : memref<2048x32xf32, #tpu.memory_space<vmem>>, vector<1x16xf32>,
      %get3A_2555 = vector.shape_cast %get3A_2554 : vector<1x16xf32> to vector<16xf32>
      %add3A_2556 = arith.constant 512 : i32
      %add3A_2557 = arith.addi %add3A_2556, %add3A_2551 : i32
      %get3A_2558 = arith.index_cast %add3A_2557 : i32 to index
      %get3A_2559 = arith.constant 0 : index
      %get3A_2560 = tpu.vector_load %arg7[%get3A_2558, %get3A_2559] {strides = array<i32>} : memref<2048x32xf32, #tpu.memory_space<vmem>>, vector<1x16xf32>,
      %get3A_2561 = vector.shape_cast %get3A_2560 : vector<1x16xf32> to vector<16xf32>
      %add3A_2562 = arith.constant 1024 : i32
      %add3A_2563 = arith.addi %add3A_2562, %add3A_2551 : i32
      %get3A_2564 = arith.index_cast %add3A_2563 : i32 to index
      %get3A_2565 = arith.constant 0 : index
      %get3A_2566 = tpu.vector_load %arg7[%get3A_2564, %get3A_2565] {strides = array<i32>} : memref<2048x32xf32, #tpu.memory_space<vmem>>, vector<1x16xf32>,
      %get3A_2567 = vector.shape_cast %get3A_2566 : vector<1x16xf32> to vector<16xf32>
      %add3A_2568 = arith.constant 1536 : i32
      %add3A_2569 = arith.addi %add3A_2568, %add3A_2551 : i32
      %get3A_2570 = arith.index_cast %add3A_2569 : i32 to index
      %get3A_2571 = arith.constant 0 : index
      %get3A_2572 = tpu.vector_load %arg7[%get3A_2570, %get3A_2571] {strides = array<i32>} : memref<2048x32xf32, #tpu.memory_space<vmem>>, vector<1x16xf32>,
      %get3A_2573 = vector.shape_cast %get3A_2572 : vector<1x16xf32> to vector<16xf32>
      %mul3A_2574 = arith.mulf %gather3A_2537, %get3A_2555 : vector<16xf32>
      %mul3A_2575 = arith.mulf %gather3A_2541, %get3A_2561 : vector<16xf32>
      %add3A_2576 = arith.addf %mul3A_2574, %mul3A_2575 : vector<16xf32>
      %mul3A_2577 = arith.mulf %gather3A_2545, %get3A_2567 : vector<16xf32>
      %add3A_2578 = arith.addf %add3A_2576, %mul3A_2577 : vector<16xf32>
      %mul3A_2579 = arith.mulf %gather3A_2549, %get3A_2573 : vector<16xf32>
      %add3A_2580 = arith.addf %add3A_2578, %mul3A_2579 : vector<16xf32>
      %swap3A_2581 = arith.index_cast %add3A_2551 : i32 to index
      %swap3A_2582 = arith.constant 0 : index
      %swap3A_2583 = tpu.vector_load %arg8[%swap3A_2581, %swap3A_2582] {strides = array<i32>} : memref<512x32xf32, #tpu.memory_space<vmem>>, vector<1x16xf32>,
      %swap3A_2584 = vector.shape_cast %swap3A_2583 : vector<1x16xf32> to vector<16xf32>
      %swap3A_2585 = vector.shape_cast %add3A_2580 : vector<16xf32> to vector<1x16xf32>
      tpu.vector_store %arg8[%swap3A_2581, %swap3A_2582], %swap3A_2585 {strides = array<i32>} : memref<512x32xf32, #tpu.memory_space<vmem>>, vector<1x16xf32>,
      %get3A_2586 = arith.index_cast %add3A_2551 : i32 to index
      %get3A_2587 = arith.constant 16 : index
      %get3A_2588 = tpu.vector_load %arg7[%get3A_2586, %get3A_2587] {strides = array<i32>} : memref<2048x32xf32, #tpu.memory_space<vmem>>, vector<1x16xf32>,
      %get3A_2589 = vector.shape_cast %get3A_2588 : vector<1x16xf32> to vector<16xf32>
      %add3A_2590 = arith.constant 512 : i32
      %add3A_2591 = arith.addi %add3A_2590, %add3A_2551 : i32
      %get3A_2592 = arith.index_cast %add3A_2591 : i32 to index
      %get3A_2593 = arith.constant 16 : index
      %get3A_2594 = tpu.vector_load %arg7[%get3A_2592, %get3A_2593] {strides = array<i32>} : memref<2048x32xf32, #tpu.memory_space<vmem>>, vector<1x16xf32>,
      %get3A_2595 = vector.shape_cast %get3A_2594 : vector<1x16xf32> to vector<16xf32>
      %add3A_2596 = arith.constant 1024 : i32
      %add3A_2597 = arith.addi %add3A_2596, %add3A_2551 : i32
      %get3A_2598 = arith.index_cast %add3A_2597 : i32 to index
      %get3A_2599 = arith.constant 16 : index
      %get3A_2600 = tpu.vector_load %arg7[%get3A_2598, %get3A_2599] {strides = array<i32>} : memref<2048x32xf32, #tpu.memory_space<vmem>>, vector<1x16xf32>,
      %get3A_2601 = vector.shape_cast %get3A_2600 : vector<1x16xf32> to vector<16xf32>
      %add3A_2602 = arith.constant 1536 : i32
      %add3A_2603 = arith.addi %add3A_2602, %add3A_2551 : i32
      %get3A_2604 = arith.index_cast %add3A_2603 : i32 to index
      %get3A_2605 = arith.constant 16 : index
      %get3A_2606 = tpu.vector_load %arg7[%get3A_2604, %get3A_2605] {strides = array<i32>} : memref<2048x32xf32, #tpu.memory_space<vmem>>, vector<1x16xf32>,
      %get3A_2607 = vector.shape_cast %get3A_2606 : vector<1x16xf32> to vector<16xf32>
      %mul3A_2608 = arith.mulf %gather3A_2537, %get3A_2589 : vector<16xf32>
      %mul3A_2609 = arith.mulf %gather3A_2541, %get3A_2595 : vector<16xf32>
      %add3A_2610 = arith.addf %mul3A_2608, %mul3A_2609 : vector<16xf32>
      %mul3A_2611 = arith.mulf %gather3A_2545, %get3A_2601 : vector<16xf32>
      %add3A_2612 = arith.addf %add3A_2610, %mul3A_2611 : vector<16xf32>
      %mul3A_2613 = arith.mulf %gather3A_2549, %get3A_2607 : vector<16xf32>
      %add3A_2614 = arith.addf %add3A_2612, %mul3A_2613 : vector<16xf32>
      %swap3A_2615 = arith.index_cast %add3A_2551 : i32 to index
      %swap3A_2616 = arith.constant 16 : index
      %swap3A_2617 = tpu.vector_load %arg8[%swap3A_2615, %swap3A_2616] {strides = array<i32>} : memref<512x32xf32, #tpu.memory_space<vmem>>, vector<1x16xf32>,
      %swap3A_2618 = vector.shape_cast %swap3A_2617 : vector<1x16xf32> to vector<16xf32>
      %swap3A_2619 = vector.shape_cast %add3A_2614 : vector<16xf32> to vector<1x16xf32>
      tpu.vector_store %arg8[%swap3A_2615, %swap3A_2616], %swap3A_2619 {strides = array<i32>} : memref<512x32xf32, #tpu.memory_space<vmem>>, vector<1x16xf32>,
      %broadcast_in_dim3A_2620 = arith.constant 9 : i32
      %broadcast_in_dim3A_2621 = vector.broadcast %broadcast_in_dim3A_2620 : i32 to vector<16x1xi32>
      %gather3A_2622 = vector.shape_cast %broadcast_in_dim3A_2621 : vector<16x1xi32> to vector<16xi32>
      %gather3A_2623 = tpu.dynamic_gather %sub3A_1824[%gather3A_2622] in [0] : vector<16xf32>, vector<16xi32> -> vector<16xf32>
      %broadcast_in_dim3A_2624 = arith.constant 9 : i32
      %broadcast_in_dim3A_2625 = vector.broadcast %broadcast_in_dim3A_2624 : i32 to vector<16x1xi32>
      %gather3A_2626 = vector.shape_cast %broadcast_in_dim3A_2625 : vector<16x1xi32> to vector<16xi32>
      %gather3A_2627 = tpu.dynamic_gather %add3A_1831[%gather3A_2626] in [0] : vector<16xf32>, vector<16xi32> -> vector<16xf32>
      %broadcast_in_dim3A_2628 = arith.constant 9 : i32
      %broadcast_in_dim3A_2629 = vector.broadcast %broadcast_in_dim3A_2628 : i32 to vector<16x1xi32>
      %gather3A_2630 = vector.shape_cast %broadcast_in_dim3A_2629 : vector<16x1xi32> to vector<16xi32>
      %gather3A_2631 = tpu.dynamic_gather %sub3A_1845[%gather3A_2630] in [0] : vector<16xf32>, vector<16xi32> -> vector<16xf32>
      %broadcast_in_dim3A_2632 = arith.constant 9 : i32
      %broadcast_in_dim3A_2633 = vector.broadcast %broadcast_in_dim3A_2632 : i32 to vector<16x1xi32>
      %gather3A_2634 = vector.shape_cast %broadcast_in_dim3A_2633 : vector<16x1xi32> to vector<16xi32>
      %gather3A_2635 = tpu.dynamic_gather %mul3A_1813[%gather3A_2634] in [0] : vector<16xf32>, vector<16xi32> -> vector<16xf32>
      %add3A_2636 = arith.constant 9 : i32
      %add3A_2637 = arith.addi %mul3A_1847, %add3A_2636 : i32
      %get3A_2638 = arith.index_cast %add3A_2637 : i32 to index
      %get3A_2639 = arith.constant 0 : index
      %get3A_2640 = tpu.vector_load %arg7[%get3A_2638, %get3A_2639] {strides = array<i32>} : memref<2048x32xf32, #tpu.memory_space<vmem>>, vector<1x16xf32>,
      %get3A_2641 = vector.shape_cast %get3A_2640 : vector<1x16xf32> to vector<16xf32>
      %add3A_2642 = arith.constant 512 : i32
      %add3A_2643 = arith.addi %add3A_2642, %add3A_2637 : i32
      %get3A_2644 = arith.index_cast %add3A_2643 : i32 to index
      %get3A_2645 = arith.constant 0 : index
      %get3A_2646 = tpu.vector_load %arg7[%get3A_2644, %get3A_2645] {strides = array<i32>} : memref<2048x32xf32, #tpu.memory_space<vmem>>, vector<1x16xf32>,
      %get3A_2647 = vector.shape_cast %get3A_2646 : vector<1x16xf32> to vector<16xf32>
      %add3A_2648 = arith.constant 1024 : i32
      %add3A_2649 = arith.addi %add3A_2648, %add3A_2637 : i32
      %get3A_2650 = arith.index_cast %add3A_2649 : i32 to index
      %get3A_2651 = arith.constant 0 : index
      %get3A_2652 = tpu.vector_load %arg7[%get3A_2650, %get3A_2651] {strides = array<i32>} : memref<2048x32xf32, #tpu.memory_space<vmem>>, vector<1x16xf32>,
      %get3A_2653 = vector.shape_cast %get3A_2652 : vector<1x16xf32> to vector<16xf32>
      %add3A_2654 = arith.constant 1536 : i32
      %add3A_2655 = arith.addi %add3A_2654, %add3A_2637 : i32
      %get3A_2656 = arith.index_cast %add3A_2655 : i32 to index
      %get3A_2657 = arith.constant 0 : index
      %get3A_2658 = tpu.vector_load %arg7[%get3A_2656, %get3A_2657] {strides = array<i32>} : memref<2048x32xf32, #tpu.memory_space<vmem>>, vector<1x16xf32>,
      %get3A_2659 = vector.shape_cast %get3A_2658 : vector<1x16xf32> to vector<16xf32>
      %mul3A_2660 = arith.mulf %gather3A_2623, %get3A_2641 : vector<16xf32>
      %mul3A_2661 = arith.mulf %gather3A_2627, %get3A_2647 : vector<16xf32>
      %add3A_2662 = arith.addf %mul3A_2660, %mul3A_2661 : vector<16xf32>
      %mul3A_2663 = arith.mulf %gather3A_2631, %get3A_2653 : vector<16xf32>
      %add3A_2664 = arith.addf %add3A_2662, %mul3A_2663 : vector<16xf32>
      %mul3A_2665 = arith.mulf %gather3A_2635, %get3A_2659 : vector<16xf32>
      %add3A_2666 = arith.addf %add3A_2664, %mul3A_2665 : vector<16xf32>
      %swap3A_2667 = arith.index_cast %add3A_2637 : i32 to index
      %swap3A_2668 = arith.constant 0 : index
      %swap3A_2669 = tpu.vector_load %arg8[%swap3A_2667, %swap3A_2668] {strides = array<i32>} : memref<512x32xf32, #tpu.memory_space<vmem>>, vector<1x16xf32>,
      %swap3A_2670 = vector.shape_cast %swap3A_2669 : vector<1x16xf32> to vector<16xf32>
      %swap3A_2671 = vector.shape_cast %add3A_2666 : vector<16xf32> to vector<1x16xf32>
      tpu.vector_store %arg8[%swap3A_2667, %swap3A_2668], %swap3A_2671 {strides = array<i32>} : memref<512x32xf32, #tpu.memory_space<vmem>>, vector<1x16xf32>,
      %get3A_2672 = arith.index_cast %add3A_2637 : i32 to index
      %get3A_2673 = arith.constant 16 : index
      %get3A_2674 = tpu.vector_load %arg7[%get3A_2672, %get3A_2673] {strides = array<i32>} : memref<2048x32xf32, #tpu.memory_space<vmem>>, vector<1x16xf32>,
      %get3A_2675 = vector.shape_cast %get3A_2674 : vector<1x16xf32> to vector<16xf32>
      %add3A_2676 = arith.constant 512 : i32
      %add3A_2677 = arith.addi %add3A_2676, %add3A_2637 : i32
      %get3A_2678 = arith.index_cast %add3A_2677 : i32 to index
      %get3A_2679 = arith.constant 16 : index
      %get3A_2680 = tpu.vector_load %arg7[%get3A_2678, %get3A_2679] {strides = array<i32>} : memref<2048x32xf32, #tpu.memory_space<vmem>>, vector<1x16xf32>,
      %get3A_2681 = vector.shape_cast %get3A_2680 : vector<1x16xf32> to vector<16xf32>
      %add3A_2682 = arith.constant 1024 : i32
      %add3A_2683 = arith.addi %add3A_2682, %add3A_2637 : i32
      %get3A_2684 = arith.index_cast %add3A_2683 : i32 to index
      %get3A_2685 = arith.constant 16 : index
      %get3A_2686 = tpu.vector_load %arg7[%get3A_2684, %get3A_2685] {strides = array<i32>} : memref<2048x32xf32, #tpu.memory_space<vmem>>, vector<1x16xf32>,
      %get3A_2687 = vector.shape_cast %get3A_2686 : vector<1x16xf32> to vector<16xf32>
      %add3A_2688 = arith.constant 1536 : i32
      %add3A_2689 = arith.addi %add3A_2688, %add3A_2637 : i32
      %get3A_2690 = arith.index_cast %add3A_2689 : i32 to index
      %get3A_2691 = arith.constant 16 : index
      %get3A_2692 = tpu.vector_load %arg7[%get3A_2690, %get3A_2691] {strides = array<i32>} : memref<2048x32xf32, #tpu.memory_space<vmem>>, vector<1x16xf32>,
      %get3A_2693 = vector.shape_cast %get3A_2692 : vector<1x16xf32> to vector<16xf32>
      %mul3A_2694 = arith.mulf %gather3A_2623, %get3A_2675 : vector<16xf32>
      %mul3A_2695 = arith.mulf %gather3A_2627, %get3A_2681 : vector<16xf32>
      %add3A_2696 = arith.addf %mul3A_2694, %mul3A_2695 : vector<16xf32>
      %mul3A_2697 = arith.mulf %gather3A_2631, %get3A_2687 : vector<16xf32>
      %add3A_2698 = arith.addf %add3A_2696, %mul3A_2697 : vector<16xf32>
      %mul3A_2699 = arith.mulf %gather3A_2635, %get3A_2693 : vector<16xf32>
      %add3A_2700 = arith.addf %add3A_2698, %mul3A_2699 : vector<16xf32>
      %swap3A_2701 = arith.index_cast %add3A_2637 : i32 to index
      %swap3A_2702 = arith.constant 16 : index
      %swap3A_2703 = tpu.vector_load %arg8[%swap3A_2701, %swap3A_2702] {strides = array<i32>} : memref<512x32xf32, #tpu.memory_space<vmem>>, vector<1x16xf32>,
      %swap3A_2704 = vector.shape_cast %swap3A_2703 : vector<1x16xf32> to vector<16xf32>
      %swap3A_2705 = vector.shape_cast %add3A_2700 : vector<16xf32> to vector<1x16xf32>
      tpu.vector_store %arg8[%swap3A_2701, %swap3A_2702], %swap3A_2705 {strides = array<i32>} : memref<512x32xf32, #tpu.memory_space<vmem>>, vector<1x16xf32>,
      %broadcast_in_dim3A_2706 = arith.constant 10 : i32
      %broadcast_in_dim3A_2707 = vector.broadcast %broadcast_in_dim3A_2706 : i32 to vector<16x1xi32>
      %gather3A_2708 = vector.shape_cast %broadcast_in_dim3A_2707 : vector<16x1xi32> to vector<16xi32>
      %gather3A_2709 = tpu.dynamic_gather %sub3A_1824[%gather3A_2708] in [0] : vector<16xf32>, vector<16xi32> -> vector<16xf32>
      %broadcast_in_dim3A_2710 = arith.constant 10 : i32
      %broadcast_in_dim3A_2711 = vector.broadcast %broadcast_in_dim3A_2710 : i32 to vector<16x1xi32>
      %gather3A_2712 = vector.shape_cast %broadcast_in_dim3A_2711 : vector<16x1xi32> to vector<16xi32>
      %gather3A_2713 = tpu.dynamic_gather %add3A_1831[%gather3A_2712] in [0] : vector<16xf32>, vector<16xi32> -> vector<16xf32>
      %broadcast_in_dim3A_2714 = arith.constant 10 : i32
      %broadcast_in_dim3A_2715 = vector.broadcast %broadcast_in_dim3A_2714 : i32 to vector<16x1xi32>
      %gather3A_2716 = vector.shape_cast %broadcast_in_dim3A_2715 : vector<16x1xi32> to vector<16xi32>
      %gather3A_2717 = tpu.dynamic_gather %sub3A_1845[%gather3A_2716] in [0] : vector<16xf32>, vector<16xi32> -> vector<16xf32>
      %broadcast_in_dim3A_2718 = arith.constant 10 : i32
      %broadcast_in_dim3A_2719 = vector.broadcast %broadcast_in_dim3A_2718 : i32 to vector<16x1xi32>
      %gather3A_2720 = vector.shape_cast %broadcast_in_dim3A_2719 : vector<16x1xi32> to vector<16xi32>
      %gather3A_2721 = tpu.dynamic_gather %mul3A_1813[%gather3A_2720] in [0] : vector<16xf32>, vector<16xi32> -> vector<16xf32>
      %add3A_2722 = arith.constant 10 : i32
      %add3A_2723 = arith.addi %mul3A_1847, %add3A_2722 : i32
      %get3A_2724 = arith.index_cast %add3A_2723 : i32 to index
      %get3A_2725 = arith.constant 0 : index
      %get3A_2726 = tpu.vector_load %arg7[%get3A_2724, %get3A_2725] {strides = array<i32>} : memref<2048x32xf32, #tpu.memory_space<vmem>>, vector<1x16xf32>,
      %get3A_2727 = vector.shape_cast %get3A_2726 : vector<1x16xf32> to vector<16xf32>
      %add3A_2728 = arith.constant 512 : i32
      %add3A_2729 = arith.addi %add3A_2728, %add3A_2723 : i32
      %get3A_2730 = arith.index_cast %add3A_2729 : i32 to index
      %get3A_2731 = arith.constant 0 : index
      %get3A_2732 = tpu.vector_load %arg7[%get3A_2730, %get3A_2731] {strides = array<i32>} : memref<2048x32xf32, #tpu.memory_space<vmem>>, vector<1x16xf32>,
      %get3A_2733 = vector.shape_cast %get3A_2732 : vector<1x16xf32> to vector<16xf32>
      %add3A_2734 = arith.constant 1024 : i32
      %add3A_2735 = arith.addi %add3A_2734, %add3A_2723 : i32
      %get3A_2736 = arith.index_cast %add3A_2735 : i32 to index
      %get3A_2737 = arith.constant 0 : index
      %get3A_2738 = tpu.vector_load %arg7[%get3A_2736, %get3A_2737] {strides = array<i32>} : memref<2048x32xf32, #tpu.memory_space<vmem>>, vector<1x16xf32>,
      %get3A_2739 = vector.shape_cast %get3A_2738 : vector<1x16xf32> to vector<16xf32>
      %add3A_2740 = arith.constant 1536 : i32
      %add3A_2741 = arith.addi %add3A_2740, %add3A_2723 : i32
      %get3A_2742 = arith.index_cast %add3A_2741 : i32 to index
      %get3A_2743 = arith.constant 0 : index
      %get3A_2744 = tpu.vector_load %arg7[%get3A_2742, %get3A_2743] {strides = array<i32>} : memref<2048x32xf32, #tpu.memory_space<vmem>>, vector<1x16xf32>,
      %get3A_2745 = vector.shape_cast %get3A_2744 : vector<1x16xf32> to vector<16xf32>
      %mul3A_2746 = arith.mulf %gather3A_2709, %get3A_2727 : vector<16xf32>
      %mul3A_2747 = arith.mulf %gather3A_2713, %get3A_2733 : vector<16xf32>
      %add3A_2748 = arith.addf %mul3A_2746, %mul3A_2747 : vector<16xf32>
      %mul3A_2749 = arith.mulf %gather3A_2717, %get3A_2739 : vector<16xf32>
      %add3A_2750 = arith.addf %add3A_2748, %mul3A_2749 : vector<16xf32>
      %mul3A_2751 = arith.mulf %gather3A_2721, %get3A_2745 : vector<16xf32>
      %add3A_2752 = arith.addf %add3A_2750, %mul3A_2751 : vector<16xf32>
      %swap3A_2753 = arith.index_cast %add3A_2723 : i32 to index
      %swap3A_2754 = arith.constant 0 : index
      %swap3A_2755 = tpu.vector_load %arg8[%swap3A_2753, %swap3A_2754] {strides = array<i32>} : memref<512x32xf32, #tpu.memory_space<vmem>>, vector<1x16xf32>,
      %swap3A_2756 = vector.shape_cast %swap3A_2755 : vector<1x16xf32> to vector<16xf32>
      %swap3A_2757 = vector.shape_cast %add3A_2752 : vector<16xf32> to vector<1x16xf32>
      tpu.vector_store %arg8[%swap3A_2753, %swap3A_2754], %swap3A_2757 {strides = array<i32>} : memref<512x32xf32, #tpu.memory_space<vmem>>, vector<1x16xf32>,
      %get3A_2758 = arith.index_cast %add3A_2723 : i32 to index
      %get3A_2759 = arith.constant 16 : index
      %get3A_2760 = tpu.vector_load %arg7[%get3A_2758, %get3A_2759] {strides = array<i32>} : memref<2048x32xf32, #tpu.memory_space<vmem>>, vector<1x16xf32>,
      %get3A_2761 = vector.shape_cast %get3A_2760 : vector<1x16xf32> to vector<16xf32>
      %add3A_2762 = arith.constant 512 : i32
      %add3A_2763 = arith.addi %add3A_2762, %add3A_2723 : i32
      %get3A_2764 = arith.index_cast %add3A_2763 : i32 to index
      %get3A_2765 = arith.constant 16 : index
      %get3A_2766 = tpu.vector_load %arg7[%get3A_2764, %get3A_2765] {strides = array<i32>} : memref<2048x32xf32, #tpu.memory_space<vmem>>, vector<1x16xf32>,
      %get3A_2767 = vector.shape_cast %get3A_2766 : vector<1x16xf32> to vector<16xf32>
      %add3A_2768 = arith.constant 1024 : i32
      %add3A_2769 = arith.addi %add3A_2768, %add3A_2723 : i32
      %get3A_2770 = arith.index_cast %add3A_2769 : i32 to index
      %get3A_2771 = arith.constant 16 : index
      %get3A_2772 = tpu.vector_load %arg7[%get3A_2770, %get3A_2771] {strides = array<i32>} : memref<2048x32xf32, #tpu.memory_space<vmem>>, vector<1x16xf32>,
      %get3A_2773 = vector.shape_cast %get3A_2772 : vector<1x16xf32> to vector<16xf32>
      %add3A_2774 = arith.constant 1536 : i32
      %add3A_2775 = arith.addi %add3A_2774, %add3A_2723 : i32
      %get3A_2776 = arith.index_cast %add3A_2775 : i32 to index
      %get3A_2777 = arith.constant 16 : index
      %get3A_2778 = tpu.vector_load %arg7[%get3A_2776, %get3A_2777] {strides = array<i32>} : memref<2048x32xf32, #tpu.memory_space<vmem>>, vector<1x16xf32>,
      %get3A_2779 = vector.shape_cast %get3A_2778 : vector<1x16xf32> to vector<16xf32>
      %mul3A_2780 = arith.mulf %gather3A_2709, %get3A_2761 : vector<16xf32>
      %mul3A_2781 = arith.mulf %gather3A_2713, %get3A_2767 : vector<16xf32>
      %add3A_2782 = arith.addf %mul3A_2780, %mul3A_2781 : vector<16xf32>
      %mul3A_2783 = arith.mulf %gather3A_2717, %get3A_2773 : vector<16xf32>
      %add3A_2784 = arith.addf %add3A_2782, %mul3A_2783 : vector<16xf32>
      %mul3A_2785 = arith.mulf %gather3A_2721, %get3A_2779 : vector<16xf32>
      %add3A_2786 = arith.addf %add3A_2784, %mul3A_2785 : vector<16xf32>
      %swap3A_2787 = arith.index_cast %add3A_2723 : i32 to index
      %swap3A_2788 = arith.constant 16 : index
      %swap3A_2789 = tpu.vector_load %arg8[%swap3A_2787, %swap3A_2788] {strides = array<i32>} : memref<512x32xf32, #tpu.memory_space<vmem>>, vector<1x16xf32>,
      %swap3A_2790 = vector.shape_cast %swap3A_2789 : vector<1x16xf32> to vector<16xf32>
      %swap3A_2791 = vector.shape_cast %add3A_2786 : vector<16xf32> to vector<1x16xf32>
      tpu.vector_store %arg8[%swap3A_2787, %swap3A_2788], %swap3A_2791 {strides = array<i32>} : memref<512x32xf32, #tpu.memory_space<vmem>>, vector<1x16xf32>,
      %broadcast_in_dim3A_2792 = arith.constant 11 : i32
      %broadcast_in_dim3A_2793 = vector.broadcast %broadcast_in_dim3A_2792 : i32 to vector<16x1xi32>
      %gather3A_2794 = vector.shape_cast %broadcast_in_dim3A_2793 : vector<16x1xi32> to vector<16xi32>
      %gather3A_2795 = tpu.dynamic_gather %sub3A_1824[%gather3A_2794] in [0] : vector<16xf32>, vector<16xi32> -> vector<16xf32>
      %broadcast_in_dim3A_2796 = arith.constant 11 : i32
      %broadcast_in_dim3A_2797 = vector.broadcast %broadcast_in_dim3A_2796 : i32 to vector<16x1xi32>
      %gather3A_2798 = vector.shape_cast %broadcast_in_dim3A_2797 : vector<16x1xi32> to vector<16xi32>
      %gather3A_2799 = tpu.dynamic_gather %add3A_1831[%gather3A_2798] in [0] : vector<16xf32>, vector<16xi32> -> vector<16xf32>
      %broadcast_in_dim3A_2800 = arith.constant 11 : i32
      %broadcast_in_dim3A_2801 = vector.broadcast %broadcast_in_dim3A_2800 : i32 to vector<16x1xi32>
      %gather3A_2802 = vector.shape_cast %broadcast_in_dim3A_2801 : vector<16x1xi32> to vector<16xi32>
      %gather3A_2803 = tpu.dynamic_gather %sub3A_1845[%gather3A_2802] in [0] : vector<16xf32>, vector<16xi32> -> vector<16xf32>
      %broadcast_in_dim3A_2804 = arith.constant 11 : i32
      %broadcast_in_dim3A_2805 = vector.broadcast %broadcast_in_dim3A_2804 : i32 to vector<16x1xi32>
      %gather3A_2806 = vector.shape_cast %broadcast_in_dim3A_2805 : vector<16x1xi32> to vector<16xi32>
      %gather3A_2807 = tpu.dynamic_gather %mul3A_1813[%gather3A_2806] in [0] : vector<16xf32>, vector<16xi32> -> vector<16xf32>
      %add3A_2808 = arith.constant 11 : i32
      %add3A_2809 = arith.addi %mul3A_1847, %add3A_2808 : i32
      %get3A_2810 = arith.index_cast %add3A_2809 : i32 to index
      %get3A_2811 = arith.constant 0 : index
      %get3A_2812 = tpu.vector_load %arg7[%get3A_2810, %get3A_2811] {strides = array<i32>} : memref<2048x32xf32, #tpu.memory_space<vmem>>, vector<1x16xf32>,
      %get3A_2813 = vector.shape_cast %get3A_2812 : vector<1x16xf32> to vector<16xf32>
      %add3A_2814 = arith.constant 512 : i32
      %add3A_2815 = arith.addi %add3A_2814, %add3A_2809 : i32
      %get3A_2816 = arith.index_cast %add3A_2815 : i32 to index
      %get3A_2817 = arith.constant 0 : index
      %get3A_2818 = tpu.vector_load %arg7[%get3A_2816, %get3A_2817] {strides = array<i32>} : memref<2048x32xf32, #tpu.memory_space<vmem>>, vector<1x16xf32>,
      %get3A_2819 = vector.shape_cast %get3A_2818 : vector<1x16xf32> to vector<16xf32>
      %add3A_2820 = arith.constant 1024 : i32
      %add3A_2821 = arith.addi %add3A_2820, %add3A_2809 : i32
      %get3A_2822 = arith.index_cast %add3A_2821 : i32 to index
      %get3A_2823 = arith.constant 0 : index
      %get3A_2824 = tpu.vector_load %arg7[%get3A_2822, %get3A_2823] {strides = array<i32>} : memref<2048x32xf32, #tpu.memory_space<vmem>>, vector<1x16xf32>,
      %get3A_2825 = vector.shape_cast %get3A_2824 : vector<1x16xf32> to vector<16xf32>
      %add3A_2826 = arith.constant 1536 : i32
      %add3A_2827 = arith.addi %add3A_2826, %add3A_2809 : i32
      %get3A_2828 = arith.index_cast %add3A_2827 : i32 to index
      %get3A_2829 = arith.constant 0 : index
      %get3A_2830 = tpu.vector_load %arg7[%get3A_2828, %get3A_2829] {strides = array<i32>} : memref<2048x32xf32, #tpu.memory_space<vmem>>, vector<1x16xf32>,
      %get3A_2831 = vector.shape_cast %get3A_2830 : vector<1x16xf32> to vector<16xf32>
      %mul3A_2832 = arith.mulf %gather3A_2795, %get3A_2813 : vector<16xf32>
      %mul3A_2833 = arith.mulf %gather3A_2799, %get3A_2819 : vector<16xf32>
      %add3A_2834 = arith.addf %mul3A_2832, %mul3A_2833 : vector<16xf32>
      %mul3A_2835 = arith.mulf %gather3A_2803, %get3A_2825 : vector<16xf32>
      %add3A_2836 = arith.addf %add3A_2834, %mul3A_2835 : vector<16xf32>
      %mul3A_2837 = arith.mulf %gather3A_2807, %get3A_2831 : vector<16xf32>
      %add3A_2838 = arith.addf %add3A_2836, %mul3A_2837 : vector<16xf32>
      %swap3A_2839 = arith.index_cast %add3A_2809 : i32 to index
      %swap3A_2840 = arith.constant 0 : index
      %swap3A_2841 = tpu.vector_load %arg8[%swap3A_2839, %swap3A_2840] {strides = array<i32>} : memref<512x32xf32, #tpu.memory_space<vmem>>, vector<1x16xf32>,
      %swap3A_2842 = vector.shape_cast %swap3A_2841 : vector<1x16xf32> to vector<16xf32>
      %swap3A_2843 = vector.shape_cast %add3A_2838 : vector<16xf32> to vector<1x16xf32>
      tpu.vector_store %arg8[%swap3A_2839, %swap3A_2840], %swap3A_2843 {strides = array<i32>} : memref<512x32xf32, #tpu.memory_space<vmem>>, vector<1x16xf32>,
      %get3A_2844 = arith.index_cast %add3A_2809 : i32 to index
      %get3A_2845 = arith.constant 16 : index
      %get3A_2846 = tpu.vector_load %arg7[%get3A_2844, %get3A_2845] {strides = array<i32>} : memref<2048x32xf32, #tpu.memory_space<vmem>>, vector<1x16xf32>,
      %get3A_2847 = vector.shape_cast %get3A_2846 : vector<1x16xf32> to vector<16xf32>
      %add3A_2848 = arith.constant 512 : i32
      %add3A_2849 = arith.addi %add3A_2848, %add3A_2809 : i32
      %get3A_2850 = arith.index_cast %add3A_2849 : i32 to index
      %get3A_2851 = arith.constant 16 : index
      %get3A_2852 = tpu.vector_load %arg7[%get3A_2850, %get3A_2851] {strides = array<i32>} : memref<2048x32xf32, #tpu.memory_space<vmem>>, vector<1x16xf32>,
      %get3A_2853 = vector.shape_cast %get3A_2852 : vector<1x16xf32> to vector<16xf32>
      %add3A_2854 = arith.constant 1024 : i32
      %add3A_2855 = arith.addi %add3A_2854, %add3A_2809 : i32
      %get3A_2856 = arith.index_cast %add3A_2855 : i32 to index
      %get3A_2857 = arith.constant 16 : index
      %get3A_2858 = tpu.vector_load %arg7[%get3A_2856, %get3A_2857] {strides = array<i32>} : memref<2048x32xf32, #tpu.memory_space<vmem>>, vector<1x16xf32>,
      %get3A_2859 = vector.shape_cast %get3A_2858 : vector<1x16xf32> to vector<16xf32>
      %add3A_2860 = arith.constant 1536 : i32
      %add3A_2861 = arith.addi %add3A_2860, %add3A_2809 : i32
      %get3A_2862 = arith.index_cast %add3A_2861 : i32 to index
      %get3A_2863 = arith.constant 16 : index
      %get3A_2864 = tpu.vector_load %arg7[%get3A_2862, %get3A_2863] {strides = array<i32>} : memref<2048x32xf32, #tpu.memory_space<vmem>>, vector<1x16xf32>,
      %get3A_2865 = vector.shape_cast %get3A_2864 : vector<1x16xf32> to vector<16xf32>
      %mul3A_2866 = arith.mulf %gather3A_2795, %get3A_2847 : vector<16xf32>
      %mul3A_2867 = arith.mulf %gather3A_2799, %get3A_2853 : vector<16xf32>
      %add3A_2868 = arith.addf %mul3A_2866, %mul3A_2867 : vector<16xf32>
      %mul3A_2869 = arith.mulf %gather3A_2803, %get3A_2859 : vector<16xf32>
      %add3A_2870 = arith.addf %add3A_2868, %mul3A_2869 : vector<16xf32>
      %mul3A_2871 = arith.mulf %gather3A_2807, %get3A_2865 : vector<16xf32>
      %add3A_2872 = arith.addf %add3A_2870, %mul3A_2871 : vector<16xf32>
      %swap3A_2873 = arith.index_cast %add3A_2809 : i32 to index
      %swap3A_2874 = arith.constant 16 : index
      %swap3A_2875 = tpu.vector_load %arg8[%swap3A_2873, %swap3A_2874] {strides = array<i32>} : memref<512x32xf32, #tpu.memory_space<vmem>>, vector<1x16xf32>,
      %swap3A_2876 = vector.shape_cast %swap3A_2875 : vector<1x16xf32> to vector<16xf32>
      %swap3A_2877 = vector.shape_cast %add3A_2872 : vector<16xf32> to vector<1x16xf32>
      tpu.vector_store %arg8[%swap3A_2873, %swap3A_2874], %swap3A_2877 {strides = array<i32>} : memref<512x32xf32, #tpu.memory_space<vmem>>, vector<1x16xf32>,
      %broadcast_in_dim3A_2878 = arith.constant 12 : i32
      %broadcast_in_dim3A_2879 = vector.broadcast %broadcast_in_dim3A_2878 : i32 to vector<16x1xi32>
      %gather3A_2880 = vector.shape_cast %broadcast_in_dim3A_2879 : vector<16x1xi32> to vector<16xi32>
      %gather3A_2881 = tpu.dynamic_gather %sub3A_1824[%gather3A_2880] in [0] : vector<16xf32>, vector<16xi32> -> vector<16xf32>
      %broadcast_in_dim3A_2882 = arith.constant 12 : i32
      %broadcast_in_dim3A_2883 = vector.broadcast %broadcast_in_dim3A_2882 : i32 to vector<16x1xi32>
      %gather3A_2884 = vector.shape_cast %broadcast_in_dim3A_2883 : vector<16x1xi32> to vector<16xi32>
      %gather3A_2885 = tpu.dynamic_gather %add3A_1831[%gather3A_2884] in [0] : vector<16xf32>, vector<16xi32> -> vector<16xf32>
      %broadcast_in_dim3A_2886 = arith.constant 12 : i32
      %broadcast_in_dim3A_2887 = vector.broadcast %broadcast_in_dim3A_2886 : i32 to vector<16x1xi32>
      %gather3A_2888 = vector.shape_cast %broadcast_in_dim3A_2887 : vector<16x1xi32> to vector<16xi32>
      %gather3A_2889 = tpu.dynamic_gather %sub3A_1845[%gather3A_2888] in [0] : vector<16xf32>, vector<16xi32> -> vector<16xf32>
      %broadcast_in_dim3A_2890 = arith.constant 12 : i32
      %broadcast_in_dim3A_2891 = vector.broadcast %broadcast_in_dim3A_2890 : i32 to vector<16x1xi32>
      %gather3A_2892 = vector.shape_cast %broadcast_in_dim3A_2891 : vector<16x1xi32> to vector<16xi32>
      %gather3A_2893 = tpu.dynamic_gather %mul3A_1813[%gather3A_2892] in [0] : vector<16xf32>, vector<16xi32> -> vector<16xf32>
      %add3A_2894 = arith.constant 12 : i32
      %add3A_2895 = arith.addi %mul3A_1847, %add3A_2894 : i32
      %get3A_2896 = arith.index_cast %add3A_2895 : i32 to index
      %get3A_2897 = arith.constant 0 : index
      %get3A_2898 = tpu.vector_load %arg7[%get3A_2896, %get3A_2897] {strides = array<i32>} : memref<2048x32xf32, #tpu.memory_space<vmem>>, vector<1x16xf32>,
      %get3A_2899 = vector.shape_cast %get3A_2898 : vector<1x16xf32> to vector<16xf32>
      %add3A_2900 = arith.constant 512 : i32
      %add3A_2901 = arith.addi %add3A_2900, %add3A_2895 : i32
      %get3A_2902 = arith.index_cast %add3A_2901 : i32 to index
      %get3A_2903 = arith.constant 0 : index
      %get3A_2904 = tpu.vector_load %arg7[%get3A_2902, %get3A_2903] {strides = array<i32>} : memref<2048x32xf32, #tpu.memory_space<vmem>>, vector<1x16xf32>,
      %get3A_2905 = vector.shape_cast %get3A_2904 : vector<1x16xf32> to vector<16xf32>
      %add3A_2906 = arith.constant 1024 : i32
      %add3A_2907 = arith.addi %add3A_2906, %add3A_2895 : i32
      %get3A_2908 = arith.index_cast %add3A_2907 : i32 to index
      %get3A_2909 = arith.constant 0 : index
      %get3A_2910 = tpu.vector_load %arg7[%get3A_2908, %get3A_2909] {strides = array<i32>} : memref<2048x32xf32, #tpu.memory_space<vmem>>, vector<1x16xf32>,
      %get3A_2911 = vector.shape_cast %get3A_2910 : vector<1x16xf32> to vector<16xf32>
      %add3A_2912 = arith.constant 1536 : i32
      %add3A_2913 = arith.addi %add3A_2912, %add3A_2895 : i32
      %get3A_2914 = arith.index_cast %add3A_2913 : i32 to index
      %get3A_2915 = arith.constant 0 : index
      %get3A_2916 = tpu.vector_load %arg7[%get3A_2914, %get3A_2915] {strides = array<i32>} : memref<2048x32xf32, #tpu.memory_space<vmem>>, vector<1x16xf32>,
      %get3A_2917 = vector.shape_cast %get3A_2916 : vector<1x16xf32> to vector<16xf32>
      %mul3A_2918 = arith.mulf %gather3A_2881, %get3A_2899 : vector<16xf32>
      %mul3A_2919 = arith.mulf %gather3A_2885, %get3A_2905 : vector<16xf32>
      %add3A_2920 = arith.addf %mul3A_2918, %mul3A_2919 : vector<16xf32>
      %mul3A_2921 = arith.mulf %gather3A_2889, %get3A_2911 : vector<16xf32>
      %add3A_2922 = arith.addf %add3A_2920, %mul3A_2921 : vector<16xf32>
      %mul3A_2923 = arith.mulf %gather3A_2893, %get3A_2917 : vector<16xf32>
      %add3A_2924 = arith.addf %add3A_2922, %mul3A_2923 : vector<16xf32>
      %swap3A_2925 = arith.index_cast %add3A_2895 : i32 to index
      %swap3A_2926 = arith.constant 0 : index
      %swap3A_2927 = tpu.vector_load %arg8[%swap3A_2925, %swap3A_2926] {strides = array<i32>} : memref<512x32xf32, #tpu.memory_space<vmem>>, vector<1x16xf32>,
      %swap3A_2928 = vector.shape_cast %swap3A_2927 : vector<1x16xf32> to vector<16xf32>
      %swap3A_2929 = vector.shape_cast %add3A_2924 : vector<16xf32> to vector<1x16xf32>
      tpu.vector_store %arg8[%swap3A_2925, %swap3A_2926], %swap3A_2929 {strides = array<i32>} : memref<512x32xf32, #tpu.memory_space<vmem>>, vector<1x16xf32>,
      %get3A_2930 = arith.index_cast %add3A_2895 : i32 to index
      %get3A_2931 = arith.constant 16 : index
      %get3A_2932 = tpu.vector_load %arg7[%get3A_2930, %get3A_2931] {strides = array<i32>} : memref<2048x32xf32, #tpu.memory_space<vmem>>, vector<1x16xf32>,
      %get3A_2933 = vector.shape_cast %get3A_2932 : vector<1x16xf32> to vector<16xf32>
      %add3A_2934 = arith.constant 512 : i32
      %add3A_2935 = arith.addi %add3A_2934, %add3A_2895 : i32
      %get3A_2936 = arith.index_cast %add3A_2935 : i32 to index
      %get3A_2937 = arith.constant 16 : index
      %get3A_2938 = tpu.vector_load %arg7[%get3A_2936, %get3A_2937] {strides = array<i32>} : memref<2048x32xf32, #tpu.memory_space<vmem>>, vector<1x16xf32>,
      %get3A_2939 = vector.shape_cast %get3A_2938 : vector<1x16xf32> to vector<16xf32>
      %add3A_2940 = arith.constant 1024 : i32
      %add3A_2941 = arith.addi %add3A_2940, %add3A_2895 : i32
      %get3A_2942 = arith.index_cast %add3A_2941 : i32 to index
      %get3A_2943 = arith.constant 16 : index
      %get3A_2944 = tpu.vector_load %arg7[%get3A_2942, %get3A_2943] {strides = array<i32>} : memref<2048x32xf32, #tpu.memory_space<vmem>>, vector<1x16xf32>,
      %get3A_2945 = vector.shape_cast %get3A_2944 : vector<1x16xf32> to vector<16xf32>
      %add3A_2946 = arith.constant 1536 : i32
      %add3A_2947 = arith.addi %add3A_2946, %add3A_2895 : i32
      %get3A_2948 = arith.index_cast %add3A_2947 : i32 to index
      %get3A_2949 = arith.constant 16 : index
      %get3A_2950 = tpu.vector_load %arg7[%get3A_2948, %get3A_2949] {strides = array<i32>} : memref<2048x32xf32, #tpu.memory_space<vmem>>, vector<1x16xf32>,
      %get3A_2951 = vector.shape_cast %get3A_2950 : vector<1x16xf32> to vector<16xf32>
      %mul3A_2952 = arith.mulf %gather3A_2881, %get3A_2933 : vector<16xf32>
      %mul3A_2953 = arith.mulf %gather3A_2885, %get3A_2939 : vector<16xf32>
      %add3A_2954 = arith.addf %mul3A_2952, %mul3A_2953 : vector<16xf32>
      %mul3A_2955 = arith.mulf %gather3A_2889, %get3A_2945 : vector<16xf32>
      %add3A_2956 = arith.addf %add3A_2954, %mul3A_2955 : vector<16xf32>
      %mul3A_2957 = arith.mulf %gather3A_2893, %get3A_2951 : vector<16xf32>
      %add3A_2958 = arith.addf %add3A_2956, %mul3A_2957 : vector<16xf32>
      %swap3A_2959 = arith.index_cast %add3A_2895 : i32 to index
      %swap3A_2960 = arith.constant 16 : index
      %swap3A_2961 = tpu.vector_load %arg8[%swap3A_2959, %swap3A_2960] {strides = array<i32>} : memref<512x32xf32, #tpu.memory_space<vmem>>, vector<1x16xf32>,
      %swap3A_2962 = vector.shape_cast %swap3A_2961 : vector<1x16xf32> to vector<16xf32>
      %swap3A_2963 = vector.shape_cast %add3A_2958 : vector<16xf32> to vector<1x16xf32>
      tpu.vector_store %arg8[%swap3A_2959, %swap3A_2960], %swap3A_2963 {strides = array<i32>} : memref<512x32xf32, #tpu.memory_space<vmem>>, vector<1x16xf32>,
      %broadcast_in_dim3A_2964 = arith.constant 13 : i32
      %broadcast_in_dim3A_2965 = vector.broadcast %broadcast_in_dim3A_2964 : i32 to vector<16x1xi32>
      %gather3A_2966 = vector.shape_cast %broadcast_in_dim3A_2965 : vector<16x1xi32> to vector<16xi32>
      %gather3A_2967 = tpu.dynamic_gather %sub3A_1824[%gather3A_2966] in [0] : vector<16xf32>, vector<16xi32> -> vector<16xf32>
      %broadcast_in_dim3A_2968 = arith.constant 13 : i32
      %broadcast_in_dim3A_2969 = vector.broadcast %broadcast_in_dim3A_2968 : i32 to vector<16x1xi32>
      %gather3A_2970 = vector.shape_cast %broadcast_in_dim3A_2969 : vector<16x1xi32> to vector<16xi32>
      %gather3A_2971 = tpu.dynamic_gather %add3A_1831[%gather3A_2970] in [0] : vector<16xf32>, vector<16xi32> -> vector<16xf32>
      %broadcast_in_dim3A_2972 = arith.constant 13 : i32
      %broadcast_in_dim3A_2973 = vector.broadcast %broadcast_in_dim3A_2972 : i32 to vector<16x1xi32>
      %gather3A_2974 = vector.shape_cast %broadcast_in_dim3A_2973 : vector<16x1xi32> to vector<16xi32>
      %gather3A_2975 = tpu.dynamic_gather %sub3A_1845[%gather3A_2974] in [0] : vector<16xf32>, vector<16xi32> -> vector<16xf32>
      %broadcast_in_dim3A_2976 = arith.constant 13 : i32
      %broadcast_in_dim3A_2977 = vector.broadcast %broadcast_in_dim3A_2976 : i32 to vector<16x1xi32>
      %gather3A_2978 = vector.shape_cast %broadcast_in_dim3A_2977 : vector<16x1xi32> to vector<16xi32>
      %gather3A_2979 = tpu.dynamic_gather %mul3A_1813[%gather3A_2978] in [0] : vector<16xf32>, vector<16xi32> -> vector<16xf32>
      %add3A_2980 = arith.constant 13 : i32
      %add3A_2981 = arith.addi %mul3A_1847, %add3A_2980 : i32
      %get3A_2982 = arith.index_cast %add3A_2981 : i32 to index
      %get3A_2983 = arith.constant 0 : index
      %get3A_2984 = tpu.vector_load %arg7[%get3A_2982, %get3A_2983] {strides = array<i32>} : memref<2048x32xf32, #tpu.memory_space<vmem>>, vector<1x16xf32>,
      %get3A_2985 = vector.shape_cast %get3A_2984 : vector<1x16xf32> to vector<16xf32>
      %add3A_2986 = arith.constant 512 : i32
      %add3A_2987 = arith.addi %add3A_2986, %add3A_2981 : i32
      %get3A_2988 = arith.index_cast %add3A_2987 : i32 to index
      %get3A_2989 = arith.constant 0 : index
      %get3A_2990 = tpu.vector_load %arg7[%get3A_2988, %get3A_2989] {strides = array<i32>} : memref<2048x32xf32, #tpu.memory_space<vmem>>, vector<1x16xf32>,
      %get3A_2991 = vector.shape_cast %get3A_2990 : vector<1x16xf32> to vector<16xf32>
      %add3A_2992 = arith.constant 1024 : i32
      %add3A_2993 = arith.addi %add3A_2992, %add3A_2981 : i32
      %get3A_2994 = arith.index_cast %add3A_2993 : i32 to index
      %get3A_2995 = arith.constant 0 : index
      %get3A_2996 = tpu.vector_load %arg7[%get3A_2994, %get3A_2995] {strides = array<i32>} : memref<2048x32xf32, #tpu.memory_space<vmem>>, vector<1x16xf32>,
      %get3A_2997 = vector.shape_cast %get3A_2996 : vector<1x16xf32> to vector<16xf32>
      %add3A_2998 = arith.constant 1536 : i32
      %add3A_2999 = arith.addi %add3A_2998, %add3A_2981 : i32
      %get3A_3000 = arith.index_cast %add3A_2999 : i32 to index
      %get3A_3001 = arith.constant 0 : index
      %get3A_3002 = tpu.vector_load %arg7[%get3A_3000, %get3A_3001] {strides = array<i32>} : memref<2048x32xf32, #tpu.memory_space<vmem>>, vector<1x16xf32>,
      %get3A_3003 = vector.shape_cast %get3A_3002 : vector<1x16xf32> to vector<16xf32>
      %mul3A_3004 = arith.mulf %gather3A_2967, %get3A_2985 : vector<16xf32>
      %mul3A_3005 = arith.mulf %gather3A_2971, %get3A_2991 : vector<16xf32>
      %add3A_3006 = arith.addf %mul3A_3004, %mul3A_3005 : vector<16xf32>
      %mul3A_3007 = arith.mulf %gather3A_2975, %get3A_2997 : vector<16xf32>
      %add3A_3008 = arith.addf %add3A_3006, %mul3A_3007 : vector<16xf32>
      %mul3A_3009 = arith.mulf %gather3A_2979, %get3A_3003 : vector<16xf32>
      %add3A_3010 = arith.addf %add3A_3008, %mul3A_3009 : vector<16xf32>
      %swap3A_3011 = arith.index_cast %add3A_2981 : i32 to index
      %swap3A_3012 = arith.constant 0 : index
      %swap3A_3013 = tpu.vector_load %arg8[%swap3A_3011, %swap3A_3012] {strides = array<i32>} : memref<512x32xf32, #tpu.memory_space<vmem>>, vector<1x16xf32>,
      %swap3A_3014 = vector.shape_cast %swap3A_3013 : vector<1x16xf32> to vector<16xf32>
      %swap3A_3015 = vector.shape_cast %add3A_3010 : vector<16xf32> to vector<1x16xf32>
      tpu.vector_store %arg8[%swap3A_3011, %swap3A_3012], %swap3A_3015 {strides = array<i32>} : memref<512x32xf32, #tpu.memory_space<vmem>>, vector<1x16xf32>,
      %get3A_3016 = arith.index_cast %add3A_2981 : i32 to index
      %get3A_3017 = arith.constant 16 : index
      %get3A_3018 = tpu.vector_load %arg7[%get3A_3016, %get3A_3017] {strides = array<i32>} : memref<2048x32xf32, #tpu.memory_space<vmem>>, vector<1x16xf32>,
      %get3A_3019 = vector.shape_cast %get3A_3018 : vector<1x16xf32> to vector<16xf32>
      %add3A_3020 = arith.constant 512 : i32
      %add3A_3021 = arith.addi %add3A_3020, %add3A_2981 : i32
      %get3A_3022 = arith.index_cast %add3A_3021 : i32 to index
      %get3A_3023 = arith.constant 16 : index
      %get3A_3024 = tpu.vector_load %arg7[%get3A_3022, %get3A_3023] {strides = array<i32>} : memref<2048x32xf32, #tpu.memory_space<vmem>>, vector<1x16xf32>,
      %get3A_3025 = vector.shape_cast %get3A_3024 : vector<1x16xf32> to vector<16xf32>
      %add3A_3026 = arith.constant 1024 : i32
      %add3A_3027 = arith.addi %add3A_3026, %add3A_2981 : i32
      %get3A_3028 = arith.index_cast %add3A_3027 : i32 to index
      %get3A_3029 = arith.constant 16 : index
      %get3A_3030 = tpu.vector_load %arg7[%get3A_3028, %get3A_3029] {strides = array<i32>} : memref<2048x32xf32, #tpu.memory_space<vmem>>, vector<1x16xf32>,
      %get3A_3031 = vector.shape_cast %get3A_3030 : vector<1x16xf32> to vector<16xf32>
      %add3A_3032 = arith.constant 1536 : i32
      %add3A_3033 = arith.addi %add3A_3032, %add3A_2981 : i32
      %get3A_3034 = arith.index_cast %add3A_3033 : i32 to index
      %get3A_3035 = arith.constant 16 : index
      %get3A_3036 = tpu.vector_load %arg7[%get3A_3034, %get3A_3035] {strides = array<i32>} : memref<2048x32xf32, #tpu.memory_space<vmem>>, vector<1x16xf32>,
      %get3A_3037 = vector.shape_cast %get3A_3036 : vector<1x16xf32> to vector<16xf32>
      %mul3A_3038 = arith.mulf %gather3A_2967, %get3A_3019 : vector<16xf32>
      %mul3A_3039 = arith.mulf %gather3A_2971, %get3A_3025 : vector<16xf32>
      %add3A_3040 = arith.addf %mul3A_3038, %mul3A_3039 : vector<16xf32>
      %mul3A_3041 = arith.mulf %gather3A_2975, %get3A_3031 : vector<16xf32>
      %add3A_3042 = arith.addf %add3A_3040, %mul3A_3041 : vector<16xf32>
      %mul3A_3043 = arith.mulf %gather3A_2979, %get3A_3037 : vector<16xf32>
      %add3A_3044 = arith.addf %add3A_3042, %mul3A_3043 : vector<16xf32>
      %swap3A_3045 = arith.index_cast %add3A_2981 : i32 to index
      %swap3A_3046 = arith.constant 16 : index
      %swap3A_3047 = tpu.vector_load %arg8[%swap3A_3045, %swap3A_3046] {strides = array<i32>} : memref<512x32xf32, #tpu.memory_space<vmem>>, vector<1x16xf32>,
      %swap3A_3048 = vector.shape_cast %swap3A_3047 : vector<1x16xf32> to vector<16xf32>
      %swap3A_3049 = vector.shape_cast %add3A_3044 : vector<16xf32> to vector<1x16xf32>
      tpu.vector_store %arg8[%swap3A_3045, %swap3A_3046], %swap3A_3049 {strides = array<i32>} : memref<512x32xf32, #tpu.memory_space<vmem>>, vector<1x16xf32>,
      %broadcast_in_dim3A_3050 = arith.constant 14 : i32
      %broadcast_in_dim3A_3051 = vector.broadcast %broadcast_in_dim3A_3050 : i32 to vector<16x1xi32>
      %gather3A_3052 = vector.shape_cast %broadcast_in_dim3A_3051 : vector<16x1xi32> to vector<16xi32>
      %gather3A_3053 = tpu.dynamic_gather %sub3A_1824[%gather3A_3052] in [0] : vector<16xf32>, vector<16xi32> -> vector<16xf32>
      %broadcast_in_dim3A_3054 = arith.constant 14 : i32
      %broadcast_in_dim3A_3055 = vector.broadcast %broadcast_in_dim3A_3054 : i32 to vector<16x1xi32>
      %gather3A_3056 = vector.shape_cast %broadcast_in_dim3A_3055 : vector<16x1xi32> to vector<16xi32>
      %gather3A_3057 = tpu.dynamic_gather %add3A_1831[%gather3A_3056] in [0] : vector<16xf32>, vector<16xi32> -> vector<16xf32>
      %broadcast_in_dim3A_3058 = arith.constant 14 : i32
      %broadcast_in_dim3A_3059 = vector.broadcast %broadcast_in_dim3A_3058 : i32 to vector<16x1xi32>
      %gather3A_3060 = vector.shape_cast %broadcast_in_dim3A_3059 : vector<16x1xi32> to vector<16xi32>
      %gather3A_3061 = tpu.dynamic_gather %sub3A_1845[%gather3A_3060] in [0] : vector<16xf32>, vector<16xi32> -> vector<16xf32>
      %broadcast_in_dim3A_3062 = arith.constant 14 : i32
      %broadcast_in_dim3A_3063 = vector.broadcast %broadcast_in_dim3A_3062 : i32 to vector<16x1xi32>
      %gather3A_3064 = vector.shape_cast %broadcast_in_dim3A_3063 : vector<16x1xi32> to vector<16xi32>
      %gather3A_3065 = tpu.dynamic_gather %mul3A_1813[%gather3A_3064] in [0] : vector<16xf32>, vector<16xi32> -> vector<16xf32>
      %add3A_3066 = arith.constant 14 : i32
      %add3A_3067 = arith.addi %mul3A_1847, %add3A_3066 : i32
      %get3A_3068 = arith.index_cast %add3A_3067 : i32 to index
      %get3A_3069 = arith.constant 0 : index
      %get3A_3070 = tpu.vector_load %arg7[%get3A_3068, %get3A_3069] {strides = array<i32>} : memref<2048x32xf32, #tpu.memory_space<vmem>>, vector<1x16xf32>,
      %get3A_3071 = vector.shape_cast %get3A_3070 : vector<1x16xf32> to vector<16xf32>
      %add3A_3072 = arith.constant 512 : i32
      %add3A_3073 = arith.addi %add3A_3072, %add3A_3067 : i32
      %get3A_3074 = arith.index_cast %add3A_3073 : i32 to index
      %get3A_3075 = arith.constant 0 : index
      %get3A_3076 = tpu.vector_load %arg7[%get3A_3074, %get3A_3075] {strides = array<i32>} : memref<2048x32xf32, #tpu.memory_space<vmem>>, vector<1x16xf32>,
      %get3A_3077 = vector.shape_cast %get3A_3076 : vector<1x16xf32> to vector<16xf32>
      %add3A_3078 = arith.constant 1024 : i32
      %add3A_3079 = arith.addi %add3A_3078, %add3A_3067 : i32
      %get3A_3080 = arith.index_cast %add3A_3079 : i32 to index
      %get3A_3081 = arith.constant 0 : index
      %get3A_3082 = tpu.vector_load %arg7[%get3A_3080, %get3A_3081] {strides = array<i32>} : memref<2048x32xf32, #tpu.memory_space<vmem>>, vector<1x16xf32>,
      %get3A_3083 = vector.shape_cast %get3A_3082 : vector<1x16xf32> to vector<16xf32>
      %add3A_3084 = arith.constant 1536 : i32
      %add3A_3085 = arith.addi %add3A_3084, %add3A_3067 : i32
      %get3A_3086 = arith.index_cast %add3A_3085 : i32 to index
      %get3A_3087 = arith.constant 0 : index
      %get3A_3088 = tpu.vector_load %arg7[%get3A_3086, %get3A_3087] {strides = array<i32>} : memref<2048x32xf32, #tpu.memory_space<vmem>>, vector<1x16xf32>,
      %get3A_3089 = vector.shape_cast %get3A_3088 : vector<1x16xf32> to vector<16xf32>
      %mul3A_3090 = arith.mulf %gather3A_3053, %get3A_3071 : vector<16xf32>
      %mul3A_3091 = arith.mulf %gather3A_3057, %get3A_3077 : vector<16xf32>
      %add3A_3092 = arith.addf %mul3A_3090, %mul3A_3091 : vector<16xf32>
      %mul3A_3093 = arith.mulf %gather3A_3061, %get3A_3083 : vector<16xf32>
      %add3A_3094 = arith.addf %add3A_3092, %mul3A_3093 : vector<16xf32>
      %mul3A_3095 = arith.mulf %gather3A_3065, %get3A_3089 : vector<16xf32>
      %add3A_3096 = arith.addf %add3A_3094, %mul3A_3095 : vector<16xf32>
      %swap3A_3097 = arith.index_cast %add3A_3067 : i32 to index
      %swap3A_3098 = arith.constant 0 : index
      %swap3A_3099 = tpu.vector_load %arg8[%swap3A_3097, %swap3A_3098] {strides = array<i32>} : memref<512x32xf32, #tpu.memory_space<vmem>>, vector<1x16xf32>,
      %swap3A_3100 = vector.shape_cast %swap3A_3099 : vector<1x16xf32> to vector<16xf32>
      %swap3A_3101 = vector.shape_cast %add3A_3096 : vector<16xf32> to vector<1x16xf32>
      tpu.vector_store %arg8[%swap3A_3097, %swap3A_3098], %swap3A_3101 {strides = array<i32>} : memref<512x32xf32, #tpu.memory_space<vmem>>, vector<1x16xf32>,
      %get3A_3102 = arith.index_cast %add3A_3067 : i32 to index
      %get3A_3103 = arith.constant 16 : index
      %get3A_3104 = tpu.vector_load %arg7[%get3A_3102, %get3A_3103] {strides = array<i32>} : memref<2048x32xf32, #tpu.memory_space<vmem>>, vector<1x16xf32>,
      %get3A_3105 = vector.shape_cast %get3A_3104 : vector<1x16xf32> to vector<16xf32>
      %add3A_3106 = arith.constant 512 : i32
      %add3A_3107 = arith.addi %add3A_3106, %add3A_3067 : i32
      %get3A_3108 = arith.index_cast %add3A_3107 : i32 to index
      %get3A_3109 = arith.constant 16 : index
      %get3A_3110 = tpu.vector_load %arg7[%get3A_3108, %get3A_3109] {strides = array<i32>} : memref<2048x32xf32, #tpu.memory_space<vmem>>, vector<1x16xf32>,
      %get3A_3111 = vector.shape_cast %get3A_3110 : vector<1x16xf32> to vector<16xf32>
      %add3A_3112 = arith.constant 1024 : i32
      %add3A_3113 = arith.addi %add3A_3112, %add3A_3067 : i32
      %get3A_3114 = arith.index_cast %add3A_3113 : i32 to index
      %get3A_3115 = arith.constant 16 : index
      %get3A_3116 = tpu.vector_load %arg7[%get3A_3114, %get3A_3115] {strides = array<i32>} : memref<2048x32xf32, #tpu.memory_space<vmem>>, vector<1x16xf32>,
      %get3A_3117 = vector.shape_cast %get3A_3116 : vector<1x16xf32> to vector<16xf32>
      %add3A_3118 = arith.constant 1536 : i32
      %add3A_3119 = arith.addi %add3A_3118, %add3A_3067 : i32
      %get3A_3120 = arith.index_cast %add3A_3119 : i32 to index
      %get3A_3121 = arith.constant 16 : index
      %get3A_3122 = tpu.vector_load %arg7[%get3A_3120, %get3A_3121] {strides = array<i32>} : memref<2048x32xf32, #tpu.memory_space<vmem>>, vector<1x16xf32>,
      %get3A_3123 = vector.shape_cast %get3A_3122 : vector<1x16xf32> to vector<16xf32>
      %mul3A_3124 = arith.mulf %gather3A_3053, %get3A_3105 : vector<16xf32>
      %mul3A_3125 = arith.mulf %gather3A_3057, %get3A_3111 : vector<16xf32>
      %add3A_3126 = arith.addf %mul3A_3124, %mul3A_3125 : vector<16xf32>
      %mul3A_3127 = arith.mulf %gather3A_3061, %get3A_3117 : vector<16xf32>
      %add3A_3128 = arith.addf %add3A_3126, %mul3A_3127 : vector<16xf32>
      %mul3A_3129 = arith.mulf %gather3A_3065, %get3A_3123 : vector<16xf32>
      %add3A_3130 = arith.addf %add3A_3128, %mul3A_3129 : vector<16xf32>
      %swap3A_3131 = arith.index_cast %add3A_3067 : i32 to index
      %swap3A_3132 = arith.constant 16 : index
      %swap3A_3133 = tpu.vector_load %arg8[%swap3A_3131, %swap3A_3132] {strides = array<i32>} : memref<512x32xf32, #tpu.memory_space<vmem>>, vector<1x16xf32>,
      %swap3A_3134 = vector.shape_cast %swap3A_3133 : vector<1x16xf32> to vector<16xf32>
      %swap3A_3135 = vector.shape_cast %add3A_3130 : vector<16xf32> to vector<1x16xf32>
      tpu.vector_store %arg8[%swap3A_3131, %swap3A_3132], %swap3A_3135 {strides = array<i32>} : memref<512x32xf32, #tpu.memory_space<vmem>>, vector<1x16xf32>,
      %broadcast_in_dim3A_3136 = arith.constant 15 : i32
      %broadcast_in_dim3A_3137 = vector.broadcast %broadcast_in_dim3A_3136 : i32 to vector<16x1xi32>
      %gather3A_3138 = vector.shape_cast %broadcast_in_dim3A_3137 : vector<16x1xi32> to vector<16xi32>
      %gather3A_3139 = tpu.dynamic_gather %sub3A_1824[%gather3A_3138] in [0] : vector<16xf32>, vector<16xi32> -> vector<16xf32>
      %broadcast_in_dim3A_3140 = arith.constant 15 : i32
      %broadcast_in_dim3A_3141 = vector.broadcast %broadcast_in_dim3A_3140 : i32 to vector<16x1xi32>
      %gather3A_3142 = vector.shape_cast %broadcast_in_dim3A_3141 : vector<16x1xi32> to vector<16xi32>
      %gather3A_3143 = tpu.dynamic_gather %add3A_1831[%gather3A_3142] in [0] : vector<16xf32>, vector<16xi32> -> vector<16xf32>
      %broadcast_in_dim3A_3144 = arith.constant 15 : i32
      %broadcast_in_dim3A_3145 = vector.broadcast %broadcast_in_dim3A_3144 : i32 to vector<16x1xi32>
      %gather3A_3146 = vector.shape_cast %broadcast_in_dim3A_3145 : vector<16x1xi32> to vector<16xi32>
      %gather3A_3147 = tpu.dynamic_gather %sub3A_1845[%gather3A_3146] in [0] : vector<16xf32>, vector<16xi32> -> vector<16xf32>
      %broadcast_in_dim3A_3148 = arith.constant 15 : i32
      %broadcast_in_dim3A_3149 = vector.broadcast %broadcast_in_dim3A_3148 : i32 to vector<16x1xi32>
      %gather3A_3150 = vector.shape_cast %broadcast_in_dim3A_3149 : vector<16x1xi32> to vector<16xi32>
      %gather3A_3151 = tpu.dynamic_gather %mul3A_1813[%gather3A_3150] in [0] : vector<16xf32>, vector<16xi32> -> vector<16xf32>
      %add3A_3152 = arith.constant 15 : i32
      %add3A_3153 = arith.addi %mul3A_1847, %add3A_3152 : i32
      %get3A_3154 = arith.index_cast %add3A_3153 : i32 to index
      %get3A_3155 = arith.constant 0 : index
      %get3A_3156 = tpu.vector_load %arg7[%get3A_3154, %get3A_3155] {strides = array<i32>} : memref<2048x32xf32, #tpu.memory_space<vmem>>, vector<1x16xf32>,
      %get3A_3157 = vector.shape_cast %get3A_3156 : vector<1x16xf32> to vector<16xf32>
      %add3A_3158 = arith.constant 512 : i32
      %add3A_3159 = arith.addi %add3A_3158, %add3A_3153 : i32
      %get3A_3160 = arith.index_cast %add3A_3159 : i32 to index
      %get3A_3161 = arith.constant 0 : index
      %get3A_3162 = tpu.vector_load %arg7[%get3A_3160, %get3A_3161] {strides = array<i32>} : memref<2048x32xf32, #tpu.memory_space<vmem>>, vector<1x16xf32>,
      %get3A_3163 = vector.shape_cast %get3A_3162 : vector<1x16xf32> to vector<16xf32>
      %add3A_3164 = arith.constant 1024 : i32
      %add3A_3165 = arith.addi %add3A_3164, %add3A_3153 : i32
      %get3A_3166 = arith.index_cast %add3A_3165 : i32 to index
      %get3A_3167 = arith.constant 0 : index
      %get3A_3168 = tpu.vector_load %arg7[%get3A_3166, %get3A_3167] {strides = array<i32>} : memref<2048x32xf32, #tpu.memory_space<vmem>>, vector<1x16xf32>,
      %get3A_3169 = vector.shape_cast %get3A_3168 : vector<1x16xf32> to vector<16xf32>
      %add3A_3170 = arith.constant 1536 : i32
      %add3A_3171 = arith.addi %add3A_3170, %add3A_3153 : i32
      %get3A_3172 = arith.index_cast %add3A_3171 : i32 to index
      %get3A_3173 = arith.constant 0 : index
      %get3A_3174 = tpu.vector_load %arg7[%get3A_3172, %get3A_3173] {strides = array<i32>} : memref<2048x32xf32, #tpu.memory_space<vmem>>, vector<1x16xf32>,
      %get3A_3175 = vector.shape_cast %get3A_3174 : vector<1x16xf32> to vector<16xf32>
      %mul3A_3176 = arith.mulf %gather3A_3139, %get3A_3157 : vector<16xf32>
      %mul3A_3177 = arith.mulf %gather3A_3143, %get3A_3163 : vector<16xf32>
      %add3A_3178 = arith.addf %mul3A_3176, %mul3A_3177 : vector<16xf32>
      %mul3A_3179 = arith.mulf %gather3A_3147, %get3A_3169 : vector<16xf32>
      %add3A_3180 = arith.addf %add3A_3178, %mul3A_3179 : vector<16xf32>
      %mul3A_3181 = arith.mulf %gather3A_3151, %get3A_3175 : vector<16xf32>
      %add3A_3182 = arith.addf %add3A_3180, %mul3A_3181 : vector<16xf32>
      %swap3A_3183 = arith.index_cast %add3A_3153 : i32 to index
      %swap3A_3184 = arith.constant 0 : index
      %swap3A_3185 = tpu.vector_load %arg8[%swap3A_3183, %swap3A_3184] {strides = array<i32>} : memref<512x32xf32, #tpu.memory_space<vmem>>, vector<1x16xf32>,
      %swap3A_3186 = vector.shape_cast %swap3A_3185 : vector<1x16xf32> to vector<16xf32>
      %swap3A_3187 = vector.shape_cast %add3A_3182 : vector<16xf32> to vector<1x16xf32>
      tpu.vector_store %arg8[%swap3A_3183, %swap3A_3184], %swap3A_3187 {strides = array<i32>} : memref<512x32xf32, #tpu.memory_space<vmem>>, vector<1x16xf32>,
      %get3A_3188 = arith.index_cast %add3A_3153 : i32 to index
      %get3A_3189 = arith.constant 16 : index
      %get3A_3190 = tpu.vector_load %arg7[%get3A_3188, %get3A_3189] {strides = array<i32>} : memref<2048x32xf32, #tpu.memory_space<vmem>>, vector<1x16xf32>,
      %get3A_3191 = vector.shape_cast %get3A_3190 : vector<1x16xf32> to vector<16xf32>
      %add3A_3192 = arith.constant 512 : i32
      %add3A_3193 = arith.addi %add3A_3192, %add3A_3153 : i32
      %get3A_3194 = arith.index_cast %add3A_3193 : i32 to index
      %get3A_3195 = arith.constant 16 : index
      %get3A_3196 = tpu.vector_load %arg7[%get3A_3194, %get3A_3195] {strides = array<i32>} : memref<2048x32xf32, #tpu.memory_space<vmem>>, vector<1x16xf32>,
      %get3A_3197 = vector.shape_cast %get3A_3196 : vector<1x16xf32> to vector<16xf32>
      %add3A_3198 = arith.constant 1024 : i32
      %add3A_3199 = arith.addi %add3A_3198, %add3A_3153 : i32
      %get3A_3200 = arith.index_cast %add3A_3199 : i32 to index
      %get3A_3201 = arith.constant 16 : index
      %get3A_3202 = tpu.vector_load %arg7[%get3A_3200, %get3A_3201] {strides = array<i32>} : memref<2048x32xf32, #tpu.memory_space<vmem>>, vector<1x16xf32>,
      %get3A_3203 = vector.shape_cast %get3A_3202 : vector<1x16xf32> to vector<16xf32>
      %add3A_3204 = arith.constant 1536 : i32
      %add3A_3205 = arith.addi %add3A_3204, %add3A_3153 : i32
      %get3A_3206 = arith.index_cast %add3A_3205 : i32 to index
      %get3A_3207 = arith.constant 16 : index
      %get3A_3208 = tpu.vector_load %arg7[%get3A_3206, %get3A_3207] {strides = array<i32>} : memref<2048x32xf32, #tpu.memory_space<vmem>>, vector<1x16xf32>,
      %get3A_3209 = vector.shape_cast %get3A_3208 : vector<1x16xf32> to vector<16xf32>
      %mul3A_3210 = arith.mulf %gather3A_3139, %get3A_3191 : vector<16xf32>
      %mul3A_3211 = arith.mulf %gather3A_3143, %get3A_3197 : vector<16xf32>
      %add3A_3212 = arith.addf %mul3A_3210, %mul3A_3211 : vector<16xf32>
      %mul3A_3213 = arith.mulf %gather3A_3147, %get3A_3203 : vector<16xf32>
      %add3A_3214 = arith.addf %add3A_3212, %mul3A_3213 : vector<16xf32>
      %mul3A_3215 = arith.mulf %gather3A_3151, %get3A_3209 : vector<16xf32>
      %add3A_3216 = arith.addf %add3A_3214, %mul3A_3215 : vector<16xf32>
      %swap3A_3217 = arith.index_cast %add3A_3153 : i32 to index
      %swap3A_3218 = arith.constant 16 : index
      %swap3A_3219 = tpu.vector_load %arg8[%swap3A_3217, %swap3A_3218] {strides = array<i32>} : memref<512x32xf32, #tpu.memory_space<vmem>>, vector<1x16xf32>,
      %swap3A_3220 = vector.shape_cast %swap3A_3219 : vector<1x16xf32> to vector<16xf32>
      %swap3A_3221 = vector.shape_cast %add3A_3216 : vector<16xf32> to vector<1x16xf32>
      tpu.vector_store %arg8[%swap3A_3217, %swap3A_3218], %swap3A_3221 {strides = array<i32>} : memref<512x32xf32, #tpu.memory_space<vmem>>, vector<1x16xf32>,
    }
    %scan3A_1794 = arith.constant 32 : i32
    "tpu.region"() ({
      %run_scoped3A = tpu.sem_alloc : memref<!tpu.dma_semaphore, #tpu.memory_space<semaphore_mem>>
      %dma_start3A_1795 = arith.constant 0 : i32
      %dma_start3A_1796 = tpu.memref_slice %arg4[%mul3A_2, %dma_start3A_1795] : memref<16384x32xf32, #tpu.memory_space<hbm>> -> memref<512x32xf32, #tpu.memory_space<hbm>>
      %dma_start3A_1797 = arith.constant 0 : i32
      %dma_start3A_1798 = tpu.memref_slice %arg4[%mul3A_2, %dma_start3A_1797] : memref<16384x32xf32, #tpu.memory_space<hbm>> -> memref<512x32xf32, #tpu.memory_space<hbm>>
      tpu.enqueue_dma source(%arg8 : memref<512x32xf32, #tpu.memory_space<vmem>>) target(%dma_start3A_1798 : memref<512x32xf32, #tpu.memory_space<hbm>>) target_semaphore(%run_scoped3A : memref<!tpu.dma_semaphore, #tpu.memory_space<semaphore_mem>>)
      %dma_wait3A_1799 = arith.constant 0 : i32
      %dma_wait3A_1800 = tpu.memref_slice %arg4[%mul3A_2, %dma_wait3A_1799] : memref<16384x32xf32, #tpu.memory_space<hbm>> -> memref<512x32xf32, #tpu.memory_space<hbm>>
      %dma_wait3A_1801 = arith.constant 0 : i32
      %dma_wait3A_1802 = tpu.memref_slice %arg4[%mul3A_2, %dma_wait3A_1801] : memref<16384x32xf32, #tpu.memory_space<hbm>> -> memref<512x32xf32, #tpu.memory_space<hbm>>
      tpu.wait_dma2 semaphore(%run_scoped3A : memref<!tpu.dma_semaphore, #tpu.memory_space<semaphore_mem>>) src(%arg8 : memref<512x32xf32, #tpu.memory_space<vmem>>) dst(%dma_wait3A_1802 : memref<512x32xf32, #tpu.memory_space<hbm>>)
      tpu.yield
    }) : () -> ()
    return
  }
}

</mosaic_0001>

<sc_bundles>
// kernel: kernel.3.cloned.1.call-start
scs
__scs_entry_jumppad:
0x0: {  	(pc) =	sbr.rel $0x88, $3  }
0x1: {  	(tag) =	ssettag $0x0;
	lr =	simm.s32 $0x1  }
0x2: {  	[smem:$0x3F9F] =	sst lr;
	_ =	strace $0xD0000000  }
0x3: {  	_ = 	snop  }
0x4: {  	_ = 	snop  }
0x5: {  	_ = 	snop  }
0x6: {  	_ = 	snop  }
0x7: {  	_ = 	snop  }
__scs_overlays_trampoline_lowered:
0x8: {  	[smem:$0x3FAE] =	sst s0  }
0x9: {  	[smem:$0x3FAF] =	sst s1  }
0xa: {  	[smem:$0x3FB0] =	sst s2  }
0xb: {  	[smem:$0x3FB1] =	sst s3  }
0xc: {  	[smem:$0x3FB2] =	sst s4  }
0xd: {  	[smem:$0x3FB3] =	sst s5  }
0xe: {  	[smem:$0x3FB4] =	sst s6  }
0xf: {  	[smem:$0x3FB5] =	sst s7  }
0x10: {  	[smem:$0x3FB6] =	sst s8  }
0x11: {  	[smem:$0x3FB7] =	sst s9;
	s0 =	simm.s32 @!p0 $0x0  }
0x12: {  	s1 =	sld [smem:$0x3F9D];
	s0 =	simm.s32 @p0 $0x1  }
0x13: {  	[smem:$0x3FB8] =	sst s0;
	s0 =	simm.s32 @!p1 $0x0  }
0x14: {  	s2 =	sld [smem:$0x3F9C];
	s0 =	simm.s32 @p1 $0x1  }
0x15: {  	[smem:$0x3FB9] =	sst s0;
	s0 =	simm.s32 @!p2 $0x0  }
0x16: {  	s3 =	sld [smem:$0x3FDB];
	s0 =	simm.s32 @p2 $0x1  }
0x17: {  	s4 =	simm.s32 $0x1BF5;
	[smem:$0x3FBB] =	sst s0  }
0x18: {  	s0 =	sld [smem:$0x3F9E];
	_ =	swait.ge [sflag:s4], $0x0  }
0x19: {  	s7 =	sld [smem:$0x3F9F]  }
0x1a: {  	s8 =	sadd.s32 $0xFFFFE003, lr  }
0x1b: {  	s9 =	sadd.s32 $0xFFFFFEF7, lr;
	s5 =	simm.s32 $0xFFFFFFFF;
	p2 =	slt.u32 s8, $0xFFFFF086  }
0x1c: {  	p1 =	slt.u32 s9, $0xF7A;
	s5 =	simm.s32 @!p2 $0x0  }
0x1d: {  	s5 =	simm.s32 @p1 $0x1;
	p0 =	seq.s32 s7, s2  }
0x1e: {  	s7 =	smul.u32 @!p0 $0xF7A, s2;
	p2 =	seq.s32 @!p0 s5, $0x0  }
0x1f: {  	s9 =	smul.u32 $0xF7A, s1;
	s8 =	simm.s32 @!p0 $0x1BF5;
	p2 =	por !p2, p0  }
0x20: {  	[sflag:s8] =	ssyncset.s32 @!p0 $0xFFFFF086;
	s6 =	sadd.s32 @!p0 s3, s7;
	s7 =	simm.s32 @!p0 $0x108  }
0x21: {  	s3 =	sadd.s32 s3, s9;
	s6 =	sadd.s32 @!p0 $0x88, s6;
	s7 =	simm.s32 @p2 $0x1082  }
0x22: {  	[simem:s7], [sflag:s8] =	dma.local @!p0 [hbm:s6], $0xF7A  }
0x23: {  	s9 =	sor.u32 $0xD0000000, s2;
	s6 =	simm.s32 $0x108;
	_ =	swait.ge @!p0 [sflag:s8], $0x0  }
0x24: {  	s3 =	sadd.s32 $0x88, s3;
	s6 =	simm.s32 @!p1 $0x1082;
	[sflag:s4] =	ssyncset.s32 $0xFFFFF086  }
0x25: {  	[simem:s6], [sflag:s4] =	dma.local [hbm:s3], $0xF7A  }
0x26: {  	[smem:$0x3F9F] =	sst s1;
	(tag) =	ssettag s2;
	_ =	strace s9  }
0x27: {  	s1 =	sld [smem:$0x3FAF]  }
0x28: {  	s2 =	sld [smem:$0x3FB0]  }
0x29: {  	s4 =	sld [smem:$0x3FB2]  }
0x2a: {  	p0 =	seq.s32 s5, $0x0;
	s5 =	sld [smem:$0x3FB3]  }
0x2b: {  	s6 =	sld [smem:$0x3FB4]  }
0x2c: {  	s7 =	sld [smem:$0x3FB5]  }
0x2d: {  	s3 =	simm.s32 $0x108;
	s8 =	sld [smem:$0x3FB6]  }
0x2e: {  	s3 =	simm.s32 @!p0 $0x1082;
	s9 =	sld [smem:$0x3FB7]  }
0x2f: {  	lr =	sadd.s32 s0, s3;
	s0 =	sld [smem:$0x3FAE]  }
0x30: {  	s3 =	sld [smem:$0x3FB1]  }
0x31: {  	[smem:$0x3FBA] =	sst s10  }
0x32: {  	s10 =	sld [smem:$0x3FB8];
	_ =	sdelay $0x3  }
0x33: {  	p0 =	seq.s32 s10, $0x1;
	s10 =	sld [smem:$0x3FBA];
	_ =	sdelay $0x3  }
0x34: {  	[smem:$0x3FBA] =	sst s10  }
0x35: {  	s10 =	sld [smem:$0x3FB9];
	_ =	sdelay $0x3  }
0x36: {  	p1 =	seq.s32 s10, $0x1;
	s10 =	sld [smem:$0x3FBA];
	_ =	sdelay $0x3  }
0x37: {  	[smem:$0x3FBA] =	sst s10  }
0x38: {  	s10 =	sld [smem:$0x3FBB]  }
0x39: {  	_ = 	snop;
	(pc) =	sbr.ind lr, $3  }
0x3a: {  	_ = 	snop  }
0x3b: {  	_ = 	snop  }
0x3c: {  	p2 =	seq.s32 s10, $0x1;
	s10 =	sld [smem:$0x3FBA]  }
0x3d: {  	_ =	shalt  }
0x3e: {  	_ =	shalt  }
0x3f: {  	_ =	shalt  }
0x40: {  	_ =	shalt  }
0x41: {  	_ =	shalt  }
0x42: {  	_ =	shalt  }
0x43: {  	_ =	shalt  }
0x44: {  	_ =	shalt  }
0x45: {  	_ =	shalt  }
0x46: {  	_ =	shalt  }
0x47: {  	_ =	shalt  }
0x48: {  	_ =	shalt  }
0x49: {  	_ =	shalt  }
0x4a: {  	_ =	shalt  }
0x4b: {  	_ =	shalt  }
0x4c: {  	_ =	shalt  }
0x4d: {  	_ =	shalt  }
0x4e: {  	_ =	shalt  }
0x4f: {  	_ =	shalt  }
0x50: {  	_ =	shalt  }
0x51: {  	_ =	shalt  }
0x52: {  	_ =	shalt  }
0x53: {  	_ =	shalt  }
0x54: {  	_ =	shalt  }
0x55: {  	_ =	shalt  }
0x56: {  	_ =	shalt  }
0x57: {  	_ =	shalt  }
0x58: {  	_ =	shalt  }
0x59: {  	_ =	shalt  }
0x5a: {  	_ =	shalt  }
0x5b: {  	_ =	shalt  }
0x5c: {  	_ =	shalt  }
0x5d: {  	_ =	shalt  }
0x5e: {  	_ =	shalt  }
0x5f: {  	_ =	shalt  }
0x60: {  	_ =	shalt  }
0x61: {  	_ =	shalt  }
0x62: {  	_ =	shalt  }
0x63: {  	_ =	shalt  }
0x64: {  	_ =	shalt  }
0x65: {  	_ =	shalt  }
0x66: {  	_ =	shalt  }
0x67: {  	_ =	shalt  }
0x68: {  	_ =	shalt  }
0x69: {  	_ =	shalt  }
0x6a: {  	_ =	shalt  }
0x6b: {  	_ =	shalt  }
0x6c: {  	_ =	shalt  }
0x6d: {  	_ =	shalt  }
0x6e: {  	_ =	shalt  }
0x6f: {  	_ =	shalt  }
0x70: {  	_ =	shalt  }
0x71: {  	_ =	shalt  }
0x72: {  	_ =	shalt  }
0x73: {  	_ =	shalt  }
0x74: {  	_ =	shalt  }
0x75: {  	_ =	shalt  }
0x76: {  	_ =	shalt  }
0x77: {  	_ =	shalt  }
0x78: {  	_ =	shalt  }
0x79: {  	_ =	shalt  }
0x7a: {  	_ =	shalt  }
0x7b: {  	_ =	shalt  }
0x7c: {  	_ =	shalt  }
0x7d: {  	_ =	shalt  }
0x7e: {  	_ =	shalt  }
0x7f: {  	_ =	shalt  }
0x80: {  	_ =	shalt  }
0x81: {  	_ =	shalt  }
0x82: {  	_ =	shalt  }
0x83: {  	_ =	shalt  }
0x84: {  	_ =	shalt  }
0x85: {  	_ =	shalt  }
0x86: {  	_ =	shalt  }
0x87: {  	_ =	shalt  }
.Lfunc_end0:
.L_simem_size_0:
called_computation_lowered:
.L_overlay_start_0:
0x88: {  	s2 =	sld [smem:$0x3FD9]  }
0x89: {  	s3 =	sld [smem:$0x3FFE];
	_ =	sdelay $0x1  }
0x8a: {  	s1 =	srdreg.scid  }
0x8b: {  	s0 =	sand.u32 $0x1, s1  }
0x8c: {  	s17 =	sshll.u32 s0, $0xA;
	s2 =	sadd.s32 s3, s2  }
0x8d: {  	s2 =	sadd.s32 s2, s17  }
0x8e: {  	[smem:$0x3FC6] =	sst s2  }
0x8f: {  	_ = 	snop  }
0x90: {  	s2 =	sld [smem:$0x3FC9]  }
0x91: {  	s18 =	sld [smem:$0x3FD0];
	(tm) =	ssettm $0x1  }
0x92: {  	s4 =	sld [smem:$0x3FFB];
	_ =	sdelay $0x3  }
0x93: {  	_ =	strace s4  }
0x94: {  	s4 =	sld [smem:$0x3FFC];
	_ =	sdelay $0x3  }
0x95: {  	_ =	strace s4  }
0x96: {  	s4 =	sld [smem:$0x3FFD];
	_ =	sdelay $0x3  }
0x97: {  	_ =	strace s4  }
0x98: {  	_ =	strace $0x8FFFFFFF  }
0x99: {  	s19 =	sld [smem:$0x3FDB];
	_ =	sdelay $0x1  }
0x9a: {  	s5 =	simm.s32 $_scs_section_size  }
0x9b: {  	s6 =	simm.s32 $_size__tile_overlayer_lowered;
	s7 =	simm.s32 $_tile_overlayer_lowered  }
0x9c: {  	s22 =	simm.s32 $0x1BFF;
	s21 =	sshll.u32 s7, $0x1;
	s4 =	sadd.s32 s5, s19  }
0x9d: {  	s8 =	simm.s32 $0x0;
	s20 =	sshll.u32 s6, $0x1;
	s6 =	sadd.s32 s21, s4  }
0x9e: {  	[timem:s8], [sflag:s22] =	dma.local [hbm:s6], s20  }
0x9f: {  	_ =	swait.ge [sflag:s22], s20  }
0xa0: {  	s5 =	ssub.s32 $0x0, s20;
	[sflag:s22] =	ssyncset.done $0x0  }
0xa1: {  	[sflag:s22] =	ssyncadd.s32 s5;
	_ =	sdelay $0x1  }
0xa2: {  	s23 =	simm.s32 $0x1B8B  }
0xa3: {  	_ =	swait.ge [sflag:s23], $0x1  }
0xa4: {  	[sflag:s23] =	ssyncset.done $0x0  }
0xa5: {  	s25 =	simm.s32 $0x1B8E;
	s24 =	sld [smem:$0x3FFE];
	[sflag:s23] =	ssyncadd.s32 $0xFFFFFFFF  }
0xa6: {  	s26 =	simm.s32 $execute0_lowered;
	[smem:$0x3FD2] =	sst s25  }
0xa7: {  	s6 =	sshll.u32 s26, $0x1;
	_ =	strace $0x80000046;
	[dreg:$0x1] =	wrdreg $0xFFFFFFFF  }
0xa8: {  	s28 =	simm.s32 $_size_execute0_lowered;
	s4 =	sadd.s32 s4, s6;
	[dreg:$0x0] =	wrdreg $0x0  }
0xa9: {  	s6 =	sshll.u32 s28, $0x1;
	[dreg:$0x2] =	wrdreg s4  }
0xaa: {  	[dreg:$0x3] =	wrdreg s6  }
0xab: {  	[dreg:$0x4] =	wrdreg $0xC0  }
0xac: {  	_ =	task [dreg:s8], $0x5FFFF  }
0xad: {  	[dreg:$0x1] =	wrdreg $0xFFFFFFFF  }
0xae: {  	[dreg:$0x0] =	wrdreg $0x60  }
0xaf: {  	[dreg:$0x2] =	wrdreg s2  }
0xb0: {  	[dreg:$0x3] =	wrdreg s24  }
0xb1: {  	[dreg:$0x4] =	wrdreg s18  }
0xb2: {  	[dreg:$0x5] =	wrdreg $0x9  }
0xb3: {  	_ =	task.clear_ibuf [dreg:s8], $0x6FFFF;
	_ =	strace $0x90000046  }
0xb4: {  	s29 =	simm.s32 $0x9;
	_ =	strace $0x80000048  }
0xb5: {  	_ =	swait.ge [sflag:s29], $0x1  }
0xb6: {  	[sflag:s29] =	ssyncadd.s32 $0xFFFFFFFF  }
0xb7: {  	_ =	strace $0x90000048  }
0xb8: {  	_ =	sfence  }
0xb9: {  	s30 =	sld [smem:$0x0];
	_ =	sdelay $0x2  }
0xba: {  	s31 =	sshll.u32 s1, $0xD;
	s1 =	sshrl.u32 s1, $0x2  }
0xbb: {  	s3 =	sand.u32 $0x4000, s31;
	s1 =	sadd.s32 s1, s30  }
0xbc: {  	s0 =	sor.u32 s3, s0;
	s1 =	sshll.u32 s1, $0x11  }
0xbd: {  	s0 =	sor.u32 s1, s0  }
0xbe: {  	s0 =	sadd.s32 $0x8F2B, s0  }
0xbf: {  	[sflag:s0] =	ssyncadd.remote.s32 $0x1  }
0xc0: {  	_ =	sfence.sel $0xFFFF  }
0xc1: {  	[dreg:$0x0] =	wrdreg $0xFFFFFFFF;
	(pc) =	sbr.abs _section_cstart, $3  }
0xc2: {  	[dreg:$0x1] =	wrdreg $0xFFFFFFFF  }
0xc3: {  	_ =	task.clear_ibuf [dreg:s8], $0x2FFFF;
	_ =	strace $0x9FFFFFFF  }
0xc4: {  	(tm) =	ssettm $0x7FFFFFFF  }
0xc5: {  	_ =	shalt  }
tec
execute0_lowered:
.L_overlay_start_1:
0x0: {  	(tag) =	ssettag $0x1  }
0x1: {  	s0 =	rddreg [dreg:$0x0]  }
0x2: {  	s1 =	rddreg [dreg:$0x1]  }
0x3: {  	s5 =	rddreg [dreg:$0x2];
	s3 =	srdreg.scid  }
0x4: {  	s2 =	simm.s32 $0x0;
	s4 =	stileid.u32;
	s8 =	simm.s32 $0x80  }
0x5: {  	s24 =	simm.s32 $0x7A00;
	s28 =	simm.s32 $0x680;
	s29 =	simm.s32 $0x9A00  }
0x6: {  	s30 =	simm.s32 $0x700;
	s31 =	simm.s32 $0xAA00;
	s9 =	simm.s32 $0x800  }
0x7: {  	s10 =	simm.s32 $0xCA00;
	s11 =	simm.s32 $0x880;
	s12 =	simm.s32 $0xDA00  }
0x8: {  	s13 =	simm.s32 $0x900;
	s14 =	simm.s32 $0xEA00;
	s15 =	simm.s32 $0x980  }
0x9: {  	s16 =	simm.s32 $0xFA00;
	s17 =	simm.s32 $0x1;
	s18 =	simm.s32 $0x10A00  }
0xa: {  	s19 =	simm.s32 $0x0;
	s3 =	sand.u32 $0x1, s3;
	[smem:$0x7FF] =	sst s2  }
0xb: {  	v0 =	vimm.s32 $0x0;
	s4 =	sshll.u32 s4, $0xA;
	s6 =	sshll.u32 s3, $0x9;
	s7 =	ssub.s32 $0x2, s3  }
0xc: {  	v1 =	vimm.s32 $0x1;
	v2 =	vimm.s32 $0x2;
	v3 =	vimm.s32 $0x3;
	_ =	strace $0x80000047;
	s6 =	sor.u32 s6, s4;
	s25 =	sshrl.u32 s7, $0x1  }
0xd: {  	v4 =	vimm.s32 $0x4;
	v5 =	vimm.s32 $0x5;
	v6 =	vimm.s32 $0x6;
	s3 =	sadd.s32 $0xF42A00, s1;
	s4 =	sshrl.u32 s6, $0x3;
	s1 =	ssub.s32 s7, s25  }
0xe: {  	v7 =	vimm.s32 $0x7;
	v8 =	vimm.s32 $0x8;
	v9 =	vimm.s32 $0x9;
	s26 =	sshll.u32 s6, $0x2;
	s7 =	simm.s32 $0x2;
	s25 =	simm.s32 $0x600  }
0xf: {  	v10 =	vimm.s32 $0xA;
	v11 =	vimm.s32 $0xB;
	v12 =	vimm.s32 $0xC;
	s4 =	sadd.s32 s0, s4;
	s5 =	sadd.s32 s5, s26;
	s6 =	smax.u32 s1, $0x1  }
0x10: {  	v13 =	vimm.s32 $0xD;
	v14 =	vimm.s32 $0xE;
	v15 =	vimm.s32 $0xF;
	s26 =	simm.s32 $0x8A00;
	s0 =	simm.s32 $0x780;
	s1 =	simm.s32 $0xBA00  }
.LBB2_1:
0x11: {  	[tilespmem:s2], [sflag:$0x2] =	stream.linear.gather [hbm4b:s4+s2], $0x200, $0x38;
	[tilespmem:$0x14A00] =	vst v63  }
0x12: {  	_ =	swait.ge [sflag:s7], $0x200  }
0x13: {  	[sflag:s7] =	ssyncset.done $0x0  }
0x14: {  	[sflag:s7] =	ssyncadd.s32 $0xFFFFFE00  }
0x15: {  	v16 =	vld [tilespmem:$0x0]  }
0x16: {  	v17 =	vld [tilespmem:$0x10];
	_ =	sdelay $0x3  }
0x17: {  	v16 =	vmul.f32 $1.000000000e+06, v16  }
0x18: {  	v17 =	vmul.f32 $1.000000000e+06, v17  }
0x19: {  	v16 =	vadd.f32 $1.000000000e+00, v16  }
0x1a: {  	v18 =	vld [tilespmem:$0x20];
	v17 =	vadd.f32 $1.000000000e+00, v17  }
0x1b: {  	v16 =	vtrunc.f32 v16  }
0x1c: {  	v17 =	vtrunc.f32 v17;
	v16 =	vcvt.f32.s32 v16  }
0x1d: {  	v17 =	vcvt.f32.s32 v17  }
0x1e: {  	v20 =	vld [tilespmem:$0x30];
	[tilespmem:$0x400] =	vst v16  }
0x1f: {  	v18 =	vmul.f32 $1.000000000e+06, v18;
	v19 =	vadd.s32 $0xFFFFFFFF, v16;
	[tilespmem:$0x410] =	vst v17  }
0x20: {  	[tilespmem:$0x200] =	vst v19;
	v19 =	vadd.s32 $0x1, v16  }
0x21: {  	v18 =	vadd.f32 $1.000000000e+00, v18;
	v16 =	vadd.s32 $0x2, v16;
	[tilespmem:$0x600] =	vst v19  }
0x22: {  	[tilespmem:$0x800] =	vst v16;
	v16 =	vadd.s32 $0xFFFFFFFF, v17;
	v19 =	vld [tilespmem:$0x40]  }
0x23: {  	v36 =	vadd.s32 $0x1, v17;
	[tilespmem:$0x210] =	vst v16;
	v16 =	vtrunc.f32 v18;
	v18 =	vmul.f32 $1.000000000e+06, v20  }
0x24: {  	[tilespmem:$0x610] =	vst v36;
	v17 =	vadd.s32 $0x2, v17;
	v16 =	vcvt.f32.s32 v16  }
0x25: {  	[tilespmem:$0x810] =	vst v17;
	v18 =	vadd.f32 $1.000000000e+00, v18  }
0x26: {  	v37 =	vld [tilespmem:$0x50];
	v17 =	vadd.s32 $0xFFFFFFFF, v16;
	[tilespmem:$0x420] =	vst v16  }
0x27: {  	[tilespmem:$0x220] =	vst v17;
	v17 =	vtrunc.f32 v18;
	v18 =	vmul.f32 $1.000000000e+06, v19;
	v19 =	vadd.s32 $0x1, v16  }
0x28: {  	v16 =	vadd.s32 $0x2, v16;
	v17 =	vcvt.f32.s32 v17;
	[tilespmem:$0x620] =	vst v19  }
0x29: {  	[tilespmem:$0x820] =	vst v16;
	v18 =	vadd.f32 $1.000000000e+00, v18  }
0x2a: {  	v19 =	vld [tilespmem:$0x60];
	v16 =	vadd.s32 $0xFFFFFFFF, v17;
	[tilespmem:$0x430] =	vst v17  }
0x2b: {  	v38 =	vadd.s32 $0x1, v17;
	[tilespmem:$0x230] =	vst v16;
	v16 =	vtrunc.f32 v18;
	v18 =	vmul.f32 $1.000000000e+06, v37  }
0x2c: {  	v17 =	vadd.s32 $0x2, v17;
	[tilespmem:$0x630] =	vst v38;
	v16 =	vcvt.f32.s32 v16  }
0x2d: {  	[tilespmem:$0x830] =	vst v17;
	v18 =	vadd.f32 $1.000000000e+00, v18  }
0x2e: {  	v39 =	vld [tilespmem:$0x70];
	v17 =	vadd.s32 $0xFFFFFFFF, v16;
	[tilespmem:$0x440] =	vst v16  }
0x2f: {  	[tilespmem:$0x240] =	vst v17;
	v17 =	vtrunc.f32 v18;
	v18 =	vmul.f32 $1.000000000e+06, v19;
	v19 =	vadd.s32 $0x1, v16  }
0x30: {  	v16 =	vadd.s32 $0x2, v16;
	v17 =	vcvt.f32.s32 v17;
	[tilespmem:$0x640] =	vst v19  }
0x31: {  	[tilespmem:$0x840] =	vst v16;
	v18 =	vadd.f32 $1.000000000e+00, v18  }
0x32: {  	v19 =	vld [tilespmem:$0x80];
	v16 =	vadd.s32 $0xFFFFFFFF, v17;
	[tilespmem:$0x450] =	vst v17  }
0x33: {  	v40 =	vadd.s32 $0x1, v17;
	[tilespmem:$0x250] =	vst v16;
	v16 =	vtrunc.f32 v18;
	v18 =	vmul.f32 $1.000000000e+06, v39  }
0x34: {  	v17 =	vadd.s32 $0x2, v17;
	[tilespmem:$0x650] =	vst v40;
	v16 =	vcvt.f32.s32 v16  }
0x35: {  	[tilespmem:$0x850] =	vst v17;
	v18 =	vadd.f32 $1.000000000e+00, v18  }
0x36: {  	v41 =	vld [tilespmem:$0x90];
	v17 =	vadd.s32 $0xFFFFFFFF, v16;
	[tilespmem:$0x460] =	vst v16  }
0x37: {  	[tilespmem:$0x260] =	vst v17;
	v17 =	vtrunc.f32 v18;
	v18 =	vmul.f32 $1.000000000e+06, v19;
	v19 =	vadd.s32 $0x1, v16  }
0x38: {  	v16 =	vadd.s32 $0x2, v16;
	v17 =	vcvt.f32.s32 v17;
	[tilespmem:$0x660] =	vst v19  }
0x39: {  	[tilespmem:$0x860] =	vst v16;
	v18 =	vadd.f32 $1.000000000e+00, v18  }
0x3a: {  	v19 =	vld [tilespmem:$0xA0];
	v16 =	vadd.s32 $0xFFFFFFFF, v17;
	[tilespmem:$0x470] =	vst v17  }
0x3b: {  	v42 =	vadd.s32 $0x1, v17;
	[tilespmem:$0x270] =	vst v16;
	v16 =	vtrunc.f32 v18;
	v18 =	vmul.f32 $1.000000000e+06, v41  }
0x3c: {  	v17 =	vadd.s32 $0x2, v17;
	[tilespmem:$0x670] =	vst v42;
	v16 =	vcvt.f32.s32 v16  }
0x3d: {  	[tilespmem:$0x870] =	vst v17;
	v18 =	vadd.f32 $1.000000000e+00, v18  }
0x3e: {  	v43 =	vld [tilespmem:$0xB0];
	v17 =	vadd.s32 $0xFFFFFFFF, v16;
	[tilespmem:$0x480] =	vst v16  }
0x3f: {  	[tilespmem:$0x280] =	vst v17;
	v17 =	vtrunc.f32 v18;
	v18 =	vmul.f32 $1.000000000e+06, v19;
	v19 =	vadd.s32 $0x1, v16  }
0x40: {  	v16 =	vadd.s32 $0x2, v16;
	v17 =	vcvt.f32.s32 v17;
	[tilespmem:$0x680] =	vst v19  }
0x41: {  	[tilespmem:$0x880] =	vst v16;
	v18 =	vadd.f32 $1.000000000e+00, v18  }
0x42: {  	v19 =	vld [tilespmem:$0xC0];
	v16 =	vadd.s32 $0xFFFFFFFF, v17;
	[tilespmem:$0x490] =	vst v17  }
0x43: {  	v44 =	vadd.s32 $0x1, v17;
	[tilespmem:$0x290] =	vst v16;
	v16 =	vtrunc.f32 v18;
	v18 =	vmul.f32 $1.000000000e+06, v43  }
0x44: {  	v17 =	vadd.s32 $0x2, v17;
	[tilespmem:$0x690] =	vst v44;
	v16 =	vcvt.f32.s32 v16  }
0x45: {  	[tilespmem:$0x890] =	vst v17;
	v18 =	vadd.f32 $1.000000000e+00, v18  }
0x46: {  	v45 =	vld [tilespmem:$0xD0];
	v17 =	vadd.s32 $0xFFFFFFFF, v16;
	[tilespmem:$0x4A0] =	vst v16  }
0x47: {  	[tilespmem:$0x2A0] =	vst v17;
	v17 =	vtrunc.f32 v18;
	v18 =	vmul.f32 $1.000000000e+06, v19;
	v19 =	vadd.s32 $0x1, v16  }
0x48: {  	v16 =	vadd.s32 $0x2, v16;
	v17 =	vcvt.f32.s32 v17;
	[tilespmem:$0x6A0] =	vst v19  }
0x49: {  	[tilespmem:$0x8A0] =	vst v16;
	v18 =	vadd.f32 $1.000000000e+00, v18  }
0x4a: {  	v19 =	vld [tilespmem:$0xE0];
	v16 =	vadd.s32 $0xFFFFFFFF, v17;
	[tilespmem:$0x4B0] =	vst v17  }
0x4b: {  	v46 =	vadd.s32 $0x1, v17;
	[tilespmem:$0x2B0] =	vst v16;
	v16 =	vtrunc.f32 v18;
	v18 =	vmul.f32 $1.000000000e+06, v45  }
0x4c: {  	v17 =	vadd.s32 $0x2, v17;
	[tilespmem:$0x6B0] =	vst v46;
	v16 =	vcvt.f32.s32 v16  }
0x4d: {  	[tilespmem:$0x8B0] =	vst v17;
	v18 =	vadd.f32 $1.000000000e+00, v18  }
0x4e: {  	v47 =	vld [tilespmem:$0xF0];
	v17 =	vadd.s32 $0xFFFFFFFF, v16;
	[tilespmem:$0x4C0] =	vst v16  }
0x4f: {  	[tilespmem:$0x2C0] =	vst v17;
	v17 =	vtrunc.f32 v18;
	v18 =	vmul.f32 $1.000000000e+06, v19;
	v19 =	vadd.s32 $0x1, v16  }
0x50: {  	v16 =	vadd.s32 $0x2, v16;
	v17 =	vcvt.f32.s32 v17;
	[tilespmem:$0x6C0] =	vst v19  }
0x51: {  	[tilespmem:$0x8C0] =	vst v16;
	v18 =	vadd.f32 $1.000000000e+00, v18  }
0x52: {  	v19 =	vld [tilespmem:$0x100];
	v16 =	vadd.s32 $0xFFFFFFFF, v17;
	[tilespmem:$0x4D0] =	vst v17  }
0x53: {  	v48 =	vadd.s32 $0x1, v17;
	[tilespmem:$0x2D0] =	vst v16;
	v16 =	vtrunc.f32 v18;
	v18 =	vmul.f32 $1.000000000e+06, v47  }
0x54: {  	v17 =	vadd.s32 $0x2, v17;
	[tilespmem:$0x6D0] =	vst v48;
	v16 =	vcvt.f32.s32 v16  }
0x55: {  	[tilespmem:$0x8D0] =	vst v17;
	v18 =	vadd.f32 $1.000000000e+00, v18  }
0x56: {  	v49 =	vld [tilespmem:$0x110];
	v17 =	vadd.s32 $0xFFFFFFFF, v16;
	[tilespmem:$0x4E0] =	vst v16  }
0x57: {  	[tilespmem:$0x2E0] =	vst v17;
	v17 =	vtrunc.f32 v18;
	v18 =	vmul.f32 $1.000000000e+06, v19;
	v19 =	vadd.s32 $0x1, v16  }
0x58: {  	v16 =	vadd.s32 $0x2, v16;
	v17 =	vcvt.f32.s32 v17;
	[tilespmem:$0x6E0] =	vst v19  }
0x59: {  	[tilespmem:$0x8E0] =	vst v16;
	v18 =	vadd.f32 $1.000000000e+00, v18  }
0x5a: {  	v19 =	vld [tilespmem:$0x120];
	v16 =	vadd.s32 $0xFFFFFFFF, v17;
	[tilespmem:$0x4F0] =	vst v17  }
0x5b: {  	v50 =	vadd.s32 $0x1, v17;
	[tilespmem:$0x2F0] =	vst v16;
	v16 =	vtrunc.f32 v18;
	v18 =	vmul.f32 $1.000000000e+06, v49  }
0x5c: {  	v17 =	vadd.s32 $0x2, v17;
	[tilespmem:$0x6F0] =	vst v50;
	v16 =	vcvt.f32.s32 v16  }
0x5d: {  	[tilespmem:$0x8F0] =	vst v17;
	v18 =	vadd.f32 $1.000000000e+00, v18  }
0x5e: {  	v51 =	vld [tilespmem:$0x130];
	v17 =	vadd.s32 $0xFFFFFFFF, v16;
	[tilespmem:$0x500] =	vst v16  }
0x5f: {  	[tilespmem:$0x300] =	vst v17;
	v17 =	vtrunc.f32 v18;
	v18 =	vmul.f32 $1.000000000e+06, v19;
	v19 =	vadd.s32 $0x1, v16  }
0x60: {  	v16 =	vadd.s32 $0x2, v16;
	v17 =	vcvt.f32.s32 v17;
	[tilespmem:$0x700] =	vst v19  }
0x61: {  	[tilespmem:$0x900] =	vst v16;
	v18 =	vadd.f32 $1.000000000e+00, v18  }
0x62: {  	v19 =	vld [tilespmem:$0x140];
	v16 =	vadd.s32 $0xFFFFFFFF, v17;
	[tilespmem:$0x510] =	vst v17  }
0x63: {  	v52 =	vadd.s32 $0x1, v17;
	[tilespmem:$0x310] =	vst v16;
	v16 =	vtrunc.f32 v18;
	v18 =	vmul.f32 $1.000000000e+06, v51  }
0x64: {  	v17 =	vadd.s32 $0x2, v17;
	[tilespmem:$0x710] =	vst v52;
	v16 =	vcvt.f32.s32 v16  }
0x65: {  	[tilespmem:$0x910] =	vst v17;
	v18 =	vadd.f32 $1.000000000e+00, v18  }
0x66: {  	v53 =	vld [tilespmem:$0x150];
	v17 =	vadd.s32 $0xFFFFFFFF, v16;
	[tilespmem:$0x520] =	vst v16  }
0x67: {  	[tilespmem:$0x320] =	vst v17;
	v17 =	vtrunc.f32 v18;
	v18 =	vmul.f32 $1.000000000e+06, v19;
	v19 =	vadd.s32 $0x1, v16  }
0x68: {  	v16 =	vadd.s32 $0x2, v16;
	v17 =	vcvt.f32.s32 v17;
	[tilespmem:$0x720] =	vst v19  }
0x69: {  	[tilespmem:$0x920] =	vst v16;
	v18 =	vadd.f32 $1.000000000e+00, v18  }
0x6a: {  	v19 =	vld [tilespmem:$0x160];
	v16 =	vadd.s32 $0xFFFFFFFF, v17;
	[tilespmem:$0x530] =	vst v17  }
0x6b: {  	v54 =	vadd.s32 $0x1, v17;
	[tilespmem:$0x330] =	vst v16;
	v16 =	vtrunc.f32 v18;
	v18 =	vmul.f32 $1.000000000e+06, v53  }
0x6c: {  	v17 =	vadd.s32 $0x2, v17;
	[tilespmem:$0x730] =	vst v54;
	v16 =	vcvt.f32.s32 v16  }
0x6d: {  	[tilespmem:$0x930] =	vst v17;
	v18 =	vadd.f32 $1.000000000e+00, v18  }
0x6e: {  	v55 =	vld [tilespmem:$0x170];
	v17 =	vadd.s32 $0xFFFFFFFF, v16;
	[tilespmem:$0x540] =	vst v16  }
0x6f: {  	[tilespmem:$0x340] =	vst v17;
	v17 =	vtrunc.f32 v18;
	v18 =	vmul.f32 $1.000000000e+06, v19;
	v19 =	vadd.s32 $0x1, v16  }
0x70: {  	v16 =	vadd.s32 $0x2, v16;
	v17 =	vcvt.f32.s32 v17;
	[tilespmem:$0x740] =	vst v19  }
0x71: {  	[tilespmem:$0x940] =	vst v16;
	v18 =	vadd.f32 $1.000000000e+00, v18  }
0x72: {  	v19 =	vld [tilespmem:$0x180];
	v16 =	vadd.s32 $0xFFFFFFFF, v17;
	[tilespmem:$0x550] =	vst v17  }
0x73: {  	v56 =	vadd.s32 $0x1, v17;
	[tilespmem:$0x350] =	vst v16;
	v16 =	vtrunc.f32 v18;
	v18 =	vmul.f32 $1.000000000e+06, v55  }
0x74: {  	v17 =	vadd.s32 $0x2, v17;
	[tilespmem:$0x750] =	vst v56;
	v16 =	vcvt.f32.s32 v16  }
0x75: {  	[tilespmem:$0x950] =	vst v17;
	v18 =	vadd.f32 $1.000000000e+00, v18  }
0x76: {  	v57 =	vld [tilespmem:$0x190];
	v17 =	vadd.s32 $0xFFFFFFFF, v16;
	[tilespmem:$0x560] =	vst v16  }
0x77: {  	[tilespmem:$0x360] =	vst v17;
	v17 =	vtrunc.f32 v18;
	v18 =	vmul.f32 $1.000000000e+06, v19;
	v19 =	vadd.s32 $0x1, v16  }
0x78: {  	v16 =	vadd.s32 $0x2, v16;
	v17 =	vcvt.f32.s32 v17;
	[tilespmem:$0x760] =	vst v19  }
0x79: {  	[tilespmem:$0x960] =	vst v16;
	v18 =	vadd.f32 $1.000000000e+00, v18  }
0x7a: {  	v19 =	vld [tilespmem:$0x1A0];
	v16 =	vadd.s32 $0xFFFFFFFF, v17;
	[tilespmem:$0x570] =	vst v17  }
0x7b: {  	v58 =	vadd.s32 $0x1, v17;
	[tilespmem:$0x370] =	vst v16;
	v16 =	vtrunc.f32 v18;
	v18 =	vmul.f32 $1.000000000e+06, v57  }
0x7c: {  	v17 =	vadd.s32 $0x2, v17;
	[tilespmem:$0x770] =	vst v58;
	v16 =	vcvt.f32.s32 v16  }
0x7d: {  	[tilespmem:$0x970] =	vst v17;
	v18 =	vadd.f32 $1.000000000e+00, v18  }
0x7e: {  	v59 =	vld [tilespmem:$0x1B0];
	v17 =	vadd.s32 $0xFFFFFFFF, v16;
	[tilespmem:$0x580] =	vst v16  }
0x7f: {  	[tilespmem:$0x380] =	vst v17;
	v17 =	vtrunc.f32 v18;
	v18 =	vmul.f32 $1.000000000e+06, v19;
	v19 =	vadd.s32 $0x1, v16  }
0x80: {  	v16 =	vadd.s32 $0x2, v16;
	v17 =	vcvt.f32.s32 v17;
	[tilespmem:$0x780] =	vst v19  }
0x81: {  	[tilespmem:$0x980] =	vst v16;
	v18 =	vadd.f32 $1.000000000e+00, v18  }
0x82: {  	v19 =	vld [tilespmem:$0x1C0];
	v16 =	vadd.s32 $0xFFFFFFFF, v17;
	[tilespmem:$0x590] =	vst v17  }
0x83: {  	v60 =	vadd.s32 $0x1, v17;
	[tilespmem:$0x390] =	vst v16;
	v16 =	vtrunc.f32 v18;
	v18 =	vmul.f32 $1.000000000e+06, v59  }
0x84: {  	v17 =	vadd.s32 $0x2, v17;
	[tilespmem:$0x790] =	vst v60;
	v16 =	vcvt.f32.s32 v16  }
0x85: {  	[tilespmem:$0x990] =	vst v17;
	v18 =	vadd.f32 $1.000000000e+00, v18  }
0x86: {  	v61 =	vld [tilespmem:$0x1D0];
	v17 =	vadd.s32 $0xFFFFFFFF, v16;
	[tilespmem:$0x5A0] =	vst v16  }
0x87: {  	[tilespmem:$0x3A0] =	vst v17;
	v17 =	vtrunc.f32 v18;
	v18 =	vmul.f32 $1.000000000e+06, v19;
	v19 =	vadd.s32 $0x1, v16  }
0x88: {  	v16 =	vadd.s32 $0x2, v16;
	v17 =	vcvt.f32.s32 v17;
	[tilespmem:$0x7A0] =	vst v19  }
0x89: {  	[tilespmem:$0x9A0] =	vst v16;
	v18 =	vadd.f32 $1.000000000e+00, v18  }
0x8a: {  	v19 =	vld [tilespmem:$0x1E0];
	v16 =	vadd.s32 $0xFFFFFFFF, v17;
	[tilespmem:$0x5B0] =	vst v17  }
0x8b: {  	v62 =	vadd.s32 $0x1, v17;
	[tilespmem:$0x3B0] =	vst v16;
	v16 =	vtrunc.f32 v18;
	v18 =	vmul.f32 $1.000000000e+06, v61  }
0x8c: {  	v17 =	vadd.s32 $0x2, v17;
	[tilespmem:$0x7B0] =	vst v62;
	v16 =	vcvt.f32.s32 v16  }
0x8d: {  	[tilespmem:$0x9B0] =	vst v17;
	v18 =	vadd.f32 $1.000000000e+00, v18  }
0x8e: {  	v63 =	vld [tilespmem:$0x1F0];
	v17 =	vadd.s32 $0xFFFFFFFF, v16;
	[tilespmem:$0x5C0] =	vst v16  }
0x8f: {  	v19 =	vmul.f32 $1.000000000e+06, v19;
	[tilespmem:$0x3C0] =	vst v17;
	v17 =	vadd.s32 $0x1, v16;
	v18 =	vtrunc.f32 v18  }
0x90: {  	v16 =	vadd.s32 $0x2, v16;
	[tilespmem:$0x7C0] =	vst v17;
	v17 =	vcvt.f32.s32 v18  }
0x91: {  	v18 =	vadd.f32 $1.000000000e+00, v19;
	[tilespmem:$0x9C0] =	vst v16  }
0x92: {  	v16 =	vadd.s32 $0xFFFFFFFF, v17;
	[tilespmem:$0x5D0] =	vst v17  }
0x93: {  	v19 =	vmul.f32 $1.000000000e+06, v63;
	v18 =	vtrunc.f32 v18;
	[tilespmem:$0x3D0] =	vst v16;
	v16 =	vadd.s32 $0x1, v17  }
0x94: {  	v17 =	vadd.s32 $0x2, v17;
	[tilespmem:$0x7D0] =	vst v16;
	v16 =	vcvt.f32.s32 v18  }
0x95: {  	v18 =	vadd.f32 $1.000000000e+00, v19;
	[tilespmem:$0x9D0] =	vst v17  }
0x96: {  	v17 =	vadd.s32 $0xFFFFFFFF, v16;
	[tilespmem:$0x5E0] =	vst v16  }
0x97: {  	v18 =	vtrunc.f32 v18;
	[tilespmem:$0x3E0] =	vst v17;
	v17 =	vadd.s32 $0x1, v16  }
0x98: {  	v16 =	vadd.s32 $0x2, v16;
	[tilespmem:$0x7E0] =	vst v17;
	v17 =	vcvt.f32.s32 v18  }
0x99: {  	[tilespmem:$0x9E0] =	vst v16  }
0x9a: {  	v16 =	vadd.s32 $0xFFFFFFFF, v17;
	[tilespmem:$0x5F0] =	vst v17  }
0x9b: {  	[tilespmem:$0x3F0] =	vst v16;
	v16 =	vadd.s32 $0x1, v17  }
0x9c: {  	[tilespmem:$0x7F0] =	vst v16;
	v16 =	vadd.s32 $0x2, v17  }
0x9d: {  	s20 =	simm.s32 $0x200;
	s21 =	simm.s32 $0xA00;
	[tilespmem:$0x9F0] =	vst v16  }
0x9e: {  	[tilespmem:s21], [sflag:$0x1] =	stream.indirect.gather [hbm4b:s3+s8], $0x20, s20, s8, $0xb8;
	[tilespmem:$0x14A00] =	vst v63  }
0x9f: {  	s22 =	simm.s32 $0x280;
	s23 =	simm.s32 $0x1A00  }
0xa0: {  	[tilespmem:s23], [sflag:$0x1] =	stream.indirect.gather [hbm4b:s3+s8], $0x20, s22, s8, $0xb8;
	[tilespmem:$0x14A00] =	vst v63  }
0xa1: {  	s22 =	simm.s32 $0x300;
	s23 =	simm.s32 $0x2A00  }
0xa2: {  	[tilespmem:s23], [sflag:$0x1] =	stream.indirect.gather [hbm4b:s3+s8], $0x20, s22, s8, $0xb8;
	[tilespmem:$0x14A00] =	vst v63  }
0xa3: {  	s22 =	simm.s32 $0x380;
	s23 =	simm.s32 $0x3A00  }
0xa4: {  	[tilespmem:s23], [sflag:$0x1] =	stream.indirect.gather [hbm4b:s3+s8], $0x20, s22, s8, $0xb8;
	[tilespmem:$0x14A00] =	vst v63  }
0xa5: {  	s22 =	simm.s32 $0x400;
	s23 =	simm.s32 $0x4A00  }
0xa6: {  	[tilespmem:s23], [sflag:$0x1] =	stream.indirect.gather [hbm4b:s3+s8], $0x20, s22, s8, $0xb8;
	[tilespmem:$0x14A00] =	vst v63  }
0xa7: {  	s22 =	simm.s32 $0x480;
	s23 =	simm.s32 $0x5A00  }
0xa8: {  	[tilespmem:s23], [sflag:$0x1] =	stream.indirect.gather [hbm4b:s3+s8], $0x20, s22, s8, $0xb8;
	[tilespmem:$0x14A00] =	vst v63  }
0xa9: {  	s21 =	simm.s32 $0x500;
	s22 =	simm.s32 $0x6A00  }
0xaa: {  	[tilespmem:s22], [sflag:$0x1] =	stream.indirect.gather [hbm4b:s3+s8], $0x20, s21, s8, $0xb8;
	[tilespmem:$0x14A00] =	vst v63  }
0xab: {  	s23 =	simm.s32 $0x580  }
0xac: {  	[tilespmem:s24], [sflag:$0x1] =	stream.indirect.gather [hbm4b:s3+s8], $0x20, s23, s8, $0xb8;
	[tilespmem:$0x14A00] =	vst v63  }
0xad: {  	_ = 	snop  }
0xae: {  	[tilespmem:s26], [sflag:$0x1] =	stream.indirect.gather [hbm4b:s3+s8], $0x20, s25, s8, $0xb8;
	[tilespmem:$0x14A00] =	vst v63  }
0xaf: {  	_ = 	snop  }
0xb0: {  	[tilespmem:s29], [sflag:$0x1] =	stream.indirect.gather [hbm4b:s3+s8], $0x20, s28, s8, $0xb8;
	[tilespmem:$0x14A00] =	vst v63  }
0xb1: {  	_ = 	snop  }
0xb2: {  	[tilespmem:s31], [sflag:$0x1] =	stream.indirect.gather [hbm4b:s3+s8], $0x20, s30, s8, $0xb8;
	[tilespmem:$0x14A00] =	vst v63  }
0xb3: {  	_ = 	snop  }
0xb4: {  	[tilespmem:s1], [sflag:$0x1] =	stream.indirect.gather [hbm4b:s3+s8], $0x20, s0, s8, $0xb8;
	[tilespmem:$0x14A00] =	vst v63  }
0xb5: {  	_ = 	snop  }
0xb6: {  	[tilespmem:s10], [sflag:$0x1] =	stream.indirect.gather [hbm4b:s3+s8], $0x20, s9, s8, $0xb8;
	[tilespmem:$0x14A00] =	vst v63  }
0xb7: {  	_ = 	snop  }
0xb8: {  	[tilespmem:s12], [sflag:$0x1] =	stream.indirect.gather [hbm4b:s3+s8], $0x20, s11, s8, $0xb8;
	[tilespmem:$0x14A00] =	vst v63  }
0xb9: {  	_ = 	snop  }
0xba: {  	[tilespmem:s14], [sflag:$0x1] =	stream.indirect.gather [hbm4b:s3+s8], $0x20, s13, s8, $0xb8;
	[tilespmem:$0x14A00] =	vst v63  }
0xbb: {  	_ = 	snop  }
0xbc: {  	[tilespmem:s16], [sflag:$0x1] =	stream.indirect.gather [hbm4b:s3+s8], $0x20, s15, s8, $0xb8;
	[tilespmem:$0x14A00] =	vst v63  }
0xbd: {  	_ =	swait.ge [sflag:s17], $0x1000  }
0xbe: {  	[sflag:s17] =	ssyncset.done $0x0  }
0xbf: {  	[sflag:s17] =	ssyncadd.s32 $0xFFFFF000  }
0xc0: {  	_ =	swait.ge [sflag:s17], $0x1000  }
0xc1: {  	[sflag:s17] =	ssyncset.done $0x0  }
0xc2: {  	[sflag:s17] =	ssyncadd.s32 $0xFFFFF000  }
0xc3: {  	_ =	swait.ge [sflag:s17], $0x1000  }
0xc4: {  	[sflag:s17] =	ssyncset.done $0x0  }
0xc5: {  	[sflag:s17] =	ssyncadd.s32 $0xFFFFF000  }
0xc6: {  	_ =	swait.ge [sflag:s17], $0x1000  }
0xc7: {  	[sflag:s17] =	ssyncset.done $0x0  }
0xc8: {  	[sflag:s17] =	ssyncadd.s32 $0xFFFFF000  }
0xc9: {  	_ =	swait.ge [sflag:s17], $0x1000  }
0xca: {  	[sflag:s17] =	ssyncset.done $0x0  }
0xcb: {  	[sflag:s17] =	ssyncadd.s32 $0xFFFFF000  }
0xcc: {  	_ =	swait.ge [sflag:s17], $0x1000  }
0xcd: {  	[sflag:s17] =	ssyncset.done $0x0  }
0xce: {  	[sflag:s17] =	ssyncadd.s32 $0xFFFFF000  }
0xcf: {  	_ =	swait.ge [sflag:s17], $0x1000  }
0xd0: {  	[sflag:s17] =	ssyncset.done $0x0  }
0xd1: {  	[sflag:s17] =	ssyncadd.s32 $0xFFFFF000  }
0xd2: {  	_ =	swait.ge [sflag:s17], $0x1000  }
0xd3: {  	[sflag:s17] =	ssyncset.done $0x0  }
0xd4: {  	[sflag:s17] =	ssyncadd.s32 $0xFFFFF000  }
0xd5: {  	_ =	swait.ge [sflag:s17], $0x1000  }
0xd6: {  	[sflag:s17] =	ssyncset.done $0x0  }
0xd7: {  	[sflag:s17] =	ssyncadd.s32 $0xFFFFF000  }
0xd8: {  	_ =	swait.ge [sflag:s17], $0x1000  }
0xd9: {  	[sflag:s17] =	ssyncset.done $0x0  }
0xda: {  	[sflag:s17] =	ssyncadd.s32 $0xFFFFF000  }
0xdb: {  	_ =	swait.ge [sflag:s17], $0x1000  }
0xdc: {  	[sflag:s17] =	ssyncset.done $0x0  }
0xdd: {  	[sflag:s17] =	ssyncadd.s32 $0xFFFFF000  }
0xde: {  	_ =	swait.ge [sflag:s17], $0x1000  }
0xdf: {  	[sflag:s17] =	ssyncset.done $0x0  }
0xe0: {  	[sflag:s17] =	ssyncadd.s32 $0xFFFFF000  }
0xe1: {  	_ =	swait.ge [sflag:s17], $0x1000  }
0xe2: {  	[sflag:s17] =	ssyncset.done $0x0  }
0xe3: {  	[sflag:s17] =	ssyncadd.s32 $0xFFFFF000  }
0xe4: {  	_ =	swait.ge [sflag:s17], $0x1000  }
0xe5: {  	[sflag:s17] =	ssyncset.done $0x0  }
0xe6: {  	[sflag:s17] =	ssyncadd.s32 $0xFFFFF000  }
0xe7: {  	_ =	swait.ge [sflag:s17], $0x1000  }
0xe8: {  	[sflag:s17] =	ssyncset.done $0x0  }
0xe9: {  	[sflag:s17] =	ssyncadd.s32 $0xFFFFF000  }
0xea: {  	_ =	swait.ge [sflag:s17], $0x1000  }
0xeb: {  	[sflag:s17] =	ssyncset.done $0x0  }
0xec: {  	s20 =	simm.s32 $0x0;
	[sflag:s17] =	ssyncadd.s32 $0xFFFFF000  }
0xed: {  	v34 =	vld [tilespmem:s20+$0xCA00]  }
0xee: {  	s21 =	simm.s32 $0x800;
	s22 =	simm.s32 $0x0;
	v16 =	vld [tilespmem:s2+$0x0]  }
.LBB2_2:
0xef: {  	p0 =	sne.s32 s21, $0xF800;
	v27 =	vld [tilespmem:s20+$0xCA10]  }
0xf0: {  	v37 =	vld [tilespmem:s20+$0xCA20]  }
0xf1: {  	v38 =	vld [tilespmem:s20+$0xCA30]  }
0xf2: {  	v36 =	vld [tilespmem:s20+$0xCA40]  }
0xf3: {  	v16 =	vmul.f32 $1.000000000e+06, v16;
	v28 =	vld [tilespmem:s20+$0xCA50]  }
0xf4: {  	v35 =	vld [tilespmem:s20+$0xCA60]  }
0xf5: {  	v16 =	vadd.f32 $1.000000000e+00, v16;
	v33 =	vld [tilespmem:s20+$0xCA70]  }
0xf6: {  	v32 =	vld [tilespmem:s20+$0xCA80]  }
0xf7: {  	v17 =	vtrunc.f32 v16;
	v31 =	vld [tilespmem:s20+$0xCA90]  }
0xf8: {  	v17 =	vcvt.f32.s32 v17;
	v29 =	vld [tilespmem:s20+$0xCAA0]  }
0xf9: {  	v30 =	vld [tilespmem:s20+$0xCAB0]  }
0xfa: {  	v17 =	vcvt.s32.f32 v17;
	v25 =	vld [tilespmem:s20+$0xCAC0]  }
0xfb: {  	v26 =	vld [tilespmem:s20+$0xCAD0]  }
0xfc: {  	v16 =	vsub.f32 v16, v17;
	v23 =	vld [tilespmem:s20+$0xCAE0]  }
0xfd: {  	v24 =	vld [tilespmem:s20+$0xCAF0]  }
0xfe: {  	v17 =	vmul.f32 v16, v16;
	v18 =	vmul.f32 $5.000000000e-01, v16;
	v21 =	vld [tilespmem:s20+$0xCB00]  }
0xff: {  	v22 =	vld [tilespmem:s20+$0xCB10]  }
0x100: {  	v19 =	vmul.f32 v17, v16;
	v39 =	vsub.f32 $1.666666720e-01, v18;
	v40 =	vmul.f32 $5.000000000e-01, v17;
	v20 =	vld [tilespmem:s20+$0xCB20]  }
0x101: {  	v17 =	vsub.f32 $6.666666860e-01, v17;
	v18 =	vadd.f32 $1.666666720e-01, v18;
	v41 =	vld [tilespmem:s20+$0xA00]  }
0x102: {  	v16 =	vmul.f32 $1.666666720e-01, v19;
	v39 =	vadd.f32 v40, v39;
	v19 =	vmul.f32 $5.000000000e-01, v19;
	v42 =	vld [tilespmem:s20+$0x4A00]  }
0x103: {  	v40 =	vadd.f32 v40, v18;
	v43 =	vld [tilespmem:s20+$0xA10]  }
0x104: {  	v18 =	vsub.f32 v39, v16;
	v17 =	vadd.f32 v19, v17;
	v39 =	vld [tilespmem:s20+$0x4A10];
	v44 =	vperm.xlane v16, v1  }
0x105: {  	v19 =	vsub.f32 v40, v19;
	v45 =	vperm.xlane v16, v2;
	v46 =	vperm.xlane v16, v3;
	v40 =	vld [tilespmem:s20+$0x8A00]  }
0x106: {  	v47 =	vperm.xlane v18, v0;
	v48 =	vperm.xlane v17, v0;
	v49 =	vld [tilespmem:s20+$0x8A10]  }
0x107: {  	v50 =	vperm.xlane v19, v0;
	v51 =	vperm.xlane v18, v1;
	v52 =	vld [tilespmem:s20+$0xA20]  }
0x108: {  	v41 =	vmul.f32 v41, v47;
	v42 =	vmul.f32 v42, v48;
	v53 =	vld [tilespmem:s20+$0x4A20]  }
0x109: {  	v43 =	vmul.f32 v43, v47;
	v39 =	vmul.f32 v39, v48;
	v47 =	vld [tilespmem:s20+$0x8A20]  }
0x10a: {  	v48 =	vperm.xlane v16, v0;
	v41 =	vadd.f32 v42, v41;
	v40 =	vmul.f32 v40, v50;
	v42 =	vld [tilespmem:s20+$0xA30]  }
0x10b: {  	v39 =	vadd.f32 v39, v43;
	v43 =	vmul.f32 v49, v50;
	v49 =	vperm.xlane v17, v1;
	v50 =	vld [tilespmem:s20+$0x4A30]  }
0x10c: {  	v34 =	vmul.f32 v34, v48;
	v27 =	vmul.f32 v27, v48;
	v40 =	vadd.f32 v40, v41;
	v41 =	vld [tilespmem:s20+$0x8A30]  }
0x10d: {  	v39 =	vadd.f32 v43, v39;
	v43 =	vmul.f32 v52, v51;
	v48 =	vmul.f32 v53, v49;
	v52 =	vld [tilespmem:s20+$0x8A40]  }
0x10e: {  	v37 =	vmul.f32 v37, v44;
	v34 =	vadd.f32 v34, v40;
	v40 =	vperm.xlane v19, v1;
	v53 =	vld [tilespmem:s20+$0x8A50]  }
0x10f: {  	v27 =	vadd.f32 v27, v39;
	v39 =	vadd.f32 v48, v43;
	v42 =	vmul.f32 v42, v51;
	v43 =	vld [tilespmem:s20+$0xA40]  }
0x110: {  	[tilespmem:s20+$0x10A00] =	vst v34;
	v34 =	vmul.f32 v47, v40;
	v47 =	vmul.f32 v50, v49;
	v48 =	vld [tilespmem:s20+$0x4A40]  }
0x111: {  	v38 =	vmul.f32 v38, v44;
	[tilespmem:s20+$0x10A10] =	vst v27;
	v40 =	vmul.f32 v41, v40;
	v41 =	vld [tilespmem:s20+$0xA50]  }
0x112: {  	v34 =	vadd.f32 v34, v39;
	v39 =	vadd.f32 v47, v42;
	v42 =	vperm.xlane v18, v2;
	v44 =	vld [tilespmem:s20+$0x4A50]  }
0x113: {  	v49 =	vperm.xlane v19, v2;
	v47 =	vperm.xlane v17, v2;
	v27 =	vld [tilespmem:s20+$0xCB30]  }
0x114: {  	v34 =	vadd.f32 v37, v34;
	v37 =	vadd.f32 v40, v39;
	v39 =	vmul.f32 v43, v42;
	v40 =	vld [tilespmem:s20+$0x8A60]  }
0x115: {  	v43 =	vmul.f32 v48, v47;
	v48 =	vmul.f32 v52, v49;
	v50 =	vld [tilespmem:s20+$0xA60]  }
0x116: {  	v36 =	vmul.f32 v36, v45;
	[tilespmem:s20+$0x10A20] =	vst v34;
	v34 =	vadd.f32 v38, v37;
	v37 =	vmul.f32 v41, v42;
	v38 =	vld [tilespmem:s20+$0x4A60]  }
0x117: {  	v42 =	vmul.f32 v53, v49;
	v39 =	vadd.f32 v43, v39;
	v41 =	vmul.f32 v44, v47;
	v43 =	vld [tilespmem:s20+$0x8A70]  }
0x118: {  	v44 =	vperm.xlane v18, v3;
	[tilespmem:s20+$0x10A30] =	vst v34;
	v34 =	vmul.f32 v28, v45;
	v45 =	vld [tilespmem:s20+$0xA70]  }
0x119: {  	v39 =	vadd.f32 v48, v39;
	v37 =	vadd.f32 v41, v37;
	v41 =	vperm.xlane v17, v3;
	v47 =	vld [tilespmem:s20+$0x4A70]  }
0x11a: {  	v48 =	vperm.xlane v19, v3;
	v49 =	vmul.f32 v50, v44;
	v28 =	vld [tilespmem:s20+$0xCB40]  }
0x11b: {  	v36 =	vadd.f32 v36, v39;
	v37 =	vadd.f32 v42, v37;
	v38 =	vmul.f32 v38, v41;
	v39 =	vld [tilespmem:s20+$0x8A80]  }
0x11c: {  	v35 =	vmul.f32 v35, v46;
	v40 =	vmul.f32 v40, v48;
	v42 =	vld [tilespmem:s20+$0xA80]  }
0x11d: {  	[tilespmem:s20+$0x10A40] =	vst v36;
	v34 =	vadd.f32 v34, v37;
	v36 =	vadd.f32 v38, v49;
	v37 =	vmul.f32 v45, v44;
	v38 =	vld [tilespmem:s20+$0x4A80]  }
0x11e: {  	v43 =	vmul.f32 v43, v48;
	v41 =	vmul.f32 v47, v41;
	v44 =	vld [tilespmem:s20+$0xA90]  }
0x11f: {  	v33 =	vmul.f32 v33, v46;
	[tilespmem:s20+$0x10A50] =	vst v34;
	v34 =	vadd.f32 v40, v36;
	v36 =	vperm.xlane v18, v4;
	v40 =	vld [tilespmem:s20+$0x4A90]  }
0x120: {  	v45 =	vperm.xlane v19, v4;
	v37 =	vadd.f32 v41, v37;
	v41 =	vperm.xlane v17, v4;
	v46 =	vld [tilespmem:s20+$0x8A90]  }
0x121: {  	v34 =	vadd.f32 v35, v34;
	v35 =	vperm.xlane v16, v4;
	v42 =	vmul.f32 v42, v36;
	v47 =	vld [tilespmem:s20+$0x8AA0]  }
0x122: {  	v39 =	vmul.f32 v39, v45;
	v37 =	vadd.f32 v43, v37;
	v38 =	vmul.f32 v38, v41;
	v43 =	vld [tilespmem:s20+$0x8AB0]  }
0x123: {  	[tilespmem:s20+$0x10A60] =	vst v34;
	v32 =	vmul.f32 v32, v35;
	v34 =	vmul.f32 v44, v36;
	v36 =	vld [tilespmem:s20+$0xAA0]  }
0x124: {  	v33 =	vadd.f32 v33, v37;
	v37 =	vadd.f32 v38, v42;
	v38 =	vmul.f32 v40, v41;
	v40 =	vld [tilespmem:s20+$0x4AA0]  }
0x125: {  	v35 =	vmul.f32 v31, v35;
	v41 =	vmul.f32 v46, v45;
	v42 =	vld [tilespmem:s20+$0xAB0]  }
0x126: {  	[tilespmem:s20+$0x10A70] =	vst v33;
	v33 =	vadd.f32 v39, v37;
	v34 =	vadd.f32 v38, v34;
	v37 =	vperm.xlane v18, v5;
	v38 =	vld [tilespmem:s20+$0x4AB0]  }
0x127: {  	v44 =	vperm.xlane v19, v5;
	v39 =	vperm.xlane v17, v5;
	v31 =	vld [tilespmem:s20+$0xCB50]  }
0x128: {  	v32 =	vadd.f32 v32, v33;
	v33 =	vadd.f32 v41, v34;
	v34 =	vmul.f32 v36, v37;
	v36 =	vld [tilespmem:s20+$0x8AC0]  }
0x129: {  	v41 =	vmul.f32 v47, v44;
	v40 =	vmul.f32 v40, v39;
	v45 =	vld [tilespmem:s20+$0x8AD0]  }
0x12a: {  	[tilespmem:s20+$0x10A80] =	vst v32;
	v32 =	vadd.f32 v35, v33;
	v33 =	vperm.xlane v16, v5;
	v35 =	vmul.f32 v42, v37;
	v37 =	vld [tilespmem:s20+$0xAC0]  }
0x12b: {  	v34 =	vadd.f32 v40, v34;
	v38 =	vmul.f32 v38, v39;
	v39 =	vmul.f32 v43, v44;
	v40 =	vld [tilespmem:s20+$0x4AC0]  }
0x12c: {  	[tilespmem:s20+$0x10A90] =	vst v32;
	v32 =	vmul.f32 v29, v33;
	v30 =	vmul.f32 v30, v33;
	v33 =	vld [tilespmem:s20+$0xAD0]  }
0x12d: {  	v34 =	vadd.f32 v41, v34;
	v35 =	vadd.f32 v38, v35;
	v38 =	vperm.xlane v18, v6;
	v41 =	vld [tilespmem:s20+$0x4AD0]  }
0x12e: {  	v42 =	vperm.xlane v17, v6;
	v43 =	vperm.xlane v19, v6;
	v29 =	vld [tilespmem:s20+$0xCB60]  }
0x12f: {  	v32 =	vadd.f32 v32, v34;
	v34 =	vadd.f32 v39, v35;
	v35 =	vmul.f32 v37, v38;
	v37 =	vld [tilespmem:s20+$0x8AE0]  }
0x130: {  	v36 =	vmul.f32 v36, v43;
	v39 =	vmul.f32 v40, v42;
	v40 =	vld [tilespmem:s20+$0x8AF0]  }
0x131: {  	[tilespmem:s20+$0x10AA0] =	vst v32;
	v30 =	vadd.f32 v30, v34;
	v32 =	vperm.xlane v16, v6;
	v33 =	vmul.f32 v33, v38;
	v34 =	vld [tilespmem:s20+$0xAE0]  }
0x132: {  	v35 =	vadd.f32 v39, v35;
	v38 =	vmul.f32 v41, v42;
	v39 =	vmul.f32 v45, v43;
	v41 =	vld [tilespmem:s20+$0x4AE0]  }
0x133: {  	[tilespmem:s20+$0x10AB0] =	vst v30;
	v30 =	vmul.f32 v25, v32;
	v26 =	vmul.f32 v26, v32;
	v32 =	vld [tilespmem:s20+$0xAF0]  }
0x134: {  	v35 =	vadd.f32 v36, v35;
	v33 =	vadd.f32 v38, v33;
	v36 =	vperm.xlane v18, v7;
	v38 =	vld [tilespmem:s20+$0x4AF0]  }
0x135: {  	v42 =	vperm.xlane v17, v7;
	v43 =	vperm.xlane v19, v7;
	v25 =	vld [tilespmem:s20+$0xCB70]  }
0x136: {  	v30 =	vadd.f32 v30, v35;
	v33 =	vadd.f32 v39, v33;
	v34 =	vmul.f32 v34, v36;
	v35 =	vld [tilespmem:s20+$0x8B00]  }
0x137: {  	v37 =	vmul.f32 v37, v43;
	v39 =	vmul.f32 v41, v42;
	v41 =	vld [tilespmem:s20+$0x8B10]  }
0x138: {  	[tilespmem:s20+$0x10AC0] =	vst v30;
	v26 =	vadd.f32 v26, v33;
	v30 =	vperm.xlane v16, v7;
	v32 =	vmul.f32 v32, v36;
	v33 =	vld [tilespmem:s20+$0xB00]  }
0x139: {  	v34 =	vadd.f32 v39, v34;
	v36 =	vmul.f32 v38, v42;
	v38 =	vmul.f32 v40, v43;
	v39 =	vld [tilespmem:s20+$0x4B00]  }
0x13a: {  	[tilespmem:s20+$0x10AD0] =	vst v26;
	v26 =	vmul.f32 v23, v30;
	v24 =	vmul.f32 v24, v30;
	v30 =	vld [tilespmem:s20+$0xB10]  }
0x13b: {  	v34 =	vadd.f32 v37, v34;
	v32 =	vadd.f32 v36, v32;
	v36 =	vperm.xlane v18, v8;
	v37 =	vld [tilespmem:s20+$0x4B10]  }
0x13c: {  	v40 =	vperm.xlane v17, v8;
	v42 =	vperm.xlane v19, v8;
	v23 =	vld [tilespmem:s20+$0xCB80]  }
0x13d: {  	v26 =	vadd.f32 v26, v34;
	v32 =	vadd.f32 v38, v32;
	v33 =	vmul.f32 v33, v36;
	v34 =	vld [tilespmem:s20+$0x8B20]  }
0x13e: {  	v35 =	vmul.f32 v35, v42;
	v38 =	vmul.f32 v39, v40;
	v39 =	vld [tilespmem:s20+$0x8B30]  }
0x13f: {  	[tilespmem:s20+$0x10AE0] =	vst v26;
	v24 =	vadd.f32 v24, v32;
	v26 =	vperm.xlane v16, v8;
	v30 =	vmul.f32 v30, v36;
	v32 =	vld [tilespmem:s20+$0xB20]  }
0x140: {  	v33 =	vadd.f32 v38, v33;
	v36 =	vmul.f32 v37, v40;
	v37 =	vmul.f32 v41, v42;
	v38 =	vld [tilespmem:s20+$0x4B20]  }
0x141: {  	[tilespmem:s20+$0x10AF0] =	vst v24;
	v21 =	vmul.f32 v21, v26;
	v22 =	vmul.f32 v22, v26;
	v24 =	vld [tilespmem:s20+$0xB30]  }
0x142: {  	v26 =	vadd.f32 v35, v33;
	v30 =	vadd.f32 v36, v30;
	v33 =	vperm.xlane v18, v9;
	v35 =	vld [tilespmem:s20+$0x4B30]  }
0x143: {  	v40 =	vperm.xlane v19, v9;
	v36 =	vperm.xlane v17, v9;
	v41 =	vld [tilespmem:s20+$0xCB90]  }
0x144: {  	v21 =	vadd.f32 v21, v26;
	v26 =	vadd.f32 v37, v30;
	v30 =	vmul.f32 v32, v33;
	v32 =	vld [tilespmem:s20+$0x8B40]  }
0x145: {  	v34 =	vmul.f32 v34, v40;
	v37 =	vmul.f32 v38, v36;
	v38 =	vld [tilespmem:s20+$0x8B50]  }
0x146: {  	[tilespmem:s20+$0x10B00] =	vst v21;
	v21 =	vadd.f32 v22, v26;
	v22 =	vperm.xlane v16, v9;
	v24 =	vmul.f32 v24, v33;
	v26 =	vld [tilespmem:s20+$0xB40]  }
0x147: {  	v30 =	vadd.f32 v37, v30;
	v33 =	vmul.f32 v35, v36;
	v35 =	vmul.f32 v39, v40;
	v36 =	vld [tilespmem:s20+$0x4B40]  }
0x148: {  	[tilespmem:s20+$0x10B10] =	vst v21;
	v20 =	vmul.f32 v20, v22;
	v21 =	vmul.f32 v27, v22;
	v22 =	vld [tilespmem:s20+$0xB50]  }
0x149: {  	v27 =	vadd.f32 v34, v30;
	v24 =	vadd.f32 v33, v24;
	v30 =	vperm.xlane v18, v10;
	v33 =	vld [tilespmem:s20+$0x4B50]  }
0x14a: {  	v37 =	vperm.xlane v19, v10;
	v34 =	vperm.xlane v17, v10;
	v39 =	vld [tilespmem:s20+$0xCBA0]  }
0x14b: {  	v20 =	vadd.f32 v20, v27;
	v24 =	vadd.f32 v35, v24;
	v26 =	vmul.f32 v26, v30;
	v27 =	vld [tilespmem:s20+$0x8B60]  }
0x14c: {  	v32 =	vmul.f32 v32, v37;
	v35 =	vmul.f32 v36, v34;
	v36 =	vld [tilespmem:s20+$0x8B70]  }
0x14d: {  	[tilespmem:s20+$0x10B20] =	vst v20;
	v20 =	vadd.f32 v21, v24;
	v21 =	vperm.xlane v16, v10;
	v22 =	vmul.f32 v22, v30;
	v24 =	vld [tilespmem:s20+$0xB60]  }
0x14e: {  	v26 =	vadd.f32 v35, v26;
	v30 =	vmul.f32 v33, v34;
	v33 =	vmul.f32 v38, v37;
	v34 =	vld [tilespmem:s20+$0x4B60]  }
0x14f: {  	[tilespmem:s20+$0x10B30] =	vst v20;
	v20 =	vmul.f32 v28, v21;
	v21 =	vmul.f32 v31, v21;
	v28 =	vld [tilespmem:s20+$0xB70]  }
0x150: {  	v26 =	vadd.f32 v32, v26;
	v22 =	vadd.f32 v30, v22;
	v30 =	vperm.xlane v18, v11;
	v31 =	vld [tilespmem:s20+$0x4B70]  }
0x151: {  	v35 =	vperm.xlane v19, v11;
	v32 =	vperm.xlane v17, v11;
	v37 =	vld [tilespmem:s20+$0xCBB0]  }
0x152: {  	v20 =	vadd.f32 v20, v26;
	v22 =	vadd.f32 v33, v22;
	v24 =	vmul.f32 v24, v30;
	v26 =	vld [tilespmem:s20+$0x8B80]  }
0x153: {  	v27 =	vmul.f32 v27, v35;
	v33 =	vmul.f32 v34, v32;
	v34 =	vld [tilespmem:s20+$0x8B90]  }
0x154: {  	[tilespmem:s20+$0x10B40] =	vst v20;
	v20 =	vadd.f32 v21, v22;
	v21 =	vperm.xlane v16, v11;
	v22 =	vmul.f32 v28, v30;
	v28 =	vld [tilespmem:s20+$0xB80]  }
0x155: {  	v24 =	vadd.f32 v33, v24;
	v30 =	vmul.f32 v31, v32;
	v31 =	vmul.f32 v36, v35;
	v32 =	vld [tilespmem:s20+$0x4B80]  }
0x156: {  	[tilespmem:s20+$0x10B50] =	vst v20;
	v20 =	vmul.f32 v29, v21;
	v21 =	vmul.f32 v25, v21;
	v25 =	vld [tilespmem:s20+$0xB90]  }
0x157: {  	v24 =	vadd.f32 v27, v24;
	v22 =	vadd.f32 v30, v22;
	v27 =	vperm.xlane v18, v12;
	v29 =	vld [tilespmem:s20+$0x4B90]  }
0x158: {  	v33 =	vperm.xlane v19, v12;
	v30 =	vperm.xlane v17, v12;
	v35 =	vld [tilespmem:s20+$0xCBC0]  }
0x159: {  	v20 =	vadd.f32 v20, v24;
	v22 =	vadd.f32 v31, v22;
	v24 =	vmul.f32 v28, v27;
	v28 =	vld [tilespmem:s20+$0x8BA0]  }
0x15a: {  	v26 =	vmul.f32 v26, v33;
	v31 =	vmul.f32 v32, v30;
	v32 =	vld [tilespmem:s20+$0x8BB0]  }
0x15b: {  	[tilespmem:s20+$0x10B60] =	vst v20;
	v20 =	vadd.f32 v21, v22;
	v21 =	vperm.xlane v16, v12;
	v22 =	vmul.f32 v25, v27;
	v25 =	vld [tilespmem:s20+$0xBA0]  }
0x15c: {  	v24 =	vadd.f32 v31, v24;
	v27 =	vmul.f32 v29, v30;
	v29 =	vmul.f32 v34, v33;
	v30 =	vld [tilespmem:s20+$0x4BA0]  }
0x15d: {  	[tilespmem:s20+$0x10B70] =	vst v20;
	v20 =	vmul.f32 v23, v21;
	v21 =	vmul.f32 v41, v21;
	v23 =	vld [tilespmem:s20+$0xBB0]  }
0x15e: {  	v24 =	vadd.f32 v26, v24;
	v22 =	vadd.f32 v27, v22;
	v26 =	vperm.xlane v18, v13;
	v27 =	vld [tilespmem:s20+$0x4BB0]  }
0x15f: {  	v31 =	vperm.xlane v17, v13;
	v33 =	vperm.xlane v19, v13;
	v34 =	vld [tilespmem:s20+$0xCBD0]  }
0x160: {  	v20 =	vadd.f32 v20, v24;
	v22 =	vadd.f32 v29, v22;
	v24 =	vmul.f32 v25, v26;
	v25 =	vld [tilespmem:s20+$0x8BC0]  }
0x161: {  	v28 =	vmul.f32 v28, v33;
	v29 =	vmul.f32 v30, v31;
	v30 =	vld [tilespmem:s20+$0x8BD0]  }
0x162: {  	[tilespmem:s20+$0x10B80] =	vst v20;
	v20 =	vadd.f32 v21, v22;
	v21 =	vperm.xlane v16, v13;
	v22 =	vmul.f32 v23, v26;
	v23 =	vld [tilespmem:s20+$0xBC0]  }
0x163: {  	v24 =	vadd.f32 v29, v24;
	v26 =	vmul.f32 v27, v31;
	v27 =	vmul.f32 v32, v33;
	v29 =	vld [tilespmem:s20+$0x4BC0]  }
0x164: {  	[tilespmem:s20+$0x10B90] =	vst v20;
	v20 =	vmul.f32 v39, v21;
	v21 =	vmul.f32 v37, v21;
	v31 =	vld [tilespmem:s20+$0xBD0]  }
0x165: {  	v24 =	vadd.f32 v28, v24;
	v22 =	vadd.f32 v26, v22;
	v26 =	vperm.xlane v18, v14;
	v28 =	vld [tilespmem:s20+$0x4BD0]  }
0x166: {  	v32 =	vperm.xlane v17, v14;
	v33 =	vperm.xlane v19, v14;
	v36 =	vld [tilespmem:s20+$0xCBE0]  }
0x167: {  	v20 =	vadd.f32 v20, v24;
	v22 =	vadd.f32 v27, v22;
	v23 =	vmul.f32 v23, v26;
	v24 =	vld [tilespmem:s20+$0x8BE0]  }
0x168: {  	v25 =	vmul.f32 v25, v33;
	v27 =	vmul.f32 v29, v32;
	v29 =	vld [tilespmem:s20+$0x8BF0]  }
0x169: {  	[tilespmem:s20+$0x10BA0] =	vst v20;
	v20 =	vadd.f32 v21, v22;
	v21 =	vperm.xlane v16, v14;
	v22 =	vmul.f32 v31, v26;
	v26 =	vld [tilespmem:s20+$0xBE0]  }
0x16a: {  	v23 =	vadd.f32 v27, v23;
	v27 =	vmul.f32 v28, v32;
	v28 =	vmul.f32 v30, v33;
	v30 =	vld [tilespmem:s20+$0x4BE0]  }
0x16b: {  	[tilespmem:s20+$0x10BB0] =	vst v20;
	v20 =	vmul.f32 v35, v21;
	v21 =	vmul.f32 v34, v21;
	v31 =	vld [tilespmem:s20+$0xBF0]  }
0x16c: {  	v18 =	vperm.xlane v18, v15;
	v23 =	vadd.f32 v25, v23;
	v22 =	vadd.f32 v27, v22;
	v25 =	vld [tilespmem:s20+$0x4BF0]  }
0x16d: {  	v17 =	vperm.xlane v17, v15;
	v19 =	vperm.xlane v19, v15;
	v27 =	vld [tilespmem:s20+$0xCBF0]  }
0x16e: {  	v20 =	vadd.f32 v20, v23;
	v22 =	vadd.f32 v28, v22;
	v23 =	vmul.f32 v26, v18  }
0x16f: {  	v24 =	vmul.f32 v24, v19;
	v26 =	vmul.f32 v30, v17  }
0x170: {  	v16 =	vperm.xlane v16, v15;
	[tilespmem:s20+$0x10BC0] =	vst v20;
	v20 =	vadd.f32 v21, v22;
	v18 =	vmul.f32 v31, v18  }
0x171: {  	v19 =	vmul.f32 v29, v19;
	v21 =	vadd.f32 v26, v23;
	v17 =	vmul.f32 v25, v17  }
0x172: {  	[tilespmem:s20+$0x10BD0] =	vst v20;
	v20 =	vmul.f32 v36, v16;
	v16 =	vmul.f32 v27, v16  }
0x173: {  	v21 =	vadd.f32 v24, v21;
	v17 =	vadd.f32 v17, v18;
	_ =	sdelay $0x1  }
0x174: {  	v18 =	vadd.f32 v20, v21;
	v17 =	vadd.f32 v19, v17  }
.Ltmp0:
0x175: {  	(pc) =	sbr.rel @p0 .LBB2_2-.Ltmp0, $4  }
0x176: {  	[tilespmem:s20+$0x10BE0] =	vst v18;
	v16 =	vadd.f32 v16, v17  }
0x177: {  	s23 =	sshra.s32 s21, $0x2  }
0x178: {  	s22 =	sadd.s32 $0x10, s22;
	v34 =	vld [tilespmem:s23+$0xCA00];
	[tilespmem:s20+$0x10BF0] =	vst v16;
	s20 =	smov.u32 s23  }
0x179: {  	s21 =	sadd.s32 $0x800, s21;
	v16 =	vld [tilespmem:s22+$0x0]  }
0x17a: {  	v25 =	vld [tilespmem:s20+$0xCA10]  }
0x17b: {  	v26 =	vld [tilespmem:s20+$0xCA20]  }
0x17c: {  	v36 =	vld [tilespmem:s20+$0xCA30]  }
0x17d: {  	v37 =	vld [tilespmem:s20+$0xCA40]  }
0x17e: {  	v38 =	vld [tilespmem:s20+$0xCA50]  }
0x17f: {  	v35 =	vld [tilespmem:s20+$0xCA60]  }
0x180: {  	v33 =	vld [tilespmem:s20+$0xCA70]  }
0x181: {  	v31 =	vld [tilespmem:s20+$0xCA80]  }
0x182: {  	v32 =	vld [tilespmem:s20+$0xCA90];
	v16 =	vmul.f32 $1.000000000e+06, v16  }
0x183: {  	v30 =	vld [tilespmem:s20+$0xCAA0]  }
0x184: {  	v29 =	vld [tilespmem:s20+$0xCAB0];
	v16 =	vadd.f32 $1.000000000e+00, v16  }
0x185: {  	v28 =	vld [tilespmem:s20+$0xCAC0]  }
0x186: {  	v27 =	vld [tilespmem:s20+$0xCAD0];
	v17 =	vtrunc.f32 v16  }
0x187: {  	v24 =	vld [tilespmem:s20+$0xCAE0];
	v17 =	vcvt.f32.s32 v17  }
0x188: {  	v23 =	vld [tilespmem:s20+$0xCAF0]  }
0x189: {  	v22 =	vld [tilespmem:s20+$0xCB00];
	v17 =	vcvt.s32.f32 v17  }
0x18a: {  	v21 =	vld [tilespmem:s20+$0xCB10]  }
0x18b: {  	v20 =	vld [tilespmem:s20+$0xCB20];
	v16 =	vsub.f32 v16, v17  }
0x18c: {  	v42 =	vld [tilespmem:s20+$0xA00]  }
0x18d: {  	v63 =	vld [tilespmem:s20+$0x4A00];
	v17 =	vmul.f32 v16, v16;
	v18 =	vmul.f32 $5.000000000e-01, v16  }
0x18e: {  	v43 =	vld [tilespmem:s20+$0xA10]  }
0x18f: {  	v52 =	vld [tilespmem:s20+$0x4A10];
	v19 =	vmul.f32 v17, v16;
	v39 =	vsub.f32 $1.666666720e-01, v18;
	v40 =	vmul.f32 $5.000000000e-01, v17  }
0x190: {  	v53 =	vld [tilespmem:s20+$0x8A00];
	v41 =	vsub.f32 $6.666666860e-01, v17;
	v17 =	vadd.f32 $1.666666720e-01, v18  }
0x191: {  	v46 =	vld [tilespmem:s20+$0x8A10];
	v16 =	vmul.f32 $1.666666720e-01, v19;
	v62 =	vadd.f32 v40, v39;
	v19 =	vmul.f32 $5.000000000e-01, v19  }
0x192: {  	v48 =	vld [tilespmem:s20+$0xA20];
	v40 =	vadd.f32 v40, v17  }
0x193: {  	v49 =	vld [tilespmem:s20+$0x4A20];
	v17 =	vsub.f32 v62, v16;
	v18 =	vadd.f32 v19, v41  }
0x194: {  	v55 =	vld [tilespmem:s20+$0xA30];
	v19 =	vsub.f32 v40, v19;
	v54 =	vperm.xlane v16, v0  }
0x195: {  	v56 =	vld [tilespmem:s20+$0x4A30];
	v44 =	vperm.xlane v17, v0;
	v45 =	vperm.xlane v18, v0  }
0x196: {  	v57 =	vld [tilespmem:s20+$0x8A30];
	v47 =	vperm.xlane v19, v0;
	v34 =	vmul.f32 v34, v54  }
0x197: {  	v51 =	vld [tilespmem:s20+$0x8A40];
	v58 =	vperm.xlane v17, v1;
	v50 =	vperm.xlane v18, v1  }
0x198: {  	v60 =	vld [tilespmem:s20+$0xA40];
	v25 =	vmul.f32 v25, v54;
	v42 =	vmul.f32 v42, v44  }
0x199: {  	v39 =	vmul.f32 v63, v45;
	v43 =	vmul.f32 v43, v44;
	v44 =	vld [tilespmem:s20+$0x8A20]  }
0x19a: {  	v41 =	vmul.f32 v52, v45;
	v40 =	vmul.f32 v53, v47;
	v63 =	vld [tilespmem:s20+$0x4A40]  }
0x19b: {  	v59 =	vmul.f32 v48, v58;
	v53 =	vmul.f32 v55, v58;
	v55 =	vld [tilespmem:s20+$0xA50]  }
0x19c: {  	v61 =	vmul.f32 v49, v50;
	v54 =	vmul.f32 v56, v50;
	v56 =	vld [tilespmem:s20+$0x4A50]  }
0x19d: {  	v62 =	vperm.xlane v19, v1;
	v46 =	vmul.f32 v46, v47;
	v47 =	vld [tilespmem:s20+$0x8AB0];
	v39 =	vadd.f32 v39, v42  }
0x19e: {  	v52 =	vperm.xlane v16, v1;
	v41 =	vadd.f32 v41, v43;
	v45 =	vadd.f32 v61, v59;
	v61 =	vld [tilespmem:s20+$0x4A60]  }
0x19f: {  	v58 =	vperm.xlane v18, v2;
	v48 =	vperm.xlane v17, v5;
	v42 =	vadd.f32 v54, v53;
	v54 =	vld [tilespmem:s20+$0xA70]  }
0x1a0: {  	v26 =	vmul.f32 v26, v52;
	v39 =	vadd.f32 v40, v39;
	v41 =	vadd.f32 v46, v41;
	v46 =	vld [tilespmem:s20+$0x8A70]  }
0x1a1: {  	v36 =	vmul.f32 v36, v52;
	v53 =	vmul.f32 v56, v58;
	v56 =	vld [tilespmem:s20+$0x4A70]  }
0x1a2: {  	v40 =	vmul.f32 v57, v62;
	v57 =	vperm.xlane v17, v2;
	v34 =	vadd.f32 v34, v39;
	v39 =	vld [tilespmem:s20+$0x8A50]  }
0x1a3: {  	v44 =	vmul.f32 v44, v62;
	v62 =	vperm.xlane v16, v2;
	v25 =	vadd.f32 v25, v41;
	v41 =	vld [tilespmem:s20+$0x8A60]  }
0x1a4: {  	v59 =	vperm.xlane v19, v2;
	v40 =	vadd.f32 v40, v42;
	v42 =	vld [tilespmem:s20+$0xA60];
	v60 =	vmul.f32 v60, v57  }
0x1a5: {  	v37 =	vmul.f32 v37, v62;
	v38 =	vmul.f32 v38, v62;
	v62 =	vld [tilespmem:s20+$0x4A80]  }
0x1a6: {  	v52 =	vmul.f32 v55, v57;
	v57 =	vperm.xlane v17, v3;
	v44 =	vadd.f32 v44, v45;
	[tilespmem:s20+$0x10A10] =	vst v25;
	v25 =	vld [tilespmem:s20+$0xCB30]  }
0x1a7: {  	[tilespmem:s20+$0x10A00] =	vst v34;
	v34 =	vmul.f32 v63, v58;
	v36 =	vadd.f32 v36, v40;
	v63 =	vmul.f32 v51, v59;
	v51 =	vld [tilespmem:s20+$0x4A90]  }
0x1a8: {  	v43 =	vperm.xlane v17, v12;
	v58 =	vperm.xlane v18, v3;
	v26 =	vadd.f32 v26, v44;
	v44 =	vld [tilespmem:s20+$0x8A80]  }
0x1a9: {  	v45 =	vperm.xlane v17, v9;
	v49 =	vmul.f32 v54, v57;
	[tilespmem:s20+$0x10A30] =	vst v36;
	v36 =	vld [tilespmem:s20+$0x8AA0]  }
0x1aa: {  	v40 =	vmul.f32 v61, v58;
	v50 =	vmul.f32 v56, v58;
	v58 =	vld [tilespmem:s20+$0xAA0]  }
0x1ab: {  	v61 =	vperm.xlane v16, v3;
	[tilespmem:s20+$0x10A20] =	vst v26;
	v26 =	vadd.f32 v34, v60;
	v39 =	vmul.f32 v39, v59;
	v60 =	vld [tilespmem:s20+$0xA80]  }
0x1ac: {  	v34 =	vadd.f32 v53, v52;
	v59 =	vperm.xlane v19, v3;
	v42 =	vmul.f32 v42, v57;
	v52 =	vld [tilespmem:s20+$0x8A90]  }
0x1ad: {  	v35 =	vmul.f32 v35, v61;
	v33 =	vmul.f32 v33, v61;
	v61 =	vld [tilespmem:s20+$0xAB0];
	v55 =	vadd.f32 v63, v26  }
0x1ae: {  	v54 =	vperm.xlane v17, v4;
	v56 =	vperm.xlane v19, v4;
	v34 =	vadd.f32 v39, v34;
	v63 =	vld [tilespmem:s20+$0xA90]  }
0x1af: {  	v26 =	vld [tilespmem:s20+$0xCB40];
	v41 =	vmul.f32 v41, v59;
	v40 =	vadd.f32 v40, v42;
	v37 =	vadd.f32 v37, v55  }
0x1b0: {  	v53 =	vmul.f32 v46, v59;
	v59 =	vld [tilespmem:s20+$0x4AA0];
	v44 =	vmul.f32 v44, v56;
	v34 =	vadd.f32 v38, v34  }
0x1b1: {  	v42 =	vld [tilespmem:s20+$0x8AF0];
	v40 =	vadd.f32 v41, v40;
	v55 =	vperm.xlane v18, v4;
	v57 =	vmul.f32 v60, v54;
	[tilespmem:s20+$0x10A40] =	vst v37  }
0x1b2: {  	v60 =	vperm.xlane v16, v4;
	[tilespmem:s20+$0x10A50] =	vst v34;
	v34 =	vadd.f32 v50, v49;
	v37 =	vmul.f32 v52, v56;
	v52 =	vld [tilespmem:s20+$0xAC0]  }
0x1b3: {  	v35 =	vadd.f32 v35, v40;
	v38 =	vmul.f32 v62, v55;
	v40 =	vmul.f32 v63, v54;
	v63 =	vld [tilespmem:s20+$0x4AB0]  }
0x1b4: {  	v41 =	vmul.f32 v51, v55;
	v62 =	vmul.f32 v31, v60;
	v31 =	vld [tilespmem:s20+$0xCB50]  }
0x1b5: {  	v49 =	vperm.xlane v18, v5;
	v50 =	vperm.xlane v19, v5;
	v34 =	vadd.f32 v53, v34;
	v53 =	vld [tilespmem:s20+$0x4AC0]  }
0x1b6: {  	v32 =	vmul.f32 v32, v60;
	v54 =	vperm.xlane v16, v5;
	[tilespmem:s20+$0x10A60] =	vst v35;
	v35 =	vadd.f32 v38, v57;
	v57 =	vld [tilespmem:s20+$0xAD0]  }
0x1b7: {  	v36 =	vmul.f32 v36, v50;
	v60 =	vmul.f32 v47, v50;
	v50 =	vld [tilespmem:s20+$0xAE0]  }
0x1b8: {  	v51 =	vmul.f32 v58, v48;
	v55 =	vmul.f32 v61, v48;
	v38 =	vld [tilespmem:s20+$0x8B30]  }
0x1b9: {  	v61 =	vperm.xlane v17, v6;
	v40 =	vadd.f32 v41, v40;
	v58 =	vmul.f32 v30, v54;
	v30 =	vld [tilespmem:s20+$0xCB60]  }
0x1ba: {  	v29 =	vmul.f32 v29, v54;
	v54 =	vld [tilespmem:s20+$0xAF0];
	v33 =	vadd.f32 v33, v34;
	v35 =	vadd.f32 v44, v35  }
0x1bb: {  	v34 =	vmul.f32 v59, v49;
	v59 =	vld [tilespmem:s20+$0x4AD0];
	v37 =	vadd.f32 v37, v40;
	v48 =	vmul.f32 v52, v61  }
0x1bc: {  	v40 =	vld [tilespmem:s20+$0x8AD0];
	v52 =	vperm.xlane v16, v6;
	[tilespmem:s20+$0x10A70] =	vst v33;
	v33 =	vadd.f32 v62, v35;
	v56 =	vmul.f32 v63, v49  }
0x1bd: {  	v35 =	vld [tilespmem:s20+$0x8AC0];
	v62 =	vperm.xlane v18, v6;
	v63 =	vperm.xlane v19, v6  }
0x1be: {  	v32 =	vadd.f32 v32, v37;
	v27 =	vmul.f32 v27, v52;
	[tilespmem:s20+$0x10A80] =	vst v33;
	v33 =	vadd.f32 v34, v51;
	v34 =	vld [tilespmem:s20+$0x8AE0]  }
0x1bf: {  	v49 =	vmul.f32 v53, v62;
	v51 =	vld [tilespmem:s20+$0x4AE0];
	v53 =	vmul.f32 v57, v61  }
0x1c0: {  	v57 =	vperm.xlane v17, v7;
	v61 =	vld [tilespmem:s20+$0xB00];
	[tilespmem:s20+$0x10A90] =	vst v32;
	v32 =	vadd.f32 v56, v55;
	v55 =	vmul.f32 v28, v52  }
0x1c1: {  	v56 =	vld [tilespmem:s20+$0x4AF0];
	v33 =	vadd.f32 v36, v33;
	v36 =	vmul.f32 v59, v62;
	v40 =	vmul.f32 v40, v63  }
0x1c2: {  	v28 =	vld [tilespmem:s20+$0xCB70];
	v59 =	vperm.xlane v19, v7;
	v46 =	vmul.f32 v54, v57  }
0x1c3: {  	v52 =	vld [tilespmem:s20+$0x8B20];
	v54 =	vperm.xlane v18, v8;
	v32 =	vadd.f32 v60, v32;
	v35 =	vmul.f32 v35, v63  }
0x1c4: {  	v62 =	vld [tilespmem:s20+$0x4B00];
	v63 =	vperm.xlane v16, v7;
	v33 =	vadd.f32 v58, v33;
	v58 =	vperm.xlane v18, v7  }
0x1c5: {  	v29 =	vadd.f32 v29, v32;
	v32 =	vmul.f32 v50, v57;
	v34 =	vmul.f32 v34, v59;
	v50 =	vld [tilespmem:s20+$0x4B10]  }
0x1c6: {  	v23 =	vmul.f32 v23, v63;
	v57 =	vld [tilespmem:s20+$0xB20];
	v60 =	vmul.f32 v51, v58  }
0x1c7: {  	[tilespmem:s20+$0x10AA0] =	vst v33;
	v33 =	vadd.f32 v49, v48;
	v47 =	vmul.f32 v56, v58;
	v48 =	vld [tilespmem:s20+$0xB10];
	v49 =	vmul.f32 v24, v63  }
0x1c8: {  	v51 =	vmul.f32 v42, v59;
	v24 =	vld [tilespmem:s20+$0xCB80];
	v59 =	vperm.xlane v16, v8  }
0x1c9: {  	[tilespmem:s20+$0x10AB0] =	vst v29;
	v29 =	vadd.f32 v36, v53;
	v36 =	vld [tilespmem:s20+$0x8B00];
	v53 =	vperm.xlane v17, v8;
	v56 =	vmul.f32 v62, v54  }
0x1ca: {  	v62 =	vld [tilespmem:s20+$0xB30];
	v33 =	vadd.f32 v35, v33;
	v32 =	vadd.f32 v60, v32;
	v22 =	vmul.f32 v22, v59  }
0x1cb: {  	v58 =	vld [tilespmem:s20+$0x4B20];
	v21 =	vmul.f32 v21, v59;
	v59 =	vperm.xlane v18, v10;
	v29 =	vadd.f32 v40, v29  }
0x1cc: {  	v40 =	vld [tilespmem:s20+$0x8B10];
	v33 =	vadd.f32 v55, v33;
	v32 =	vadd.f32 v34, v32;
	v55 =	vperm.xlane v19, v8  }
0x1cd: {  	v63 =	vld [tilespmem:s20+$0x4B30];
	v27 =	vadd.f32 v27, v29;
	v29 =	vmul.f32 v61, v53;
	v60 =	vmul.f32 v48, v53  }
0x1ce: {  	v42 =	vld [tilespmem:s20+$0x8BA0];
	v61 =	vmul.f32 v50, v54;
	v48 =	vmul.f32 v57, v45  }
0x1cf: {  	v35 =	vld [tilespmem:s20+$0x8B70];
	v32 =	vadd.f32 v49, v32;
	v36 =	vmul.f32 v36, v55;
	v53 =	vmul.f32 v62, v45  }
0x1d0: {  	v34 =	vld [tilespmem:s20+$0x8B90];
	v45 =	vperm.xlane v16, v10;
	[tilespmem:s20+$0x10AD0] =	vst v27;
	v27 =	vadd.f32 v47, v46;
	v46 =	vperm.xlane v18, v9  }
0x1d1: {  	v50 =	vld [tilespmem:s20+$0xB40];
	v29 =	vadd.f32 v56, v29;
	v47 =	vperm.xlane v19, v9;
	v44 =	vmul.f32 v40, v55  }
0x1d2: {  	v56 =	vld [tilespmem:s20+$0x4B50];
	v26 =	vmul.f32 v26, v45;
	v31 =	vmul.f32 v31, v45;
	v27 =	vadd.f32 v51, v27  }
0x1d3: {  	v55 =	vld [tilespmem:s20+$0xB50];
	v40 =	vperm.xlane v16, v13;
	v29 =	vadd.f32 v36, v29;
	v49 =	vmul.f32 v58, v46  }
0x1d4: {  	[tilespmem:s20+$0x10AC0] =	vst v33;
	v36 =	vld [tilespmem:s20+$0x8B50];
	v33 =	vmul.f32 v52, v47;
	v52 =	vperm.xlane v16, v9;
	v23 =	vadd.f32 v23, v27  }
0x1d5: {  	v51 =	vld [tilespmem:s20+$0x4B40];
	v54 =	vmul.f32 v63, v46;
	v57 =	vmul.f32 v38, v47;
	v22 =	vadd.f32 v22, v29  }
0x1d6: {  	v58 =	vperm.xlane v17, v10;
	v63 =	vld [tilespmem:s20+$0xB60];
	v20 =	vmul.f32 v20, v52;
	[tilespmem:s20+$0x10AF0] =	vst v23;
	v23 =	vadd.f32 v61, v60  }
0x1d7: {  	v29 =	vld [tilespmem:s20+$0x8B40];
	v25 =	vmul.f32 v25, v52;
	v52 =	vperm.xlane v17, v11;
	[tilespmem:s20+$0x10B00] =	vst v22;
	v22 =	vadd.f32 v49, v48  }
0x1d8: {  	v27 =	vld [tilespmem:s20+$0xCBA0];
	v47 =	vmul.f32 v56, v59;
	v60 =	vperm.xlane v19, v10;
	v23 =	vadd.f32 v44, v23  }
0x1d9: {  	v61 =	vmul.f32 v50, v58;
	v46 =	vmul.f32 v55, v58;
	v48 =	vld [tilespmem:s20+$0xB70];
	v22 =	vadd.f32 v33, v22  }
0x1da: {  	v49 =	vld [tilespmem:s20+$0x4B70];
	v62 =	vmul.f32 v51, v59;
	v59 =	vperm.xlane v16, v11;
	v21 =	vadd.f32 v21, v23  }
0x1db: {  	v55 =	vmul.f32 v63, v52;
	v44 =	vld [tilespmem:s20+$0x4B60];
	v50 =	vmul.f32 v36, v60;
	v20 =	vadd.f32 v20, v22  }
0x1dc: {  	v29 =	vmul.f32 v29, v60;
	v30 =	vmul.f32 v30, v59;
	v22 =	vld [tilespmem:s20+$0x8B60];
	[tilespmem:s20+$0x10B10] =	vst v21;
	v21 =	vadd.f32 v54, v53  }
0x1dd: {  	v28 =	vmul.f32 v28, v59;
	v59 =	vperm.xlane v19, v13;
	v23 =	vld [tilespmem:s20+$0xCBB0];
	[tilespmem:s20+$0x10B20] =	vst v20;
	v20 =	vadd.f32 v62, v61  }
0x1de: {  	v58 =	vld [tilespmem:s20+$0x4B80];
	v27 =	vmul.f32 v27, v40;
	v53 =	vperm.xlane v18, v11;
	v21 =	vadd.f32 v57, v21  }
0x1df: {  	v60 =	vmul.f32 v48, v52;
	v54 =	vperm.xlane v19, v11;
	v62 =	vld [tilespmem:s20+$0xB90];
	v20 =	vadd.f32 v29, v20  }
0x1e0: {  	v56 =	vmul.f32 v44, v53;
	v57 =	vld [tilespmem:s20+$0xB80];
	v61 =	vmul.f32 v49, v53;
	v21 =	vadd.f32 v25, v21  }
0x1e1: {  	v51 =	vld [tilespmem:s20+$0x8B80];
	v41 =	vmul.f32 v35, v54;
	v44 =	vperm.xlane v18, v12;
	v20 =	vadd.f32 v26, v20  }
0x1e2: {  	v63 =	vld [tilespmem:s20+$0x4B90];
	v22 =	vmul.f32 v22, v54;
	v23 =	vmul.f32 v23, v40;
	[tilespmem:s20+$0x10B30] =	vst v21;
	v21 =	vadd.f32 v47, v46  }
0x1e3: {  	v45 =	vld [tilespmem:s20+$0x8BB0];
	v48 =	vmul.f32 v58, v44;
	v58 =	vperm.xlane v18, v13;
	[tilespmem:s20+$0x10B40] =	vst v20;
	v20 =	vadd.f32 v56, v55  }
0x1e4: {  	[tilespmem:s20+$0x10AE0] =	vst v32;
	v32 =	vld [tilespmem:s20+$0xCB90];
	v52 =	vmul.f32 v62, v43;
	v46 =	vperm.xlane v19, v12;
	v21 =	vadd.f32 v50, v21  }
0x1e5: {  	v49 =	vld [tilespmem:s20+$0xBA0];
	v47 =	vmul.f32 v57, v43;
	v57 =	vperm.xlane v17, v13;
	v20 =	vadd.f32 v22, v20  }
0x1e6: {  	v53 =	vld [tilespmem:s20+$0xBB0];
	v26 =	vmul.f32 v51, v46;
	v51 =	vperm.xlane v16, v12;
	v21 =	vadd.f32 v31, v21  }
0x1e7: {  	v54 =	vld [tilespmem:s20+$0x4BB0];
	v22 =	vmul.f32 v63, v44;
	v55 =	vmul.f32 v34, v46  }
0x1e8: {  	v25 =	vld [tilespmem:s20+$0xCBC0];
	v44 =	vmul.f32 v45, v59;
	v20 =	vadd.f32 v30, v20;
	[tilespmem:s20+$0x10B50] =	vst v21;
	v21 =	vadd.f32 v61, v60  }
0x1e9: {  	v50 =	vld [tilespmem:s20+$0x4BA0];
	v24 =	vmul.f32 v24, v51;
	v32 =	vmul.f32 v32, v51  }
0x1ea: {  	v62 =	vld [tilespmem:s20+$0xBC0];
	v30 =	vmul.f32 v42, v59;
	[tilespmem:s20+$0x10B60] =	vst v20;
	v20 =	vadd.f32 v48, v47;
	v21 =	vadd.f32 v41, v21  }
0x1eb: {  	v56 =	vld [tilespmem:s20+$0x8BC0];
	v51 =	vperm.xlane v19, v14;
	v19 =	vperm.xlane v19, v15  }
0x1ec: {  	v63 =	vld [tilespmem:s20+$0x4BC0];
	v60 =	vmul.f32 v49, v57;
	v20 =	vadd.f32 v26, v20;
	v21 =	vadd.f32 v28, v21  }
0x1ed: {  	v43 =	vld [tilespmem:s20+$0x4BD0];
	v48 =	vperm.xlane v17, v14;
	v49 =	vperm.xlane v18, v14  }
0x1ee: {  	v31 =	vld [tilespmem:s20+$0x8BD0];
	v61 =	vmul.f32 v50, v58;
	v20 =	vadd.f32 v24, v20;
	[tilespmem:s20+$0x10B70] =	vst v21;
	v21 =	vadd.f32 v22, v52  }
0x1ef: {  	v46 =	vld [tilespmem:s20+$0x8BE0];
	v17 =	vperm.xlane v17, v15;
	v18 =	vperm.xlane v18, v15  }
0x1f0: {  	v42 =	vld [tilespmem:s20+$0xBD0];
	v41 =	vmul.f32 v53, v57;
	[tilespmem:s20+$0x10B80] =	vst v20;
	v20 =	vadd.f32 v61, v60;
	v21 =	vadd.f32 v55, v21  }
0x1f1: {  	v50 =	vld [tilespmem:s20+$0xBE0];
	v26 =	vmul.f32 v54, v58;
	v53 =	vmul.f32 v63, v49  }
0x1f2: {  	v54 =	vmul.f32 v56, v51;
	v52 =	vld [tilespmem:s20+$0x4BE0];
	v20 =	vadd.f32 v30, v20;
	v21 =	vadd.f32 v32, v21  }
0x1f3: {  	v56 =	vld [tilespmem:s20+$0xBF0];
	v57 =	vmul.f32 v43, v49;
	v31 =	vmul.f32 v31, v51  }
0x1f4: {  	v58 =	vld [tilespmem:s20+$0x4BF0];
	v55 =	vperm.xlane v16, v14;
	v20 =	vadd.f32 v27, v20;
	[tilespmem:s20+$0x10B90] =	vst v21;
	v21 =	vadd.f32 v26, v41  }
0x1f5: {  	v22 =	vld [tilespmem:s20+$0xCBD0];
	v16 =	vperm.xlane v16, v15;
	v32 =	vmul.f32 v62, v48  }
0x1f6: {  	v47 =	vld [tilespmem:s20+$0x8BF0];
	v25 =	vmul.f32 v25, v55;
	[tilespmem:s20+$0x10BA0] =	vst v20;
	v20 =	vmul.f32 v42, v48;
	v21 =	vadd.f32 v44, v21  }
0x1f7: {  	v45 =	vld [tilespmem:s20+$0xCBE0];
	v27 =	vmul.f32 v46, v19;
	v60 =	vmul.f32 v52, v18  }
0x1f8: {  	v59 =	vld [tilespmem:s20+$0xCBF0];
	v20 =	vadd.f32 v57, v20;
	v21 =	vadd.f32 v23, v21;
	v23 =	vmul.f32 v50, v17  }
0x1f9: {  	v18 =	vmul.f32 v58, v18;
	v32 =	vadd.f32 v53, v32;
	v17 =	vmul.f32 v56, v17  }
0x1fa: {  	v22 =	vmul.f32 v22, v55;
	v20 =	vadd.f32 v31, v20;
	v23 =	vadd.f32 v60, v23  }
0x1fb: {  	v19 =	vmul.f32 v47, v19;
	[tilespmem:s20+$0x10BB0] =	vst v21;
	v21 =	vadd.f32 v54, v32;
	v17 =	vadd.f32 v18, v17  }
0x1fc: {  	v62 =	vmul.f32 v45, v16;
	v20 =	vadd.f32 v22, v20;
	v23 =	vadd.f32 v27, v23  }
0x1fd: {  	v16 =	vmul.f32 v59, v16;
	v61 =	vadd.f32 v25, v21;
	v17 =	vadd.f32 v19, v17  }
0x1fe: {  	[tilespmem:s20+$0x10BD0] =	vst v20;
	v63 =	vadd.f32 v62, v23  }
0x1ff: {  	s19 =	sadd.s32 $0x1, s19;
	[tilespmem:s20+$0x10BC0] =	vst v61;
	v16 =	vadd.f32 v16, v17  }
0x200: {  	p0 =	sne.s32 s19, s6;
	[tilespmem:s20+$0x10BE0] =	vst v63  }
.Ltmp1:
0x201: {  	[tilespmem:s20+$0x10BF0] =	vst v16;
	(pc) =	sbr.rel @p0 .LBB2_1-.Ltmp1, $4  }
0x202: {  	[hbm4b:s5+s2] =	stream.linear.scatter [tilespmem:s18], [sflag:$0x2], $0x4000, $0x38;
	[tilespmem:$0x14A00] =	vst v63  }
0x203: {  	_ =	swait.ge [sflag:s7], $0x4000  }
0x204: {  	[sflag:s7] =	ssyncset.done $0x0  }
0x205: {  	[sflag:s7] =	ssyncadd.s32 $0xFFFFC000  }
0x206: {  	_ =	sfence.sel $0x180000  }
0x207: {  	[bflag:$0x0] =	sbarrier.arrive $0xFFFF  }
0x208: {  	_ =	strace $0x90000047  }
0x209: {  	s0 =	stileid.u32;
	[bflag:$0x2] =	sbarrier.arrive $0xFFFF  }
0x20a: {  	p0 =	sne.s32 s0, $0x0;
	s0 =	rddreg [dreg:$0x3]  }
0x20b: {  	s0 =	sadd.s32 @!p0 $0x100000, s0  }
0x20c: {  	[sflag:s0] =	ssyncadd.tile.s32 @!p0 $0x1;
	_ =	shalt  }
.Lfunc_end2:
_tile_overlayer_lowered:
.L_overlay_start_2:
0x20d: {  	(tag) =	ssettag $0x2  }
0x20e: {  	s0 =	rddreg [dreg:$0x0];
	s2 =	stileid.u32  }
0x20f: {  	s1 =	rddreg [dreg:$0x1];
	p0 =	sne.s32 s2, $0x0  }
0x210: {  	s3 =	rddreg [dreg:$0x2];
	[bflag:$0x3] =	sbarrier.arrive $0xFFFF;
	s2 =	simm.s32 @!p0 $0x1C02  }
0x211: {  	[timem:s3], [sflag:s2] =	dma.local @!p0 [hbm:s0], s1  }
0x212: {  	s0 =	simm.s32 @!p0 $0x2  }
0x213: {  	_ =	swait.ge @!p0 [sflag:s0], s1  }
0x214: {  	s1 =	ssub.s32 @!p0 $0x0, s1;
	[sflag:s0] =	ssyncset.done @!p0 $0x0  }
0x215: {  	[sflag:s0] =	ssyncadd.s32 @!p0 s1  }
0x216: {  	[bflag:$0x3] =	sbarrier.arrive $0xFFFF  }
0x217: {  	_ =	shalt  }

</sc_bundles>
